<compile_context>
chip_gen: v7x
topology: tpu7x:2x2x1
jax: 0.10.2.dev20260603
libtpu: 0.0.44.dev20260713+nightly
codegen_flags: <defaults>
</compile_context>

<pallas_src>
import functools

import jax
import jax.numpy as jnp
from jax import lax
from jax.experimental import pallas as pl
from jax.experimental.pallas import tpu as pltpu
from jax.experimental.pallas import tpu_sc as plsc

C = 128
G = 20
GP = 32
N = 10000
NP = 10240
E = 320000
EP = 327680
HEADS = 2
DH = 64
QB = 128
NQ = NP // QB
KB = 512
NEG = -1e30

_NC, _NS = 2, 16
_NW = _NC * _NS
_EW = EP // _NW
_CH = 64
_NCH = _EW // _CH
_RPT = NP // _NS


_NB = 4
_PH = 4
_CPP = _NCH // _PH


def _sc_segment_sum(h, src, dst, zeros):
    mesh = plsc.VectorSubcoreMesh(core_axis_name="c", subcore_axis_name="s")

    @functools.partial(
        pl.kernel,
        mesh=mesh,
        out_type=jax.ShapeDtypeStruct((_NC, NP, C), jnp.float32),
        scratch_types=[
            pltpu.VMEM((_CPP, _CH), jnp.int32),
            pltpu.VMEM((_CPP, _CH), jnp.int32),
            pltpu.VMEM((_NB, _CH, C), jnp.float32),
            pltpu.VMEM_SHARED((NP, C), jnp.float32),
        ] + [pltpu.SemaphoreType.DMA] * (2 * _NB),
    )
    def k(h_hbm, src_hbm, dst_hbm, z_hbm, out_hbm, sidx, didx, rows, acc,
          *sems):
        gs = sems[:_NB]
        ss = sems[_NB:]
        c = lax.axis_index("c")
        s = lax.axis_index("s")
        wid = c * _NS + s
        pltpu.sync_copy(z_hbm.at[pl.ds(s * _RPT, _RPT)],
                        acc.at[pl.ds(s * _RPT, _RPT)])
        plsc.subcore_barrier()

        for ph in range(_PH):
            pltpu.sync_copy(src_hbm.at[wid, pl.ds(ph * _CPP, _CPP)], sidx)
            pltpu.sync_copy(dst_hbm.at[wid, pl.ds(ph * _CPP, _CPP)], didx)
            for b in range(_NB):
                pltpu.async_copy(h_hbm.at[sidx.at[b]], rows.at[b], gs[b])

            def body(j, carry):
                for b in range(_NB):
                    cur = j * _NB + b
                    pltpu.make_async_copy(h_hbm.at[pl.ds(0, _CH)],
                                          rows.at[b], gs[b]).wait()
                    pltpu.sync_copy(rows.at[b], acc.at[didx.at[cur]],
                                    add=True)
                    nxt = cur + _NB

                    @pl.when(nxt < _CPP)
                    def _():
                        pltpu.async_copy(h_hbm.at[sidx.at[nxt]], rows.at[b],
                                         gs[b])
                return carry

            lax.fori_loop(0, _CPP // _NB, body, 0)

        plsc.subcore_barrier()
        pltpu.sync_copy(acc.at[pl.ds(s * _RPT, _RPT)],
                        out_hbm.at[c, pl.ds(s * _RPT, _RPT)])

    return k(h, src, dst, zeros)


def _mm_t(a, w):
    return lax.dot_general(a, w, (((1,), (1,)), ((), ())),
                           preferred_element_type=jnp.float32)


def _bn(hm, maskf, g, b):
    hm = hm * maskf
    mu = jnp.sum(hm, axis=0, keepdims=True) * (1.0 / N)
    d = (hm - mu) * maskf
    var = jnp.sum(d * d, axis=0, keepdims=True) * (1.0 / N)
    return d * lax.rsqrt(var + 1e-5) * g + b


def _proj_body(x_ref, bcol_ref, w_ref, b_ref, out_ref):
    maskf = (bcol_ref[:] < G).astype(jnp.float32)
    out_ref[:] = (_mm_t(x_ref[:], w_ref[:]) + b_ref[:]) * maskf


def _proj(xp, bcol, w, b):
    return pl.pallas_call(
        _proj_body,
        out_shape=jax.ShapeDtypeStruct((NP, C), jnp.float32),
    )(xp, bcol, w, b)


def _attn_body(h_ref, bcol_ref, brow_ref, kbs_ref, kbn_ref,
               wq_ref, bq_ref, wk_ref, bk_ref, wv_ref, bv_ref,
               wo_ref, bo_ref, n2g_ref, n2b_ref,
               out_ref, qa_s, k_s, v_s):
    h = h_ref[:]
    maskf = (bcol_ref[:] < G).astype(jnp.float32)

    qa_s[:] = _mm_t(h, wq_ref[:]) + bq_ref[:]
    k_s[:] = _mm_t(h, wk_ref[:]) + bk_ref[:]
    v_s[:] = _mm_t(h, wv_ref[:]) + bv_ref[:]

    def qstep(i, carry):
        off = i * QB
        bq = bcol_ref[pl.ds(off, QB), :]
        qblk = qa_s[pl.ds(off, QB), :]
        kb0 = kbs_ref[i]
        kbn = kbn_ref[i]

        def kstep(kb, carry):
            m0, l0, o0, m1, l1, o1 = carry
            koff = (kb0 + kb) * KB
            msk = bq == brow_ref[:, pl.ds(koff, KB)]
            outs = []
            for hd, (m, l, o) in ((0, (m0, l0, o0)), (1, (m1, l1, o1))):
                qh = qblk[:, hd * DH:(hd + 1) * DH]
                kh = k_s[pl.ds(koff, KB), pl.ds(hd * DH, DH)]
                sc = lax.dot_general(qh, kh, (((1,), (1,)), ((), ())),
                                     preferred_element_type=jnp.float32)
                sc = jnp.where(msk, sc * 0.125, NEG)
                mc = jnp.max(sc, axis=1, keepdims=True)
                mn = jnp.maximum(m, mc)
                p = jnp.exp(sc - mn)
                scale = jnp.exp(m - mn)
                ln = l * scale + jnp.sum(p, axis=1, keepdims=True)
                on = o * scale + lax.dot_general(
                    p, v_s[pl.ds(koff, KB), pl.ds(hd * DH, DH)],
                    (((1,), (0,)), ((), ())),
                    preferred_element_type=jnp.float32)
                outs.extend((mn, ln, on))
            return tuple(outs)

        mz = jnp.full((QB, 1), NEG, jnp.float32)
        lz = jnp.zeros((QB, 1), jnp.float32)
        oz = jnp.zeros((QB, DH), jnp.float32)
        m0, l0, o0, m1, l1, o1 = lax.fori_loop(
            0, kbn, kstep, (mz, lz, oz, mz, lz, oz))
        qa_s[pl.ds(off, QB), 0:DH] = o0 / l0
        qa_s[pl.ds(off, QB), DH:C] = o1 / l1
        return carry

    lax.fori_loop(0, NQ, qstep, 0)

    att = _mm_t(qa_s[:], wo_ref[:]) + bo_ref[:] + h
    out_ref[:] = _bn(att, maskf, n2g_ref[:], n2b_ref[:])


def _attn(h, bcol, brow, kbs, kbn, lp):
    w_in = lp['attn_w_in']
    b_in = lp['attn_b_in']
    args = (
        h, bcol, brow, kbs, kbn,
        w_in[0:C], b_in[0:C].reshape(1, C),
        w_in[C:2 * C], b_in[C:2 * C].reshape(1, C),
        w_in[2 * C:3 * C], b_in[2 * C:3 * C].reshape(1, C),
        lp['attn_w_out'], lp['attn_b_out'].reshape(1, C),
        lp['n2_g'].reshape(1, C), lp['n2_b'].reshape(1, C),
    )
    vspec = pl.BlockSpec(memory_space=pltpu.VMEM)
    sspec = pl.BlockSpec(memory_space=pltpu.SMEM)
    return pl.pallas_call(
        _attn_body,
        in_specs=[vspec, vspec, vspec, sspec, sspec] + [vspec] * 10,
        out_shape=jax.ShapeDtypeStruct((NP, C), jnp.float32),
        scratch_shapes=[
            pltpu.VMEM((NP, C), jnp.float32),
            pltpu.VMEM((NP, C), jnp.float32),
            pltpu.VMEM((NP, C), jnp.float32),
        ],
    )(*args)


def _mix_core(h_ref, agg_ref, att_ref, bcol_ref,
              gw1_ref, gb1_ref, gw2_ref, gb2_ref,
              mw1_ref, mb1_ref, mw2_ref, mb2_ref,
              n1g_ref, n1b_ref, n3g_ref, n3b_ref):
    h = h_ref[:]
    maskf = (bcol_ref[:] < G).astype(jnp.float32)
    gin = h + agg_ref[0] + agg_ref[1]
    t = jnp.maximum(_mm_t(gin, gw1_ref[:]) + gb1_ref[:], 0.0)
    local = _mm_t(t, gw2_ref[:]) + gb2_ref[:] + h
    local = _bn(local, maskf, n1g_ref[:], n1b_ref[:])
    out = local + att_ref[:]
    m1 = jnp.maximum(_mm_t(out, mw1_ref[:]) + mb1_ref[:], 0.0)
    out = out + _mm_t(m1, mw2_ref[:]) + mb2_ref[:]
    out = _bn(out, maskf, n3g_ref[:], n3b_ref[:])
    return out * maskf


def _mix_body(*refs):
    out_ref = refs[-1]
    out_ref[:] = _mix_core(*refs[:-1])


def _mix_args(h, agg, att, bcol, lp):
    return (h, agg, att, bcol,
            lp['gin_w1'], lp['gin_b1'].reshape(1, C),
            lp['gin_w2'], lp['gin_b2'].reshape(1, C),
            lp['mlp_w1'], lp['mlp_b1'].reshape(1, 2 * C),
            lp['mlp_w2'], lp['mlp_b2'].reshape(1, C),
            lp['n1_g'].reshape(1, C), lp['n1_b'].reshape(1, C),
            lp['n3_g'].reshape(1, C), lp['n3_b'].reshape(1, C))


def _mix(h, agg, att, bcol, lp):
    return pl.pallas_call(
        _mix_body,
        out_shape=jax.ShapeDtypeStruct((NP, C), jnp.float32),
    )(*_mix_args(h, agg, att, bcol, lp))


def _mix_head_body(*refs):
    (brow_ref, w1_ref, b1_ref, w2_ref, b2_ref, w3_ref, b3_ref,
     out_ref) = refs[-8:]
    out = _mix_core(*refs[:-8])
    oh = (lax.broadcasted_iota(jnp.int32, (GP, NP), 0)
          == brow_ref[:]).astype(jnp.float32)
    pooled = lax.dot_general(oh, out, (((1,), (0,)), ((), ())),
                             preferred_element_type=jnp.float32)
    z = jnp.maximum(_mm_t(pooled, w1_ref[:]) + b1_ref[:], 0.0)
    z = jnp.maximum(_mm_t(z, w2_ref[:]) + b2_ref[:], 0.0)
    z = _mm_t(z, w3_ref[:]) + b3_ref[:]
    m = jnp.max(z, axis=1, keepdims=True)
    out_ref[:] = z - m - jnp.log(jnp.sum(jnp.exp(z - m), axis=1,
                                         keepdims=True))


def _mix_head(h, agg, att, bcol, brow, lp, p):
    return pl.pallas_call(
        _mix_head_body,
        out_shape=jax.ShapeDtypeStruct((GP, 10), jnp.float32),
    )(*_mix_args(h, agg, att, bcol, lp), brow,
      p['head_w1'], p['head_b1'].reshape(1, C // 2),
      p['head_w2'], p['head_b2'].reshape(1, C // 4),
      p['head_w3'], p['head_b3'].reshape(1, 10))


def kernel(x, edge_index, batch, params):
    xp = jnp.pad(x, ((0, NP - N), (0, 0)))
    src = jnp.pad(edge_index[0], (0, EP - E)).reshape(_NW, _NCH, _CH)
    dst = jnp.pad(edge_index[1], (0, EP - E),
                  constant_values=NP - 1).reshape(_NW, _NCH, _CH)
    bp = jnp.pad(batch, (0, NP - N), constant_values=G)
    bcol = bp.reshape(NP, 1)
    brow = bp.reshape(1, NP)
    zeros = jnp.zeros((NP, C), jnp.float32)

    counts = jnp.bincount(bp, length=G + 1)
    ends = jnp.cumsum(counts)
    offs = ends - counts
    glo = bp[::QB]
    ghi = bp[QB - 1::QB]
    kbs = (offs[glo] // KB).astype(jnp.int32)
    kbn = ((ends[ghi] + KB - 1) // KB).astype(jnp.int32) - kbs

    h = _proj(xp, bcol, params['node_w'], params['node_b'].reshape(1, C))
    layers = params['layers']
    for lp in layers[:-1]:
        agg = _sc_segment_sum(h, src, dst, zeros)
        att = _attn(h, bcol, brow, kbs, kbn, lp)
        h = _mix(h, agg, att, bcol, lp)
    lp = layers[-1]
    agg = _sc_segment_sum(h, src, dst, zeros)
    att = _attn(h, bcol, brow, kbs, kbn, lp)
    out = _mix_head(h, agg, att, bcol, brow, lp, params)
    return out[:G]

# --- scband reference (transcript-rebuilt; emitter-appended) ---
"""Pipeline reference for scband-gps-50792283243033 (READ-ONLY COPY).

The authoritative reference and input builder live on the scoring server;
editing this copy changes nothing except your own understanding.
"""

import jax, jax.numpy as jnp
import numpy as np

C = 128
IN_DIM = 128
OUT_DIM = 10
N_NODES = 10000
N_EDGES = 320000
N_GRAPHS = 20
N_LAYERS = 2
HEADS = 2


def setup_inputs(seed: int = 0) -> dict:
    key = jax.random.key(seed)
    ks = jax.random.split(key, 200)
    ctr = [0]
    def nxt():
        ctr[0] += 1
        return ks[ctr[0]]
    def nrm(shape, scale=0.05):
        return jax.random.normal(nxt(), shape, dtype=jnp.float32) * scale
    layers = []
    for _ in range(N_LAYERS):
        layers.append({
            'gin_w1': nrm((C, C)), 'gin_b1': nrm((C,)),
            'gin_w2': nrm((C, C)), 'gin_b2': nrm((C,)),
            'attn_w_in': nrm((3 * C, C)), 'attn_b_in': nrm((3 * C,)),
            'attn_w_out': nrm((C, C)), 'attn_b_out': nrm((C,)),
            'mlp_w1': nrm((2 * C, C)), 'mlp_b1': nrm((2 * C,)),
            'mlp_w2': nrm((C, 2 * C)), 'mlp_b2': nrm((C,)),
            'n1_g': jnp.ones((C,), jnp.float32), 'n1_b': jnp.zeros((C,), jnp.float32),
            'n2_g': jnp.ones((C,), jnp.float32), 'n2_b': jnp.zeros((C,), jnp.float32),
            'n3_g': jnp.ones((C,), jnp.float32), 'n3_b': jnp.zeros((C,), jnp.float32),
        })
    params = {
        'node_w': nrm((C, IN_DIM)), 'node_b': nrm((C,)),
        'layers': layers,
        'head_w1': nrm((C // 2, C)), 'head_b1': nrm((C // 2,)),
        'head_w2': nrm((C // 4, C // 2)), 'head_b2': nrm((C // 4,)),
        'head_w3': nrm((OUT_DIM, C // 4)), 'head_b3': nrm((OUT_DIM,)),
    }
    x = jax.random.normal(nxt(), (N_NODES, IN_DIM), dtype=jnp.float32)
    edge_index = jax.random.randint(nxt(), (2, N_EDGES), 0, N_NODES, dtype=jnp.int32)
    batch = jnp.sort(jax.random.randint(nxt(), (N_NODES,), 0, N_GRAPHS, dtype=jnp.int32))
    return {'x': x, 'edge_index': edge_index, 'batch': batch, 'params': params}


def _batch_norm(h, g, b):
    mu = jnp.mean(h, axis=0)
    var = jnp.mean((h - mu) ** 2, axis=0)
    return (h - mu) / jnp.sqrt(var + 1e-5) * g + b


def _to_dense(x, batch):
    counts = jnp.bincount(batch, length=N_GRAPHS)
    offsets = jnp.concatenate([jnp.zeros((1,), counts.dtype), jnp.cumsum(counts)[:-1]])
    pos = jnp.arange(x.shape[0]) - offsets[batch]
    Lmax = x.shape[0]
    dense = jnp.zeros((N_GRAPHS, Lmax, x.shape[1]), x.dtype).at[batch, pos].set(x)
    mask = jnp.zeros((N_GRAPHS, Lmax), dtype=bool).at[batch, pos].set(True)
    return dense, mask, pos


def _mha(h, mask, w_in, b_in, w_out, b_out):
    B, L, Cc = h.shape
    dh = Cc // HEADS
    qkv = h @ w_in.T + b_in
    q, k, v = jnp.split(qkv, 3, axis=-1)
    def sp(t):
        return t.reshape(B, L, HEADS, dh).transpose(0, 2, 1, 3)
    q, k, v = sp(q), sp(k), sp(v)
    def one(args):
        qg, kg, vg, mg = args
        scores = (qg @ kg.transpose(0, 2, 1)) / np.sqrt(dh)
        scores = jnp.where(mg[None, None, :], scores, -1e30)
        attn = jax.nn.softmax(scores, axis=-1)
        return (attn @ vg).transpose(1, 0, 2).reshape(L, Cc)
    o = jax.lax.map(one, (q, k, v, mask))
    return o @ w_out.T + b_out


def _forward(x, edge_index, batch, params):
    h = x @ params['node_w'].T + params['node_b']
    src, dst = edge_index[0], edge_index[1]
    for lp in params['layers']:
        # GINConv: nn((1+eps)*x + sum_{j->i} x_j), eps=0
        agg = jax.ops.segment_sum(h[src], dst, num_segments=N_NODES)
        gin_in = h + agg
        local = jax.nn.relu(gin_in @ lp['gin_w1'].T + lp['gin_b1']) @ lp['gin_w2'].T + lp['gin_b2']
        local = local + h  # residual (dropout p=0)
        local = _batch_norm(local, lp['n1_g'], lp['n1_b'])
        # global multihead attention over dense batch
        dense, mask, pos = _to_dense(h, batch)
        att = _mha(dense, mask, lp['attn_w_in'], lp['attn_b_in'], lp['attn_w_out'], lp['attn_b_out'])
        att_flat = att[batch, pos]
        att_flat = att_flat + h
        att_flat = _batch_norm(att_flat, lp['n2_g'], lp['n2_b'])
        out = local + att_flat
        m = jax.nn.relu(out @ lp['mlp_w1'].T + lp['mlp_b1']) @ lp['mlp_w2'].T + lp['mlp_b2']
        out = out + m
        out = _batch_norm(out, lp['n3_g'], lp['n3_b'])
        h = out
    pooled = jax.ops.segment_sum(h, batch, num_segments=N_GRAPHS)
    z = jax.nn.relu(pooled @ params['head_w1'].T + params['head_b1'])
    z = jax.nn.relu(z @ params['head_w2'].T + params['head_b2'])
    z = z @ params['head_w3'].T + params['head_b3']
    return jax.nn.log_softmax(z, axis=1)


def reference(x, edge_index, batch, params):
    return _forward(x, edge_index, batch, params)

if __name__ == "__main__":
    import jax
    _d = setup_inputs()
    print(jax.jit(kernel)(*tuple(_d.values())))

</pallas_src>

<mosaic_0001>
#map = affine_map<(d0, d1) -> (0, 0)>
#map1 = affine_map<(d0, d1) -> (0, 0, 0)>
module attributes {stable_mosaic.version = 14 : i64} {
  func.func @k(%arg0: i32, %arg1: i32, %arg2: memref<10240x128xf32, #tpu.memory_space<hbm>>, %arg3: memref<32x160x64xi32, #tpu.memory_space<hbm>>, %arg4: memref<32x160x64xi32, #tpu.memory_space<hbm>>, %arg5: memref<10240x128xf32, #tpu.memory_space<hbm>>, %arg6: memref<2x10240x128xf32, #tpu.memory_space<hbm>>, %arg7: memref<40x64xi32, #tpu.memory_space<vmem>>, %arg8: memref<40x64xi32, #tpu.memory_space<vmem>>, %arg9: memref<4x64x128xf32, #tpu.memory_space<vmem>>, %arg10: memref<10240x128xf32, #tpu.memory_space<vmem_shared>>, %arg11: memref<!tpu.dma_semaphore, #tpu.memory_space<semaphore_mem>>, %arg12: memref<!tpu.dma_semaphore, #tpu.memory_space<semaphore_mem>>, %arg13: memref<!tpu.dma_semaphore, #tpu.memory_space<semaphore_mem>>, %arg14: memref<!tpu.dma_semaphore, #tpu.memory_space<semaphore_mem>>, %arg15: memref<!tpu.dma_semaphore, #tpu.memory_space<semaphore_mem>>, %arg16: memref<!tpu.dma_semaphore, #tpu.memory_space<semaphore_mem>>, %arg17: memref<!tpu.dma_semaphore, #tpu.memory_space<semaphore_mem>>, %arg18: memref<!tpu.dma_semaphore, #tpu.memory_space<semaphore_mem>>) attributes {dimension_semantics = [#tpu.dimension_semantics<core_parallel>, #tpu.dimension_semantics<subcore_parallel>], iteration_bounds = array<i64: 2, 16>, scalar_prefetch = 0 : i64, scratch_operands = 12 : i64, tpu.core_type = #tpu.core_type<sc_vector_subcore>, window_params = [{transform_indices = #map}, {transform_indices = #map1}, {transform_indices = #map1}, {transform_indices = #map}, {transform_indices = #map1}]} {
    %mul3A = arith.constant 16 : i32
    %mul3A_0 = arith.muli %arg0, %mul3A : i32
    %add3A = arith.addi %mul3A_0, %arg1 : i32
    %mul3A_1 = arith.constant 640 : i32
    %mul3A_2 = arith.muli %arg1, %mul3A_1 : i32
    %mul3A_3 = arith.constant 640 : i32
    %mul3A_4 = arith.muli %arg1, %mul3A_3 : i32
    "tpu.region"() ({
      %run_scoped3A = tpu.sem_alloc : memref<!tpu.dma_semaphore, #tpu.memory_space<semaphore_mem>>
      %dma_start3A_224 = arith.constant 0 : i32
      %dma_start3A_225 = tpu.memref_slice %arg10[%mul3A_4, %dma_start3A_224] : memref<10240x128xf32, #tpu.memory_space<vmem_shared>> -> memref<640x128xf32, #tpu.memory_space<vmem_shared>>
      %dma_start3A_226 = arith.constant 0 : i32
      %dma_start3A_227 = tpu.memref_slice %arg5[%mul3A_2, %dma_start3A_226] : memref<10240x128xf32, #tpu.memory_space<hbm>> -> memref<640x128xf32, #tpu.memory_space<hbm>>
      tpu.enqueue_dma source(%dma_start3A_227 : memref<640x128xf32, #tpu.memory_space<hbm>>) target(%dma_start3A_225 : memref<640x128xf32, #tpu.memory_space<vmem_shared>>) target_semaphore(%run_scoped3A : memref<!tpu.dma_semaphore, #tpu.memory_space<semaphore_mem>>)
      %dma_wait3A = arith.constant 0 : i32
      %dma_wait3A_228 = tpu.memref_slice %arg10[%mul3A_4, %dma_wait3A] : memref<10240x128xf32, #tpu.memory_space<vmem_shared>> -> memref<640x128xf32, #tpu.memory_space<vmem_shared>>
      %dma_wait3A_229 = arith.constant 0 : i32
      %dma_wait3A_230 = tpu.memref_slice %arg5[%mul3A_2, %dma_wait3A_229] : memref<10240x128xf32, #tpu.memory_space<hbm>> -> memref<640x128xf32, #tpu.memory_space<hbm>>
      tpu.wait_dma2 semaphore(%run_scoped3A : memref<!tpu.dma_semaphore, #tpu.memory_space<semaphore_mem>>) src(%dma_wait3A_230 : memref<640x128xf32, #tpu.memory_space<hbm>>) dst(%dma_wait3A_228 : memref<640x128xf32, #tpu.memory_space<vmem_shared>>)
      tpu.yield
    }) : () -> ()
    %barrier3A = arith.constant 0 : index
    tpu.barrier barrier_id(%barrier3A)
    "tpu.region"() ({
      %run_scoped3A = tpu.sem_alloc : memref<!tpu.dma_semaphore, #tpu.memory_space<semaphore_mem>>
      %dma_start3A_224 = arith.constant 0 : i32
      %dma_start3A_225 = arith.constant 0 : i32
      %dma_start3A_226 = tpu.memref_slice %arg3[%add3A, %dma_start3A_224, %dma_start3A_225] : memref<32x160x64xi32, #tpu.memory_space<hbm>> -> memref<1x40x64xi32, #tpu.memory_space<hbm>>
      %dma_start3A_227 = tpu.memref_squeeze %dma_start3A_226 : memref<1x40x64xi32, #tpu.memory_space<hbm>> -> memref<40x64xi32, #tpu.memory_space<hbm>>
      %dma_start3A_228 = arith.constant 0 : i32
      %dma_start3A_229 = arith.constant 0 : i32
      %dma_start3A_230 = tpu.memref_slice %arg3[%add3A, %dma_start3A_228, %dma_start3A_229] : memref<32x160x64xi32, #tpu.memory_space<hbm>> -> memref<1x40x64xi32, #tpu.memory_space<hbm>>
      %dma_start3A_231 = tpu.memref_squeeze %dma_start3A_230 : memref<1x40x64xi32, #tpu.memory_space<hbm>> -> memref<40x64xi32, #tpu.memory_space<hbm>>
      tpu.enqueue_dma source(%dma_start3A_231 : memref<40x64xi32, #tpu.memory_space<hbm>>) target(%arg7 : memref<40x64xi32, #tpu.memory_space<vmem>>) target_semaphore(%run_scoped3A : memref<!tpu.dma_semaphore, #tpu.memory_space<semaphore_mem>>)
      %dma_wait3A = arith.constant 0 : i32
      %dma_wait3A_232 = arith.constant 0 : i32
      %dma_wait3A_233 = tpu.memref_slice %arg3[%add3A, %dma_wait3A, %dma_wait3A_232] : memref<32x160x64xi32, #tpu.memory_space<hbm>> -> memref<1x40x64xi32, #tpu.memory_space<hbm>>
      %dma_wait3A_234 = tpu.memref_squeeze %dma_wait3A_233 : memref<1x40x64xi32, #tpu.memory_space<hbm>> -> memref<40x64xi32, #tpu.memory_space<hbm>>
      %dma_wait3A_235 = arith.constant 0 : i32
      %dma_wait3A_236 = arith.constant 0 : i32
      %dma_wait3A_237 = tpu.memref_slice %arg3[%add3A, %dma_wait3A_235, %dma_wait3A_236] : memref<32x160x64xi32, #tpu.memory_space<hbm>> -> memref<1x40x64xi32, #tpu.memory_space<hbm>>
      %dma_wait3A_238 = tpu.memref_squeeze %dma_wait3A_237 : memref<1x40x64xi32, #tpu.memory_space<hbm>> -> memref<40x64xi32, #tpu.memory_space<hbm>>
      tpu.wait_dma2 semaphore(%run_scoped3A : memref<!tpu.dma_semaphore, #tpu.memory_space<semaphore_mem>>) src(%dma_wait3A_238 : memref<40x64xi32, #tpu.memory_space<hbm>>) dst(%arg7 : memref<40x64xi32, #tpu.memory_space<vmem>>)
      tpu.yield
    }) : () -> ()
    "tpu.region"() ({
      %run_scoped3A = tpu.sem_alloc : memref<!tpu.dma_semaphore, #tpu.memory_space<semaphore_mem>>
      %dma_start3A_224 = arith.constant 0 : i32
      %dma_start3A_225 = arith.constant 0 : i32
      %dma_start3A_226 = tpu.memref_slice %arg4[%add3A, %dma_start3A_224, %dma_start3A_225] : memref<32x160x64xi32, #tpu.memory_space<hbm>> -> memref<1x40x64xi32, #tpu.memory_space<hbm>>
      %dma_start3A_227 = tpu.memref_squeeze %dma_start3A_226 : memref<1x40x64xi32, #tpu.memory_space<hbm>> -> memref<40x64xi32, #tpu.memory_space<hbm>>
      %dma_start3A_228 = arith.constant 0 : i32
      %dma_start3A_229 = arith.constant 0 : i32
      %dma_start3A_230 = tpu.memref_slice %arg4[%add3A, %dma_start3A_228, %dma_start3A_229] : memref<32x160x64xi32, #tpu.memory_space<hbm>> -> memref<1x40x64xi32, #tpu.memory_space<hbm>>
      %dma_start3A_231 = tpu.memref_squeeze %dma_start3A_230 : memref<1x40x64xi32, #tpu.memory_space<hbm>> -> memref<40x64xi32, #tpu.memory_space<hbm>>
      tpu.enqueue_dma source(%dma_start3A_231 : memref<40x64xi32, #tpu.memory_space<hbm>>) target(%arg8 : memref<40x64xi32, #tpu.memory_space<vmem>>) target_semaphore(%run_scoped3A : memref<!tpu.dma_semaphore, #tpu.memory_space<semaphore_mem>>)
      %dma_wait3A = arith.constant 0 : i32
      %dma_wait3A_232 = arith.constant 0 : i32
      %dma_wait3A_233 = tpu.memref_slice %arg4[%add3A, %dma_wait3A, %dma_wait3A_232] : memref<32x160x64xi32, #tpu.memory_space<hbm>> -> memref<1x40x64xi32, #tpu.memory_space<hbm>>
      %dma_wait3A_234 = tpu.memref_squeeze %dma_wait3A_233 : memref<1x40x64xi32, #tpu.memory_space<hbm>> -> memref<40x64xi32, #tpu.memory_space<hbm>>
      %dma_wait3A_235 = arith.constant 0 : i32
      %dma_wait3A_236 = arith.constant 0 : i32
      %dma_wait3A_237 = tpu.memref_slice %arg4[%add3A, %dma_wait3A_235, %dma_wait3A_236] : memref<32x160x64xi32, #tpu.memory_space<hbm>> -> memref<1x40x64xi32, #tpu.memory_space<hbm>>
      %dma_wait3A_238 = tpu.memref_squeeze %dma_wait3A_237 : memref<1x40x64xi32, #tpu.memory_space<hbm>> -> memref<40x64xi32, #tpu.memory_space<hbm>>
      tpu.wait_dma2 semaphore(%run_scoped3A : memref<!tpu.dma_semaphore, #tpu.memory_space<semaphore_mem>>) src(%dma_wait3A_238 : memref<40x64xi32, #tpu.memory_space<hbm>>) dst(%arg8 : memref<40x64xi32, #tpu.memory_space<vmem>>)
      tpu.yield
    }) : () -> ()
    %dma_start3A = arith.constant 0 : i32
    %dma_start3A_5 = arith.constant 0 : i32
    %dma_start3A_6 = arith.constant 0 : i32
    %dma_start3A_7 = arith.constant 0 : i32
    %dma_start3A_8 = tpu.memref_slice %arg9[%dma_start3A_5, %dma_start3A_6, %dma_start3A_7] : memref<4x64x128xf32, #tpu.memory_space<vmem>> -> memref<1x64x128xf32, #tpu.memory_space<vmem>>
    %dma_start3A_9 = tpu.memref_squeeze %dma_start3A_8 : memref<1x64x128xf32, #tpu.memory_space<vmem>> -> memref<64x128xf32, #tpu.memory_space<vmem>>
    %dma_start3A_10 = arith.constant 0 : i32
    %dma_start3A_11 = tpu.memref_slice %arg7[%dma_start3A, %dma_start3A_10] : memref<40x64xi32, #tpu.memory_space<vmem>> -> memref<1x64xi32, #tpu.memory_space<vmem>>
    %dma_start3A_12 = tpu.memref_squeeze %dma_start3A_11 : memref<1x64xi32, #tpu.memory_space<vmem>> -> memref<64xi32, #tpu.memory_space<vmem>>
    %dma_start3A_13 = arith.constant 0 : i32
    %dma_start3A_14 = arith.constant 0 : i32
    %dma_start3A_15 = tpu.memref_slice %arg2[%dma_start3A_13, %dma_start3A_14] : memref<10240x128xf32, #tpu.memory_space<hbm>> -> memref<10240x128xf32, #tpu.memory_space<hbm>>
    tpu.enqueue_indirect_dma source(%dma_start3A_15 : memref<10240x128xf32, #tpu.memory_space<hbm>>) target(%dma_start3A_9 : memref<64x128xf32, #tpu.memory_space<vmem>>) offsets(%dma_start3A_12 : memref<64xi32, #tpu.memory_space<vmem>>) semaphore(%arg11 : memref<!tpu.dma_semaphore, #tpu.memory_space<semaphore_mem>>)
    %dma_start3A_16 = arith.constant 1 : i32
    %dma_start3A_17 = arith.constant 1 : i32
    %dma_start3A_18 = arith.constant 0 : i32
    %dma_start3A_19 = arith.constant 0 : i32
    %dma_start3A_20 = tpu.memref_slice %arg9[%dma_start3A_17, %dma_start3A_18, %dma_start3A_19] : memref<4x64x128xf32, #tpu.memory_space<vmem>> -> memref<1x64x128xf32, #tpu.memory_space<vmem>>
    %dma_start3A_21 = tpu.memref_squeeze %dma_start3A_20 : memref<1x64x128xf32, #tpu.memory_space<vmem>> -> memref<64x128xf32, #tpu.memory_space<vmem>>
    %dma_start3A_22 = arith.constant 0 : i32
    %dma_start3A_23 = tpu.memref_slice %arg7[%dma_start3A_16, %dma_start3A_22] : memref<40x64xi32, #tpu.memory_space<vmem>> -> memref<1x64xi32, #tpu.memory_space<vmem>>
    %dma_start3A_24 = tpu.memref_squeeze %dma_start3A_23 : memref<1x64xi32, #tpu.memory_space<vmem>> -> memref<64xi32, #tpu.memory_space<vmem>>
    %dma_start3A_25 = arith.constant 0 : i32
    %dma_start3A_26 = arith.constant 0 : i32
    %dma_start3A_27 = tpu.memref_slice %arg2[%dma_start3A_25, %dma_start3A_26] : memref<10240x128xf32, #tpu.memory_space<hbm>> -> memref<10240x128xf32, #tpu.memory_space<hbm>>
    tpu.enqueue_indirect_dma source(%dma_start3A_27 : memref<10240x128xf32, #tpu.memory_space<hbm>>) target(%dma_start3A_21 : memref<64x128xf32, #tpu.memory_space<vmem>>) offsets(%dma_start3A_24 : memref<64xi32, #tpu.memory_space<vmem>>) semaphore(%arg12 : memref<!tpu.dma_semaphore, #tpu.memory_space<semaphore_mem>>)
    %dma_start3A_28 = arith.constant 2 : i32
    %dma_start3A_29 = arith.constant 2 : i32
    %dma_start3A_30 = arith.constant 0 : i32
    %dma_start3A_31 = arith.constant 0 : i32
    %dma_start3A_32 = tpu.memref_slice %arg9[%dma_start3A_29, %dma_start3A_30, %dma_start3A_31] : memref<4x64x128xf32, #tpu.memory_space<vmem>> -> memref<1x64x128xf32, #tpu.memory_space<vmem>>
    %dma_start3A_33 = tpu.memref_squeeze %dma_start3A_32 : memref<1x64x128xf32, #tpu.memory_space<vmem>> -> memref<64x128xf32, #tpu.memory_space<vmem>>
    %dma_start3A_34 = arith.constant 0 : i32
    %dma_start3A_35 = tpu.memref_slice %arg7[%dma_start3A_28, %dma_start3A_34] : memref<40x64xi32, #tpu.memory_space<vmem>> -> memref<1x64xi32, #tpu.memory_space<vmem>>
    %dma_start3A_36 = tpu.memref_squeeze %dma_start3A_35 : memref<1x64xi32, #tpu.memory_space<vmem>> -> memref<64xi32, #tpu.memory_space<vmem>>
    %dma_start3A_37 = arith.constant 0 : i32
    %dma_start3A_38 = arith.constant 0 : i32
    %dma_start3A_39 = tpu.memref_slice %arg2[%dma_start3A_37, %dma_start3A_38] : memref<10240x128xf32, #tpu.memory_space<hbm>> -> memref<10240x128xf32, #tpu.memory_space<hbm>>
    tpu.enqueue_indirect_dma source(%dma_start3A_39 : memref<10240x128xf32, #tpu.memory_space<hbm>>) target(%dma_start3A_33 : memref<64x128xf32, #tpu.memory_space<vmem>>) offsets(%dma_start3A_36 : memref<64xi32, #tpu.memory_space<vmem>>) semaphore(%arg13 : memref<!tpu.dma_semaphore, #tpu.memory_space<semaphore_mem>>)
    %dma_start3A_40 = arith.constant 3 : i32
    %dma_start3A_41 = arith.constant 3 : i32
    %dma_start3A_42 = arith.constant 0 : i32
    %dma_start3A_43 = arith.constant 0 : i32
    %dma_start3A_44 = tpu.memref_slice %arg9[%dma_start3A_41, %dma_start3A_42, %dma_start3A_43] : memref<4x64x128xf32, #tpu.memory_space<vmem>> -> memref<1x64x128xf32, #tpu.memory_space<vmem>>
    %dma_start3A_45 = tpu.memref_squeeze %dma_start3A_44 : memref<1x64x128xf32, #tpu.memory_space<vmem>> -> memref<64x128xf32, #tpu.memory_space<vmem>>
    %dma_start3A_46 = arith.constant 0 : i32
    %dma_start3A_47 = tpu.memref_slice %arg7[%dma_start3A_40, %dma_start3A_46] : memref<40x64xi32, #tpu.memory_space<vmem>> -> memref<1x64xi32, #tpu.memory_space<vmem>>
    %dma_start3A_48 = tpu.memref_squeeze %dma_start3A_47 : memref<1x64xi32, #tpu.memory_space<vmem>> -> memref<64xi32, #tpu.memory_space<vmem>>
    %dma_start3A_49 = arith.constant 0 : i32
    %dma_start3A_50 = arith.constant 0 : i32
    %dma_start3A_51 = tpu.memref_slice %arg2[%dma_start3A_49, %dma_start3A_50] : memref<10240x128xf32, #tpu.memory_space<hbm>> -> memref<10240x128xf32, #tpu.memory_space<hbm>>
    tpu.enqueue_indirect_dma source(%dma_start3A_51 : memref<10240x128xf32, #tpu.memory_space<hbm>>) target(%dma_start3A_45 : memref<64x128xf32, #tpu.memory_space<vmem>>) offsets(%dma_start3A_48 : memref<64xi32, #tpu.memory_space<vmem>>) semaphore(%arg14 : memref<!tpu.dma_semaphore, #tpu.memory_space<semaphore_mem>>)
    %scan3A = arith.constant 0 : i32
    %scan3A_52 = arith.constant 0 : i32
    %scan3A_53 = arith.constant 10 : i32
    %scan3A_54 = arith.addi %scan3A_52, %scan3A_53 : i32
    %scan3A_55 = arith.constant 1 : i32
    scf.for %scan3A_224 = %scan3A_52 to %scan3A_54 step %scan3A_55  : i32 {
      %mul3A_225 = arith.constant 4 : i32
      %mul3A_226 = arith.muli %scan3A_224, %mul3A_225 : i32
      %add3A_227 = arith.constant 0 : i32
      %add3A_228 = arith.addi %mul3A_226, %add3A_227 : i32
      %dma_wait3A = arith.constant 0 : i32
      %dma_wait3A_229 = arith.constant 0 : i32
      %dma_wait3A_230 = arith.constant 0 : i32
      %dma_wait3A_231 = tpu.memref_slice %arg9[%dma_wait3A, %dma_wait3A_229, %dma_wait3A_230] : memref<4x64x128xf32, #tpu.memory_space<vmem>> -> memref<1x64x128xf32, #tpu.memory_space<vmem>>
      %dma_wait3A_232 = tpu.memref_squeeze %dma_wait3A_231 : memref<1x64x128xf32, #tpu.memory_space<vmem>> -> memref<64x128xf32, #tpu.memory_space<vmem>>
      %dma_wait3A_233 = arith.constant 0 : i32
      %dma_wait3A_234 = arith.constant 0 : i32
      %dma_wait3A_235 = tpu.memref_slice %arg2[%dma_wait3A_233, %dma_wait3A_234] : memref<10240x128xf32, #tpu.memory_space<hbm>> -> memref<64x128xf32, #tpu.memory_space<hbm>>
      %dma_wait3A_236 = arith.constant 0 : i32
      %dma_wait3A_237 = arith.constant 0 : i32
      %dma_wait3A_238 = tpu.memref_slice %arg9[%dma_wait3A, %dma_wait3A_236, %dma_wait3A_237] : memref<4x64x128xf32, #tpu.memory_space<vmem>> -> memref<1x64x128xf32, #tpu.memory_space<vmem>>
      %dma_wait3A_239 = tpu.memref_squeeze %dma_wait3A_238 : memref<1x64x128xf32, #tpu.memory_space<vmem>> -> memref<64x128xf32, #tpu.memory_space<vmem>>
      %dma_wait3A_240 = arith.constant 0 : i32
      %dma_wait3A_241 = arith.constant 0 : i32
      %dma_wait3A_242 = tpu.memref_slice %arg2[%dma_wait3A_240, %dma_wait3A_241] : memref<10240x128xf32, #tpu.memory_space<hbm>> -> memref<64x128xf32, #tpu.memory_space<hbm>>
      tpu.wait_dma2 semaphore(%arg11 : memref<!tpu.dma_semaphore, #tpu.memory_space<semaphore_mem>>) src(%dma_wait3A_242 : memref<64x128xf32, #tpu.memory_space<hbm>>) dst(%dma_wait3A_239 : memref<64x128xf32, #tpu.memory_space<vmem>>)
      %run_scoped3A = arith.constant 0 : i32
      "tpu.region"() ({
        %run_scoped3A_328 = tpu.sem_alloc : memref<!tpu.dma_semaphore, #tpu.memory_space<semaphore_mem>>
        %dma_start3A_329 = arith.constant 0 : i32
        %dma_start3A_330 = arith.constant 0 : i32
        %dma_start3A_331 = tpu.memref_slice %arg9[%run_scoped3A, %dma_start3A_329, %dma_start3A_330] : memref<4x64x128xf32, #tpu.memory_space<vmem>> -> memref<1x64x128xf32, #tpu.memory_space<vmem>>
        %dma_start3A_332 = tpu.memref_squeeze %dma_start3A_331 : memref<1x64x128xf32, #tpu.memory_space<vmem>> -> memref<64x128xf32, #tpu.memory_space<vmem>>
        %dma_start3A_333 = arith.constant 0 : i32
        %dma_start3A_334 = tpu.memref_slice %arg8[%add3A_228, %dma_start3A_333] : memref<40x64xi32, #tpu.memory_space<vmem>> -> memref<1x64xi32, #tpu.memory_space<vmem>>
        %dma_start3A_335 = tpu.memref_squeeze %dma_start3A_334 : memref<1x64xi32, #tpu.memory_space<vmem>> -> memref<64xi32, #tpu.memory_space<vmem>>
        %dma_start3A_336 = arith.constant 0 : i32
        %dma_start3A_337 = arith.constant 0 : i32
        %dma_start3A_338 = tpu.memref_slice %arg10[%dma_start3A_336, %dma_start3A_337] : memref<10240x128xf32, #tpu.memory_space<vmem_shared>> -> memref<10240x128xf32, #tpu.memory_space<vmem_shared>>
        tpu.enqueue_indirect_dma source(%dma_start3A_332 : memref<64x128xf32, #tpu.memory_space<vmem>>) target(%dma_start3A_338 : memref<10240x128xf32, #tpu.memory_space<vmem_shared>>) offsets(%dma_start3A_335 : memref<64xi32, #tpu.memory_space<vmem>>) semaphore(%run_scoped3A_328 : memref<!tpu.dma_semaphore, #tpu.memory_space<semaphore_mem>>) {add = true}
        %dma_wait3A_339 = arith.constant 0 : i32
        %dma_wait3A_340 = arith.constant 0 : i32
        %dma_wait3A_341 = tpu.memref_slice %arg9[%run_scoped3A, %dma_wait3A_339, %dma_wait3A_340] : memref<4x64x128xf32, #tpu.memory_space<vmem>> -> memref<1x64x128xf32, #tpu.memory_space<vmem>>
        %dma_wait3A_342 = tpu.memref_squeeze %dma_wait3A_341 : memref<1x64x128xf32, #tpu.memory_space<vmem>> -> memref<64x128xf32, #tpu.memory_space<vmem>>
        %dma_wait3A_343 = arith.constant 0 : i32
        %dma_wait3A_344 = tpu.memref_slice %arg8[%add3A_228, %dma_wait3A_343] : memref<40x64xi32, #tpu.memory_space<vmem>> -> memref<1x64xi32, #tpu.memory_space<vmem>>
        %dma_wait3A_345 = tpu.memref_squeeze %dma_wait3A_344 : memref<1x64xi32, #tpu.memory_space<vmem>> -> memref<64xi32, #tpu.memory_space<vmem>>
        %dma_wait3A_346 = arith.constant 0 : i32
        %dma_wait3A_347 = arith.constant 0 : i32
        %dma_wait3A_348 = tpu.memref_slice %arg10[%dma_wait3A_346, %dma_wait3A_347] : memref<10240x128xf32, #tpu.memory_space<vmem_shared>> -> memref<10240x128xf32, #tpu.memory_space<vmem_shared>>
        tpu.wait_indirect_dma semaphore(%run_scoped3A_328 : memref<!tpu.dma_semaphore, #tpu.memory_space<semaphore_mem>>) src(%dma_wait3A_342 : memref<64x128xf32, #tpu.memory_space<vmem>>) dst(%dma_wait3A_348 : memref<10240x128xf32, #tpu.memory_space<vmem_shared>>)
        tpu.yield
      }) : () -> ()
      %add3A_243 = arith.constant 4 : i32
      %add3A_244 = arith.addi %add3A_228, %add3A_243 : i32
      %lt3A = arith.constant 40 : i32
      %lt3A_245 = arith.cmpi slt, %add3A_244, %lt3A : i32
      %convert_element_type3A = arith.extui %lt3A_245 : i1 to i32
      %cond3A = arith.constant 0 : i32
      %cond3A_246 = arith.cmpi ne, %convert_element_type3A, %cond3A : i32
      scf.if %cond3A_246 {
        %dma_start3A_328 = arith.constant 0 : i32
        %dma_start3A_329 = arith.constant 0 : i32
        %dma_start3A_330 = arith.constant 0 : i32
        %dma_start3A_331 = tpu.memref_slice %arg9[%dma_start3A_328, %dma_start3A_329, %dma_start3A_330] : memref<4x64x128xf32, #tpu.memory_space<vmem>> -> memref<1x64x128xf32, #tpu.memory_space<vmem>>
        %dma_start3A_332 = tpu.memref_squeeze %dma_start3A_331 : memref<1x64x128xf32, #tpu.memory_space<vmem>> -> memref<64x128xf32, #tpu.memory_space<vmem>>
        %dma_start3A_333 = arith.constant 0 : i32
        %dma_start3A_334 = tpu.memref_slice %arg7[%add3A_244, %dma_start3A_333] : memref<40x64xi32, #tpu.memory_space<vmem>> -> memref<1x64xi32, #tpu.memory_space<vmem>>
        %dma_start3A_335 = tpu.memref_squeeze %dma_start3A_334 : memref<1x64xi32, #tpu.memory_space<vmem>> -> memref<64xi32, #tpu.memory_space<vmem>>
        %dma_start3A_336 = arith.constant 0 : i32
        %dma_start3A_337 = arith.constant 0 : i32
        %dma_start3A_338 = tpu.memref_slice %arg2[%dma_start3A_336, %dma_start3A_337] : memref<10240x128xf32, #tpu.memory_space<hbm>> -> memref<10240x128xf32, #tpu.memory_space<hbm>>
        tpu.enqueue_indirect_dma source(%dma_start3A_338 : memref<10240x128xf32, #tpu.memory_space<hbm>>) target(%dma_start3A_332 : memref<64x128xf32, #tpu.memory_space<vmem>>) offsets(%dma_start3A_335 : memref<64xi32, #tpu.memory_space<vmem>>) semaphore(%arg11 : memref<!tpu.dma_semaphore, #tpu.memory_space<semaphore_mem>>)
      } else {
      }
      %mul3A_247 = arith.constant 4 : i32
      %mul3A_248 = arith.muli %scan3A_224, %mul3A_247 : i32
      %add3A_249 = arith.constant 1 : i32
      %add3A_250 = arith.addi %mul3A_248, %add3A_249 : i32
      %dma_wait3A_251 = arith.constant 1 : i32
      %dma_wait3A_252 = arith.constant 0 : i32
      %dma_wait3A_253 = arith.constant 0 : i32
      %dma_wait3A_254 = tpu.memref_slice %arg9[%dma_wait3A_251, %dma_wait3A_252, %dma_wait3A_253] : memref<4x64x128xf32, #tpu.memory_space<vmem>> -> memref<1x64x128xf32, #tpu.memory_space<vmem>>
      %dma_wait3A_255 = tpu.memref_squeeze %dma_wait3A_254 : memref<1x64x128xf32, #tpu.memory_space<vmem>> -> memref<64x128xf32, #tpu.memory_space<vmem>>
      %dma_wait3A_256 = arith.constant 0 : i32
      %dma_wait3A_257 = arith.constant 0 : i32
      %dma_wait3A_258 = tpu.memref_slice %arg2[%dma_wait3A_256, %dma_wait3A_257] : memref<10240x128xf32, #tpu.memory_space<hbm>> -> memref<64x128xf32, #tpu.memory_space<hbm>>
      %dma_wait3A_259 = arith.constant 0 : i32
      %dma_wait3A_260 = arith.constant 0 : i32
      %dma_wait3A_261 = tpu.memref_slice %arg9[%dma_wait3A_251, %dma_wait3A_259, %dma_wait3A_260] : memref<4x64x128xf32, #tpu.memory_space<vmem>> -> memref<1x64x128xf32, #tpu.memory_space<vmem>>
      %dma_wait3A_262 = tpu.memref_squeeze %dma_wait3A_261 : memref<1x64x128xf32, #tpu.memory_space<vmem>> -> memref<64x128xf32, #tpu.memory_space<vmem>>
      %dma_wait3A_263 = arith.constant 0 : i32
      %dma_wait3A_264 = arith.constant 0 : i32
      %dma_wait3A_265 = tpu.memref_slice %arg2[%dma_wait3A_263, %dma_wait3A_264] : memref<10240x128xf32, #tpu.memory_space<hbm>> -> memref<64x128xf32, #tpu.memory_space<hbm>>
      tpu.wait_dma2 semaphore(%arg12 : memref<!tpu.dma_semaphore, #tpu.memory_space<semaphore_mem>>) src(%dma_wait3A_265 : memref<64x128xf32, #tpu.memory_space<hbm>>) dst(%dma_wait3A_262 : memref<64x128xf32, #tpu.memory_space<vmem>>)
      %run_scoped3A_266 = arith.constant 1 : i32
      "tpu.region"() ({
        %run_scoped3A_328 = tpu.sem_alloc : memref<!tpu.dma_semaphore, #tpu.memory_space<semaphore_mem>>
        %dma_start3A_329 = arith.constant 0 : i32
        %dma_start3A_330 = arith.constant 0 : i32
        %dma_start3A_331 = tpu.memref_slice %arg9[%run_scoped3A_266, %dma_start3A_329, %dma_start3A_330] : memref<4x64x128xf32, #tpu.memory_space<vmem>> -> memref<1x64x128xf32, #tpu.memory_space<vmem>>
        %dma_start3A_332 = tpu.memref_squeeze %dma_start3A_331 : memref<1x64x128xf32, #tpu.memory_space<vmem>> -> memref<64x128xf32, #tpu.memory_space<vmem>>
        %dma_start3A_333 = arith.constant 0 : i32
        %dma_start3A_334 = tpu.memref_slice %arg8[%add3A_250, %dma_start3A_333] : memref<40x64xi32, #tpu.memory_space<vmem>> -> memref<1x64xi32, #tpu.memory_space<vmem>>
        %dma_start3A_335 = tpu.memref_squeeze %dma_start3A_334 : memref<1x64xi32, #tpu.memory_space<vmem>> -> memref<64xi32, #tpu.memory_space<vmem>>
        %dma_start3A_336 = arith.constant 0 : i32
        %dma_start3A_337 = arith.constant 0 : i32
        %dma_start3A_338 = tpu.memref_slice %arg10[%dma_start3A_336, %dma_start3A_337] : memref<10240x128xf32, #tpu.memory_space<vmem_shared>> -> memref<10240x128xf32, #tpu.memory_space<vmem_shared>>
        tpu.enqueue_indirect_dma source(%dma_start3A_332 : memref<64x128xf32, #tpu.memory_space<vmem>>) target(%dma_start3A_338 : memref<10240x128xf32, #tpu.memory_space<vmem_shared>>) offsets(%dma_start3A_335 : memref<64xi32, #tpu.memory_space<vmem>>) semaphore(%run_scoped3A_328 : memref<!tpu.dma_semaphore, #tpu.memory_space<semaphore_mem>>) {add = true}
        %dma_wait3A_339 = arith.constant 0 : i32
        %dma_wait3A_340 = arith.constant 0 : i32
        %dma_wait3A_341 = tpu.memref_slice %arg9[%run_scoped3A_266, %dma_wait3A_339, %dma_wait3A_340] : memref<4x64x128xf32, #tpu.memory_space<vmem>> -> memref<1x64x128xf32, #tpu.memory_space<vmem>>
        %dma_wait3A_342 = tpu.memref_squeeze %dma_wait3A_341 : memref<1x64x128xf32, #tpu.memory_space<vmem>> -> memref<64x128xf32, #tpu.memory_space<vmem>>
        %dma_wait3A_343 = arith.constant 0 : i32
        %dma_wait3A_344 = tpu.memref_slice %arg8[%add3A_250, %dma_wait3A_343] : memref<40x64xi32, #tpu.memory_space<vmem>> -> memref<1x64xi32, #tpu.memory_space<vmem>>
        %dma_wait3A_345 = tpu.memref_squeeze %dma_wait3A_344 : memref<1x64xi32, #tpu.memory_space<vmem>> -> memref<64xi32, #tpu.memory_space<vmem>>
        %dma_wait3A_346 = arith.constant 0 : i32
        %dma_wait3A_347 = arith.constant 0 : i32
        %dma_wait3A_348 = tpu.memref_slice %arg10[%dma_wait3A_346, %dma_wait3A_347] : memref<10240x128xf32, #tpu.memory_space<vmem_shared>> -> memref<10240x128xf32, #tpu.memory_space<vmem_shared>>
        tpu.wait_indirect_dma semaphore(%run_scoped3A_328 : memref<!tpu.dma_semaphore, #tpu.memory_space<semaphore_mem>>) src(%dma_wait3A_342 : memref<64x128xf32, #tpu.memory_space<vmem>>) dst(%dma_wait3A_348 : memref<10240x128xf32, #tpu.memory_space<vmem_shared>>)
        tpu.yield
      }) : () -> ()
      %add3A_267 = arith.constant 4 : i32
      %add3A_268 = arith.addi %add3A_250, %add3A_267 : i32
      %lt3A_269 = arith.constant 40 : i32
      %lt3A_270 = arith.cmpi slt, %add3A_268, %lt3A_269 : i32
      %convert_element_type3A_271 = arith.extui %lt3A_270 : i1 to i32
      %cond3A_272 = arith.constant 0 : i32
      %cond3A_273 = arith.cmpi ne, %convert_element_type3A_271, %cond3A_272 : i32
      scf.if %cond3A_273 {
        %dma_start3A_328 = arith.constant 1 : i32
        %dma_start3A_329 = arith.constant 0 : i32
        %dma_start3A_330 = arith.constant 0 : i32
        %dma_start3A_331 = tpu.memref_slice %arg9[%dma_start3A_328, %dma_start3A_329, %dma_start3A_330] : memref<4x64x128xf32, #tpu.memory_space<vmem>> -> memref<1x64x128xf32, #tpu.memory_space<vmem>>
        %dma_start3A_332 = tpu.memref_squeeze %dma_start3A_331 : memref<1x64x128xf32, #tpu.memory_space<vmem>> -> memref<64x128xf32, #tpu.memory_space<vmem>>
        %dma_start3A_333 = arith.constant 0 : i32
        %dma_start3A_334 = tpu.memref_slice %arg7[%add3A_268, %dma_start3A_333] : memref<40x64xi32, #tpu.memory_space<vmem>> -> memref<1x64xi32, #tpu.memory_space<vmem>>
        %dma_start3A_335 = tpu.memref_squeeze %dma_start3A_334 : memref<1x64xi32, #tpu.memory_space<vmem>> -> memref<64xi32, #tpu.memory_space<vmem>>
        %dma_start3A_336 = arith.constant 0 : i32
        %dma_start3A_337 = arith.constant 0 : i32
        %dma_start3A_338 = tpu.memref_slice %arg2[%dma_start3A_336, %dma_start3A_337] : memref<10240x128xf32, #tpu.memory_space<hbm>> -> memref<10240x128xf32, #tpu.memory_space<hbm>>
        tpu.enqueue_indirect_dma source(%dma_start3A_338 : memref<10240x128xf32, #tpu.memory_space<hbm>>) target(%dma_start3A_332 : memref<64x128xf32, #tpu.memory_space<vmem>>) offsets(%dma_start3A_335 : memref<64xi32, #tpu.memory_space<vmem>>) semaphore(%arg12 : memref<!tpu.dma_semaphore, #tpu.memory_space<semaphore_mem>>)
      } else {
      }
      %mul3A_274 = arith.constant 4 : i32
      %mul3A_275 = arith.muli %scan3A_224, %mul3A_274 : i32
      %add3A_276 = arith.constant 2 : i32
      %add3A_277 = arith.addi %mul3A_275, %add3A_276 : i32
      %dma_wait3A_278 = arith.constant 2 : i32
      %dma_wait3A_279 = arith.constant 0 : i32
      %dma_wait3A_280 = arith.constant 0 : i32
      %dma_wait3A_281 = tpu.memref_slice %arg9[%dma_wait3A_278, %dma_wait3A_279, %dma_wait3A_280] : memref<4x64x128xf32, #tpu.memory_space<vmem>> -> memref<1x64x128xf32, #tpu.memory_space<vmem>>
      %dma_wait3A_282 = tpu.memref_squeeze %dma_wait3A_281 : memref<1x64x128xf32, #tpu.memory_space<vmem>> -> memref<64x128xf32, #tpu.memory_space<vmem>>
      %dma_wait3A_283 = arith.constant 0 : i32
      %dma_wait3A_284 = arith.constant 0 : i32
      %dma_wait3A_285 = tpu.memref_slice %arg2[%dma_wait3A_283, %dma_wait3A_284] : memref<10240x128xf32, #tpu.memory_space<hbm>> -> memref<64x128xf32, #tpu.memory_space<hbm>>
      %dma_wait3A_286 = arith.constant 0 : i32
      %dma_wait3A_287 = arith.constant 0 : i32
      %dma_wait3A_288 = tpu.memref_slice %arg9[%dma_wait3A_278, %dma_wait3A_286, %dma_wait3A_287] : memref<4x64x128xf32, #tpu.memory_space<vmem>> -> memref<1x64x128xf32, #tpu.memory_space<vmem>>
      %dma_wait3A_289 = tpu.memref_squeeze %dma_wait3A_288 : memref<1x64x128xf32, #tpu.memory_space<vmem>> -> memref<64x128xf32, #tpu.memory_space<vmem>>
      %dma_wait3A_290 = arith.constant 0 : i32
      %dma_wait3A_291 = arith.constant 0 : i32
      %dma_wait3A_292 = tpu.memref_slice %arg2[%dma_wait3A_290, %dma_wait3A_291] : memref<10240x128xf32, #tpu.memory_space<hbm>> -> memref<64x128xf32, #tpu.memory_space<hbm>>
      tpu.wait_dma2 semaphore(%arg13 : memref<!tpu.dma_semaphore, #tpu.memory_space<semaphore_mem>>) src(%dma_wait3A_292 : memref<64x128xf32, #tpu.memory_space<hbm>>) dst(%dma_wait3A_289 : memref<64x128xf32, #tpu.memory_space<vmem>>)
      %run_scoped3A_293 = arith.constant 2 : i32
      "tpu.region"() ({
        %run_scoped3A_328 = tpu.sem_alloc : memref<!tpu.dma_semaphore, #tpu.memory_space<semaphore_mem>>
        %dma_start3A_329 = arith.constant 0 : i32
        %dma_start3A_330 = arith.constant 0 : i32
        %dma_start3A_331 = tpu.memref_slice %arg9[%run_scoped3A_293, %dma_start3A_329, %dma_start3A_330] : memref<4x64x128xf32, #tpu.memory_space<vmem>> -> memref<1x64x128xf32, #tpu.memory_space<vmem>>
        %dma_start3A_332 = tpu.memref_squeeze %dma_start3A_331 : memref<1x64x128xf32, #tpu.memory_space<vmem>> -> memref<64x128xf32, #tpu.memory_space<vmem>>
        %dma_start3A_333 = arith.constant 0 : i32
        %dma_start3A_334 = tpu.memref_slice %arg8[%add3A_277, %dma_start3A_333] : memref<40x64xi32, #tpu.memory_space<vmem>> -> memref<1x64xi32, #tpu.memory_space<vmem>>
        %dma_start3A_335 = tpu.memref_squeeze %dma_start3A_334 : memref<1x64xi32, #tpu.memory_space<vmem>> -> memref<64xi32, #tpu.memory_space<vmem>>
        %dma_start3A_336 = arith.constant 0 : i32
        %dma_start3A_337 = arith.constant 0 : i32
        %dma_start3A_338 = tpu.memref_slice %arg10[%dma_start3A_336, %dma_start3A_337] : memref<10240x128xf32, #tpu.memory_space<vmem_shared>> -> memref<10240x128xf32, #tpu.memory_space<vmem_shared>>
        tpu.enqueue_indirect_dma source(%dma_start3A_332 : memref<64x128xf32, #tpu.memory_space<vmem>>) target(%dma_start3A_338 : memref<10240x128xf32, #tpu.memory_space<vmem_shared>>) offsets(%dma_start3A_335 : memref<64xi32, #tpu.memory_space<vmem>>) semaphore(%run_scoped3A_328 : memref<!tpu.dma_semaphore, #tpu.memory_space<semaphore_mem>>) {add = true}
        %dma_wait3A_339 = arith.constant 0 : i32
        %dma_wait3A_340 = arith.constant 0 : i32
        %dma_wait3A_341 = tpu.memref_slice %arg9[%run_scoped3A_293, %dma_wait3A_339, %dma_wait3A_340] : memref<4x64x128xf32, #tpu.memory_space<vmem>> -> memref<1x64x128xf32, #tpu.memory_space<vmem>>
        %dma_wait3A_342 = tpu.memref_squeeze %dma_wait3A_341 : memref<1x64x128xf32, #tpu.memory_space<vmem>> -> memref<64x128xf32, #tpu.memory_space<vmem>>
        %dma_wait3A_343 = arith.constant 0 : i32
        %dma_wait3A_344 = tpu.memref_slice %arg8[%add3A_277, %dma_wait3A_343] : memref<40x64xi32, #tpu.memory_space<vmem>> -> memref<1x64xi32, #tpu.memory_space<vmem>>
        %dma_wait3A_345 = tpu.memref_squeeze %dma_wait3A_344 : memref<1x64xi32, #tpu.memory_space<vmem>> -> memref<64xi32, #tpu.memory_space<vmem>>
        %dma_wait3A_346 = arith.constant 0 : i32
        %dma_wait3A_347 = arith.constant 0 : i32
        %dma_wait3A_348 = tpu.memref_slice %arg10[%dma_wait3A_346, %dma_wait3A_347] : memref<10240x128xf32, #tpu.memory_space<vmem_shared>> -> memref<10240x128xf32, #tpu.memory_space<vmem_shared>>
        tpu.wait_indirect_dma semaphore(%run_scoped3A_328 : memref<!tpu.dma_semaphore, #tpu.memory_space<semaphore_mem>>) src(%dma_wait3A_342 : memref<64x128xf32, #tpu.memory_space<vmem>>) dst(%dma_wait3A_348 : memref<10240x128xf32, #tpu.memory_space<vmem_shared>>)
        tpu.yield
      }) : () -> ()
      %add3A_294 = arith.constant 4 : i32
      %add3A_295 = arith.addi %add3A_277, %add3A_294 : i32
      %lt3A_296 = arith.constant 40 : i32
      %lt3A_297 = arith.cmpi slt, %add3A_295, %lt3A_296 : i32
      %convert_element_type3A_298 = arith.extui %lt3A_297 : i1 to i32
      %cond3A_299 = arith.constant 0 : i32
      %cond3A_300 = arith.cmpi ne, %convert_element_type3A_298, %cond3A_299 : i32
      scf.if %cond3A_300 {
        %dma_start3A_328 = arith.constant 2 : i32
        %dma_start3A_329 = arith.constant 0 : i32
        %dma_start3A_330 = arith.constant 0 : i32
        %dma_start3A_331 = tpu.memref_slice %arg9[%dma_start3A_328, %dma_start3A_329, %dma_start3A_330] : memref<4x64x128xf32, #tpu.memory_space<vmem>> -> memref<1x64x128xf32, #tpu.memory_space<vmem>>
        %dma_start3A_332 = tpu.memref_squeeze %dma_start3A_331 : memref<1x64x128xf32, #tpu.memory_space<vmem>> -> memref<64x128xf32, #tpu.memory_space<vmem>>
        %dma_start3A_333 = arith.constant 0 : i32
        %dma_start3A_334 = tpu.memref_slice %arg7[%add3A_295, %dma_start3A_333] : memref<40x64xi32, #tpu.memory_space<vmem>> -> memref<1x64xi32, #tpu.memory_space<vmem>>
        %dma_start3A_335 = tpu.memref_squeeze %dma_start3A_334 : memref<1x64xi32, #tpu.memory_space<vmem>> -> memref<64xi32, #tpu.memory_space<vmem>>
        %dma_start3A_336 = arith.constant 0 : i32
        %dma_start3A_337 = arith.constant 0 : i32
        %dma_start3A_338 = tpu.memref_slice %arg2[%dma_start3A_336, %dma_start3A_337] : memref<10240x128xf32, #tpu.memory_space<hbm>> -> memref<10240x128xf32, #tpu.memory_space<hbm>>
        tpu.enqueue_indirect_dma source(%dma_start3A_338 : memref<10240x128xf32, #tpu.memory_space<hbm>>) target(%dma_start3A_332 : memref<64x128xf32, #tpu.memory_space<vmem>>) offsets(%dma_start3A_335 : memref<64xi32, #tpu.memory_space<vmem>>) semaphore(%arg13 : memref<!tpu.dma_semaphore, #tpu.memory_space<semaphore_mem>>)
      } else {
      }
      %mul3A_301 = arith.constant 4 : i32
      %mul3A_302 = arith.muli %scan3A_224, %mul3A_301 : i32
      %add3A_303 = arith.constant 3 : i32
      %add3A_304 = arith.addi %mul3A_302, %add3A_303 : i32
      %dma_wait3A_305 = arith.constant 3 : i32
      %dma_wait3A_306 = arith.constant 0 : i32
      %dma_wait3A_307 = arith.constant 0 : i32
      %dma_wait3A_308 = tpu.memref_slice %arg9[%dma_wait3A_305, %dma_wait3A_306, %dma_wait3A_307] : memref<4x64x128xf32, #tpu.memory_space<vmem>> -> memref<1x64x128xf32, #tpu.memory_space<vmem>>
      %dma_wait3A_309 = tpu.memref_squeeze %dma_wait3A_308 : memref<1x64x128xf32, #tpu.memory_space<vmem>> -> memref<64x128xf32, #tpu.memory_space<vmem>>
      %dma_wait3A_310 = arith.constant 0 : i32
      %dma_wait3A_311 = arith.constant 0 : i32
      %dma_wait3A_312 = tpu.memref_slice %arg2[%dma_wait3A_310, %dma_wait3A_311] : memref<10240x128xf32, #tpu.memory_space<hbm>> -> memref<64x128xf32, #tpu.memory_space<hbm>>
      %dma_wait3A_313 = arith.constant 0 : i32
      %dma_wait3A_314 = arith.constant 0 : i32
      %dma_wait3A_315 = tpu.memref_slice %arg9[%dma_wait3A_305, %dma_wait3A_313, %dma_wait3A_314] : memref<4x64x128xf32, #tpu.memory_space<vmem>> -> memref<1x64x128xf32, #tpu.memory_space<vmem>>
      %dma_wait3A_316 = tpu.memref_squeeze %dma_wait3A_315 : memref<1x64x128xf32, #tpu.memory_space<vmem>> -> memref<64x128xf32, #tpu.memory_space<vmem>>
      %dma_wait3A_317 = arith.constant 0 : i32
      %dma_wait3A_318 = arith.constant 0 : i32
      %dma_wait3A_319 = tpu.memref_slice %arg2[%dma_wait3A_317, %dma_wait3A_318] : memref<10240x128xf32, #tpu.memory_space<hbm>> -> memref<64x128xf32, #tpu.memory_space<hbm>>
      tpu.wait_dma2 semaphore(%arg14 : memref<!tpu.dma_semaphore, #tpu.memory_space<semaphore_mem>>) src(%dma_wait3A_319 : memref<64x128xf32, #tpu.memory_space<hbm>>) dst(%dma_wait3A_316 : memref<64x128xf32, #tpu.memory_space<vmem>>)
      %run_scoped3A_320 = arith.constant 3 : i32
      "tpu.region"() ({
        %run_scoped3A_328 = tpu.sem_alloc : memref<!tpu.dma_semaphore, #tpu.memory_space<semaphore_mem>>
        %dma_start3A_329 = arith.constant 0 : i32
        %dma_start3A_330 = arith.constant 0 : i32
        %dma_start3A_331 = tpu.memref_slice %arg9[%run_scoped3A_320, %dma_start3A_329, %dma_start3A_330] : memref<4x64x128xf32, #tpu.memory_space<vmem>> -> memref<1x64x128xf32, #tpu.memory_space<vmem>>
        %dma_start3A_332 = tpu.memref_squeeze %dma_start3A_331 : memref<1x64x128xf32, #tpu.memory_space<vmem>> -> memref<64x128xf32, #tpu.memory_space<vmem>>
        %dma_start3A_333 = arith.constant 0 : i32
        %dma_start3A_334 = tpu.memref_slice %arg8[%add3A_304, %dma_start3A_333] : memref<40x64xi32, #tpu.memory_space<vmem>> -> memref<1x64xi32, #tpu.memory_space<vmem>>
        %dma_start3A_335 = tpu.memref_squeeze %dma_start3A_334 : memref<1x64xi32, #tpu.memory_space<vmem>> -> memref<64xi32, #tpu.memory_space<vmem>>
        %dma_start3A_336 = arith.constant 0 : i32
        %dma_start3A_337 = arith.constant 0 : i32
        %dma_start3A_338 = tpu.memref_slice %arg10[%dma_start3A_336, %dma_start3A_337] : memref<10240x128xf32, #tpu.memory_space<vmem_shared>> -> memref<10240x128xf32, #tpu.memory_space<vmem_shared>>
        tpu.enqueue_indirect_dma source(%dma_start3A_332 : memref<64x128xf32, #tpu.memory_space<vmem>>) target(%dma_start3A_338 : memref<10240x128xf32, #tpu.memory_space<vmem_shared>>) offsets(%dma_start3A_335 : memref<64xi32, #tpu.memory_space<vmem>>) semaphore(%run_scoped3A_328 : memref<!tpu.dma_semaphore, #tpu.memory_space<semaphore_mem>>) {add = true}
        %dma_wait3A_339 = arith.constant 0 : i32
        %dma_wait3A_340 = arith.constant 0 : i32
        %dma_wait3A_341 = tpu.memref_slice %arg9[%run_scoped3A_320, %dma_wait3A_339, %dma_wait3A_340] : memref<4x64x128xf32, #tpu.memory_space<vmem>> -> memref<1x64x128xf32, #tpu.memory_space<vmem>>
        %dma_wait3A_342 = tpu.memref_squeeze %dma_wait3A_341 : memref<1x64x128xf32, #tpu.memory_space<vmem>> -> memref<64x128xf32, #tpu.memory_space<vmem>>
        %dma_wait3A_343 = arith.constant 0 : i32
        %dma_wait3A_344 = tpu.memref_slice %arg8[%add3A_304, %dma_wait3A_343] : memref<40x64xi32, #tpu.memory_space<vmem>> -> memref<1x64xi32, #tpu.memory_space<vmem>>
        %dma_wait3A_345 = tpu.memref_squeeze %dma_wait3A_344 : memref<1x64xi32, #tpu.memory_space<vmem>> -> memref<64xi32, #tpu.memory_space<vmem>>
        %dma_wait3A_346 = arith.constant 0 : i32
        %dma_wait3A_347 = arith.constant 0 : i32
        %dma_wait3A_348 = tpu.memref_slice %arg10[%dma_wait3A_346, %dma_wait3A_347] : memref<10240x128xf32, #tpu.memory_space<vmem_shared>> -> memref<10240x128xf32, #tpu.memory_space<vmem_shared>>
        tpu.wait_indirect_dma semaphore(%run_scoped3A_328 : memref<!tpu.dma_semaphore, #tpu.memory_space<semaphore_mem>>) src(%dma_wait3A_342 : memref<64x128xf32, #tpu.memory_space<vmem>>) dst(%dma_wait3A_348 : memref<10240x128xf32, #tpu.memory_space<vmem_shared>>)
        tpu.yield
      }) : () -> ()
      %add3A_321 = arith.constant 4 : i32
      %add3A_322 = arith.addi %add3A_304, %add3A_321 : i32
      %lt3A_323 = arith.constant 40 : i32
      %lt3A_324 = arith.cmpi slt, %add3A_322, %lt3A_323 : i32
      %convert_element_type3A_325 = arith.extui %lt3A_324 : i1 to i32
      %cond3A_326 = arith.constant 0 : i32
      %cond3A_327 = arith.cmpi ne, %convert_element_type3A_325, %cond3A_326 : i32
      scf.if %cond3A_327 {
        %dma_start3A_328 = arith.constant 3 : i32
        %dma_start3A_329 = arith.constant 0 : i32
        %dma_start3A_330 = arith.constant 0 : i32
        %dma_start3A_331 = tpu.memref_slice %arg9[%dma_start3A_328, %dma_start3A_329, %dma_start3A_330] : memref<4x64x128xf32, #tpu.memory_space<vmem>> -> memref<1x64x128xf32, #tpu.memory_space<vmem>>
        %dma_start3A_332 = tpu.memref_squeeze %dma_start3A_331 : memref<1x64x128xf32, #tpu.memory_space<vmem>> -> memref<64x128xf32, #tpu.memory_space<vmem>>
        %dma_start3A_333 = arith.constant 0 : i32
        %dma_start3A_334 = tpu.memref_slice %arg7[%add3A_322, %dma_start3A_333] : memref<40x64xi32, #tpu.memory_space<vmem>> -> memref<1x64xi32, #tpu.memory_space<vmem>>
        %dma_start3A_335 = tpu.memref_squeeze %dma_start3A_334 : memref<1x64xi32, #tpu.memory_space<vmem>> -> memref<64xi32, #tpu.memory_space<vmem>>
        %dma_start3A_336 = arith.constant 0 : i32
        %dma_start3A_337 = arith.constant 0 : i32
        %dma_start3A_338 = tpu.memref_slice %arg2[%dma_start3A_336, %dma_start3A_337] : memref<10240x128xf32, #tpu.memory_space<hbm>> -> memref<10240x128xf32, #tpu.memory_space<hbm>>
        tpu.enqueue_indirect_dma source(%dma_start3A_338 : memref<10240x128xf32, #tpu.memory_space<hbm>>) target(%dma_start3A_332 : memref<64x128xf32, #tpu.memory_space<vmem>>) offsets(%dma_start3A_335 : memref<64xi32, #tpu.memory_space<vmem>>) semaphore(%arg14 : memref<!tpu.dma_semaphore, #tpu.memory_space<semaphore_mem>>)
      } else {
      }
    }
    %scan3A_56 = arith.constant 10 : i32
    "tpu.region"() ({
      %run_scoped3A = tpu.sem_alloc : memref<!tpu.dma_semaphore, #tpu.memory_space<semaphore_mem>>
      %dma_start3A_224 = arith.constant 40 : i32
      %dma_start3A_225 = arith.constant 0 : i32
      %dma_start3A_226 = tpu.memref_slice %arg3[%add3A, %dma_start3A_224, %dma_start3A_225] : memref<32x160x64xi32, #tpu.memory_space<hbm>> -> memref<1x40x64xi32, #tpu.memory_space<hbm>>
      %dma_start3A_227 = tpu.memref_squeeze %dma_start3A_226 : memref<1x40x64xi32, #tpu.memory_space<hbm>> -> memref<40x64xi32, #tpu.memory_space<hbm>>
      %dma_start3A_228 = arith.constant 40 : i32
      %dma_start3A_229 = arith.constant 0 : i32
      %dma_start3A_230 = tpu.memref_slice %arg3[%add3A, %dma_start3A_228, %dma_start3A_229] : memref<32x160x64xi32, #tpu.memory_space<hbm>> -> memref<1x40x64xi32, #tpu.memory_space<hbm>>
      %dma_start3A_231 = tpu.memref_squeeze %dma_start3A_230 : memref<1x40x64xi32, #tpu.memory_space<hbm>> -> memref<40x64xi32, #tpu.memory_space<hbm>>
      tpu.enqueue_dma source(%dma_start3A_231 : memref<40x64xi32, #tpu.memory_space<hbm>>) target(%arg7 : memref<40x64xi32, #tpu.memory_space<vmem>>) target_semaphore(%run_scoped3A : memref<!tpu.dma_semaphore, #tpu.memory_space<semaphore_mem>>)
      %dma_wait3A = arith.constant 40 : i32
      %dma_wait3A_232 = arith.constant 0 : i32
      %dma_wait3A_233 = tpu.memref_slice %arg3[%add3A, %dma_wait3A, %dma_wait3A_232] : memref<32x160x64xi32, #tpu.memory_space<hbm>> -> memref<1x40x64xi32, #tpu.memory_space<hbm>>
      %dma_wait3A_234 = tpu.memref_squeeze %dma_wait3A_233 : memref<1x40x64xi32, #tpu.memory_space<hbm>> -> memref<40x64xi32, #tpu.memory_space<hbm>>
      %dma_wait3A_235 = arith.constant 40 : i32
      %dma_wait3A_236 = arith.constant 0 : i32
      %dma_wait3A_237 = tpu.memref_slice %arg3[%add3A, %dma_wait3A_235, %dma_wait3A_236] : memref<32x160x64xi32, #tpu.memory_space<hbm>> -> memref<1x40x64xi32, #tpu.memory_space<hbm>>
      %dma_wait3A_238 = tpu.memref_squeeze %dma_wait3A_237 : memref<1x40x64xi32, #tpu.memory_space<hbm>> -> memref<40x64xi32, #tpu.memory_space<hbm>>
      tpu.wait_dma2 semaphore(%run_scoped3A : memref<!tpu.dma_semaphore, #tpu.memory_space<semaphore_mem>>) src(%dma_wait3A_238 : memref<40x64xi32, #tpu.memory_space<hbm>>) dst(%arg7 : memref<40x64xi32, #tpu.memory_space<vmem>>)
      tpu.yield
    }) : () -> ()
    "tpu.region"() ({
      %run_scoped3A = tpu.sem_alloc : memref<!tpu.dma_semaphore, #tpu.memory_space<semaphore_mem>>
      %dma_start3A_224 = arith.constant 40 : i32
      %dma_start3A_225 = arith.constant 0 : i32
      %dma_start3A_226 = tpu.memref_slice %arg4[%add3A, %dma_start3A_224, %dma_start3A_225] : memref<32x160x64xi32, #tpu.memory_space<hbm>> -> memref<1x40x64xi32, #tpu.memory_space<hbm>>
      %dma_start3A_227 = tpu.memref_squeeze %dma_start3A_226 : memref<1x40x64xi32, #tpu.memory_space<hbm>> -> memref<40x64xi32, #tpu.memory_space<hbm>>
      %dma_start3A_228 = arith.constant 40 : i32
      %dma_start3A_229 = arith.constant 0 : i32
      %dma_start3A_230 = tpu.memref_slice %arg4[%add3A, %dma_start3A_228, %dma_start3A_229] : memref<32x160x64xi32, #tpu.memory_space<hbm>> -> memref<1x40x64xi32, #tpu.memory_space<hbm>>
      %dma_start3A_231 = tpu.memref_squeeze %dma_start3A_230 : memref<1x40x64xi32, #tpu.memory_space<hbm>> -> memref<40x64xi32, #tpu.memory_space<hbm>>
      tpu.enqueue_dma source(%dma_start3A_231 : memref<40x64xi32, #tpu.memory_space<hbm>>) target(%arg8 : memref<40x64xi32, #tpu.memory_space<vmem>>) target_semaphore(%run_scoped3A : memref<!tpu.dma_semaphore, #tpu.memory_space<semaphore_mem>>)
      %dma_wait3A = arith.constant 40 : i32
      %dma_wait3A_232 = arith.constant 0 : i32
      %dma_wait3A_233 = tpu.memref_slice %arg4[%add3A, %dma_wait3A, %dma_wait3A_232] : memref<32x160x64xi32, #tpu.memory_space<hbm>> -> memref<1x40x64xi32, #tpu.memory_space<hbm>>
      %dma_wait3A_234 = tpu.memref_squeeze %dma_wait3A_233 : memref<1x40x64xi32, #tpu.memory_space<hbm>> -> memref<40x64xi32, #tpu.memory_space<hbm>>
      %dma_wait3A_235 = arith.constant 40 : i32
      %dma_wait3A_236 = arith.constant 0 : i32
      %dma_wait3A_237 = tpu.memref_slice %arg4[%add3A, %dma_wait3A_235, %dma_wait3A_236] : memref<32x160x64xi32, #tpu.memory_space<hbm>> -> memref<1x40x64xi32, #tpu.memory_space<hbm>>
      %dma_wait3A_238 = tpu.memref_squeeze %dma_wait3A_237 : memref<1x40x64xi32, #tpu.memory_space<hbm>> -> memref<40x64xi32, #tpu.memory_space<hbm>>
      tpu.wait_dma2 semaphore(%run_scoped3A : memref<!tpu.dma_semaphore, #tpu.memory_space<semaphore_mem>>) src(%dma_wait3A_238 : memref<40x64xi32, #tpu.memory_space<hbm>>) dst(%arg8 : memref<40x64xi32, #tpu.memory_space<vmem>>)
      tpu.yield
    }) : () -> ()
    %dma_start3A_57 = arith.constant 0 : i32
    %dma_start3A_58 = arith.constant 0 : i32
    %dma_start3A_59 = arith.constant 0 : i32
    %dma_start3A_60 = arith.constant 0 : i32
    %dma_start3A_61 = tpu.memref_slice %arg9[%dma_start3A_58, %dma_start3A_59, %dma_start3A_60] : memref<4x64x128xf32, #tpu.memory_space<vmem>> -> memref<1x64x128xf32, #tpu.memory_space<vmem>>
    %dma_start3A_62 = tpu.memref_squeeze %dma_start3A_61 : memref<1x64x128xf32, #tpu.memory_space<vmem>> -> memref<64x128xf32, #tpu.memory_space<vmem>>
    %dma_start3A_63 = arith.constant 0 : i32
    %dma_start3A_64 = tpu.memref_slice %arg7[%dma_start3A_57, %dma_start3A_63] : memref<40x64xi32, #tpu.memory_space<vmem>> -> memref<1x64xi32, #tpu.memory_space<vmem>>
    %dma_start3A_65 = tpu.memref_squeeze %dma_start3A_64 : memref<1x64xi32, #tpu.memory_space<vmem>> -> memref<64xi32, #tpu.memory_space<vmem>>
    %dma_start3A_66 = arith.constant 0 : i32
    %dma_start3A_67 = arith.constant 0 : i32
    %dma_start3A_68 = tpu.memref_slice %arg2[%dma_start3A_66, %dma_start3A_67] : memref<10240x128xf32, #tpu.memory_space<hbm>> -> memref<10240x128xf32, #tpu.memory_space<hbm>>
    tpu.enqueue_indirect_dma source(%dma_start3A_68 : memref<10240x128xf32, #tpu.memory_space<hbm>>) target(%dma_start3A_62 : memref<64x128xf32, #tpu.memory_space<vmem>>) offsets(%dma_start3A_65 : memref<64xi32, #tpu.memory_space<vmem>>) semaphore(%arg11 : memref<!tpu.dma_semaphore, #tpu.memory_space<semaphore_mem>>)
    %dma_start3A_69 = arith.constant 1 : i32
    %dma_start3A_70 = arith.constant 1 : i32
    %dma_start3A_71 = arith.constant 0 : i32
    %dma_start3A_72 = arith.constant 0 : i32
    %dma_start3A_73 = tpu.memref_slice %arg9[%dma_start3A_70, %dma_start3A_71, %dma_start3A_72] : memref<4x64x128xf32, #tpu.memory_space<vmem>> -> memref<1x64x128xf32, #tpu.memory_space<vmem>>
    %dma_start3A_74 = tpu.memref_squeeze %dma_start3A_73 : memref<1x64x128xf32, #tpu.memory_space<vmem>> -> memref<64x128xf32, #tpu.memory_space<vmem>>
    %dma_start3A_75 = arith.constant 0 : i32
    %dma_start3A_76 = tpu.memref_slice %arg7[%dma_start3A_69, %dma_start3A_75] : memref<40x64xi32, #tpu.memory_space<vmem>> -> memref<1x64xi32, #tpu.memory_space<vmem>>
    %dma_start3A_77 = tpu.memref_squeeze %dma_start3A_76 : memref<1x64xi32, #tpu.memory_space<vmem>> -> memref<64xi32, #tpu.memory_space<vmem>>
    %dma_start3A_78 = arith.constant 0 : i32
    %dma_start3A_79 = arith.constant 0 : i32
    %dma_start3A_80 = tpu.memref_slice %arg2[%dma_start3A_78, %dma_start3A_79] : memref<10240x128xf32, #tpu.memory_space<hbm>> -> memref<10240x128xf32, #tpu.memory_space<hbm>>
    tpu.enqueue_indirect_dma source(%dma_start3A_80 : memref<10240x128xf32, #tpu.memory_space<hbm>>) target(%dma_start3A_74 : memref<64x128xf32, #tpu.memory_space<vmem>>) offsets(%dma_start3A_77 : memref<64xi32, #tpu.memory_space<vmem>>) semaphore(%arg12 : memref<!tpu.dma_semaphore, #tpu.memory_space<semaphore_mem>>)
    %dma_start3A_81 = arith.constant 2 : i32
    %dma_start3A_82 = arith.constant 2 : i32
    %dma_start3A_83 = arith.constant 0 : i32
    %dma_start3A_84 = arith.constant 0 : i32
    %dma_start3A_85 = tpu.memref_slice %arg9[%dma_start3A_82, %dma_start3A_83, %dma_start3A_84] : memref<4x64x128xf32, #tpu.memory_space<vmem>> -> memref<1x64x128xf32, #tpu.memory_space<vmem>>
    %dma_start3A_86 = tpu.memref_squeeze %dma_start3A_85 : memref<1x64x128xf32, #tpu.memory_space<vmem>> -> memref<64x128xf32, #tpu.memory_space<vmem>>
    %dma_start3A_87 = arith.constant 0 : i32
    %dma_start3A_88 = tpu.memref_slice %arg7[%dma_start3A_81, %dma_start3A_87] : memref<40x64xi32, #tpu.memory_space<vmem>> -> memref<1x64xi32, #tpu.memory_space<vmem>>
    %dma_start3A_89 = tpu.memref_squeeze %dma_start3A_88 : memref<1x64xi32, #tpu.memory_space<vmem>> -> memref<64xi32, #tpu.memory_space<vmem>>
    %dma_start3A_90 = arith.constant 0 : i32
    %dma_start3A_91 = arith.constant 0 : i32
    %dma_start3A_92 = tpu.memref_slice %arg2[%dma_start3A_90, %dma_start3A_91] : memref<10240x128xf32, #tpu.memory_space<hbm>> -> memref<10240x128xf32, #tpu.memory_space<hbm>>
    tpu.enqueue_indirect_dma source(%dma_start3A_92 : memref<10240x128xf32, #tpu.memory_space<hbm>>) target(%dma_start3A_86 : memref<64x128xf32, #tpu.memory_space<vmem>>) offsets(%dma_start3A_89 : memref<64xi32, #tpu.memory_space<vmem>>) semaphore(%arg13 : memref<!tpu.dma_semaphore, #tpu.memory_space<semaphore_mem>>)
    %dma_start3A_93 = arith.constant 3 : i32
    %dma_start3A_94 = arith.constant 3 : i32
    %dma_start3A_95 = arith.constant 0 : i32
    %dma_start3A_96 = arith.constant 0 : i32
    %dma_start3A_97 = tpu.memref_slice %arg9[%dma_start3A_94, %dma_start3A_95, %dma_start3A_96] : memref<4x64x128xf32, #tpu.memory_space<vmem>> -> memref<1x64x128xf32, #tpu.memory_space<vmem>>
    %dma_start3A_98 = tpu.memref_squeeze %dma_start3A_97 : memref<1x64x128xf32, #tpu.memory_space<vmem>> -> memref<64x128xf32, #tpu.memory_space<vmem>>
    %dma_start3A_99 = arith.constant 0 : i32
    %dma_start3A_100 = tpu.memref_slice %arg7[%dma_start3A_93, %dma_start3A_99] : memref<40x64xi32, #tpu.memory_space<vmem>> -> memref<1x64xi32, #tpu.memory_space<vmem>>
    %dma_start3A_101 = tpu.memref_squeeze %dma_start3A_100 : memref<1x64xi32, #tpu.memory_space<vmem>> -> memref<64xi32, #tpu.memory_space<vmem>>
    %dma_start3A_102 = arith.constant 0 : i32
    %dma_start3A_103 = arith.constant 0 : i32
    %dma_start3A_104 = tpu.memref_slice %arg2[%dma_start3A_102, %dma_start3A_103] : memref<10240x128xf32, #tpu.memory_space<hbm>> -> memref<10240x128xf32, #tpu.memory_space<hbm>>
    tpu.enqueue_indirect_dma source(%dma_start3A_104 : memref<10240x128xf32, #tpu.memory_space<hbm>>) target(%dma_start3A_98 : memref<64x128xf32, #tpu.memory_space<vmem>>) offsets(%dma_start3A_101 : memref<64xi32, #tpu.memory_space<vmem>>) semaphore(%arg14 : memref<!tpu.dma_semaphore, #tpu.memory_space<semaphore_mem>>)
    %scan3A_105 = arith.constant 0 : i32
    %scan3A_106 = arith.constant 0 : i32
    %scan3A_107 = arith.constant 10 : i32
    %scan3A_108 = arith.addi %scan3A_106, %scan3A_107 : i32
    %scan3A_109 = arith.constant 1 : i32
    scf.for %scan3A_224 = %scan3A_106 to %scan3A_108 step %scan3A_109  : i32 {
      %mul3A_225 = arith.constant 4 : i32
      %mul3A_226 = arith.muli %scan3A_224, %mul3A_225 : i32
      %add3A_227 = arith.constant 0 : i32
      %add3A_228 = arith.addi %mul3A_226, %add3A_227 : i32
      %dma_wait3A = arith.constant 0 : i32
      %dma_wait3A_229 = arith.constant 0 : i32
      %dma_wait3A_230 = arith.constant 0 : i32
      %dma_wait3A_231 = tpu.memref_slice %arg9[%dma_wait3A, %dma_wait3A_229, %dma_wait3A_230] : memref<4x64x128xf32, #tpu.memory_space<vmem>> -> memref<1x64x128xf32, #tpu.memory_space<vmem>>
      %dma_wait3A_232 = tpu.memref_squeeze %dma_wait3A_231 : memref<1x64x128xf32, #tpu.memory_space<vmem>> -> memref<64x128xf32, #tpu.memory_space<vmem>>
      %dma_wait3A_233 = arith.constant 0 : i32
      %dma_wait3A_234 = arith.constant 0 : i32
      %dma_wait3A_235 = tpu.memref_slice %arg2[%dma_wait3A_233, %dma_wait3A_234] : memref<10240x128xf32, #tpu.memory_space<hbm>> -> memref<64x128xf32, #tpu.memory_space<hbm>>
      %dma_wait3A_236 = arith.constant 0 : i32
      %dma_wait3A_237 = arith.constant 0 : i32
      %dma_wait3A_238 = tpu.memref_slice %arg9[%dma_wait3A, %dma_wait3A_236, %dma_wait3A_237] : memref<4x64x128xf32, #tpu.memory_space<vmem>> -> memref<1x64x128xf32, #tpu.memory_space<vmem>>
      %dma_wait3A_239 = tpu.memref_squeeze %dma_wait3A_238 : memref<1x64x128xf32, #tpu.memory_space<vmem>> -> memref<64x128xf32, #tpu.memory_space<vmem>>
      %dma_wait3A_240 = arith.constant 0 : i32
      %dma_wait3A_241 = arith.constant 0 : i32
      %dma_wait3A_242 = tpu.memref_slice %arg2[%dma_wait3A_240, %dma_wait3A_241] : memref<10240x128xf32, #tpu.memory_space<hbm>> -> memref<64x128xf32, #tpu.memory_space<hbm>>
      tpu.wait_dma2 semaphore(%arg11 : memref<!tpu.dma_semaphore, #tpu.memory_space<semaphore_mem>>) src(%dma_wait3A_242 : memref<64x128xf32, #tpu.memory_space<hbm>>) dst(%dma_wait3A_239 : memref<64x128xf32, #tpu.memory_space<vmem>>)
      %run_scoped3A = arith.constant 0 : i32
      "tpu.region"() ({
        %run_scoped3A_328 = tpu.sem_alloc : memref<!tpu.dma_semaphore, #tpu.memory_space<semaphore_mem>>
        %dma_start3A_329 = arith.constant 0 : i32
        %dma_start3A_330 = arith.constant 0 : i32
        %dma_start3A_331 = tpu.memref_slice %arg9[%run_scoped3A, %dma_start3A_329, %dma_start3A_330] : memref<4x64x128xf32, #tpu.memory_space<vmem>> -> memref<1x64x128xf32, #tpu.memory_space<vmem>>
        %dma_start3A_332 = tpu.memref_squeeze %dma_start3A_331 : memref<1x64x128xf32, #tpu.memory_space<vmem>> -> memref<64x128xf32, #tpu.memory_space<vmem>>
        %dma_start3A_333 = arith.constant 0 : i32
        %dma_start3A_334 = tpu.memref_slice %arg8[%add3A_228, %dma_start3A_333] : memref<40x64xi32, #tpu.memory_space<vmem>> -> memref<1x64xi32, #tpu.memory_space<vmem>>
        %dma_start3A_335 = tpu.memref_squeeze %dma_start3A_334 : memref<1x64xi32, #tpu.memory_space<vmem>> -> memref<64xi32, #tpu.memory_space<vmem>>
        %dma_start3A_336 = arith.constant 0 : i32
        %dma_start3A_337 = arith.constant 0 : i32
        %dma_start3A_338 = tpu.memref_slice %arg10[%dma_start3A_336, %dma_start3A_337] : memref<10240x128xf32, #tpu.memory_space<vmem_shared>> -> memref<10240x128xf32, #tpu.memory_space<vmem_shared>>
        tpu.enqueue_indirect_dma source(%dma_start3A_332 : memref<64x128xf32, #tpu.memory_space<vmem>>) target(%dma_start3A_338 : memref<10240x128xf32, #tpu.memory_space<vmem_shared>>) offsets(%dma_start3A_335 : memref<64xi32, #tpu.memory_space<vmem>>) semaphore(%run_scoped3A_328 : memref<!tpu.dma_semaphore, #tpu.memory_space<semaphore_mem>>) {add = true}
        %dma_wait3A_339 = arith.constant 0 : i32
        %dma_wait3A_340 = arith.constant 0 : i32
        %dma_wait3A_341 = tpu.memref_slice %arg9[%run_scoped3A, %dma_wait3A_339, %dma_wait3A_340] : memref<4x64x128xf32, #tpu.memory_space<vmem>> -> memref<1x64x128xf32, #tpu.memory_space<vmem>>
        %dma_wait3A_342 = tpu.memref_squeeze %dma_wait3A_341 : memref<1x64x128xf32, #tpu.memory_space<vmem>> -> memref<64x128xf32, #tpu.memory_space<vmem>>
        %dma_wait3A_343 = arith.constant 0 : i32
        %dma_wait3A_344 = tpu.memref_slice %arg8[%add3A_228, %dma_wait3A_343] : memref<40x64xi32, #tpu.memory_space<vmem>> -> memref<1x64xi32, #tpu.memory_space<vmem>>
        %dma_wait3A_345 = tpu.memref_squeeze %dma_wait3A_344 : memref<1x64xi32, #tpu.memory_space<vmem>> -> memref<64xi32, #tpu.memory_space<vmem>>
        %dma_wait3A_346 = arith.constant 0 : i32
        %dma_wait3A_347 = arith.constant 0 : i32
        %dma_wait3A_348 = tpu.memref_slice %arg10[%dma_wait3A_346, %dma_wait3A_347] : memref<10240x128xf32, #tpu.memory_space<vmem_shared>> -> memref<10240x128xf32, #tpu.memory_space<vmem_shared>>
        tpu.wait_indirect_dma semaphore(%run_scoped3A_328 : memref<!tpu.dma_semaphore, #tpu.memory_space<semaphore_mem>>) src(%dma_wait3A_342 : memref<64x128xf32, #tpu.memory_space<vmem>>) dst(%dma_wait3A_348 : memref<10240x128xf32, #tpu.memory_space<vmem_shared>>)
        tpu.yield
      }) : () -> ()
      %add3A_243 = arith.constant 4 : i32
      %add3A_244 = arith.addi %add3A_228, %add3A_243 : i32
      %lt3A = arith.constant 40 : i32
      %lt3A_245 = arith.cmpi slt, %add3A_244, %lt3A : i32
      %convert_element_type3A = arith.extui %lt3A_245 : i1 to i32
      %cond3A = arith.constant 0 : i32
      %cond3A_246 = arith.cmpi ne, %convert_element_type3A, %cond3A : i32
      scf.if %cond3A_246 {
        %dma_start3A_328 = arith.constant 0 : i32
        %dma_start3A_329 = arith.constant 0 : i32
        %dma_start3A_330 = arith.constant 0 : i32
        %dma_start3A_331 = tpu.memref_slice %arg9[%dma_start3A_328, %dma_start3A_329, %dma_start3A_330] : memref<4x64x128xf32, #tpu.memory_space<vmem>> -> memref<1x64x128xf32, #tpu.memory_space<vmem>>
        %dma_start3A_332 = tpu.memref_squeeze %dma_start3A_331 : memref<1x64x128xf32, #tpu.memory_space<vmem>> -> memref<64x128xf32, #tpu.memory_space<vmem>>
        %dma_start3A_333 = arith.constant 0 : i32
        %dma_start3A_334 = tpu.memref_slice %arg7[%add3A_244, %dma_start3A_333] : memref<40x64xi32, #tpu.memory_space<vmem>> -> memref<1x64xi32, #tpu.memory_space<vmem>>
        %dma_start3A_335 = tpu.memref_squeeze %dma_start3A_334 : memref<1x64xi32, #tpu.memory_space<vmem>> -> memref<64xi32, #tpu.memory_space<vmem>>
        %dma_start3A_336 = arith.constant 0 : i32
        %dma_start3A_337 = arith.constant 0 : i32
        %dma_start3A_338 = tpu.memref_slice %arg2[%dma_start3A_336, %dma_start3A_337] : memref<10240x128xf32, #tpu.memory_space<hbm>> -> memref<10240x128xf32, #tpu.memory_space<hbm>>
        tpu.enqueue_indirect_dma source(%dma_start3A_338 : memref<10240x128xf32, #tpu.memory_space<hbm>>) target(%dma_start3A_332 : memref<64x128xf32, #tpu.memory_space<vmem>>) offsets(%dma_start3A_335 : memref<64xi32, #tpu.memory_space<vmem>>) semaphore(%arg11 : memref<!tpu.dma_semaphore, #tpu.memory_space<semaphore_mem>>)
      } else {
      }
      %mul3A_247 = arith.constant 4 : i32
      %mul3A_248 = arith.muli %scan3A_224, %mul3A_247 : i32
      %add3A_249 = arith.constant 1 : i32
      %add3A_250 = arith.addi %mul3A_248, %add3A_249 : i32
      %dma_wait3A_251 = arith.constant 1 : i32
      %dma_wait3A_252 = arith.constant 0 : i32
      %dma_wait3A_253 = arith.constant 0 : i32
      %dma_wait3A_254 = tpu.memref_slice %arg9[%dma_wait3A_251, %dma_wait3A_252, %dma_wait3A_253] : memref<4x64x128xf32, #tpu.memory_space<vmem>> -> memref<1x64x128xf32, #tpu.memory_space<vmem>>
      %dma_wait3A_255 = tpu.memref_squeeze %dma_wait3A_254 : memref<1x64x128xf32, #tpu.memory_space<vmem>> -> memref<64x128xf32, #tpu.memory_space<vmem>>
      %dma_wait3A_256 = arith.constant 0 : i32
      %dma_wait3A_257 = arith.constant 0 : i32
      %dma_wait3A_258 = tpu.memref_slice %arg2[%dma_wait3A_256, %dma_wait3A_257] : memref<10240x128xf32, #tpu.memory_space<hbm>> -> memref<64x128xf32, #tpu.memory_space<hbm>>
      %dma_wait3A_259 = arith.constant 0 : i32
      %dma_wait3A_260 = arith.constant 0 : i32
      %dma_wait3A_261 = tpu.memref_slice %arg9[%dma_wait3A_251, %dma_wait3A_259, %dma_wait3A_260] : memref<4x64x128xf32, #tpu.memory_space<vmem>> -> memref<1x64x128xf32, #tpu.memory_space<vmem>>
      %dma_wait3A_262 = tpu.memref_squeeze %dma_wait3A_261 : memref<1x64x128xf32, #tpu.memory_space<vmem>> -> memref<64x128xf32, #tpu.memory_space<vmem>>
      %dma_wait3A_263 = arith.constant 0 : i32
      %dma_wait3A_264 = arith.constant 0 : i32
      %dma_wait3A_265 = tpu.memref_slice %arg2[%dma_wait3A_263, %dma_wait3A_264] : memref<10240x128xf32, #tpu.memory_space<hbm>> -> memref<64x128xf32, #tpu.memory_space<hbm>>
      tpu.wait_dma2 semaphore(%arg12 : memref<!tpu.dma_semaphore, #tpu.memory_space<semaphore_mem>>) src(%dma_wait3A_265 : memref<64x128xf32, #tpu.memory_space<hbm>>) dst(%dma_wait3A_262 : memref<64x128xf32, #tpu.memory_space<vmem>>)
      %run_scoped3A_266 = arith.constant 1 : i32
      "tpu.region"() ({
        %run_scoped3A_328 = tpu.sem_alloc : memref<!tpu.dma_semaphore, #tpu.memory_space<semaphore_mem>>
        %dma_start3A_329 = arith.constant 0 : i32
        %dma_start3A_330 = arith.constant 0 : i32
        %dma_start3A_331 = tpu.memref_slice %arg9[%run_scoped3A_266, %dma_start3A_329, %dma_start3A_330] : memref<4x64x128xf32, #tpu.memory_space<vmem>> -> memref<1x64x128xf32, #tpu.memory_space<vmem>>
        %dma_start3A_332 = tpu.memref_squeeze %dma_start3A_331 : memref<1x64x128xf32, #tpu.memory_space<vmem>> -> memref<64x128xf32, #tpu.memory_space<vmem>>
        %dma_start3A_333 = arith.constant 0 : i32
        %dma_start3A_334 = tpu.memref_slice %arg8[%add3A_250, %dma_start3A_333] : memref<40x64xi32, #tpu.memory_space<vmem>> -> memref<1x64xi32, #tpu.memory_space<vmem>>
        %dma_start3A_335 = tpu.memref_squeeze %dma_start3A_334 : memref<1x64xi32, #tpu.memory_space<vmem>> -> memref<64xi32, #tpu.memory_space<vmem>>
        %dma_start3A_336 = arith.constant 0 : i32
        %dma_start3A_337 = arith.constant 0 : i32
        %dma_start3A_338 = tpu.memref_slice %arg10[%dma_start3A_336, %dma_start3A_337] : memref<10240x128xf32, #tpu.memory_space<vmem_shared>> -> memref<10240x128xf32, #tpu.memory_space<vmem_shared>>
        tpu.enqueue_indirect_dma source(%dma_start3A_332 : memref<64x128xf32, #tpu.memory_space<vmem>>) target(%dma_start3A_338 : memref<10240x128xf32, #tpu.memory_space<vmem_shared>>) offsets(%dma_start3A_335 : memref<64xi32, #tpu.memory_space<vmem>>) semaphore(%run_scoped3A_328 : memref<!tpu.dma_semaphore, #tpu.memory_space<semaphore_mem>>) {add = true}
        %dma_wait3A_339 = arith.constant 0 : i32
        %dma_wait3A_340 = arith.constant 0 : i32
        %dma_wait3A_341 = tpu.memref_slice %arg9[%run_scoped3A_266, %dma_wait3A_339, %dma_wait3A_340] : memref<4x64x128xf32, #tpu.memory_space<vmem>> -> memref<1x64x128xf32, #tpu.memory_space<vmem>>
        %dma_wait3A_342 = tpu.memref_squeeze %dma_wait3A_341 : memref<1x64x128xf32, #tpu.memory_space<vmem>> -> memref<64x128xf32, #tpu.memory_space<vmem>>
        %dma_wait3A_343 = arith.constant 0 : i32
        %dma_wait3A_344 = tpu.memref_slice %arg8[%add3A_250, %dma_wait3A_343] : memref<40x64xi32, #tpu.memory_space<vmem>> -> memref<1x64xi32, #tpu.memory_space<vmem>>
        %dma_wait3A_345 = tpu.memref_squeeze %dma_wait3A_344 : memref<1x64xi32, #tpu.memory_space<vmem>> -> memref<64xi32, #tpu.memory_space<vmem>>
        %dma_wait3A_346 = arith.constant 0 : i32
        %dma_wait3A_347 = arith.constant 0 : i32
        %dma_wait3A_348 = tpu.memref_slice %arg10[%dma_wait3A_346, %dma_wait3A_347] : memref<10240x128xf32, #tpu.memory_space<vmem_shared>> -> memref<10240x128xf32, #tpu.memory_space<vmem_shared>>
        tpu.wait_indirect_dma semaphore(%run_scoped3A_328 : memref<!tpu.dma_semaphore, #tpu.memory_space<semaphore_mem>>) src(%dma_wait3A_342 : memref<64x128xf32, #tpu.memory_space<vmem>>) dst(%dma_wait3A_348 : memref<10240x128xf32, #tpu.memory_space<vmem_shared>>)
        tpu.yield
      }) : () -> ()
      %add3A_267 = arith.constant 4 : i32
      %add3A_268 = arith.addi %add3A_250, %add3A_267 : i32
      %lt3A_269 = arith.constant 40 : i32
      %lt3A_270 = arith.cmpi slt, %add3A_268, %lt3A_269 : i32
      %convert_element_type3A_271 = arith.extui %lt3A_270 : i1 to i32
      %cond3A_272 = arith.constant 0 : i32
      %cond3A_273 = arith.cmpi ne, %convert_element_type3A_271, %cond3A_272 : i32
      scf.if %cond3A_273 {
        %dma_start3A_328 = arith.constant 1 : i32
        %dma_start3A_329 = arith.constant 0 : i32
        %dma_start3A_330 = arith.constant 0 : i32
        %dma_start3A_331 = tpu.memref_slice %arg9[%dma_start3A_328, %dma_start3A_329, %dma_start3A_330] : memref<4x64x128xf32, #tpu.memory_space<vmem>> -> memref<1x64x128xf32, #tpu.memory_space<vmem>>
        %dma_start3A_332 = tpu.memref_squeeze %dma_start3A_331 : memref<1x64x128xf32, #tpu.memory_space<vmem>> -> memref<64x128xf32, #tpu.memory_space<vmem>>
        %dma_start3A_333 = arith.constant 0 : i32
        %dma_start3A_334 = tpu.memref_slice %arg7[%add3A_268, %dma_start3A_333] : memref<40x64xi32, #tpu.memory_space<vmem>> -> memref<1x64xi32, #tpu.memory_space<vmem>>
        %dma_start3A_335 = tpu.memref_squeeze %dma_start3A_334 : memref<1x64xi32, #tpu.memory_space<vmem>> -> memref<64xi32, #tpu.memory_space<vmem>>
        %dma_start3A_336 = arith.constant 0 : i32
        %dma_start3A_337 = arith.constant 0 : i32
        %dma_start3A_338 = tpu.memref_slice %arg2[%dma_start3A_336, %dma_start3A_337] : memref<10240x128xf32, #tpu.memory_space<hbm>> -> memref<10240x128xf32, #tpu.memory_space<hbm>>
        tpu.enqueue_indirect_dma source(%dma_start3A_338 : memref<10240x128xf32, #tpu.memory_space<hbm>>) target(%dma_start3A_332 : memref<64x128xf32, #tpu.memory_space<vmem>>) offsets(%dma_start3A_335 : memref<64xi32, #tpu.memory_space<vmem>>) semaphore(%arg12 : memref<!tpu.dma_semaphore, #tpu.memory_space<semaphore_mem>>)
      } else {
      }
      %mul3A_274 = arith.constant 4 : i32
      %mul3A_275 = arith.muli %scan3A_224, %mul3A_274 : i32
      %add3A_276 = arith.constant 2 : i32
      %add3A_277 = arith.addi %mul3A_275, %add3A_276 : i32
      %dma_wait3A_278 = arith.constant 2 : i32
      %dma_wait3A_279 = arith.constant 0 : i32
      %dma_wait3A_280 = arith.constant 0 : i32
      %dma_wait3A_281 = tpu.memref_slice %arg9[%dma_wait3A_278, %dma_wait3A_279, %dma_wait3A_280] : memref<4x64x128xf32, #tpu.memory_space<vmem>> -> memref<1x64x128xf32, #tpu.memory_space<vmem>>
      %dma_wait3A_282 = tpu.memref_squeeze %dma_wait3A_281 : memref<1x64x128xf32, #tpu.memory_space<vmem>> -> memref<64x128xf32, #tpu.memory_space<vmem>>
      %dma_wait3A_283 = arith.constant 0 : i32
      %dma_wait3A_284 = arith.constant 0 : i32
      %dma_wait3A_285 = tpu.memref_slice %arg2[%dma_wait3A_283, %dma_wait3A_284] : memref<10240x128xf32, #tpu.memory_space<hbm>> -> memref<64x128xf32, #tpu.memory_space<hbm>>
      %dma_wait3A_286 = arith.constant 0 : i32
      %dma_wait3A_287 = arith.constant 0 : i32
      %dma_wait3A_288 = tpu.memref_slice %arg9[%dma_wait3A_278, %dma_wait3A_286, %dma_wait3A_287] : memref<4x64x128xf32, #tpu.memory_space<vmem>> -> memref<1x64x128xf32, #tpu.memory_space<vmem>>
      %dma_wait3A_289 = tpu.memref_squeeze %dma_wait3A_288 : memref<1x64x128xf32, #tpu.memory_space<vmem>> -> memref<64x128xf32, #tpu.memory_space<vmem>>
      %dma_wait3A_290 = arith.constant 0 : i32
      %dma_wait3A_291 = arith.constant 0 : i32
      %dma_wait3A_292 = tpu.memref_slice %arg2[%dma_wait3A_290, %dma_wait3A_291] : memref<10240x128xf32, #tpu.memory_space<hbm>> -> memref<64x128xf32, #tpu.memory_space<hbm>>
      tpu.wait_dma2 semaphore(%arg13 : memref<!tpu.dma_semaphore, #tpu.memory_space<semaphore_mem>>) src(%dma_wait3A_292 : memref<64x128xf32, #tpu.memory_space<hbm>>) dst(%dma_wait3A_289 : memref<64x128xf32, #tpu.memory_space<vmem>>)
      %run_scoped3A_293 = arith.constant 2 : i32
      "tpu.region"() ({
        %run_scoped3A_328 = tpu.sem_alloc : memref<!tpu.dma_semaphore, #tpu.memory_space<semaphore_mem>>
        %dma_start3A_329 = arith.constant 0 : i32
        %dma_start3A_330 = arith.constant 0 : i32
        %dma_start3A_331 = tpu.memref_slice %arg9[%run_scoped3A_293, %dma_start3A_329, %dma_start3A_330] : memref<4x64x128xf32, #tpu.memory_space<vmem>> -> memref<1x64x128xf32, #tpu.memory_space<vmem>>
        %dma_start3A_332 = tpu.memref_squeeze %dma_start3A_331 : memref<1x64x128xf32, #tpu.memory_space<vmem>> -> memref<64x128xf32, #tpu.memory_space<vmem>>
        %dma_start3A_333 = arith.constant 0 : i32
        %dma_start3A_334 = tpu.memref_slice %arg8[%add3A_277, %dma_start3A_333] : memref<40x64xi32, #tpu.memory_space<vmem>> -> memref<1x64xi32, #tpu.memory_space<vmem>>
        %dma_start3A_335 = tpu.memref_squeeze %dma_start3A_334 : memref<1x64xi32, #tpu.memory_space<vmem>> -> memref<64xi32, #tpu.memory_space<vmem>>
        %dma_start3A_336 = arith.constant 0 : i32
        %dma_start3A_337 = arith.constant 0 : i32
        %dma_start3A_338 = tpu.memref_slice %arg10[%dma_start3A_336, %dma_start3A_337] : memref<10240x128xf32, #tpu.memory_space<vmem_shared>> -> memref<10240x128xf32, #tpu.memory_space<vmem_shared>>
        tpu.enqueue_indirect_dma source(%dma_start3A_332 : memref<64x128xf32, #tpu.memory_space<vmem>>) target(%dma_start3A_338 : memref<10240x128xf32, #tpu.memory_space<vmem_shared>>) offsets(%dma_start3A_335 : memref<64xi32, #tpu.memory_space<vmem>>) semaphore(%run_scoped3A_328 : memref<!tpu.dma_semaphore, #tpu.memory_space<semaphore_mem>>) {add = true}
        %dma_wait3A_339 = arith.constant 0 : i32
        %dma_wait3A_340 = arith.constant 0 : i32
        %dma_wait3A_341 = tpu.memref_slice %arg9[%run_scoped3A_293, %dma_wait3A_339, %dma_wait3A_340] : memref<4x64x128xf32, #tpu.memory_space<vmem>> -> memref<1x64x128xf32, #tpu.memory_space<vmem>>
        %dma_wait3A_342 = tpu.memref_squeeze %dma_wait3A_341 : memref<1x64x128xf32, #tpu.memory_space<vmem>> -> memref<64x128xf32, #tpu.memory_space<vmem>>
        %dma_wait3A_343 = arith.constant 0 : i32
        %dma_wait3A_344 = tpu.memref_slice %arg8[%add3A_277, %dma_wait3A_343] : memref<40x64xi32, #tpu.memory_space<vmem>> -> memref<1x64xi32, #tpu.memory_space<vmem>>
        %dma_wait3A_345 = tpu.memref_squeeze %dma_wait3A_344 : memref<1x64xi32, #tpu.memory_space<vmem>> -> memref<64xi32, #tpu.memory_space<vmem>>
        %dma_wait3A_346 = arith.constant 0 : i32
        %dma_wait3A_347 = arith.constant 0 : i32
        %dma_wait3A_348 = tpu.memref_slice %arg10[%dma_wait3A_346, %dma_wait3A_347] : memref<10240x128xf32, #tpu.memory_space<vmem_shared>> -> memref<10240x128xf32, #tpu.memory_space<vmem_shared>>
        tpu.wait_indirect_dma semaphore(%run_scoped3A_328 : memref<!tpu.dma_semaphore, #tpu.memory_space<semaphore_mem>>) src(%dma_wait3A_342 : memref<64x128xf32, #tpu.memory_space<vmem>>) dst(%dma_wait3A_348 : memref<10240x128xf32, #tpu.memory_space<vmem_shared>>)
        tpu.yield
      }) : () -> ()
      %add3A_294 = arith.constant 4 : i32
      %add3A_295 = arith.addi %add3A_277, %add3A_294 : i32
      %lt3A_296 = arith.constant 40 : i32
      %lt3A_297 = arith.cmpi slt, %add3A_295, %lt3A_296 : i32
      %convert_element_type3A_298 = arith.extui %lt3A_297 : i1 to i32
      %cond3A_299 = arith.constant 0 : i32
      %cond3A_300 = arith.cmpi ne, %convert_element_type3A_298, %cond3A_299 : i32
      scf.if %cond3A_300 {
        %dma_start3A_328 = arith.constant 2 : i32
        %dma_start3A_329 = arith.constant 0 : i32
        %dma_start3A_330 = arith.constant 0 : i32
        %dma_start3A_331 = tpu.memref_slice %arg9[%dma_start3A_328, %dma_start3A_329, %dma_start3A_330] : memref<4x64x128xf32, #tpu.memory_space<vmem>> -> memref<1x64x128xf32, #tpu.memory_space<vmem>>
        %dma_start3A_332 = tpu.memref_squeeze %dma_start3A_331 : memref<1x64x128xf32, #tpu.memory_space<vmem>> -> memref<64x128xf32, #tpu.memory_space<vmem>>
        %dma_start3A_333 = arith.constant 0 : i32
        %dma_start3A_334 = tpu.memref_slice %arg7[%add3A_295, %dma_start3A_333] : memref<40x64xi32, #tpu.memory_space<vmem>> -> memref<1x64xi32, #tpu.memory_space<vmem>>
        %dma_start3A_335 = tpu.memref_squeeze %dma_start3A_334 : memref<1x64xi32, #tpu.memory_space<vmem>> -> memref<64xi32, #tpu.memory_space<vmem>>
        %dma_start3A_336 = arith.constant 0 : i32
        %dma_start3A_337 = arith.constant 0 : i32
        %dma_start3A_338 = tpu.memref_slice %arg2[%dma_start3A_336, %dma_start3A_337] : memref<10240x128xf32, #tpu.memory_space<hbm>> -> memref<10240x128xf32, #tpu.memory_space<hbm>>
        tpu.enqueue_indirect_dma source(%dma_start3A_338 : memref<10240x128xf32, #tpu.memory_space<hbm>>) target(%dma_start3A_332 : memref<64x128xf32, #tpu.memory_space<vmem>>) offsets(%dma_start3A_335 : memref<64xi32, #tpu.memory_space<vmem>>) semaphore(%arg13 : memref<!tpu.dma_semaphore, #tpu.memory_space<semaphore_mem>>)
      } else {
      }
      %mul3A_301 = arith.constant 4 : i32
      %mul3A_302 = arith.muli %scan3A_224, %mul3A_301 : i32
      %add3A_303 = arith.constant 3 : i32
      %add3A_304 = arith.addi %mul3A_302, %add3A_303 : i32
      %dma_wait3A_305 = arith.constant 3 : i32
      %dma_wait3A_306 = arith.constant 0 : i32
      %dma_wait3A_307 = arith.constant 0 : i32
      %dma_wait3A_308 = tpu.memref_slice %arg9[%dma_wait3A_305, %dma_wait3A_306, %dma_wait3A_307] : memref<4x64x128xf32, #tpu.memory_space<vmem>> -> memref<1x64x128xf32, #tpu.memory_space<vmem>>
      %dma_wait3A_309 = tpu.memref_squeeze %dma_wait3A_308 : memref<1x64x128xf32, #tpu.memory_space<vmem>> -> memref<64x128xf32, #tpu.memory_space<vmem>>
      %dma_wait3A_310 = arith.constant 0 : i32
      %dma_wait3A_311 = arith.constant 0 : i32
      %dma_wait3A_312 = tpu.memref_slice %arg2[%dma_wait3A_310, %dma_wait3A_311] : memref<10240x128xf32, #tpu.memory_space<hbm>> -> memref<64x128xf32, #tpu.memory_space<hbm>>
      %dma_wait3A_313 = arith.constant 0 : i32
      %dma_wait3A_314 = arith.constant 0 : i32
      %dma_wait3A_315 = tpu.memref_slice %arg9[%dma_wait3A_305, %dma_wait3A_313, %dma_wait3A_314] : memref<4x64x128xf32, #tpu.memory_space<vmem>> -> memref<1x64x128xf32, #tpu.memory_space<vmem>>
      %dma_wait3A_316 = tpu.memref_squeeze %dma_wait3A_315 : memref<1x64x128xf32, #tpu.memory_space<vmem>> -> memref<64x128xf32, #tpu.memory_space<vmem>>
      %dma_wait3A_317 = arith.constant 0 : i32
      %dma_wait3A_318 = arith.constant 0 : i32
      %dma_wait3A_319 = tpu.memref_slice %arg2[%dma_wait3A_317, %dma_wait3A_318] : memref<10240x128xf32, #tpu.memory_space<hbm>> -> memref<64x128xf32, #tpu.memory_space<hbm>>
      tpu.wait_dma2 semaphore(%arg14 : memref<!tpu.dma_semaphore, #tpu.memory_space<semaphore_mem>>) src(%dma_wait3A_319 : memref<64x128xf32, #tpu.memory_space<hbm>>) dst(%dma_wait3A_316 : memref<64x128xf32, #tpu.memory_space<vmem>>)
      %run_scoped3A_320 = arith.constant 3 : i32
      "tpu.region"() ({
        %run_scoped3A_328 = tpu.sem_alloc : memref<!tpu.dma_semaphore, #tpu.memory_space<semaphore_mem>>
        %dma_start3A_329 = arith.constant 0 : i32
        %dma_start3A_330 = arith.constant 0 : i32
        %dma_start3A_331 = tpu.memref_slice %arg9[%run_scoped3A_320, %dma_start3A_329, %dma_start3A_330] : memref<4x64x128xf32, #tpu.memory_space<vmem>> -> memref<1x64x128xf32, #tpu.memory_space<vmem>>
        %dma_start3A_332 = tpu.memref_squeeze %dma_start3A_331 : memref<1x64x128xf32, #tpu.memory_space<vmem>> -> memref<64x128xf32, #tpu.memory_space<vmem>>
        %dma_start3A_333 = arith.constant 0 : i32
        %dma_start3A_334 = tpu.memref_slice %arg8[%add3A_304, %dma_start3A_333] : memref<40x64xi32, #tpu.memory_space<vmem>> -> memref<1x64xi32, #tpu.memory_space<vmem>>
        %dma_start3A_335 = tpu.memref_squeeze %dma_start3A_334 : memref<1x64xi32, #tpu.memory_space<vmem>> -> memref<64xi32, #tpu.memory_space<vmem>>
        %dma_start3A_336 = arith.constant 0 : i32
        %dma_start3A_337 = arith.constant 0 : i32
        %dma_start3A_338 = tpu.memref_slice %arg10[%dma_start3A_336, %dma_start3A_337] : memref<10240x128xf32, #tpu.memory_space<vmem_shared>> -> memref<10240x128xf32, #tpu.memory_space<vmem_shared>>
        tpu.enqueue_indirect_dma source(%dma_start3A_332 : memref<64x128xf32, #tpu.memory_space<vmem>>) target(%dma_start3A_338 : memref<10240x128xf32, #tpu.memory_space<vmem_shared>>) offsets(%dma_start3A_335 : memref<64xi32, #tpu.memory_space<vmem>>) semaphore(%run_scoped3A_328 : memref<!tpu.dma_semaphore, #tpu.memory_space<semaphore_mem>>) {add = true}
        %dma_wait3A_339 = arith.constant 0 : i32
        %dma_wait3A_340 = arith.constant 0 : i32
        %dma_wait3A_341 = tpu.memref_slice %arg9[%run_scoped3A_320, %dma_wait3A_339, %dma_wait3A_340] : memref<4x64x128xf32, #tpu.memory_space<vmem>> -> memref<1x64x128xf32, #tpu.memory_space<vmem>>
        %dma_wait3A_342 = tpu.memref_squeeze %dma_wait3A_341 : memref<1x64x128xf32, #tpu.memory_space<vmem>> -> memref<64x128xf32, #tpu.memory_space<vmem>>
        %dma_wait3A_343 = arith.constant 0 : i32
        %dma_wait3A_344 = tpu.memref_slice %arg8[%add3A_304, %dma_wait3A_343] : memref<40x64xi32, #tpu.memory_space<vmem>> -> memref<1x64xi32, #tpu.memory_space<vmem>>
        %dma_wait3A_345 = tpu.memref_squeeze %dma_wait3A_344 : memref<1x64xi32, #tpu.memory_space<vmem>> -> memref<64xi32, #tpu.memory_space<vmem>>
        %dma_wait3A_346 = arith.constant 0 : i32
        %dma_wait3A_347 = arith.constant 0 : i32
        %dma_wait3A_348 = tpu.memref_slice %arg10[%dma_wait3A_346, %dma_wait3A_347] : memref<10240x128xf32, #tpu.memory_space<vmem_shared>> -> memref<10240x128xf32, #tpu.memory_space<vmem_shared>>
        tpu.wait_indirect_dma semaphore(%run_scoped3A_328 : memref<!tpu.dma_semaphore, #tpu.memory_space<semaphore_mem>>) src(%dma_wait3A_342 : memref<64x128xf32, #tpu.memory_space<vmem>>) dst(%dma_wait3A_348 : memref<10240x128xf32, #tpu.memory_space<vmem_shared>>)
        tpu.yield
      }) : () -> ()
      %add3A_321 = arith.constant 4 : i32
      %add3A_322 = arith.addi %add3A_304, %add3A_321 : i32
      %lt3A_323 = arith.constant 40 : i32
      %lt3A_324 = arith.cmpi slt, %add3A_322, %lt3A_323 : i32
      %convert_element_type3A_325 = arith.extui %lt3A_324 : i1 to i32
      %cond3A_326 = arith.constant 0 : i32
      %cond3A_327 = arith.cmpi ne, %convert_element_type3A_325, %cond3A_326 : i32
      scf.if %cond3A_327 {
        %dma_start3A_328 = arith.constant 3 : i32
        %dma_start3A_329 = arith.constant 0 : i32
        %dma_start3A_330 = arith.constant 0 : i32
        %dma_start3A_331 = tpu.memref_slice %arg9[%dma_start3A_328, %dma_start3A_329, %dma_start3A_330] : memref<4x64x128xf32, #tpu.memory_space<vmem>> -> memref<1x64x128xf32, #tpu.memory_space<vmem>>
        %dma_start3A_332 = tpu.memref_squeeze %dma_start3A_331 : memref<1x64x128xf32, #tpu.memory_space<vmem>> -> memref<64x128xf32, #tpu.memory_space<vmem>>
        %dma_start3A_333 = arith.constant 0 : i32
        %dma_start3A_334 = tpu.memref_slice %arg7[%add3A_322, %dma_start3A_333] : memref<40x64xi32, #tpu.memory_space<vmem>> -> memref<1x64xi32, #tpu.memory_space<vmem>>
        %dma_start3A_335 = tpu.memref_squeeze %dma_start3A_334 : memref<1x64xi32, #tpu.memory_space<vmem>> -> memref<64xi32, #tpu.memory_space<vmem>>
        %dma_start3A_336 = arith.constant 0 : i32
        %dma_start3A_337 = arith.constant 0 : i32
        %dma_start3A_338 = tpu.memref_slice %arg2[%dma_start3A_336, %dma_start3A_337] : memref<10240x128xf32, #tpu.memory_space<hbm>> -> memref<10240x128xf32, #tpu.memory_space<hbm>>
        tpu.enqueue_indirect_dma source(%dma_start3A_338 : memref<10240x128xf32, #tpu.memory_space<hbm>>) target(%dma_start3A_332 : memref<64x128xf32, #tpu.memory_space<vmem>>) offsets(%dma_start3A_335 : memref<64xi32, #tpu.memory_space<vmem>>) semaphore(%arg14 : memref<!tpu.dma_semaphore, #tpu.memory_space<semaphore_mem>>)
      } else {
      }
    }
    %scan3A_110 = arith.constant 10 : i32
    "tpu.region"() ({
      %run_scoped3A = tpu.sem_alloc : memref<!tpu.dma_semaphore, #tpu.memory_space<semaphore_mem>>
      %dma_start3A_224 = arith.constant 80 : i32
      %dma_start3A_225 = arith.constant 0 : i32
      %dma_start3A_226 = tpu.memref_slice %arg3[%add3A, %dma_start3A_224, %dma_start3A_225] : memref<32x160x64xi32, #tpu.memory_space<hbm>> -> memref<1x40x64xi32, #tpu.memory_space<hbm>>
      %dma_start3A_227 = tpu.memref_squeeze %dma_start3A_226 : memref<1x40x64xi32, #tpu.memory_space<hbm>> -> memref<40x64xi32, #tpu.memory_space<hbm>>
      %dma_start3A_228 = arith.constant 80 : i32
      %dma_start3A_229 = arith.constant 0 : i32
      %dma_start3A_230 = tpu.memref_slice %arg3[%add3A, %dma_start3A_228, %dma_start3A_229] : memref<32x160x64xi32, #tpu.memory_space<hbm>> -> memref<1x40x64xi32, #tpu.memory_space<hbm>>
      %dma_start3A_231 = tpu.memref_squeeze %dma_start3A_230 : memref<1x40x64xi32, #tpu.memory_space<hbm>> -> memref<40x64xi32, #tpu.memory_space<hbm>>
      tpu.enqueue_dma source(%dma_start3A_231 : memref<40x64xi32, #tpu.memory_space<hbm>>) target(%arg7 : memref<40x64xi32, #tpu.memory_space<vmem>>) target_semaphore(%run_scoped3A : memref<!tpu.dma_semaphore, #tpu.memory_space<semaphore_mem>>)
      %dma_wait3A = arith.constant 80 : i32
      %dma_wait3A_232 = arith.constant 0 : i32
      %dma_wait3A_233 = tpu.memref_slice %arg3[%add3A, %dma_wait3A, %dma_wait3A_232] : memref<32x160x64xi32, #tpu.memory_space<hbm>> -> memref<1x40x64xi32, #tpu.memory_space<hbm>>
      %dma_wait3A_234 = tpu.memref_squeeze %dma_wait3A_233 : memref<1x40x64xi32, #tpu.memory_space<hbm>> -> memref<40x64xi32, #tpu.memory_space<hbm>>
      %dma_wait3A_235 = arith.constant 80 : i32
      %dma_wait3A_236 = arith.constant 0 : i32
      %dma_wait3A_237 = tpu.memref_slice %arg3[%add3A, %dma_wait3A_235, %dma_wait3A_236] : memref<32x160x64xi32, #tpu.memory_space<hbm>> -> memref<1x40x64xi32, #tpu.memory_space<hbm>>
      %dma_wait3A_238 = tpu.memref_squeeze %dma_wait3A_237 : memref<1x40x64xi32, #tpu.memory_space<hbm>> -> memref<40x64xi32, #tpu.memory_space<hbm>>
      tpu.wait_dma2 semaphore(%run_scoped3A : memref<!tpu.dma_semaphore, #tpu.memory_space<semaphore_mem>>) src(%dma_wait3A_238 : memref<40x64xi32, #tpu.memory_space<hbm>>) dst(%arg7 : memref<40x64xi32, #tpu.memory_space<vmem>>)
      tpu.yield
    }) : () -> ()
    "tpu.region"() ({
      %run_scoped3A = tpu.sem_alloc : memref<!tpu.dma_semaphore, #tpu.memory_space<semaphore_mem>>
      %dma_start3A_224 = arith.constant 80 : i32
      %dma_start3A_225 = arith.constant 0 : i32
      %dma_start3A_226 = tpu.memref_slice %arg4[%add3A, %dma_start3A_224, %dma_start3A_225] : memref<32x160x64xi32, #tpu.memory_space<hbm>> -> memref<1x40x64xi32, #tpu.memory_space<hbm>>
      %dma_start3A_227 = tpu.memref_squeeze %dma_start3A_226 : memref<1x40x64xi32, #tpu.memory_space<hbm>> -> memref<40x64xi32, #tpu.memory_space<hbm>>
      %dma_start3A_228 = arith.constant 80 : i32
      %dma_start3A_229 = arith.constant 0 : i32
      %dma_start3A_230 = tpu.memref_slice %arg4[%add3A, %dma_start3A_228, %dma_start3A_229] : memref<32x160x64xi32, #tpu.memory_space<hbm>> -> memref<1x40x64xi32, #tpu.memory_space<hbm>>
      %dma_start3A_231 = tpu.memref_squeeze %dma_start3A_230 : memref<1x40x64xi32, #tpu.memory_space<hbm>> -> memref<40x64xi32, #tpu.memory_space<hbm>>
      tpu.enqueue_dma source(%dma_start3A_231 : memref<40x64xi32, #tpu.memory_space<hbm>>) target(%arg8 : memref<40x64xi32, #tpu.memory_space<vmem>>) target_semaphore(%run_scoped3A : memref<!tpu.dma_semaphore, #tpu.memory_space<semaphore_mem>>)
      %dma_wait3A = arith.constant 80 : i32
      %dma_wait3A_232 = arith.constant 0 : i32
      %dma_wait3A_233 = tpu.memref_slice %arg4[%add3A, %dma_wait3A, %dma_wait3A_232] : memref<32x160x64xi32, #tpu.memory_space<hbm>> -> memref<1x40x64xi32, #tpu.memory_space<hbm>>
      %dma_wait3A_234 = tpu.memref_squeeze %dma_wait3A_233 : memref<1x40x64xi32, #tpu.memory_space<hbm>> -> memref<40x64xi32, #tpu.memory_space<hbm>>
      %dma_wait3A_235 = arith.constant 80 : i32
      %dma_wait3A_236 = arith.constant 0 : i32
      %dma_wait3A_237 = tpu.memref_slice %arg4[%add3A, %dma_wait3A_235, %dma_wait3A_236] : memref<32x160x64xi32, #tpu.memory_space<hbm>> -> memref<1x40x64xi32, #tpu.memory_space<hbm>>
      %dma_wait3A_238 = tpu.memref_squeeze %dma_wait3A_237 : memref<1x40x64xi32, #tpu.memory_space<hbm>> -> memref<40x64xi32, #tpu.memory_space<hbm>>
      tpu.wait_dma2 semaphore(%run_scoped3A : memref<!tpu.dma_semaphore, #tpu.memory_space<semaphore_mem>>) src(%dma_wait3A_238 : memref<40x64xi32, #tpu.memory_space<hbm>>) dst(%arg8 : memref<40x64xi32, #tpu.memory_space<vmem>>)
      tpu.yield
    }) : () -> ()
    %dma_start3A_111 = arith.constant 0 : i32
    %dma_start3A_112 = arith.constant 0 : i32
    %dma_start3A_113 = arith.constant 0 : i32
    %dma_start3A_114 = arith.constant 0 : i32
    %dma_start3A_115 = tpu.memref_slice %arg9[%dma_start3A_112, %dma_start3A_113, %dma_start3A_114] : memref<4x64x128xf32, #tpu.memory_space<vmem>> -> memref<1x64x128xf32, #tpu.memory_space<vmem>>
    %dma_start3A_116 = tpu.memref_squeeze %dma_start3A_115 : memref<1x64x128xf32, #tpu.memory_space<vmem>> -> memref<64x128xf32, #tpu.memory_space<vmem>>
    %dma_start3A_117 = arith.constant 0 : i32
    %dma_start3A_118 = tpu.memref_slice %arg7[%dma_start3A_111, %dma_start3A_117] : memref<40x64xi32, #tpu.memory_space<vmem>> -> memref<1x64xi32, #tpu.memory_space<vmem>>
    %dma_start3A_119 = tpu.memref_squeeze %dma_start3A_118 : memref<1x64xi32, #tpu.memory_space<vmem>> -> memref<64xi32, #tpu.memory_space<vmem>>
    %dma_start3A_120 = arith.constant 0 : i32
    %dma_start3A_121 = arith.constant 0 : i32
    %dma_start3A_122 = tpu.memref_slice %arg2[%dma_start3A_120, %dma_start3A_121] : memref<10240x128xf32, #tpu.memory_space<hbm>> -> memref<10240x128xf32, #tpu.memory_space<hbm>>
    tpu.enqueue_indirect_dma source(%dma_start3A_122 : memref<10240x128xf32, #tpu.memory_space<hbm>>) target(%dma_start3A_116 : memref<64x128xf32, #tpu.memory_space<vmem>>) offsets(%dma_start3A_119 : memref<64xi32, #tpu.memory_space<vmem>>) semaphore(%arg11 : memref<!tpu.dma_semaphore, #tpu.memory_space<semaphore_mem>>)
    %dma_start3A_123 = arith.constant 1 : i32
    %dma_start3A_124 = arith.constant 1 : i32
    %dma_start3A_125 = arith.constant 0 : i32
    %dma_start3A_126 = arith.constant 0 : i32
    %dma_start3A_127 = tpu.memref_slice %arg9[%dma_start3A_124, %dma_start3A_125, %dma_start3A_126] : memref<4x64x128xf32, #tpu.memory_space<vmem>> -> memref<1x64x128xf32, #tpu.memory_space<vmem>>
    %dma_start3A_128 = tpu.memref_squeeze %dma_start3A_127 : memref<1x64x128xf32, #tpu.memory_space<vmem>> -> memref<64x128xf32, #tpu.memory_space<vmem>>
    %dma_start3A_129 = arith.constant 0 : i32
    %dma_start3A_130 = tpu.memref_slice %arg7[%dma_start3A_123, %dma_start3A_129] : memref<40x64xi32, #tpu.memory_space<vmem>> -> memref<1x64xi32, #tpu.memory_space<vmem>>
    %dma_start3A_131 = tpu.memref_squeeze %dma_start3A_130 : memref<1x64xi32, #tpu.memory_space<vmem>> -> memref<64xi32, #tpu.memory_space<vmem>>
    %dma_start3A_132 = arith.constant 0 : i32
    %dma_start3A_133 = arith.constant 0 : i32
    %dma_start3A_134 = tpu.memref_slice %arg2[%dma_start3A_132, %dma_start3A_133] : memref<10240x128xf32, #tpu.memory_space<hbm>> -> memref<10240x128xf32, #tpu.memory_space<hbm>>
    tpu.enqueue_indirect_dma source(%dma_start3A_134 : memref<10240x128xf32, #tpu.memory_space<hbm>>) target(%dma_start3A_128 : memref<64x128xf32, #tpu.memory_space<vmem>>) offsets(%dma_start3A_131 : memref<64xi32, #tpu.memory_space<vmem>>) semaphore(%arg12 : memref<!tpu.dma_semaphore, #tpu.memory_space<semaphore_mem>>)
    %dma_start3A_135 = arith.constant 2 : i32
    %dma_start3A_136 = arith.constant 2 : i32
    %dma_start3A_137 = arith.constant 0 : i32
    %dma_start3A_138 = arith.constant 0 : i32
    %dma_start3A_139 = tpu.memref_slice %arg9[%dma_start3A_136, %dma_start3A_137, %dma_start3A_138] : memref<4x64x128xf32, #tpu.memory_space<vmem>> -> memref<1x64x128xf32, #tpu.memory_space<vmem>>
    %dma_start3A_140 = tpu.memref_squeeze %dma_start3A_139 : memref<1x64x128xf32, #tpu.memory_space<vmem>> -> memref<64x128xf32, #tpu.memory_space<vmem>>
    %dma_start3A_141 = arith.constant 0 : i32
    %dma_start3A_142 = tpu.memref_slice %arg7[%dma_start3A_135, %dma_start3A_141] : memref<40x64xi32, #tpu.memory_space<vmem>> -> memref<1x64xi32, #tpu.memory_space<vmem>>
    %dma_start3A_143 = tpu.memref_squeeze %dma_start3A_142 : memref<1x64xi32, #tpu.memory_space<vmem>> -> memref<64xi32, #tpu.memory_space<vmem>>
    %dma_start3A_144 = arith.constant 0 : i32
    %dma_start3A_145 = arith.constant 0 : i32
    %dma_start3A_146 = tpu.memref_slice %arg2[%dma_start3A_144, %dma_start3A_145] : memref<10240x128xf32, #tpu.memory_space<hbm>> -> memref<10240x128xf32, #tpu.memory_space<hbm>>
    tpu.enqueue_indirect_dma source(%dma_start3A_146 : memref<10240x128xf32, #tpu.memory_space<hbm>>) target(%dma_start3A_140 : memref<64x128xf32, #tpu.memory_space<vmem>>) offsets(%dma_start3A_143 : memref<64xi32, #tpu.memory_space<vmem>>) semaphore(%arg13 : memref<!tpu.dma_semaphore, #tpu.memory_space<semaphore_mem>>)
    %dma_start3A_147 = arith.constant 3 : i32
    %dma_start3A_148 = arith.constant 3 : i32
    %dma_start3A_149 = arith.constant 0 : i32
    %dma_start3A_150 = arith.constant 0 : i32
    %dma_start3A_151 = tpu.memref_slice %arg9[%dma_start3A_148, %dma_start3A_149, %dma_start3A_150] : memref<4x64x128xf32, #tpu.memory_space<vmem>> -> memref<1x64x128xf32, #tpu.memory_space<vmem>>
    %dma_start3A_152 = tpu.memref_squeeze %dma_start3A_151 : memref<1x64x128xf32, #tpu.memory_space<vmem>> -> memref<64x128xf32, #tpu.memory_space<vmem>>
    %dma_start3A_153 = arith.constant 0 : i32
    %dma_start3A_154 = tpu.memref_slice %arg7[%dma_start3A_147, %dma_start3A_153] : memref<40x64xi32, #tpu.memory_space<vmem>> -> memref<1x64xi32, #tpu.memory_space<vmem>>
    %dma_start3A_155 = tpu.memref_squeeze %dma_start3A_154 : memref<1x64xi32, #tpu.memory_space<vmem>> -> memref<64xi32, #tpu.memory_space<vmem>>
    %dma_start3A_156 = arith.constant 0 : i32
    %dma_start3A_157 = arith.constant 0 : i32
    %dma_start3A_158 = tpu.memref_slice %arg2[%dma_start3A_156, %dma_start3A_157] : memref<10240x128xf32, #tpu.memory_space<hbm>> -> memref<10240x128xf32, #tpu.memory_space<hbm>>
    tpu.enqueue_indirect_dma source(%dma_start3A_158 : memref<10240x128xf32, #tpu.memory_space<hbm>>) target(%dma_start3A_152 : memref<64x128xf32, #tpu.memory_space<vmem>>) offsets(%dma_start3A_155 : memref<64xi32, #tpu.memory_space<vmem>>) semaphore(%arg14 : memref<!tpu.dma_semaphore, #tpu.memory_space<semaphore_mem>>)
    %scan3A_159 = arith.constant 0 : i32
    %scan3A_160 = arith.constant 0 : i32
    %scan3A_161 = arith.constant 10 : i32
    %scan3A_162 = arith.addi %scan3A_160, %scan3A_161 : i32
    %scan3A_163 = arith.constant 1 : i32
    scf.for %scan3A_224 = %scan3A_160 to %scan3A_162 step %scan3A_163  : i32 {
      %mul3A_225 = arith.constant 4 : i32
      %mul3A_226 = arith.muli %scan3A_224, %mul3A_225 : i32
      %add3A_227 = arith.constant 0 : i32
      %add3A_228 = arith.addi %mul3A_226, %add3A_227 : i32
      %dma_wait3A = arith.constant 0 : i32
      %dma_wait3A_229 = arith.constant 0 : i32
      %dma_wait3A_230 = arith.constant 0 : i32
      %dma_wait3A_231 = tpu.memref_slice %arg9[%dma_wait3A, %dma_wait3A_229, %dma_wait3A_230] : memref<4x64x128xf32, #tpu.memory_space<vmem>> -> memref<1x64x128xf32, #tpu.memory_space<vmem>>
      %dma_wait3A_232 = tpu.memref_squeeze %dma_wait3A_231 : memref<1x64x128xf32, #tpu.memory_space<vmem>> -> memref<64x128xf32, #tpu.memory_space<vmem>>
      %dma_wait3A_233 = arith.constant 0 : i32
      %dma_wait3A_234 = arith.constant 0 : i32
      %dma_wait3A_235 = tpu.memref_slice %arg2[%dma_wait3A_233, %dma_wait3A_234] : memref<10240x128xf32, #tpu.memory_space<hbm>> -> memref<64x128xf32, #tpu.memory_space<hbm>>
      %dma_wait3A_236 = arith.constant 0 : i32
      %dma_wait3A_237 = arith.constant 0 : i32
      %dma_wait3A_238 = tpu.memref_slice %arg9[%dma_wait3A, %dma_wait3A_236, %dma_wait3A_237] : memref<4x64x128xf32, #tpu.memory_space<vmem>> -> memref<1x64x128xf32, #tpu.memory_space<vmem>>
      %dma_wait3A_239 = tpu.memref_squeeze %dma_wait3A_238 : memref<1x64x128xf32, #tpu.memory_space<vmem>> -> memref<64x128xf32, #tpu.memory_space<vmem>>
      %dma_wait3A_240 = arith.constant 0 : i32
      %dma_wait3A_241 = arith.constant 0 : i32
      %dma_wait3A_242 = tpu.memref_slice %arg2[%dma_wait3A_240, %dma_wait3A_241] : memref<10240x128xf32, #tpu.memory_space<hbm>> -> memref<64x128xf32, #tpu.memory_space<hbm>>
      tpu.wait_dma2 semaphore(%arg11 : memref<!tpu.dma_semaphore, #tpu.memory_space<semaphore_mem>>) src(%dma_wait3A_242 : memref<64x128xf32, #tpu.memory_space<hbm>>) dst(%dma_wait3A_239 : memref<64x128xf32, #tpu.memory_space<vmem>>)
      %run_scoped3A = arith.constant 0 : i32
      "tpu.region"() ({
        %run_scoped3A_328 = tpu.sem_alloc : memref<!tpu.dma_semaphore, #tpu.memory_space<semaphore_mem>>
        %dma_start3A_329 = arith.constant 0 : i32
        %dma_start3A_330 = arith.constant 0 : i32
        %dma_start3A_331 = tpu.memref_slice %arg9[%run_scoped3A, %dma_start3A_329, %dma_start3A_330] : memref<4x64x128xf32, #tpu.memory_space<vmem>> -> memref<1x64x128xf32, #tpu.memory_space<vmem>>
        %dma_start3A_332 = tpu.memref_squeeze %dma_start3A_331 : memref<1x64x128xf32, #tpu.memory_space<vmem>> -> memref<64x128xf32, #tpu.memory_space<vmem>>
        %dma_start3A_333 = arith.constant 0 : i32
        %dma_start3A_334 = tpu.memref_slice %arg8[%add3A_228, %dma_start3A_333] : memref<40x64xi32, #tpu.memory_space<vmem>> -> memref<1x64xi32, #tpu.memory_space<vmem>>
        %dma_start3A_335 = tpu.memref_squeeze %dma_start3A_334 : memref<1x64xi32, #tpu.memory_space<vmem>> -> memref<64xi32, #tpu.memory_space<vmem>>
        %dma_start3A_336 = arith.constant 0 : i32
        %dma_start3A_337 = arith.constant 0 : i32
        %dma_start3A_338 = tpu.memref_slice %arg10[%dma_start3A_336, %dma_start3A_337] : memref<10240x128xf32, #tpu.memory_space<vmem_shared>> -> memref<10240x128xf32, #tpu.memory_space<vmem_shared>>
        tpu.enqueue_indirect_dma source(%dma_start3A_332 : memref<64x128xf32, #tpu.memory_space<vmem>>) target(%dma_start3A_338 : memref<10240x128xf32, #tpu.memory_space<vmem_shared>>) offsets(%dma_start3A_335 : memref<64xi32, #tpu.memory_space<vmem>>) semaphore(%run_scoped3A_328 : memref<!tpu.dma_semaphore, #tpu.memory_space<semaphore_mem>>) {add = true}
        %dma_wait3A_339 = arith.constant 0 : i32
        %dma_wait3A_340 = arith.constant 0 : i32
        %dma_wait3A_341 = tpu.memref_slice %arg9[%run_scoped3A, %dma_wait3A_339, %dma_wait3A_340] : memref<4x64x128xf32, #tpu.memory_space<vmem>> -> memref<1x64x128xf32, #tpu.memory_space<vmem>>
        %dma_wait3A_342 = tpu.memref_squeeze %dma_wait3A_341 : memref<1x64x128xf32, #tpu.memory_space<vmem>> -> memref<64x128xf32, #tpu.memory_space<vmem>>
        %dma_wait3A_343 = arith.constant 0 : i32
        %dma_wait3A_344 = tpu.memref_slice %arg8[%add3A_228, %dma_wait3A_343] : memref<40x64xi32, #tpu.memory_space<vmem>> -> memref<1x64xi32, #tpu.memory_space<vmem>>
        %dma_wait3A_345 = tpu.memref_squeeze %dma_wait3A_344 : memref<1x64xi32, #tpu.memory_space<vmem>> -> memref<64xi32, #tpu.memory_space<vmem>>
        %dma_wait3A_346 = arith.constant 0 : i32
        %dma_wait3A_347 = arith.constant 0 : i32
        %dma_wait3A_348 = tpu.memref_slice %arg10[%dma_wait3A_346, %dma_wait3A_347] : memref<10240x128xf32, #tpu.memory_space<vmem_shared>> -> memref<10240x128xf32, #tpu.memory_space<vmem_shared>>
        tpu.wait_indirect_dma semaphore(%run_scoped3A_328 : memref<!tpu.dma_semaphore, #tpu.memory_space<semaphore_mem>>) src(%dma_wait3A_342 : memref<64x128xf32, #tpu.memory_space<vmem>>) dst(%dma_wait3A_348 : memref<10240x128xf32, #tpu.memory_space<vmem_shared>>)
        tpu.yield
      }) : () -> ()
      %add3A_243 = arith.constant 4 : i32
      %add3A_244 = arith.addi %add3A_228, %add3A_243 : i32
      %lt3A = arith.constant 40 : i32
      %lt3A_245 = arith.cmpi slt, %add3A_244, %lt3A : i32
      %convert_element_type3A = arith.extui %lt3A_245 : i1 to i32
      %cond3A = arith.constant 0 : i32
      %cond3A_246 = arith.cmpi ne, %convert_element_type3A, %cond3A : i32
      scf.if %cond3A_246 {
        %dma_start3A_328 = arith.constant 0 : i32
        %dma_start3A_329 = arith.constant 0 : i32
        %dma_start3A_330 = arith.constant 0 : i32
        %dma_start3A_331 = tpu.memref_slice %arg9[%dma_start3A_328, %dma_start3A_329, %dma_start3A_330] : memref<4x64x128xf32, #tpu.memory_space<vmem>> -> memref<1x64x128xf32, #tpu.memory_space<vmem>>
        %dma_start3A_332 = tpu.memref_squeeze %dma_start3A_331 : memref<1x64x128xf32, #tpu.memory_space<vmem>> -> memref<64x128xf32, #tpu.memory_space<vmem>>
        %dma_start3A_333 = arith.constant 0 : i32
        %dma_start3A_334 = tpu.memref_slice %arg7[%add3A_244, %dma_start3A_333] : memref<40x64xi32, #tpu.memory_space<vmem>> -> memref<1x64xi32, #tpu.memory_space<vmem>>
        %dma_start3A_335 = tpu.memref_squeeze %dma_start3A_334 : memref<1x64xi32, #tpu.memory_space<vmem>> -> memref<64xi32, #tpu.memory_space<vmem>>
        %dma_start3A_336 = arith.constant 0 : i32
        %dma_start3A_337 = arith.constant 0 : i32
        %dma_start3A_338 = tpu.memref_slice %arg2[%dma_start3A_336, %dma_start3A_337] : memref<10240x128xf32, #tpu.memory_space<hbm>> -> memref<10240x128xf32, #tpu.memory_space<hbm>>
        tpu.enqueue_indirect_dma source(%dma_start3A_338 : memref<10240x128xf32, #tpu.memory_space<hbm>>) target(%dma_start3A_332 : memref<64x128xf32, #tpu.memory_space<vmem>>) offsets(%dma_start3A_335 : memref<64xi32, #tpu.memory_space<vmem>>) semaphore(%arg11 : memref<!tpu.dma_semaphore, #tpu.memory_space<semaphore_mem>>)
      } else {
      }
      %mul3A_247 = arith.constant 4 : i32
      %mul3A_248 = arith.muli %scan3A_224, %mul3A_247 : i32
      %add3A_249 = arith.constant 1 : i32
      %add3A_250 = arith.addi %mul3A_248, %add3A_249 : i32
      %dma_wait3A_251 = arith.constant 1 : i32
      %dma_wait3A_252 = arith.constant 0 : i32
      %dma_wait3A_253 = arith.constant 0 : i32
      %dma_wait3A_254 = tpu.memref_slice %arg9[%dma_wait3A_251, %dma_wait3A_252, %dma_wait3A_253] : memref<4x64x128xf32, #tpu.memory_space<vmem>> -> memref<1x64x128xf32, #tpu.memory_space<vmem>>
      %dma_wait3A_255 = tpu.memref_squeeze %dma_wait3A_254 : memref<1x64x128xf32, #tpu.memory_space<vmem>> -> memref<64x128xf32, #tpu.memory_space<vmem>>
      %dma_wait3A_256 = arith.constant 0 : i32
      %dma_wait3A_257 = arith.constant 0 : i32
      %dma_wait3A_258 = tpu.memref_slice %arg2[%dma_wait3A_256, %dma_wait3A_257] : memref<10240x128xf32, #tpu.memory_space<hbm>> -> memref<64x128xf32, #tpu.memory_space<hbm>>
      %dma_wait3A_259 = arith.constant 0 : i32
      %dma_wait3A_260 = arith.constant 0 : i32
      %dma_wait3A_261 = tpu.memref_slice %arg9[%dma_wait3A_251, %dma_wait3A_259, %dma_wait3A_260] : memref<4x64x128xf32, #tpu.memory_space<vmem>> -> memref<1x64x128xf32, #tpu.memory_space<vmem>>
      %dma_wait3A_262 = tpu.memref_squeeze %dma_wait3A_261 : memref<1x64x128xf32, #tpu.memory_space<vmem>> -> memref<64x128xf32, #tpu.memory_space<vmem>>
      %dma_wait3A_263 = arith.constant 0 : i32
      %dma_wait3A_264 = arith.constant 0 : i32
      %dma_wait3A_265 = tpu.memref_slice %arg2[%dma_wait3A_263, %dma_wait3A_264] : memref<10240x128xf32, #tpu.memory_space<hbm>> -> memref<64x128xf32, #tpu.memory_space<hbm>>
      tpu.wait_dma2 semaphore(%arg12 : memref<!tpu.dma_semaphore, #tpu.memory_space<semaphore_mem>>) src(%dma_wait3A_265 : memref<64x128xf32, #tpu.memory_space<hbm>>) dst(%dma_wait3A_262 : memref<64x128xf32, #tpu.memory_space<vmem>>)
      %run_scoped3A_266 = arith.constant 1 : i32
      "tpu.region"() ({
        %run_scoped3A_328 = tpu.sem_alloc : memref<!tpu.dma_semaphore, #tpu.memory_space<semaphore_mem>>
        %dma_start3A_329 = arith.constant 0 : i32
        %dma_start3A_330 = arith.constant 0 : i32
        %dma_start3A_331 = tpu.memref_slice %arg9[%run_scoped3A_266, %dma_start3A_329, %dma_start3A_330] : memref<4x64x128xf32, #tpu.memory_space<vmem>> -> memref<1x64x128xf32, #tpu.memory_space<vmem>>
        %dma_start3A_332 = tpu.memref_squeeze %dma_start3A_331 : memref<1x64x128xf32, #tpu.memory_space<vmem>> -> memref<64x128xf32, #tpu.memory_space<vmem>>
        %dma_start3A_333 = arith.constant 0 : i32
        %dma_start3A_334 = tpu.memref_slice %arg8[%add3A_250, %dma_start3A_333] : memref<40x64xi32, #tpu.memory_space<vmem>> -> memref<1x64xi32, #tpu.memory_space<vmem>>
        %dma_start3A_335 = tpu.memref_squeeze %dma_start3A_334 : memref<1x64xi32, #tpu.memory_space<vmem>> -> memref<64xi32, #tpu.memory_space<vmem>>
        %dma_start3A_336 = arith.constant 0 : i32
        %dma_start3A_337 = arith.constant 0 : i32
        %dma_start3A_338 = tpu.memref_slice %arg10[%dma_start3A_336, %dma_start3A_337] : memref<10240x128xf32, #tpu.memory_space<vmem_shared>> -> memref<10240x128xf32, #tpu.memory_space<vmem_shared>>
        tpu.enqueue_indirect_dma source(%dma_start3A_332 : memref<64x128xf32, #tpu.memory_space<vmem>>) target(%dma_start3A_338 : memref<10240x128xf32, #tpu.memory_space<vmem_shared>>) offsets(%dma_start3A_335 : memref<64xi32, #tpu.memory_space<vmem>>) semaphore(%run_scoped3A_328 : memref<!tpu.dma_semaphore, #tpu.memory_space<semaphore_mem>>) {add = true}
        %dma_wait3A_339 = arith.constant 0 : i32
        %dma_wait3A_340 = arith.constant 0 : i32
        %dma_wait3A_341 = tpu.memref_slice %arg9[%run_scoped3A_266, %dma_wait3A_339, %dma_wait3A_340] : memref<4x64x128xf32, #tpu.memory_space<vmem>> -> memref<1x64x128xf32, #tpu.memory_space<vmem>>
        %dma_wait3A_342 = tpu.memref_squeeze %dma_wait3A_341 : memref<1x64x128xf32, #tpu.memory_space<vmem>> -> memref<64x128xf32, #tpu.memory_space<vmem>>
        %dma_wait3A_343 = arith.constant 0 : i32
        %dma_wait3A_344 = tpu.memref_slice %arg8[%add3A_250, %dma_wait3A_343] : memref<40x64xi32, #tpu.memory_space<vmem>> -> memref<1x64xi32, #tpu.memory_space<vmem>>
        %dma_wait3A_345 = tpu.memref_squeeze %dma_wait3A_344 : memref<1x64xi32, #tpu.memory_space<vmem>> -> memref<64xi32, #tpu.memory_space<vmem>>
        %dma_wait3A_346 = arith.constant 0 : i32
        %dma_wait3A_347 = arith.constant 0 : i32
        %dma_wait3A_348 = tpu.memref_slice %arg10[%dma_wait3A_346, %dma_wait3A_347] : memref<10240x128xf32, #tpu.memory_space<vmem_shared>> -> memref<10240x128xf32, #tpu.memory_space<vmem_shared>>
        tpu.wait_indirect_dma semaphore(%run_scoped3A_328 : memref<!tpu.dma_semaphore, #tpu.memory_space<semaphore_mem>>) src(%dma_wait3A_342 : memref<64x128xf32, #tpu.memory_space<vmem>>) dst(%dma_wait3A_348 : memref<10240x128xf32, #tpu.memory_space<vmem_shared>>)
        tpu.yield
      }) : () -> ()
      %add3A_267 = arith.constant 4 : i32
      %add3A_268 = arith.addi %add3A_250, %add3A_267 : i32
      %lt3A_269 = arith.constant 40 : i32
      %lt3A_270 = arith.cmpi slt, %add3A_268, %lt3A_269 : i32
      %convert_element_type3A_271 = arith.extui %lt3A_270 : i1 to i32
      %cond3A_272 = arith.constant 0 : i32
      %cond3A_273 = arith.cmpi ne, %convert_element_type3A_271, %cond3A_272 : i32
      scf.if %cond3A_273 {
        %dma_start3A_328 = arith.constant 1 : i32
        %dma_start3A_329 = arith.constant 0 : i32
        %dma_start3A_330 = arith.constant 0 : i32
        %dma_start3A_331 = tpu.memref_slice %arg9[%dma_start3A_328, %dma_start3A_329, %dma_start3A_330] : memref<4x64x128xf32, #tpu.memory_space<vmem>> -> memref<1x64x128xf32, #tpu.memory_space<vmem>>
        %dma_start3A_332 = tpu.memref_squeeze %dma_start3A_331 : memref<1x64x128xf32, #tpu.memory_space<vmem>> -> memref<64x128xf32, #tpu.memory_space<vmem>>
        %dma_start3A_333 = arith.constant 0 : i32
        %dma_start3A_334 = tpu.memref_slice %arg7[%add3A_268, %dma_start3A_333] : memref<40x64xi32, #tpu.memory_space<vmem>> -> memref<1x64xi32, #tpu.memory_space<vmem>>
        %dma_start3A_335 = tpu.memref_squeeze %dma_start3A_334 : memref<1x64xi32, #tpu.memory_space<vmem>> -> memref<64xi32, #tpu.memory_space<vmem>>
        %dma_start3A_336 = arith.constant 0 : i32
        %dma_start3A_337 = arith.constant 0 : i32
        %dma_start3A_338 = tpu.memref_slice %arg2[%dma_start3A_336, %dma_start3A_337] : memref<10240x128xf32, #tpu.memory_space<hbm>> -> memref<10240x128xf32, #tpu.memory_space<hbm>>
        tpu.enqueue_indirect_dma source(%dma_start3A_338 : memref<10240x128xf32, #tpu.memory_space<hbm>>) target(%dma_start3A_332 : memref<64x128xf32, #tpu.memory_space<vmem>>) offsets(%dma_start3A_335 : memref<64xi32, #tpu.memory_space<vmem>>) semaphore(%arg12 : memref<!tpu.dma_semaphore, #tpu.memory_space<semaphore_mem>>)
      } else {
      }
      %mul3A_274 = arith.constant 4 : i32
      %mul3A_275 = arith.muli %scan3A_224, %mul3A_274 : i32
      %add3A_276 = arith.constant 2 : i32
      %add3A_277 = arith.addi %mul3A_275, %add3A_276 : i32
      %dma_wait3A_278 = arith.constant 2 : i32
      %dma_wait3A_279 = arith.constant 0 : i32
      %dma_wait3A_280 = arith.constant 0 : i32
      %dma_wait3A_281 = tpu.memref_slice %arg9[%dma_wait3A_278, %dma_wait3A_279, %dma_wait3A_280] : memref<4x64x128xf32, #tpu.memory_space<vmem>> -> memref<1x64x128xf32, #tpu.memory_space<vmem>>
      %dma_wait3A_282 = tpu.memref_squeeze %dma_wait3A_281 : memref<1x64x128xf32, #tpu.memory_space<vmem>> -> memref<64x128xf32, #tpu.memory_space<vmem>>
      %dma_wait3A_283 = arith.constant 0 : i32
      %dma_wait3A_284 = arith.constant 0 : i32
      %dma_wait3A_285 = tpu.memref_slice %arg2[%dma_wait3A_283, %dma_wait3A_284] : memref<10240x128xf32, #tpu.memory_space<hbm>> -> memref<64x128xf32, #tpu.memory_space<hbm>>
      %dma_wait3A_286 = arith.constant 0 : i32
      %dma_wait3A_287 = arith.constant 0 : i32
      %dma_wait3A_288 = tpu.memref_slice %arg9[%dma_wait3A_278, %dma_wait3A_286, %dma_wait3A_287] : memref<4x64x128xf32, #tpu.memory_space<vmem>> -> memref<1x64x128xf32, #tpu.memory_space<vmem>>
      %dma_wait3A_289 = tpu.memref_squeeze %dma_wait3A_288 : memref<1x64x128xf32, #tpu.memory_space<vmem>> -> memref<64x128xf32, #tpu.memory_space<vmem>>
      %dma_wait3A_290 = arith.constant 0 : i32
      %dma_wait3A_291 = arith.constant 0 : i32
      %dma_wait3A_292 = tpu.memref_slice %arg2[%dma_wait3A_290, %dma_wait3A_291] : memref<10240x128xf32, #tpu.memory_space<hbm>> -> memref<64x128xf32, #tpu.memory_space<hbm>>
      tpu.wait_dma2 semaphore(%arg13 : memref<!tpu.dma_semaphore, #tpu.memory_space<semaphore_mem>>) src(%dma_wait3A_292 : memref<64x128xf32, #tpu.memory_space<hbm>>) dst(%dma_wait3A_289 : memref<64x128xf32, #tpu.memory_space<vmem>>)
      %run_scoped3A_293 = arith.constant 2 : i32
      "tpu.region"() ({
        %run_scoped3A_328 = tpu.sem_alloc : memref<!tpu.dma_semaphore, #tpu.memory_space<semaphore_mem>>
        %dma_start3A_329 = arith.constant 0 : i32
        %dma_start3A_330 = arith.constant 0 : i32
        %dma_start3A_331 = tpu.memref_slice %arg9[%run_scoped3A_293, %dma_start3A_329, %dma_start3A_330] : memref<4x64x128xf32, #tpu.memory_space<vmem>> -> memref<1x64x128xf32, #tpu.memory_space<vmem>>
        %dma_start3A_332 = tpu.memref_squeeze %dma_start3A_331 : memref<1x64x128xf32, #tpu.memory_space<vmem>> -> memref<64x128xf32, #tpu.memory_space<vmem>>
        %dma_start3A_333 = arith.constant 0 : i32
        %dma_start3A_334 = tpu.memref_slice %arg8[%add3A_277, %dma_start3A_333] : memref<40x64xi32, #tpu.memory_space<vmem>> -> memref<1x64xi32, #tpu.memory_space<vmem>>
        %dma_start3A_335 = tpu.memref_squeeze %dma_start3A_334 : memref<1x64xi32, #tpu.memory_space<vmem>> -> memref<64xi32, #tpu.memory_space<vmem>>
        %dma_start3A_336 = arith.constant 0 : i32
        %dma_start3A_337 = arith.constant 0 : i32
        %dma_start3A_338 = tpu.memref_slice %arg10[%dma_start3A_336, %dma_start3A_337] : memref<10240x128xf32, #tpu.memory_space<vmem_shared>> -> memref<10240x128xf32, #tpu.memory_space<vmem_shared>>
        tpu.enqueue_indirect_dma source(%dma_start3A_332 : memref<64x128xf32, #tpu.memory_space<vmem>>) target(%dma_start3A_338 : memref<10240x128xf32, #tpu.memory_space<vmem_shared>>) offsets(%dma_start3A_335 : memref<64xi32, #tpu.memory_space<vmem>>) semaphore(%run_scoped3A_328 : memref<!tpu.dma_semaphore, #tpu.memory_space<semaphore_mem>>) {add = true}
        %dma_wait3A_339 = arith.constant 0 : i32
        %dma_wait3A_340 = arith.constant 0 : i32
        %dma_wait3A_341 = tpu.memref_slice %arg9[%run_scoped3A_293, %dma_wait3A_339, %dma_wait3A_340] : memref<4x64x128xf32, #tpu.memory_space<vmem>> -> memref<1x64x128xf32, #tpu.memory_space<vmem>>
        %dma_wait3A_342 = tpu.memref_squeeze %dma_wait3A_341 : memref<1x64x128xf32, #tpu.memory_space<vmem>> -> memref<64x128xf32, #tpu.memory_space<vmem>>
        %dma_wait3A_343 = arith.constant 0 : i32
        %dma_wait3A_344 = tpu.memref_slice %arg8[%add3A_277, %dma_wait3A_343] : memref<40x64xi32, #tpu.memory_space<vmem>> -> memref<1x64xi32, #tpu.memory_space<vmem>>
        %dma_wait3A_345 = tpu.memref_squeeze %dma_wait3A_344 : memref<1x64xi32, #tpu.memory_space<vmem>> -> memref<64xi32, #tpu.memory_space<vmem>>
        %dma_wait3A_346 = arith.constant 0 : i32
        %dma_wait3A_347 = arith.constant 0 : i32
        %dma_wait3A_348 = tpu.memref_slice %arg10[%dma_wait3A_346, %dma_wait3A_347] : memref<10240x128xf32, #tpu.memory_space<vmem_shared>> -> memref<10240x128xf32, #tpu.memory_space<vmem_shared>>
        tpu.wait_indirect_dma semaphore(%run_scoped3A_328 : memref<!tpu.dma_semaphore, #tpu.memory_space<semaphore_mem>>) src(%dma_wait3A_342 : memref<64x128xf32, #tpu.memory_space<vmem>>) dst(%dma_wait3A_348 : memref<10240x128xf32, #tpu.memory_space<vmem_shared>>)
        tpu.yield
      }) : () -> ()
      %add3A_294 = arith.constant 4 : i32
      %add3A_295 = arith.addi %add3A_277, %add3A_294 : i32
      %lt3A_296 = arith.constant 40 : i32
      %lt3A_297 = arith.cmpi slt, %add3A_295, %lt3A_296 : i32
      %convert_element_type3A_298 = arith.extui %lt3A_297 : i1 to i32
      %cond3A_299 = arith.constant 0 : i32
      %cond3A_300 = arith.cmpi ne, %convert_element_type3A_298, %cond3A_299 : i32
      scf.if %cond3A_300 {
        %dma_start3A_328 = arith.constant 2 : i32
        %dma_start3A_329 = arith.constant 0 : i32
        %dma_start3A_330 = arith.constant 0 : i32
        %dma_start3A_331 = tpu.memref_slice %arg9[%dma_start3A_328, %dma_start3A_329, %dma_start3A_330] : memref<4x64x128xf32, #tpu.memory_space<vmem>> -> memref<1x64x128xf32, #tpu.memory_space<vmem>>
        %dma_start3A_332 = tpu.memref_squeeze %dma_start3A_331 : memref<1x64x128xf32, #tpu.memory_space<vmem>> -> memref<64x128xf32, #tpu.memory_space<vmem>>
        %dma_start3A_333 = arith.constant 0 : i32
        %dma_start3A_334 = tpu.memref_slice %arg7[%add3A_295, %dma_start3A_333] : memref<40x64xi32, #tpu.memory_space<vmem>> -> memref<1x64xi32, #tpu.memory_space<vmem>>
        %dma_start3A_335 = tpu.memref_squeeze %dma_start3A_334 : memref<1x64xi32, #tpu.memory_space<vmem>> -> memref<64xi32, #tpu.memory_space<vmem>>
        %dma_start3A_336 = arith.constant 0 : i32
        %dma_start3A_337 = arith.constant 0 : i32
        %dma_start3A_338 = tpu.memref_slice %arg2[%dma_start3A_336, %dma_start3A_337] : memref<10240x128xf32, #tpu.memory_space<hbm>> -> memref<10240x128xf32, #tpu.memory_space<hbm>>
        tpu.enqueue_indirect_dma source(%dma_start3A_338 : memref<10240x128xf32, #tpu.memory_space<hbm>>) target(%dma_start3A_332 : memref<64x128xf32, #tpu.memory_space<vmem>>) offsets(%dma_start3A_335 : memref<64xi32, #tpu.memory_space<vmem>>) semaphore(%arg13 : memref<!tpu.dma_semaphore, #tpu.memory_space<semaphore_mem>>)
      } else {
      }
      %mul3A_301 = arith.constant 4 : i32
      %mul3A_302 = arith.muli %scan3A_224, %mul3A_301 : i32
      %add3A_303 = arith.constant 3 : i32
      %add3A_304 = arith.addi %mul3A_302, %add3A_303 : i32
      %dma_wait3A_305 = arith.constant 3 : i32
      %dma_wait3A_306 = arith.constant 0 : i32
      %dma_wait3A_307 = arith.constant 0 : i32
      %dma_wait3A_308 = tpu.memref_slice %arg9[%dma_wait3A_305, %dma_wait3A_306, %dma_wait3A_307] : memref<4x64x128xf32, #tpu.memory_space<vmem>> -> memref<1x64x128xf32, #tpu.memory_space<vmem>>
      %dma_wait3A_309 = tpu.memref_squeeze %dma_wait3A_308 : memref<1x64x128xf32, #tpu.memory_space<vmem>> -> memref<64x128xf32, #tpu.memory_space<vmem>>
      %dma_wait3A_310 = arith.constant 0 : i32
      %dma_wait3A_311 = arith.constant 0 : i32
      %dma_wait3A_312 = tpu.memref_slice %arg2[%dma_wait3A_310, %dma_wait3A_311] : memref<10240x128xf32, #tpu.memory_space<hbm>> -> memref<64x128xf32, #tpu.memory_space<hbm>>
      %dma_wait3A_313 = arith.constant 0 : i32
      %dma_wait3A_314 = arith.constant 0 : i32
      %dma_wait3A_315 = tpu.memref_slice %arg9[%dma_wait3A_305, %dma_wait3A_313, %dma_wait3A_314] : memref<4x64x128xf32, #tpu.memory_space<vmem>> -> memref<1x64x128xf32, #tpu.memory_space<vmem>>
      %dma_wait3A_316 = tpu.memref_squeeze %dma_wait3A_315 : memref<1x64x128xf32, #tpu.memory_space<vmem>> -> memref<64x128xf32, #tpu.memory_space<vmem>>
      %dma_wait3A_317 = arith.constant 0 : i32
      %dma_wait3A_318 = arith.constant 0 : i32
      %dma_wait3A_319 = tpu.memref_slice %arg2[%dma_wait3A_317, %dma_wait3A_318] : memref<10240x128xf32, #tpu.memory_space<hbm>> -> memref<64x128xf32, #tpu.memory_space<hbm>>
      tpu.wait_dma2 semaphore(%arg14 : memref<!tpu.dma_semaphore, #tpu.memory_space<semaphore_mem>>) src(%dma_wait3A_319 : memref<64x128xf32, #tpu.memory_space<hbm>>) dst(%dma_wait3A_316 : memref<64x128xf32, #tpu.memory_space<vmem>>)
      %run_scoped3A_320 = arith.constant 3 : i32
      "tpu.region"() ({
        %run_scoped3A_328 = tpu.sem_alloc : memref<!tpu.dma_semaphore, #tpu.memory_space<semaphore_mem>>
        %dma_start3A_329 = arith.constant 0 : i32
        %dma_start3A_330 = arith.constant 0 : i32
        %dma_start3A_331 = tpu.memref_slice %arg9[%run_scoped3A_320, %dma_start3A_329, %dma_start3A_330] : memref<4x64x128xf32, #tpu.memory_space<vmem>> -> memref<1x64x128xf32, #tpu.memory_space<vmem>>
        %dma_start3A_332 = tpu.memref_squeeze %dma_start3A_331 : memref<1x64x128xf32, #tpu.memory_space<vmem>> -> memref<64x128xf32, #tpu.memory_space<vmem>>
        %dma_start3A_333 = arith.constant 0 : i32
        %dma_start3A_334 = tpu.memref_slice %arg8[%add3A_304, %dma_start3A_333] : memref<40x64xi32, #tpu.memory_space<vmem>> -> memref<1x64xi32, #tpu.memory_space<vmem>>
        %dma_start3A_335 = tpu.memref_squeeze %dma_start3A_334 : memref<1x64xi32, #tpu.memory_space<vmem>> -> memref<64xi32, #tpu.memory_space<vmem>>
        %dma_start3A_336 = arith.constant 0 : i32
        %dma_start3A_337 = arith.constant 0 : i32
        %dma_start3A_338 = tpu.memref_slice %arg10[%dma_start3A_336, %dma_start3A_337] : memref<10240x128xf32, #tpu.memory_space<vmem_shared>> -> memref<10240x128xf32, #tpu.memory_space<vmem_shared>>
        tpu.enqueue_indirect_dma source(%dma_start3A_332 : memref<64x128xf32, #tpu.memory_space<vmem>>) target(%dma_start3A_338 : memref<10240x128xf32, #tpu.memory_space<vmem_shared>>) offsets(%dma_start3A_335 : memref<64xi32, #tpu.memory_space<vmem>>) semaphore(%run_scoped3A_328 : memref<!tpu.dma_semaphore, #tpu.memory_space<semaphore_mem>>) {add = true}
        %dma_wait3A_339 = arith.constant 0 : i32
        %dma_wait3A_340 = arith.constant 0 : i32
        %dma_wait3A_341 = tpu.memref_slice %arg9[%run_scoped3A_320, %dma_wait3A_339, %dma_wait3A_340] : memref<4x64x128xf32, #tpu.memory_space<vmem>> -> memref<1x64x128xf32, #tpu.memory_space<vmem>>
        %dma_wait3A_342 = tpu.memref_squeeze %dma_wait3A_341 : memref<1x64x128xf32, #tpu.memory_space<vmem>> -> memref<64x128xf32, #tpu.memory_space<vmem>>
        %dma_wait3A_343 = arith.constant 0 : i32
        %dma_wait3A_344 = tpu.memref_slice %arg8[%add3A_304, %dma_wait3A_343] : memref<40x64xi32, #tpu.memory_space<vmem>> -> memref<1x64xi32, #tpu.memory_space<vmem>>
        %dma_wait3A_345 = tpu.memref_squeeze %dma_wait3A_344 : memref<1x64xi32, #tpu.memory_space<vmem>> -> memref<64xi32, #tpu.memory_space<vmem>>
        %dma_wait3A_346 = arith.constant 0 : i32
        %dma_wait3A_347 = arith.constant 0 : i32
        %dma_wait3A_348 = tpu.memref_slice %arg10[%dma_wait3A_346, %dma_wait3A_347] : memref<10240x128xf32, #tpu.memory_space<vmem_shared>> -> memref<10240x128xf32, #tpu.memory_space<vmem_shared>>
        tpu.wait_indirect_dma semaphore(%run_scoped3A_328 : memref<!tpu.dma_semaphore, #tpu.memory_space<semaphore_mem>>) src(%dma_wait3A_342 : memref<64x128xf32, #tpu.memory_space<vmem>>) dst(%dma_wait3A_348 : memref<10240x128xf32, #tpu.memory_space<vmem_shared>>)
        tpu.yield
      }) : () -> ()
      %add3A_321 = arith.constant 4 : i32
      %add3A_322 = arith.addi %add3A_304, %add3A_321 : i32
      %lt3A_323 = arith.constant 40 : i32
      %lt3A_324 = arith.cmpi slt, %add3A_322, %lt3A_323 : i32
      %convert_element_type3A_325 = arith.extui %lt3A_324 : i1 to i32
      %cond3A_326 = arith.constant 0 : i32
      %cond3A_327 = arith.cmpi ne, %convert_element_type3A_325, %cond3A_326 : i32
      scf.if %cond3A_327 {
        %dma_start3A_328 = arith.constant 3 : i32
        %dma_start3A_329 = arith.constant 0 : i32
        %dma_start3A_330 = arith.constant 0 : i32
        %dma_start3A_331 = tpu.memref_slice %arg9[%dma_start3A_328, %dma_start3A_329, %dma_start3A_330] : memref<4x64x128xf32, #tpu.memory_space<vmem>> -> memref<1x64x128xf32, #tpu.memory_space<vmem>>
        %dma_start3A_332 = tpu.memref_squeeze %dma_start3A_331 : memref<1x64x128xf32, #tpu.memory_space<vmem>> -> memref<64x128xf32, #tpu.memory_space<vmem>>
        %dma_start3A_333 = arith.constant 0 : i32
        %dma_start3A_334 = tpu.memref_slice %arg7[%add3A_322, %dma_start3A_333] : memref<40x64xi32, #tpu.memory_space<vmem>> -> memref<1x64xi32, #tpu.memory_space<vmem>>
        %dma_start3A_335 = tpu.memref_squeeze %dma_start3A_334 : memref<1x64xi32, #tpu.memory_space<vmem>> -> memref<64xi32, #tpu.memory_space<vmem>>
        %dma_start3A_336 = arith.constant 0 : i32
        %dma_start3A_337 = arith.constant 0 : i32
        %dma_start3A_338 = tpu.memref_slice %arg2[%dma_start3A_336, %dma_start3A_337] : memref<10240x128xf32, #tpu.memory_space<hbm>> -> memref<10240x128xf32, #tpu.memory_space<hbm>>
        tpu.enqueue_indirect_dma source(%dma_start3A_338 : memref<10240x128xf32, #tpu.memory_space<hbm>>) target(%dma_start3A_332 : memref<64x128xf32, #tpu.memory_space<vmem>>) offsets(%dma_start3A_335 : memref<64xi32, #tpu.memory_space<vmem>>) semaphore(%arg14 : memref<!tpu.dma_semaphore, #tpu.memory_space<semaphore_mem>>)
      } else {
      }
    }
    %scan3A_164 = arith.constant 10 : i32
    "tpu.region"() ({
      %run_scoped3A = tpu.sem_alloc : memref<!tpu.dma_semaphore, #tpu.memory_space<semaphore_mem>>
      %dma_start3A_224 = arith.constant 120 : i32
      %dma_start3A_225 = arith.constant 0 : i32
      %dma_start3A_226 = tpu.memref_slice %arg3[%add3A, %dma_start3A_224, %dma_start3A_225] : memref<32x160x64xi32, #tpu.memory_space<hbm>> -> memref<1x40x64xi32, #tpu.memory_space<hbm>>
      %dma_start3A_227 = tpu.memref_squeeze %dma_start3A_226 : memref<1x40x64xi32, #tpu.memory_space<hbm>> -> memref<40x64xi32, #tpu.memory_space<hbm>>
      %dma_start3A_228 = arith.constant 120 : i32
      %dma_start3A_229 = arith.constant 0 : i32
      %dma_start3A_230 = tpu.memref_slice %arg3[%add3A, %dma_start3A_228, %dma_start3A_229] : memref<32x160x64xi32, #tpu.memory_space<hbm>> -> memref<1x40x64xi32, #tpu.memory_space<hbm>>
      %dma_start3A_231 = tpu.memref_squeeze %dma_start3A_230 : memref<1x40x64xi32, #tpu.memory_space<hbm>> -> memref<40x64xi32, #tpu.memory_space<hbm>>
      tpu.enqueue_dma source(%dma_start3A_231 : memref<40x64xi32, #tpu.memory_space<hbm>>) target(%arg7 : memref<40x64xi32, #tpu.memory_space<vmem>>) target_semaphore(%run_scoped3A : memref<!tpu.dma_semaphore, #tpu.memory_space<semaphore_mem>>)
      %dma_wait3A = arith.constant 120 : i32
      %dma_wait3A_232 = arith.constant 0 : i32
      %dma_wait3A_233 = tpu.memref_slice %arg3[%add3A, %dma_wait3A, %dma_wait3A_232] : memref<32x160x64xi32, #tpu.memory_space<hbm>> -> memref<1x40x64xi32, #tpu.memory_space<hbm>>
      %dma_wait3A_234 = tpu.memref_squeeze %dma_wait3A_233 : memref<1x40x64xi32, #tpu.memory_space<hbm>> -> memref<40x64xi32, #tpu.memory_space<hbm>>
      %dma_wait3A_235 = arith.constant 120 : i32
      %dma_wait3A_236 = arith.constant 0 : i32
      %dma_wait3A_237 = tpu.memref_slice %arg3[%add3A, %dma_wait3A_235, %dma_wait3A_236] : memref<32x160x64xi32, #tpu.memory_space<hbm>> -> memref<1x40x64xi32, #tpu.memory_space<hbm>>
      %dma_wait3A_238 = tpu.memref_squeeze %dma_wait3A_237 : memref<1x40x64xi32, #tpu.memory_space<hbm>> -> memref<40x64xi32, #tpu.memory_space<hbm>>
      tpu.wait_dma2 semaphore(%run_scoped3A : memref<!tpu.dma_semaphore, #tpu.memory_space<semaphore_mem>>) src(%dma_wait3A_238 : memref<40x64xi32, #tpu.memory_space<hbm>>) dst(%arg7 : memref<40x64xi32, #tpu.memory_space<vmem>>)
      tpu.yield
    }) : () -> ()
    "tpu.region"() ({
      %run_scoped3A = tpu.sem_alloc : memref<!tpu.dma_semaphore, #tpu.memory_space<semaphore_mem>>
      %dma_start3A_224 = arith.constant 120 : i32
      %dma_start3A_225 = arith.constant 0 : i32
      %dma_start3A_226 = tpu.memref_slice %arg4[%add3A, %dma_start3A_224, %dma_start3A_225] : memref<32x160x64xi32, #tpu.memory_space<hbm>> -> memref<1x40x64xi32, #tpu.memory_space<hbm>>
      %dma_start3A_227 = tpu.memref_squeeze %dma_start3A_226 : memref<1x40x64xi32, #tpu.memory_space<hbm>> -> memref<40x64xi32, #tpu.memory_space<hbm>>
      %dma_start3A_228 = arith.constant 120 : i32
      %dma_start3A_229 = arith.constant 0 : i32
      %dma_start3A_230 = tpu.memref_slice %arg4[%add3A, %dma_start3A_228, %dma_start3A_229] : memref<32x160x64xi32, #tpu.memory_space<hbm>> -> memref<1x40x64xi32, #tpu.memory_space<hbm>>
      %dma_start3A_231 = tpu.memref_squeeze %dma_start3A_230 : memref<1x40x64xi32, #tpu.memory_space<hbm>> -> memref<40x64xi32, #tpu.memory_space<hbm>>
      tpu.enqueue_dma source(%dma_start3A_231 : memref<40x64xi32, #tpu.memory_space<hbm>>) target(%arg8 : memref<40x64xi32, #tpu.memory_space<vmem>>) target_semaphore(%run_scoped3A : memref<!tpu.dma_semaphore, #tpu.memory_space<semaphore_mem>>)
      %dma_wait3A = arith.constant 120 : i32
      %dma_wait3A_232 = arith.constant 0 : i32
      %dma_wait3A_233 = tpu.memref_slice %arg4[%add3A, %dma_wait3A, %dma_wait3A_232] : memref<32x160x64xi32, #tpu.memory_space<hbm>> -> memref<1x40x64xi32, #tpu.memory_space<hbm>>
      %dma_wait3A_234 = tpu.memref_squeeze %dma_wait3A_233 : memref<1x40x64xi32, #tpu.memory_space<hbm>> -> memref<40x64xi32, #tpu.memory_space<hbm>>
      %dma_wait3A_235 = arith.constant 120 : i32
      %dma_wait3A_236 = arith.constant 0 : i32
      %dma_wait3A_237 = tpu.memref_slice %arg4[%add3A, %dma_wait3A_235, %dma_wait3A_236] : memref<32x160x64xi32, #tpu.memory_space<hbm>> -> memref<1x40x64xi32, #tpu.memory_space<hbm>>
      %dma_wait3A_238 = tpu.memref_squeeze %dma_wait3A_237 : memref<1x40x64xi32, #tpu.memory_space<hbm>> -> memref<40x64xi32, #tpu.memory_space<hbm>>
      tpu.wait_dma2 semaphore(%run_scoped3A : memref<!tpu.dma_semaphore, #tpu.memory_space<semaphore_mem>>) src(%dma_wait3A_238 : memref<40x64xi32, #tpu.memory_space<hbm>>) dst(%arg8 : memref<40x64xi32, #tpu.memory_space<vmem>>)
      tpu.yield
    }) : () -> ()
    %dma_start3A_165 = arith.constant 0 : i32
    %dma_start3A_166 = arith.constant 0 : i32
    %dma_start3A_167 = arith.constant 0 : i32
    %dma_start3A_168 = arith.constant 0 : i32
    %dma_start3A_169 = tpu.memref_slice %arg9[%dma_start3A_166, %dma_start3A_167, %dma_start3A_168] : memref<4x64x128xf32, #tpu.memory_space<vmem>> -> memref<1x64x128xf32, #tpu.memory_space<vmem>>
    %dma_start3A_170 = tpu.memref_squeeze %dma_start3A_169 : memref<1x64x128xf32, #tpu.memory_space<vmem>> -> memref<64x128xf32, #tpu.memory_space<vmem>>
    %dma_start3A_171 = arith.constant 0 : i32
    %dma_start3A_172 = tpu.memref_slice %arg7[%dma_start3A_165, %dma_start3A_171] : memref<40x64xi32, #tpu.memory_space<vmem>> -> memref<1x64xi32, #tpu.memory_space<vmem>>
    %dma_start3A_173 = tpu.memref_squeeze %dma_start3A_172 : memref<1x64xi32, #tpu.memory_space<vmem>> -> memref<64xi32, #tpu.memory_space<vmem>>
    %dma_start3A_174 = arith.constant 0 : i32
    %dma_start3A_175 = arith.constant 0 : i32
    %dma_start3A_176 = tpu.memref_slice %arg2[%dma_start3A_174, %dma_start3A_175] : memref<10240x128xf32, #tpu.memory_space<hbm>> -> memref<10240x128xf32, #tpu.memory_space<hbm>>
    tpu.enqueue_indirect_dma source(%dma_start3A_176 : memref<10240x128xf32, #tpu.memory_space<hbm>>) target(%dma_start3A_170 : memref<64x128xf32, #tpu.memory_space<vmem>>) offsets(%dma_start3A_173 : memref<64xi32, #tpu.memory_space<vmem>>) semaphore(%arg11 : memref<!tpu.dma_semaphore, #tpu.memory_space<semaphore_mem>>)
    %dma_start3A_177 = arith.constant 1 : i32
    %dma_start3A_178 = arith.constant 1 : i32
    %dma_start3A_179 = arith.constant 0 : i32
    %dma_start3A_180 = arith.constant 0 : i32
    %dma_start3A_181 = tpu.memref_slice %arg9[%dma_start3A_178, %dma_start3A_179, %dma_start3A_180] : memref<4x64x128xf32, #tpu.memory_space<vmem>> -> memref<1x64x128xf32, #tpu.memory_space<vmem>>
    %dma_start3A_182 = tpu.memref_squeeze %dma_start3A_181 : memref<1x64x128xf32, #tpu.memory_space<vmem>> -> memref<64x128xf32, #tpu.memory_space<vmem>>
    %dma_start3A_183 = arith.constant 0 : i32
    %dma_start3A_184 = tpu.memref_slice %arg7[%dma_start3A_177, %dma_start3A_183] : memref<40x64xi32, #tpu.memory_space<vmem>> -> memref<1x64xi32, #tpu.memory_space<vmem>>
    %dma_start3A_185 = tpu.memref_squeeze %dma_start3A_184 : memref<1x64xi32, #tpu.memory_space<vmem>> -> memref<64xi32, #tpu.memory_space<vmem>>
    %dma_start3A_186 = arith.constant 0 : i32
    %dma_start3A_187 = arith.constant 0 : i32
    %dma_start3A_188 = tpu.memref_slice %arg2[%dma_start3A_186, %dma_start3A_187] : memref<10240x128xf32, #tpu.memory_space<hbm>> -> memref<10240x128xf32, #tpu.memory_space<hbm>>
    tpu.enqueue_indirect_dma source(%dma_start3A_188 : memref<10240x128xf32, #tpu.memory_space<hbm>>) target(%dma_start3A_182 : memref<64x128xf32, #tpu.memory_space<vmem>>) offsets(%dma_start3A_185 : memref<64xi32, #tpu.memory_space<vmem>>) semaphore(%arg12 : memref<!tpu.dma_semaphore, #tpu.memory_space<semaphore_mem>>)
    %dma_start3A_189 = arith.constant 2 : i32
    %dma_start3A_190 = arith.constant 2 : i32
    %dma_start3A_191 = arith.constant 0 : i32
    %dma_start3A_192 = arith.constant 0 : i32
    %dma_start3A_193 = tpu.memref_slice %arg9[%dma_start3A_190, %dma_start3A_191, %dma_start3A_192] : memref<4x64x128xf32, #tpu.memory_space<vmem>> -> memref<1x64x128xf32, #tpu.memory_space<vmem>>
    %dma_start3A_194 = tpu.memref_squeeze %dma_start3A_193 : memref<1x64x128xf32, #tpu.memory_space<vmem>> -> memref<64x128xf32, #tpu.memory_space<vmem>>
    %dma_start3A_195 = arith.constant 0 : i32
    %dma_start3A_196 = tpu.memref_slice %arg7[%dma_start3A_189, %dma_start3A_195] : memref<40x64xi32, #tpu.memory_space<vmem>> -> memref<1x64xi32, #tpu.memory_space<vmem>>
    %dma_start3A_197 = tpu.memref_squeeze %dma_start3A_196 : memref<1x64xi32, #tpu.memory_space<vmem>> -> memref<64xi32, #tpu.memory_space<vmem>>
    %dma_start3A_198 = arith.constant 0 : i32
    %dma_start3A_199 = arith.constant 0 : i32
    %dma_start3A_200 = tpu.memref_slice %arg2[%dma_start3A_198, %dma_start3A_199] : memref<10240x128xf32, #tpu.memory_space<hbm>> -> memref<10240x128xf32, #tpu.memory_space<hbm>>
    tpu.enqueue_indirect_dma source(%dma_start3A_200 : memref<10240x128xf32, #tpu.memory_space<hbm>>) target(%dma_start3A_194 : memref<64x128xf32, #tpu.memory_space<vmem>>) offsets(%dma_start3A_197 : memref<64xi32, #tpu.memory_space<vmem>>) semaphore(%arg13 : memref<!tpu.dma_semaphore, #tpu.memory_space<semaphore_mem>>)
    %dma_start3A_201 = arith.constant 3 : i32
    %dma_start3A_202 = arith.constant 3 : i32
    %dma_start3A_203 = arith.constant 0 : i32
    %dma_start3A_204 = arith.constant 0 : i32
    %dma_start3A_205 = tpu.memref_slice %arg9[%dma_start3A_202, %dma_start3A_203, %dma_start3A_204] : memref<4x64x128xf32, #tpu.memory_space<vmem>> -> memref<1x64x128xf32, #tpu.memory_space<vmem>>
    %dma_start3A_206 = tpu.memref_squeeze %dma_start3A_205 : memref<1x64x128xf32, #tpu.memory_space<vmem>> -> memref<64x128xf32, #tpu.memory_space<vmem>>
    %dma_start3A_207 = arith.constant 0 : i32
    %dma_start3A_208 = tpu.memref_slice %arg7[%dma_start3A_201, %dma_start3A_207] : memref<40x64xi32, #tpu.memory_space<vmem>> -> memref<1x64xi32, #tpu.memory_space<vmem>>
    %dma_start3A_209 = tpu.memref_squeeze %dma_start3A_208 : memref<1x64xi32, #tpu.memory_space<vmem>> -> memref<64xi32, #tpu.memory_space<vmem>>
    %dma_start3A_210 = arith.constant 0 : i32
    %dma_start3A_211 = arith.constant 0 : i32
    %dma_start3A_212 = tpu.memref_slice %arg2[%dma_start3A_210, %dma_start3A_211] : memref<10240x128xf32, #tpu.memory_space<hbm>> -> memref<10240x128xf32, #tpu.memory_space<hbm>>
    tpu.enqueue_indirect_dma source(%dma_start3A_212 : memref<10240x128xf32, #tpu.memory_space<hbm>>) target(%dma_start3A_206 : memref<64x128xf32, #tpu.memory_space<vmem>>) offsets(%dma_start3A_209 : memref<64xi32, #tpu.memory_space<vmem>>) semaphore(%arg14 : memref<!tpu.dma_semaphore, #tpu.memory_space<semaphore_mem>>)
    %scan3A_213 = arith.constant 0 : i32
    %scan3A_214 = arith.constant 0 : i32
    %scan3A_215 = arith.constant 10 : i32
    %scan3A_216 = arith.addi %scan3A_214, %scan3A_215 : i32
    %scan3A_217 = arith.constant 1 : i32
    scf.for %scan3A_224 = %scan3A_214 to %scan3A_216 step %scan3A_217  : i32 {
      %mul3A_225 = arith.constant 4 : i32
      %mul3A_226 = arith.muli %scan3A_224, %mul3A_225 : i32
      %add3A_227 = arith.constant 0 : i32
      %add3A_228 = arith.addi %mul3A_226, %add3A_227 : i32
      %dma_wait3A = arith.constant 0 : i32
      %dma_wait3A_229 = arith.constant 0 : i32
      %dma_wait3A_230 = arith.constant 0 : i32
      %dma_wait3A_231 = tpu.memref_slice %arg9[%dma_wait3A, %dma_wait3A_229, %dma_wait3A_230] : memref<4x64x128xf32, #tpu.memory_space<vmem>> -> memref<1x64x128xf32, #tpu.memory_space<vmem>>
      %dma_wait3A_232 = tpu.memref_squeeze %dma_wait3A_231 : memref<1x64x128xf32, #tpu.memory_space<vmem>> -> memref<64x128xf32, #tpu.memory_space<vmem>>
      %dma_wait3A_233 = arith.constant 0 : i32
      %dma_wait3A_234 = arith.constant 0 : i32
      %dma_wait3A_235 = tpu.memref_slice %arg2[%dma_wait3A_233, %dma_wait3A_234] : memref<10240x128xf32, #tpu.memory_space<hbm>> -> memref<64x128xf32, #tpu.memory_space<hbm>>
      %dma_wait3A_236 = arith.constant 0 : i32
      %dma_wait3A_237 = arith.constant 0 : i32
      %dma_wait3A_238 = tpu.memref_slice %arg9[%dma_wait3A, %dma_wait3A_236, %dma_wait3A_237] : memref<4x64x128xf32, #tpu.memory_space<vmem>> -> memref<1x64x128xf32, #tpu.memory_space<vmem>>
      %dma_wait3A_239 = tpu.memref_squeeze %dma_wait3A_238 : memref<1x64x128xf32, #tpu.memory_space<vmem>> -> memref<64x128xf32, #tpu.memory_space<vmem>>
      %dma_wait3A_240 = arith.constant 0 : i32
      %dma_wait3A_241 = arith.constant 0 : i32
      %dma_wait3A_242 = tpu.memref_slice %arg2[%dma_wait3A_240, %dma_wait3A_241] : memref<10240x128xf32, #tpu.memory_space<hbm>> -> memref<64x128xf32, #tpu.memory_space<hbm>>
      tpu.wait_dma2 semaphore(%arg11 : memref<!tpu.dma_semaphore, #tpu.memory_space<semaphore_mem>>) src(%dma_wait3A_242 : memref<64x128xf32, #tpu.memory_space<hbm>>) dst(%dma_wait3A_239 : memref<64x128xf32, #tpu.memory_space<vmem>>)
      %run_scoped3A = arith.constant 0 : i32
      "tpu.region"() ({
        %run_scoped3A_328 = tpu.sem_alloc : memref<!tpu.dma_semaphore, #tpu.memory_space<semaphore_mem>>
        %dma_start3A_329 = arith.constant 0 : i32
        %dma_start3A_330 = arith.constant 0 : i32
        %dma_start3A_331 = tpu.memref_slice %arg9[%run_scoped3A, %dma_start3A_329, %dma_start3A_330] : memref<4x64x128xf32, #tpu.memory_space<vmem>> -> memref<1x64x128xf32, #tpu.memory_space<vmem>>
        %dma_start3A_332 = tpu.memref_squeeze %dma_start3A_331 : memref<1x64x128xf32, #tpu.memory_space<vmem>> -> memref<64x128xf32, #tpu.memory_space<vmem>>
        %dma_start3A_333 = arith.constant 0 : i32
        %dma_start3A_334 = tpu.memref_slice %arg8[%add3A_228, %dma_start3A_333] : memref<40x64xi32, #tpu.memory_space<vmem>> -> memref<1x64xi32, #tpu.memory_space<vmem>>
        %dma_start3A_335 = tpu.memref_squeeze %dma_start3A_334 : memref<1x64xi32, #tpu.memory_space<vmem>> -> memref<64xi32, #tpu.memory_space<vmem>>
        %dma_start3A_336 = arith.constant 0 : i32
        %dma_start3A_337 = arith.constant 0 : i32
        %dma_start3A_338 = tpu.memref_slice %arg10[%dma_start3A_336, %dma_start3A_337] : memref<10240x128xf32, #tpu.memory_space<vmem_shared>> -> memref<10240x128xf32, #tpu.memory_space<vmem_shared>>
        tpu.enqueue_indirect_dma source(%dma_start3A_332 : memref<64x128xf32, #tpu.memory_space<vmem>>) target(%dma_start3A_338 : memref<10240x128xf32, #tpu.memory_space<vmem_shared>>) offsets(%dma_start3A_335 : memref<64xi32, #tpu.memory_space<vmem>>) semaphore(%run_scoped3A_328 : memref<!tpu.dma_semaphore, #tpu.memory_space<semaphore_mem>>) {add = true}
        %dma_wait3A_339 = arith.constant 0 : i32
        %dma_wait3A_340 = arith.constant 0 : i32
        %dma_wait3A_341 = tpu.memref_slice %arg9[%run_scoped3A, %dma_wait3A_339, %dma_wait3A_340] : memref<4x64x128xf32, #tpu.memory_space<vmem>> -> memref<1x64x128xf32, #tpu.memory_space<vmem>>
        %dma_wait3A_342 = tpu.memref_squeeze %dma_wait3A_341 : memref<1x64x128xf32, #tpu.memory_space<vmem>> -> memref<64x128xf32, #tpu.memory_space<vmem>>
        %dma_wait3A_343 = arith.constant 0 : i32
        %dma_wait3A_344 = tpu.memref_slice %arg8[%add3A_228, %dma_wait3A_343] : memref<40x64xi32, #tpu.memory_space<vmem>> -> memref<1x64xi32, #tpu.memory_space<vmem>>
        %dma_wait3A_345 = tpu.memref_squeeze %dma_wait3A_344 : memref<1x64xi32, #tpu.memory_space<vmem>> -> memref<64xi32, #tpu.memory_space<vmem>>
        %dma_wait3A_346 = arith.constant 0 : i32
        %dma_wait3A_347 = arith.constant 0 : i32
        %dma_wait3A_348 = tpu.memref_slice %arg10[%dma_wait3A_346, %dma_wait3A_347] : memref<10240x128xf32, #tpu.memory_space<vmem_shared>> -> memref<10240x128xf32, #tpu.memory_space<vmem_shared>>
        tpu.wait_indirect_dma semaphore(%run_scoped3A_328 : memref<!tpu.dma_semaphore, #tpu.memory_space<semaphore_mem>>) src(%dma_wait3A_342 : memref<64x128xf32, #tpu.memory_space<vmem>>) dst(%dma_wait3A_348 : memref<10240x128xf32, #tpu.memory_space<vmem_shared>>)
        tpu.yield
      }) : () -> ()
      %add3A_243 = arith.constant 4 : i32
      %add3A_244 = arith.addi %add3A_228, %add3A_243 : i32
      %lt3A = arith.constant 40 : i32
      %lt3A_245 = arith.cmpi slt, %add3A_244, %lt3A : i32
      %convert_element_type3A = arith.extui %lt3A_245 : i1 to i32
      %cond3A = arith.constant 0 : i32
      %cond3A_246 = arith.cmpi ne, %convert_element_type3A, %cond3A : i32
      scf.if %cond3A_246 {
        %dma_start3A_328 = arith.constant 0 : i32
        %dma_start3A_329 = arith.constant 0 : i32
        %dma_start3A_330 = arith.constant 0 : i32
        %dma_start3A_331 = tpu.memref_slice %arg9[%dma_start3A_328, %dma_start3A_329, %dma_start3A_330] : memref<4x64x128xf32, #tpu.memory_space<vmem>> -> memref<1x64x128xf32, #tpu.memory_space<vmem>>
        %dma_start3A_332 = tpu.memref_squeeze %dma_start3A_331 : memref<1x64x128xf32, #tpu.memory_space<vmem>> -> memref<64x128xf32, #tpu.memory_space<vmem>>
        %dma_start3A_333 = arith.constant 0 : i32
        %dma_start3A_334 = tpu.memref_slice %arg7[%add3A_244, %dma_start3A_333] : memref<40x64xi32, #tpu.memory_space<vmem>> -> memref<1x64xi32, #tpu.memory_space<vmem>>
        %dma_start3A_335 = tpu.memref_squeeze %dma_start3A_334 : memref<1x64xi32, #tpu.memory_space<vmem>> -> memref<64xi32, #tpu.memory_space<vmem>>
        %dma_start3A_336 = arith.constant 0 : i32
        %dma_start3A_337 = arith.constant 0 : i32
        %dma_start3A_338 = tpu.memref_slice %arg2[%dma_start3A_336, %dma_start3A_337] : memref<10240x128xf32, #tpu.memory_space<hbm>> -> memref<10240x128xf32, #tpu.memory_space<hbm>>
        tpu.enqueue_indirect_dma source(%dma_start3A_338 : memref<10240x128xf32, #tpu.memory_space<hbm>>) target(%dma_start3A_332 : memref<64x128xf32, #tpu.memory_space<vmem>>) offsets(%dma_start3A_335 : memref<64xi32, #tpu.memory_space<vmem>>) semaphore(%arg11 : memref<!tpu.dma_semaphore, #tpu.memory_space<semaphore_mem>>)
      } else {
      }
      %mul3A_247 = arith.constant 4 : i32
      %mul3A_248 = arith.muli %scan3A_224, %mul3A_247 : i32
      %add3A_249 = arith.constant 1 : i32
      %add3A_250 = arith.addi %mul3A_248, %add3A_249 : i32
      %dma_wait3A_251 = arith.constant 1 : i32
      %dma_wait3A_252 = arith.constant 0 : i32
      %dma_wait3A_253 = arith.constant 0 : i32
      %dma_wait3A_254 = tpu.memref_slice %arg9[%dma_wait3A_251, %dma_wait3A_252, %dma_wait3A_253] : memref<4x64x128xf32, #tpu.memory_space<vmem>> -> memref<1x64x128xf32, #tpu.memory_space<vmem>>
      %dma_wait3A_255 = tpu.memref_squeeze %dma_wait3A_254 : memref<1x64x128xf32, #tpu.memory_space<vmem>> -> memref<64x128xf32, #tpu.memory_space<vmem>>
      %dma_wait3A_256 = arith.constant 0 : i32
      %dma_wait3A_257 = arith.constant 0 : i32
      %dma_wait3A_258 = tpu.memref_slice %arg2[%dma_wait3A_256, %dma_wait3A_257] : memref<10240x128xf32, #tpu.memory_space<hbm>> -> memref<64x128xf32, #tpu.memory_space<hbm>>
      %dma_wait3A_259 = arith.constant 0 : i32
      %dma_wait3A_260 = arith.constant 0 : i32
      %dma_wait3A_261 = tpu.memref_slice %arg9[%dma_wait3A_251, %dma_wait3A_259, %dma_wait3A_260] : memref<4x64x128xf32, #tpu.memory_space<vmem>> -> memref<1x64x128xf32, #tpu.memory_space<vmem>>
      %dma_wait3A_262 = tpu.memref_squeeze %dma_wait3A_261 : memref<1x64x128xf32, #tpu.memory_space<vmem>> -> memref<64x128xf32, #tpu.memory_space<vmem>>
      %dma_wait3A_263 = arith.constant 0 : i32
      %dma_wait3A_264 = arith.constant 0 : i32
      %dma_wait3A_265 = tpu.memref_slice %arg2[%dma_wait3A_263, %dma_wait3A_264] : memref<10240x128xf32, #tpu.memory_space<hbm>> -> memref<64x128xf32, #tpu.memory_space<hbm>>
      tpu.wait_dma2 semaphore(%arg12 : memref<!tpu.dma_semaphore, #tpu.memory_space<semaphore_mem>>) src(%dma_wait3A_265 : memref<64x128xf32, #tpu.memory_space<hbm>>) dst(%dma_wait3A_262 : memref<64x128xf32, #tpu.memory_space<vmem>>)
      %run_scoped3A_266 = arith.constant 1 : i32
      "tpu.region"() ({
        %run_scoped3A_328 = tpu.sem_alloc : memref<!tpu.dma_semaphore, #tpu.memory_space<semaphore_mem>>
        %dma_start3A_329 = arith.constant 0 : i32
        %dma_start3A_330 = arith.constant 0 : i32
        %dma_start3A_331 = tpu.memref_slice %arg9[%run_scoped3A_266, %dma_start3A_329, %dma_start3A_330] : memref<4x64x128xf32, #tpu.memory_space<vmem>> -> memref<1x64x128xf32, #tpu.memory_space<vmem>>
        %dma_start3A_332 = tpu.memref_squeeze %dma_start3A_331 : memref<1x64x128xf32, #tpu.memory_space<vmem>> -> memref<64x128xf32, #tpu.memory_space<vmem>>
        %dma_start3A_333 = arith.constant 0 : i32
        %dma_start3A_334 = tpu.memref_slice %arg8[%add3A_250, %dma_start3A_333] : memref<40x64xi32, #tpu.memory_space<vmem>> -> memref<1x64xi32, #tpu.memory_space<vmem>>
        %dma_start3A_335 = tpu.memref_squeeze %dma_start3A_334 : memref<1x64xi32, #tpu.memory_space<vmem>> -> memref<64xi32, #tpu.memory_space<vmem>>
        %dma_start3A_336 = arith.constant 0 : i32
        %dma_start3A_337 = arith.constant 0 : i32
        %dma_start3A_338 = tpu.memref_slice %arg10[%dma_start3A_336, %dma_start3A_337] : memref<10240x128xf32, #tpu.memory_space<vmem_shared>> -> memref<10240x128xf32, #tpu.memory_space<vmem_shared>>
        tpu.enqueue_indirect_dma source(%dma_start3A_332 : memref<64x128xf32, #tpu.memory_space<vmem>>) target(%dma_start3A_338 : memref<10240x128xf32, #tpu.memory_space<vmem_shared>>) offsets(%dma_start3A_335 : memref<64xi32, #tpu.memory_space<vmem>>) semaphore(%run_scoped3A_328 : memref<!tpu.dma_semaphore, #tpu.memory_space<semaphore_mem>>) {add = true}
        %dma_wait3A_339 = arith.constant 0 : i32
        %dma_wait3A_340 = arith.constant 0 : i32
        %dma_wait3A_341 = tpu.memref_slice %arg9[%run_scoped3A_266, %dma_wait3A_339, %dma_wait3A_340] : memref<4x64x128xf32, #tpu.memory_space<vmem>> -> memref<1x64x128xf32, #tpu.memory_space<vmem>>
        %dma_wait3A_342 = tpu.memref_squeeze %dma_wait3A_341 : memref<1x64x128xf32, #tpu.memory_space<vmem>> -> memref<64x128xf32, #tpu.memory_space<vmem>>
        %dma_wait3A_343 = arith.constant 0 : i32
        %dma_wait3A_344 = tpu.memref_slice %arg8[%add3A_250, %dma_wait3A_343] : memref<40x64xi32, #tpu.memory_space<vmem>> -> memref<1x64xi32, #tpu.memory_space<vmem>>
        %dma_wait3A_345 = tpu.memref_squeeze %dma_wait3A_344 : memref<1x64xi32, #tpu.memory_space<vmem>> -> memref<64xi32, #tpu.memory_space<vmem>>
        %dma_wait3A_346 = arith.constant 0 : i32
        %dma_wait3A_347 = arith.constant 0 : i32
        %dma_wait3A_348 = tpu.memref_slice %arg10[%dma_wait3A_346, %dma_wait3A_347] : memref<10240x128xf32, #tpu.memory_space<vmem_shared>> -> memref<10240x128xf32, #tpu.memory_space<vmem_shared>>
        tpu.wait_indirect_dma semaphore(%run_scoped3A_328 : memref<!tpu.dma_semaphore, #tpu.memory_space<semaphore_mem>>) src(%dma_wait3A_342 : memref<64x128xf32, #tpu.memory_space<vmem>>) dst(%dma_wait3A_348 : memref<10240x128xf32, #tpu.memory_space<vmem_shared>>)
        tpu.yield
      }) : () -> ()
      %add3A_267 = arith.constant 4 : i32
      %add3A_268 = arith.addi %add3A_250, %add3A_267 : i32
      %lt3A_269 = arith.constant 40 : i32
      %lt3A_270 = arith.cmpi slt, %add3A_268, %lt3A_269 : i32
      %convert_element_type3A_271 = arith.extui %lt3A_270 : i1 to i32
      %cond3A_272 = arith.constant 0 : i32
      %cond3A_273 = arith.cmpi ne, %convert_element_type3A_271, %cond3A_272 : i32
      scf.if %cond3A_273 {
        %dma_start3A_328 = arith.constant 1 : i32
        %dma_start3A_329 = arith.constant 0 : i32
        %dma_start3A_330 = arith.constant 0 : i32
        %dma_start3A_331 = tpu.memref_slice %arg9[%dma_start3A_328, %dma_start3A_329, %dma_start3A_330] : memref<4x64x128xf32, #tpu.memory_space<vmem>> -> memref<1x64x128xf32, #tpu.memory_space<vmem>>
        %dma_start3A_332 = tpu.memref_squeeze %dma_start3A_331 : memref<1x64x128xf32, #tpu.memory_space<vmem>> -> memref<64x128xf32, #tpu.memory_space<vmem>>
        %dma_start3A_333 = arith.constant 0 : i32
        %dma_start3A_334 = tpu.memref_slice %arg7[%add3A_268, %dma_start3A_333] : memref<40x64xi32, #tpu.memory_space<vmem>> -> memref<1x64xi32, #tpu.memory_space<vmem>>
        %dma_start3A_335 = tpu.memref_squeeze %dma_start3A_334 : memref<1x64xi32, #tpu.memory_space<vmem>> -> memref<64xi32, #tpu.memory_space<vmem>>
        %dma_start3A_336 = arith.constant 0 : i32
        %dma_start3A_337 = arith.constant 0 : i32
        %dma_start3A_338 = tpu.memref_slice %arg2[%dma_start3A_336, %dma_start3A_337] : memref<10240x128xf32, #tpu.memory_space<hbm>> -> memref<10240x128xf32, #tpu.memory_space<hbm>>
        tpu.enqueue_indirect_dma source(%dma_start3A_338 : memref<10240x128xf32, #tpu.memory_space<hbm>>) target(%dma_start3A_332 : memref<64x128xf32, #tpu.memory_space<vmem>>) offsets(%dma_start3A_335 : memref<64xi32, #tpu.memory_space<vmem>>) semaphore(%arg12 : memref<!tpu.dma_semaphore, #tpu.memory_space<semaphore_mem>>)
      } else {
      }
      %mul3A_274 = arith.constant 4 : i32
      %mul3A_275 = arith.muli %scan3A_224, %mul3A_274 : i32
      %add3A_276 = arith.constant 2 : i32
      %add3A_277 = arith.addi %mul3A_275, %add3A_276 : i32
      %dma_wait3A_278 = arith.constant 2 : i32
      %dma_wait3A_279 = arith.constant 0 : i32
      %dma_wait3A_280 = arith.constant 0 : i32
      %dma_wait3A_281 = tpu.memref_slice %arg9[%dma_wait3A_278, %dma_wait3A_279, %dma_wait3A_280] : memref<4x64x128xf32, #tpu.memory_space<vmem>> -> memref<1x64x128xf32, #tpu.memory_space<vmem>>
      %dma_wait3A_282 = tpu.memref_squeeze %dma_wait3A_281 : memref<1x64x128xf32, #tpu.memory_space<vmem>> -> memref<64x128xf32, #tpu.memory_space<vmem>>
      %dma_wait3A_283 = arith.constant 0 : i32
      %dma_wait3A_284 = arith.constant 0 : i32
      %dma_wait3A_285 = tpu.memref_slice %arg2[%dma_wait3A_283, %dma_wait3A_284] : memref<10240x128xf32, #tpu.memory_space<hbm>> -> memref<64x128xf32, #tpu.memory_space<hbm>>
      %dma_wait3A_286 = arith.constant 0 : i32
      %dma_wait3A_287 = arith.constant 0 : i32
      %dma_wait3A_288 = tpu.memref_slice %arg9[%dma_wait3A_278, %dma_wait3A_286, %dma_wait3A_287] : memref<4x64x128xf32, #tpu.memory_space<vmem>> -> memref<1x64x128xf32, #tpu.memory_space<vmem>>
      %dma_wait3A_289 = tpu.memref_squeeze %dma_wait3A_288 : memref<1x64x128xf32, #tpu.memory_space<vmem>> -> memref<64x128xf32, #tpu.memory_space<vmem>>
      %dma_wait3A_290 = arith.constant 0 : i32
      %dma_wait3A_291 = arith.constant 0 : i32
      %dma_wait3A_292 = tpu.memref_slice %arg2[%dma_wait3A_290, %dma_wait3A_291] : memref<10240x128xf32, #tpu.memory_space<hbm>> -> memref<64x128xf32, #tpu.memory_space<hbm>>
      tpu.wait_dma2 semaphore(%arg13 : memref<!tpu.dma_semaphore, #tpu.memory_space<semaphore_mem>>) src(%dma_wait3A_292 : memref<64x128xf32, #tpu.memory_space<hbm>>) dst(%dma_wait3A_289 : memref<64x128xf32, #tpu.memory_space<vmem>>)
      %run_scoped3A_293 = arith.constant 2 : i32
      "tpu.region"() ({
        %run_scoped3A_328 = tpu.sem_alloc : memref<!tpu.dma_semaphore, #tpu.memory_space<semaphore_mem>>
        %dma_start3A_329 = arith.constant 0 : i32
        %dma_start3A_330 = arith.constant 0 : i32
        %dma_start3A_331 = tpu.memref_slice %arg9[%run_scoped3A_293, %dma_start3A_329, %dma_start3A_330] : memref<4x64x128xf32, #tpu.memory_space<vmem>> -> memref<1x64x128xf32, #tpu.memory_space<vmem>>
        %dma_start3A_332 = tpu.memref_squeeze %dma_start3A_331 : memref<1x64x128xf32, #tpu.memory_space<vmem>> -> memref<64x128xf32, #tpu.memory_space<vmem>>
        %dma_start3A_333 = arith.constant 0 : i32
        %dma_start3A_334 = tpu.memref_slice %arg8[%add3A_277, %dma_start3A_333] : memref<40x64xi32, #tpu.memory_space<vmem>> -> memref<1x64xi32, #tpu.memory_space<vmem>>
        %dma_start3A_335 = tpu.memref_squeeze %dma_start3A_334 : memref<1x64xi32, #tpu.memory_space<vmem>> -> memref<64xi32, #tpu.memory_space<vmem>>
        %dma_start3A_336 = arith.constant 0 : i32
        %dma_start3A_337 = arith.constant 0 : i32
        %dma_start3A_338 = tpu.memref_slice %arg10[%dma_start3A_336, %dma_start3A_337] : memref<10240x128xf32, #tpu.memory_space<vmem_shared>> -> memref<10240x128xf32, #tpu.memory_space<vmem_shared>>
        tpu.enqueue_indirect_dma source(%dma_start3A_332 : memref<64x128xf32, #tpu.memory_space<vmem>>) target(%dma_start3A_338 : memref<10240x128xf32, #tpu.memory_space<vmem_shared>>) offsets(%dma_start3A_335 : memref<64xi32, #tpu.memory_space<vmem>>) semaphore(%run_scoped3A_328 : memref<!tpu.dma_semaphore, #tpu.memory_space<semaphore_mem>>) {add = true}
        %dma_wait3A_339 = arith.constant 0 : i32
        %dma_wait3A_340 = arith.constant 0 : i32
        %dma_wait3A_341 = tpu.memref_slice %arg9[%run_scoped3A_293, %dma_wait3A_339, %dma_wait3A_340] : memref<4x64x128xf32, #tpu.memory_space<vmem>> -> memref<1x64x128xf32, #tpu.memory_space<vmem>>
        %dma_wait3A_342 = tpu.memref_squeeze %dma_wait3A_341 : memref<1x64x128xf32, #tpu.memory_space<vmem>> -> memref<64x128xf32, #tpu.memory_space<vmem>>
        %dma_wait3A_343 = arith.constant 0 : i32
        %dma_wait3A_344 = tpu.memref_slice %arg8[%add3A_277, %dma_wait3A_343] : memref<40x64xi32, #tpu.memory_space<vmem>> -> memref<1x64xi32, #tpu.memory_space<vmem>>
        %dma_wait3A_345 = tpu.memref_squeeze %dma_wait3A_344 : memref<1x64xi32, #tpu.memory_space<vmem>> -> memref<64xi32, #tpu.memory_space<vmem>>
        %dma_wait3A_346 = arith.constant 0 : i32
        %dma_wait3A_347 = arith.constant 0 : i32
        %dma_wait3A_348 = tpu.memref_slice %arg10[%dma_wait3A_346, %dma_wait3A_347] : memref<10240x128xf32, #tpu.memory_space<vmem_shared>> -> memref<10240x128xf32, #tpu.memory_space<vmem_shared>>
        tpu.wait_indirect_dma semaphore(%run_scoped3A_328 : memref<!tpu.dma_semaphore, #tpu.memory_space<semaphore_mem>>) src(%dma_wait3A_342 : memref<64x128xf32, #tpu.memory_space<vmem>>) dst(%dma_wait3A_348 : memref<10240x128xf32, #tpu.memory_space<vmem_shared>>)
        tpu.yield
      }) : () -> ()
      %add3A_294 = arith.constant 4 : i32
      %add3A_295 = arith.addi %add3A_277, %add3A_294 : i32
      %lt3A_296 = arith.constant 40 : i32
      %lt3A_297 = arith.cmpi slt, %add3A_295, %lt3A_296 : i32
      %convert_element_type3A_298 = arith.extui %lt3A_297 : i1 to i32
      %cond3A_299 = arith.constant 0 : i32
      %cond3A_300 = arith.cmpi ne, %convert_element_type3A_298, %cond3A_299 : i32
      scf.if %cond3A_300 {
        %dma_start3A_328 = arith.constant 2 : i32
        %dma_start3A_329 = arith.constant 0 : i32
        %dma_start3A_330 = arith.constant 0 : i32
        %dma_start3A_331 = tpu.memref_slice %arg9[%dma_start3A_328, %dma_start3A_329, %dma_start3A_330] : memref<4x64x128xf32, #tpu.memory_space<vmem>> -> memref<1x64x128xf32, #tpu.memory_space<vmem>>
        %dma_start3A_332 = tpu.memref_squeeze %dma_start3A_331 : memref<1x64x128xf32, #tpu.memory_space<vmem>> -> memref<64x128xf32, #tpu.memory_space<vmem>>
        %dma_start3A_333 = arith.constant 0 : i32
        %dma_start3A_334 = tpu.memref_slice %arg7[%add3A_295, %dma_start3A_333] : memref<40x64xi32, #tpu.memory_space<vmem>> -> memref<1x64xi32, #tpu.memory_space<vmem>>
        %dma_start3A_335 = tpu.memref_squeeze %dma_start3A_334 : memref<1x64xi32, #tpu.memory_space<vmem>> -> memref<64xi32, #tpu.memory_space<vmem>>
        %dma_start3A_336 = arith.constant 0 : i32
        %dma_start3A_337 = arith.constant 0 : i32
        %dma_start3A_338 = tpu.memref_slice %arg2[%dma_start3A_336, %dma_start3A_337] : memref<10240x128xf32, #tpu.memory_space<hbm>> -> memref<10240x128xf32, #tpu.memory_space<hbm>>
        tpu.enqueue_indirect_dma source(%dma_start3A_338 : memref<10240x128xf32, #tpu.memory_space<hbm>>) target(%dma_start3A_332 : memref<64x128xf32, #tpu.memory_space<vmem>>) offsets(%dma_start3A_335 : memref<64xi32, #tpu.memory_space<vmem>>) semaphore(%arg13 : memref<!tpu.dma_semaphore, #tpu.memory_space<semaphore_mem>>)
      } else {
      }
      %mul3A_301 = arith.constant 4 : i32
      %mul3A_302 = arith.muli %scan3A_224, %mul3A_301 : i32
      %add3A_303 = arith.constant 3 : i32
      %add3A_304 = arith.addi %mul3A_302, %add3A_303 : i32
      %dma_wait3A_305 = arith.constant 3 : i32
      %dma_wait3A_306 = arith.constant 0 : i32
      %dma_wait3A_307 = arith.constant 0 : i32
      %dma_wait3A_308 = tpu.memref_slice %arg9[%dma_wait3A_305, %dma_wait3A_306, %dma_wait3A_307] : memref<4x64x128xf32, #tpu.memory_space<vmem>> -> memref<1x64x128xf32, #tpu.memory_space<vmem>>
      %dma_wait3A_309 = tpu.memref_squeeze %dma_wait3A_308 : memref<1x64x128xf32, #tpu.memory_space<vmem>> -> memref<64x128xf32, #tpu.memory_space<vmem>>
      %dma_wait3A_310 = arith.constant 0 : i32
      %dma_wait3A_311 = arith.constant 0 : i32
      %dma_wait3A_312 = tpu.memref_slice %arg2[%dma_wait3A_310, %dma_wait3A_311] : memref<10240x128xf32, #tpu.memory_space<hbm>> -> memref<64x128xf32, #tpu.memory_space<hbm>>
      %dma_wait3A_313 = arith.constant 0 : i32
      %dma_wait3A_314 = arith.constant 0 : i32
      %dma_wait3A_315 = tpu.memref_slice %arg9[%dma_wait3A_305, %dma_wait3A_313, %dma_wait3A_314] : memref<4x64x128xf32, #tpu.memory_space<vmem>> -> memref<1x64x128xf32, #tpu.memory_space<vmem>>
      %dma_wait3A_316 = tpu.memref_squeeze %dma_wait3A_315 : memref<1x64x128xf32, #tpu.memory_space<vmem>> -> memref<64x128xf32, #tpu.memory_space<vmem>>
      %dma_wait3A_317 = arith.constant 0 : i32
      %dma_wait3A_318 = arith.constant 0 : i32
      %dma_wait3A_319 = tpu.memref_slice %arg2[%dma_wait3A_317, %dma_wait3A_318] : memref<10240x128xf32, #tpu.memory_space<hbm>> -> memref<64x128xf32, #tpu.memory_space<hbm>>
      tpu.wait_dma2 semaphore(%arg14 : memref<!tpu.dma_semaphore, #tpu.memory_space<semaphore_mem>>) src(%dma_wait3A_319 : memref<64x128xf32, #tpu.memory_space<hbm>>) dst(%dma_wait3A_316 : memref<64x128xf32, #tpu.memory_space<vmem>>)
      %run_scoped3A_320 = arith.constant 3 : i32
      "tpu.region"() ({
        %run_scoped3A_328 = tpu.sem_alloc : memref<!tpu.dma_semaphore, #tpu.memory_space<semaphore_mem>>
        %dma_start3A_329 = arith.constant 0 : i32
        %dma_start3A_330 = arith.constant 0 : i32
        %dma_start3A_331 = tpu.memref_slice %arg9[%run_scoped3A_320, %dma_start3A_329, %dma_start3A_330] : memref<4x64x128xf32, #tpu.memory_space<vmem>> -> memref<1x64x128xf32, #tpu.memory_space<vmem>>
        %dma_start3A_332 = tpu.memref_squeeze %dma_start3A_331 : memref<1x64x128xf32, #tpu.memory_space<vmem>> -> memref<64x128xf32, #tpu.memory_space<vmem>>
        %dma_start3A_333 = arith.constant 0 : i32
        %dma_start3A_334 = tpu.memref_slice %arg8[%add3A_304, %dma_start3A_333] : memref<40x64xi32, #tpu.memory_space<vmem>> -> memref<1x64xi32, #tpu.memory_space<vmem>>
        %dma_start3A_335 = tpu.memref_squeeze %dma_start3A_334 : memref<1x64xi32, #tpu.memory_space<vmem>> -> memref<64xi32, #tpu.memory_space<vmem>>
        %dma_start3A_336 = arith.constant 0 : i32
        %dma_start3A_337 = arith.constant 0 : i32
        %dma_start3A_338 = tpu.memref_slice %arg10[%dma_start3A_336, %dma_start3A_337] : memref<10240x128xf32, #tpu.memory_space<vmem_shared>> -> memref<10240x128xf32, #tpu.memory_space<vmem_shared>>
        tpu.enqueue_indirect_dma source(%dma_start3A_332 : memref<64x128xf32, #tpu.memory_space<vmem>>) target(%dma_start3A_338 : memref<10240x128xf32, #tpu.memory_space<vmem_shared>>) offsets(%dma_start3A_335 : memref<64xi32, #tpu.memory_space<vmem>>) semaphore(%run_scoped3A_328 : memref<!tpu.dma_semaphore, #tpu.memory_space<semaphore_mem>>) {add = true}
        %dma_wait3A_339 = arith.constant 0 : i32
        %dma_wait3A_340 = arith.constant 0 : i32
        %dma_wait3A_341 = tpu.memref_slice %arg9[%run_scoped3A_320, %dma_wait3A_339, %dma_wait3A_340] : memref<4x64x128xf32, #tpu.memory_space<vmem>> -> memref<1x64x128xf32, #tpu.memory_space<vmem>>
        %dma_wait3A_342 = tpu.memref_squeeze %dma_wait3A_341 : memref<1x64x128xf32, #tpu.memory_space<vmem>> -> memref<64x128xf32, #tpu.memory_space<vmem>>
        %dma_wait3A_343 = arith.constant 0 : i32
        %dma_wait3A_344 = tpu.memref_slice %arg8[%add3A_304, %dma_wait3A_343] : memref<40x64xi32, #tpu.memory_space<vmem>> -> memref<1x64xi32, #tpu.memory_space<vmem>>
        %dma_wait3A_345 = tpu.memref_squeeze %dma_wait3A_344 : memref<1x64xi32, #tpu.memory_space<vmem>> -> memref<64xi32, #tpu.memory_space<vmem>>
        %dma_wait3A_346 = arith.constant 0 : i32
        %dma_wait3A_347 = arith.constant 0 : i32
        %dma_wait3A_348 = tpu.memref_slice %arg10[%dma_wait3A_346, %dma_wait3A_347] : memref<10240x128xf32, #tpu.memory_space<vmem_shared>> -> memref<10240x128xf32, #tpu.memory_space<vmem_shared>>
        tpu.wait_indirect_dma semaphore(%run_scoped3A_328 : memref<!tpu.dma_semaphore, #tpu.memory_space<semaphore_mem>>) src(%dma_wait3A_342 : memref<64x128xf32, #tpu.memory_space<vmem>>) dst(%dma_wait3A_348 : memref<10240x128xf32, #tpu.memory_space<vmem_shared>>)
        tpu.yield
      }) : () -> ()
      %add3A_321 = arith.constant 4 : i32
      %add3A_322 = arith.addi %add3A_304, %add3A_321 : i32
      %lt3A_323 = arith.constant 40 : i32
      %lt3A_324 = arith.cmpi slt, %add3A_322, %lt3A_323 : i32
      %convert_element_type3A_325 = arith.extui %lt3A_324 : i1 to i32
      %cond3A_326 = arith.constant 0 : i32
      %cond3A_327 = arith.cmpi ne, %convert_element_type3A_325, %cond3A_326 : i32
      scf.if %cond3A_327 {
        %dma_start3A_328 = arith.constant 3 : i32
        %dma_start3A_329 = arith.constant 0 : i32
        %dma_start3A_330 = arith.constant 0 : i32
        %dma_start3A_331 = tpu.memref_slice %arg9[%dma_start3A_328, %dma_start3A_329, %dma_start3A_330] : memref<4x64x128xf32, #tpu.memory_space<vmem>> -> memref<1x64x128xf32, #tpu.memory_space<vmem>>
        %dma_start3A_332 = tpu.memref_squeeze %dma_start3A_331 : memref<1x64x128xf32, #tpu.memory_space<vmem>> -> memref<64x128xf32, #tpu.memory_space<vmem>>
        %dma_start3A_333 = arith.constant 0 : i32
        %dma_start3A_334 = tpu.memref_slice %arg7[%add3A_322, %dma_start3A_333] : memref<40x64xi32, #tpu.memory_space<vmem>> -> memref<1x64xi32, #tpu.memory_space<vmem>>
        %dma_start3A_335 = tpu.memref_squeeze %dma_start3A_334 : memref<1x64xi32, #tpu.memory_space<vmem>> -> memref<64xi32, #tpu.memory_space<vmem>>
        %dma_start3A_336 = arith.constant 0 : i32
        %dma_start3A_337 = arith.constant 0 : i32
        %dma_start3A_338 = tpu.memref_slice %arg2[%dma_start3A_336, %dma_start3A_337] : memref<10240x128xf32, #tpu.memory_space<hbm>> -> memref<10240x128xf32, #tpu.memory_space<hbm>>
        tpu.enqueue_indirect_dma source(%dma_start3A_338 : memref<10240x128xf32, #tpu.memory_space<hbm>>) target(%dma_start3A_332 : memref<64x128xf32, #tpu.memory_space<vmem>>) offsets(%dma_start3A_335 : memref<64xi32, #tpu.memory_space<vmem>>) semaphore(%arg14 : memref<!tpu.dma_semaphore, #tpu.memory_space<semaphore_mem>>)
      } else {
      }
    }
    %scan3A_218 = arith.constant 10 : i32
    %barrier3A_219 = arith.constant 0 : index
    tpu.barrier barrier_id(%barrier3A_219)
    %mul3A_220 = arith.constant 640 : i32
    %mul3A_221 = arith.muli %arg1, %mul3A_220 : i32
    %mul3A_222 = arith.constant 640 : i32
    %mul3A_223 = arith.muli %arg1, %mul3A_222 : i32
    "tpu.region"() ({
      %run_scoped3A = tpu.sem_alloc : memref<!tpu.dma_semaphore, #tpu.memory_space<semaphore_mem>>
      %dma_start3A_224 = arith.constant 0 : i32
      %dma_start3A_225 = tpu.memref_slice %arg6[%arg0, %mul3A_223, %dma_start3A_224] : memref<2x10240x128xf32, #tpu.memory_space<hbm>> -> memref<1x640x128xf32, #tpu.memory_space<hbm>>
      %dma_start3A_226 = tpu.memref_squeeze %dma_start3A_225 : memref<1x640x128xf32, #tpu.memory_space<hbm>> -> memref<640x128xf32, #tpu.memory_space<hbm>>
      %dma_start3A_227 = arith.constant 0 : i32
      %dma_start3A_228 = tpu.memref_slice %arg10[%mul3A_221, %dma_start3A_227] : memref<10240x128xf32, #tpu.memory_space<vmem_shared>> -> memref<640x128xf32, #tpu.memory_space<vmem_shared>>
      tpu.enqueue_dma source(%dma_start3A_228 : memref<640x128xf32, #tpu.memory_space<vmem_shared>>) target(%dma_start3A_226 : memref<640x128xf32, #tpu.memory_space<hbm>>) target_semaphore(%run_scoped3A : memref<!tpu.dma_semaphore, #tpu.memory_space<semaphore_mem>>)
      %dma_wait3A = arith.constant 0 : i32
      %dma_wait3A_229 = tpu.memref_slice %arg6[%arg0, %mul3A_223, %dma_wait3A] : memref<2x10240x128xf32, #tpu.memory_space<hbm>> -> memref<1x640x128xf32, #tpu.memory_space<hbm>>
      %dma_wait3A_230 = tpu.memref_squeeze %dma_wait3A_229 : memref<1x640x128xf32, #tpu.memory_space<hbm>> -> memref<640x128xf32, #tpu.memory_space<hbm>>
      %dma_wait3A_231 = arith.constant 0 : i32
      %dma_wait3A_232 = tpu.memref_slice %arg10[%mul3A_221, %dma_wait3A_231] : memref<10240x128xf32, #tpu.memory_space<vmem_shared>> -> memref<640x128xf32, #tpu.memory_space<vmem_shared>>
      tpu.wait_dma2 semaphore(%run_scoped3A : memref<!tpu.dma_semaphore, #tpu.memory_space<semaphore_mem>>) src(%dma_wait3A_232 : memref<640x128xf32, #tpu.memory_space<vmem_shared>>) dst(%dma_wait3A_230 : memref<640x128xf32, #tpu.memory_space<hbm>>)
      tpu.yield
    }) : () -> ()
    return
  }
}

#map = affine_map<(d0, d1) -> (0, 0)>
#map1 = affine_map<(d0, d1) -> (0, 0, 0)>
module attributes {stable_mosaic.version = 14 : i64} {
  func.func @k(%arg0: i32, %arg1: i32, %arg2: memref<10240x128xf32, #tpu.memory_space<hbm>>, %arg3: memref<32x160x64xi32, #tpu.memory_space<hbm>>, %arg4: memref<32x160x64xi32, #tpu.memory_space<hbm>>, %arg5: memref<10240x128xf32, #tpu.memory_space<hbm>>, %arg6: memref<2x10240x128xf32, #tpu.memory_space<hbm>>, %arg7: memref<40x64xi32, #tpu.memory_space<vmem>>, %arg8: memref<40x64xi32, #tpu.memory_space<vmem>>, %arg9: memref<4x64x128xf32, #tpu.memory_space<vmem>>, %arg10: memref<10240x128xf32, #tpu.memory_space<vmem_shared>>, %arg11: memref<!tpu.dma_semaphore, #tpu.memory_space<semaphore_mem>>, %arg12: memref<!tpu.dma_semaphore, #tpu.memory_space<semaphore_mem>>, %arg13: memref<!tpu.dma_semaphore, #tpu.memory_space<semaphore_mem>>, %arg14: memref<!tpu.dma_semaphore, #tpu.memory_space<semaphore_mem>>, %arg15: memref<!tpu.dma_semaphore, #tpu.memory_space<semaphore_mem>>, %arg16: memref<!tpu.dma_semaphore, #tpu.memory_space<semaphore_mem>>, %arg17: memref<!tpu.dma_semaphore, #tpu.memory_space<semaphore_mem>>, %arg18: memref<!tpu.dma_semaphore, #tpu.memory_space<semaphore_mem>>) attributes {dimension_semantics = [#tpu.dimension_semantics<core_parallel>, #tpu.dimension_semantics<subcore_parallel>], iteration_bounds = array<i64: 2, 16>, scalar_prefetch = 0 : i64, scratch_operands = 12 : i64, tpu.core_type = #tpu.core_type<sc_vector_subcore>, window_params = [{transform_indices = #map}, {transform_indices = #map1}, {transform_indices = #map1}, {transform_indices = #map}, {transform_indices = #map1}]} {
    %mul3A = arith.constant 16 : i32
    %mul3A_0 = arith.muli %arg0, %mul3A : i32
    %add3A = arith.addi %mul3A_0, %arg1 : i32
    %mul3A_1 = arith.constant 640 : i32
    %mul3A_2 = arith.muli %arg1, %mul3A_1 : i32
    %mul3A_3 = arith.constant 640 : i32
    %mul3A_4 = arith.muli %arg1, %mul3A_3 : i32
    "tpu.region"() ({
      %run_scoped3A = tpu.sem_alloc : memref<!tpu.dma_semaphore, #tpu.memory_space<semaphore_mem>>
      %dma_start3A_224 = arith.constant 0 : i32
      %dma_start3A_225 = tpu.memref_slice %arg10[%mul3A_4, %dma_start3A_224] : memref<10240x128xf32, #tpu.memory_space<vmem_shared>> -> memref<640x128xf32, #tpu.memory_space<vmem_shared>>
      %dma_start3A_226 = arith.constant 0 : i32
      %dma_start3A_227 = tpu.memref_slice %arg5[%mul3A_2, %dma_start3A_226] : memref<10240x128xf32, #tpu.memory_space<hbm>> -> memref<640x128xf32, #tpu.memory_space<hbm>>
      tpu.enqueue_dma source(%dma_start3A_227 : memref<640x128xf32, #tpu.memory_space<hbm>>) target(%dma_start3A_225 : memref<640x128xf32, #tpu.memory_space<vmem_shared>>) target_semaphore(%run_scoped3A : memref<!tpu.dma_semaphore, #tpu.memory_space<semaphore_mem>>)
      %dma_wait3A = arith.constant 0 : i32
      %dma_wait3A_228 = tpu.memref_slice %arg10[%mul3A_4, %dma_wait3A] : memref<10240x128xf32, #tpu.memory_space<vmem_shared>> -> memref<640x128xf32, #tpu.memory_space<vmem_shared>>
      %dma_wait3A_229 = arith.constant 0 : i32
      %dma_wait3A_230 = tpu.memref_slice %arg5[%mul3A_2, %dma_wait3A_229] : memref<10240x128xf32, #tpu.memory_space<hbm>> -> memref<640x128xf32, #tpu.memory_space<hbm>>
      tpu.wait_dma2 semaphore(%run_scoped3A : memref<!tpu.dma_semaphore, #tpu.memory_space<semaphore_mem>>) src(%dma_wait3A_230 : memref<640x128xf32, #tpu.memory_space<hbm>>) dst(%dma_wait3A_228 : memref<640x128xf32, #tpu.memory_space<vmem_shared>>)
      tpu.yield
    }) : () -> ()
    %barrier3A = arith.constant 0 : index
    tpu.barrier barrier_id(%barrier3A)
    "tpu.region"() ({
      %run_scoped3A = tpu.sem_alloc : memref<!tpu.dma_semaphore, #tpu.memory_space<semaphore_mem>>
      %dma_start3A_224 = arith.constant 0 : i32
      %dma_start3A_225 = arith.constant 0 : i32
      %dma_start3A_226 = tpu.memref_slice %arg3[%add3A, %dma_start3A_224, %dma_start3A_225] : memref<32x160x64xi32, #tpu.memory_space<hbm>> -> memref<1x40x64xi32, #tpu.memory_space<hbm>>
      %dma_start3A_227 = tpu.memref_squeeze %dma_start3A_226 : memref<1x40x64xi32, #tpu.memory_space<hbm>> -> memref<40x64xi32, #tpu.memory_space<hbm>>
      %dma_start3A_228 = arith.constant 0 : i32
      %dma_start3A_229 = arith.constant 0 : i32
      %dma_start3A_230 = tpu.memref_slice %arg3[%add3A, %dma_start3A_228, %dma_start3A_229] : memref<32x160x64xi32, #tpu.memory_space<hbm>> -> memref<1x40x64xi32, #tpu.memory_space<hbm>>
      %dma_start3A_231 = tpu.memref_squeeze %dma_start3A_230 : memref<1x40x64xi32, #tpu.memory_space<hbm>> -> memref<40x64xi32, #tpu.memory_space<hbm>>
      tpu.enqueue_dma source(%dma_start3A_231 : memref<40x64xi32, #tpu.memory_space<hbm>>) target(%arg7 : memref<40x64xi32, #tpu.memory_space<vmem>>) target_semaphore(%run_scoped3A : memref<!tpu.dma_semaphore, #tpu.memory_space<semaphore_mem>>)
      %dma_wait3A = arith.constant 0 : i32
      %dma_wait3A_232 = arith.constant 0 : i32
      %dma_wait3A_233 = tpu.memref_slice %arg3[%add3A, %dma_wait3A, %dma_wait3A_232] : memref<32x160x64xi32, #tpu.memory_space<hbm>> -> memref<1x40x64xi32, #tpu.memory_space<hbm>>
      %dma_wait3A_234 = tpu.memref_squeeze %dma_wait3A_233 : memref<1x40x64xi32, #tpu.memory_space<hbm>> -> memref<40x64xi32, #tpu.memory_space<hbm>>
      %dma_wait3A_235 = arith.constant 0 : i32
      %dma_wait3A_236 = arith.constant 0 : i32
      %dma_wait3A_237 = tpu.memref_slice %arg3[%add3A, %dma_wait3A_235, %dma_wait3A_236] : memref<32x160x64xi32, #tpu.memory_space<hbm>> -> memref<1x40x64xi32, #tpu.memory_space<hbm>>
      %dma_wait3A_238 = tpu.memref_squeeze %dma_wait3A_237 : memref<1x40x64xi32, #tpu.memory_space<hbm>> -> memref<40x64xi32, #tpu.memory_space<hbm>>
      tpu.wait_dma2 semaphore(%run_scoped3A : memref<!tpu.dma_semaphore, #tpu.memory_space<semaphore_mem>>) src(%dma_wait3A_238 : memref<40x64xi32, #tpu.memory_space<hbm>>) dst(%arg7 : memref<40x64xi32, #tpu.memory_space<vmem>>)
      tpu.yield
    }) : () -> ()
    "tpu.region"() ({
      %run_scoped3A = tpu.sem_alloc : memref<!tpu.dma_semaphore, #tpu.memory_space<semaphore_mem>>
      %dma_start3A_224 = arith.constant 0 : i32
      %dma_start3A_225 = arith.constant 0 : i32
      %dma_start3A_226 = tpu.memref_slice %arg4[%add3A, %dma_start3A_224, %dma_start3A_225] : memref<32x160x64xi32, #tpu.memory_space<hbm>> -> memref<1x40x64xi32, #tpu.memory_space<hbm>>
      %dma_start3A_227 = tpu.memref_squeeze %dma_start3A_226 : memref<1x40x64xi32, #tpu.memory_space<hbm>> -> memref<40x64xi32, #tpu.memory_space<hbm>>
      %dma_start3A_228 = arith.constant 0 : i32
      %dma_start3A_229 = arith.constant 0 : i32
      %dma_start3A_230 = tpu.memref_slice %arg4[%add3A, %dma_start3A_228, %dma_start3A_229] : memref<32x160x64xi32, #tpu.memory_space<hbm>> -> memref<1x40x64xi32, #tpu.memory_space<hbm>>
      %dma_start3A_231 = tpu.memref_squeeze %dma_start3A_230 : memref<1x40x64xi32, #tpu.memory_space<hbm>> -> memref<40x64xi32, #tpu.memory_space<hbm>>
      tpu.enqueue_dma source(%dma_start3A_231 : memref<40x64xi32, #tpu.memory_space<hbm>>) target(%arg8 : memref<40x64xi32, #tpu.memory_space<vmem>>) target_semaphore(%run_scoped3A : memref<!tpu.dma_semaphore, #tpu.memory_space<semaphore_mem>>)
      %dma_wait3A = arith.constant 0 : i32
      %dma_wait3A_232 = arith.constant 0 : i32
      %dma_wait3A_233 = tpu.memref_slice %arg4[%add3A, %dma_wait3A, %dma_wait3A_232] : memref<32x160x64xi32, #tpu.memory_space<hbm>> -> memref<1x40x64xi32, #tpu.memory_space<hbm>>
      %dma_wait3A_234 = tpu.memref_squeeze %dma_wait3A_233 : memref<1x40x64xi32, #tpu.memory_space<hbm>> -> memref<40x64xi32, #tpu.memory_space<hbm>>
      %dma_wait3A_235 = arith.constant 0 : i32
      %dma_wait3A_236 = arith.constant 0 : i32
      %dma_wait3A_237 = tpu.memref_slice %arg4[%add3A, %dma_wait3A_235, %dma_wait3A_236] : memref<32x160x64xi32, #tpu.memory_space<hbm>> -> memref<1x40x64xi32, #tpu.memory_space<hbm>>
      %dma_wait3A_238 = tpu.memref_squeeze %dma_wait3A_237 : memref<1x40x64xi32, #tpu.memory_space<hbm>> -> memref<40x64xi32, #tpu.memory_space<hbm>>
      tpu.wait_dma2 semaphore(%run_scoped3A : memref<!tpu.dma_semaphore, #tpu.memory_space<semaphore_mem>>) src(%dma_wait3A_238 : memref<40x64xi32, #tpu.memory_space<hbm>>) dst(%arg8 : memref<40x64xi32, #tpu.memory_space<vmem>>)
      tpu.yield
    }) : () -> ()
    %dma_start3A = arith.constant 0 : i32
    %dma_start3A_5 = arith.constant 0 : i32
    %dma_start3A_6 = arith.constant 0 : i32
    %dma_start3A_7 = arith.constant 0 : i32
    %dma_start3A_8 = tpu.memref_slice %arg9[%dma_start3A_5, %dma_start3A_6, %dma_start3A_7] : memref<4x64x128xf32, #tpu.memory_space<vmem>> -> memref<1x64x128xf32, #tpu.memory_space<vmem>>
    %dma_start3A_9 = tpu.memref_squeeze %dma_start3A_8 : memref<1x64x128xf32, #tpu.memory_space<vmem>> -> memref<64x128xf32, #tpu.memory_space<vmem>>
    %dma_start3A_10 = arith.constant 0 : i32
    %dma_start3A_11 = tpu.memref_slice %arg7[%dma_start3A, %dma_start3A_10] : memref<40x64xi32, #tpu.memory_space<vmem>> -> memref<1x64xi32, #tpu.memory_space<vmem>>
    %dma_start3A_12 = tpu.memref_squeeze %dma_start3A_11 : memref<1x64xi32, #tpu.memory_space<vmem>> -> memref<64xi32, #tpu.memory_space<vmem>>
    %dma_start3A_13 = arith.constant 0 : i32
    %dma_start3A_14 = arith.constant 0 : i32
    %dma_start3A_15 = tpu.memref_slice %arg2[%dma_start3A_13, %dma_start3A_14] : memref<10240x128xf32, #tpu.memory_space<hbm>> -> memref<10240x128xf32, #tpu.memory_space<hbm>>
    tpu.enqueue_indirect_dma source(%dma_start3A_15 : memref<10240x128xf32, #tpu.memory_space<hbm>>) target(%dma_start3A_9 : memref<64x128xf32, #tpu.memory_space<vmem>>) offsets(%dma_start3A_12 : memref<64xi32, #tpu.memory_space<vmem>>) semaphore(%arg11 : memref<!tpu.dma_semaphore, #tpu.memory_space<semaphore_mem>>)
    %dma_start3A_16 = arith.constant 1 : i32
    %dma_start3A_17 = arith.constant 1 : i32
    %dma_start3A_18 = arith.constant 0 : i32
    %dma_start3A_19 = arith.constant 0 : i32
    %dma_start3A_20 = tpu.memref_slice %arg9[%dma_start3A_17, %dma_start3A_18, %dma_start3A_19] : memref<4x64x128xf32, #tpu.memory_space<vmem>> -> memref<1x64x128xf32, #tpu.memory_space<vmem>>
    %dma_start3A_21 = tpu.memref_squeeze %dma_start3A_20 : memref<1x64x128xf32, #tpu.memory_space<vmem>> -> memref<64x128xf32, #tpu.memory_space<vmem>>
    %dma_start3A_22 = arith.constant 0 : i32
    %dma_start3A_23 = tpu.memref_slice %arg7[%dma_start3A_16, %dma_start3A_22] : memref<40x64xi32, #tpu.memory_space<vmem>> -> memref<1x64xi32, #tpu.memory_space<vmem>>
    %dma_start3A_24 = tpu.memref_squeeze %dma_start3A_23 : memref<1x64xi32, #tpu.memory_space<vmem>> -> memref<64xi32, #tpu.memory_space<vmem>>
    %dma_start3A_25 = arith.constant 0 : i32
    %dma_start3A_26 = arith.constant 0 : i32
    %dma_start3A_27 = tpu.memref_slice %arg2[%dma_start3A_25, %dma_start3A_26] : memref<10240x128xf32, #tpu.memory_space<hbm>> -> memref<10240x128xf32, #tpu.memory_space<hbm>>
    tpu.enqueue_indirect_dma source(%dma_start3A_27 : memref<10240x128xf32, #tpu.memory_space<hbm>>) target(%dma_start3A_21 : memref<64x128xf32, #tpu.memory_space<vmem>>) offsets(%dma_start3A_24 : memref<64xi32, #tpu.memory_space<vmem>>) semaphore(%arg12 : memref<!tpu.dma_semaphore, #tpu.memory_space<semaphore_mem>>)
    %dma_start3A_28 = arith.constant 2 : i32
    %dma_start3A_29 = arith.constant 2 : i32
    %dma_start3A_30 = arith.constant 0 : i32
    %dma_start3A_31 = arith.constant 0 : i32
    %dma_start3A_32 = tpu.memref_slice %arg9[%dma_start3A_29, %dma_start3A_30, %dma_start3A_31] : memref<4x64x128xf32, #tpu.memory_space<vmem>> -> memref<1x64x128xf32, #tpu.memory_space<vmem>>
    %dma_start3A_33 = tpu.memref_squeeze %dma_start3A_32 : memref<1x64x128xf32, #tpu.memory_space<vmem>> -> memref<64x128xf32, #tpu.memory_space<vmem>>
    %dma_start3A_34 = arith.constant 0 : i32
    %dma_start3A_35 = tpu.memref_slice %arg7[%dma_start3A_28, %dma_start3A_34] : memref<40x64xi32, #tpu.memory_space<vmem>> -> memref<1x64xi32, #tpu.memory_space<vmem>>
    %dma_start3A_36 = tpu.memref_squeeze %dma_start3A_35 : memref<1x64xi32, #tpu.memory_space<vmem>> -> memref<64xi32, #tpu.memory_space<vmem>>
    %dma_start3A_37 = arith.constant 0 : i32
    %dma_start3A_38 = arith.constant 0 : i32
    %dma_start3A_39 = tpu.memref_slice %arg2[%dma_start3A_37, %dma_start3A_38] : memref<10240x128xf32, #tpu.memory_space<hbm>> -> memref<10240x128xf32, #tpu.memory_space<hbm>>
    tpu.enqueue_indirect_dma source(%dma_start3A_39 : memref<10240x128xf32, #tpu.memory_space<hbm>>) target(%dma_start3A_33 : memref<64x128xf32, #tpu.memory_space<vmem>>) offsets(%dma_start3A_36 : memref<64xi32, #tpu.memory_space<vmem>>) semaphore(%arg13 : memref<!tpu.dma_semaphore, #tpu.memory_space<semaphore_mem>>)
    %dma_start3A_40 = arith.constant 3 : i32
    %dma_start3A_41 = arith.constant 3 : i32
    %dma_start3A_42 = arith.constant 0 : i32
    %dma_start3A_43 = arith.constant 0 : i32
    %dma_start3A_44 = tpu.memref_slice %arg9[%dma_start3A_41, %dma_start3A_42, %dma_start3A_43] : memref<4x64x128xf32, #tpu.memory_space<vmem>> -> memref<1x64x128xf32, #tpu.memory_space<vmem>>
    %dma_start3A_45 = tpu.memref_squeeze %dma_start3A_44 : memref<1x64x128xf32, #tpu.memory_space<vmem>> -> memref<64x128xf32, #tpu.memory_space<vmem>>
    %dma_start3A_46 = arith.constant 0 : i32
    %dma_start3A_47 = tpu.memref_slice %arg7[%dma_start3A_40, %dma_start3A_46] : memref<40x64xi32, #tpu.memory_space<vmem>> -> memref<1x64xi32, #tpu.memory_space<vmem>>
    %dma_start3A_48 = tpu.memref_squeeze %dma_start3A_47 : memref<1x64xi32, #tpu.memory_space<vmem>> -> memref<64xi32, #tpu.memory_space<vmem>>
    %dma_start3A_49 = arith.constant 0 : i32
    %dma_start3A_50 = arith.constant 0 : i32
    %dma_start3A_51 = tpu.memref_slice %arg2[%dma_start3A_49, %dma_start3A_50] : memref<10240x128xf32, #tpu.memory_space<hbm>> -> memref<10240x128xf32, #tpu.memory_space<hbm>>
    tpu.enqueue_indirect_dma source(%dma_start3A_51 : memref<10240x128xf32, #tpu.memory_space<hbm>>) target(%dma_start3A_45 : memref<64x128xf32, #tpu.memory_space<vmem>>) offsets(%dma_start3A_48 : memref<64xi32, #tpu.memory_space<vmem>>) semaphore(%arg14 : memref<!tpu.dma_semaphore, #tpu.memory_space<semaphore_mem>>)
    %scan3A = arith.constant 0 : i32
    %scan3A_52 = arith.constant 0 : i32
    %scan3A_53 = arith.constant 10 : i32
    %scan3A_54 = arith.addi %scan3A_52, %scan3A_53 : i32
    %scan3A_55 = arith.constant 1 : i32
    scf.for %scan3A_224 = %scan3A_52 to %scan3A_54 step %scan3A_55  : i32 {
      %mul3A_225 = arith.constant 4 : i32
      %mul3A_226 = arith.muli %scan3A_224, %mul3A_225 : i32
      %add3A_227 = arith.constant 0 : i32
      %add3A_228 = arith.addi %mul3A_226, %add3A_227 : i32
      %dma_wait3A = arith.constant 0 : i32
      %dma_wait3A_229 = arith.constant 0 : i32
      %dma_wait3A_230 = arith.constant 0 : i32
      %dma_wait3A_231 = tpu.memref_slice %arg9[%dma_wait3A, %dma_wait3A_229, %dma_wait3A_230] : memref<4x64x128xf32, #tpu.memory_space<vmem>> -> memref<1x64x128xf32, #tpu.memory_space<vmem>>
      %dma_wait3A_232 = tpu.memref_squeeze %dma_wait3A_231 : memref<1x64x128xf32, #tpu.memory_space<vmem>> -> memref<64x128xf32, #tpu.memory_space<vmem>>
      %dma_wait3A_233 = arith.constant 0 : i32
      %dma_wait3A_234 = arith.constant 0 : i32
      %dma_wait3A_235 = tpu.memref_slice %arg2[%dma_wait3A_233, %dma_wait3A_234] : memref<10240x128xf32, #tpu.memory_space<hbm>> -> memref<64x128xf32, #tpu.memory_space<hbm>>
      %dma_wait3A_236 = arith.constant 0 : i32
      %dma_wait3A_237 = arith.constant 0 : i32
      %dma_wait3A_238 = tpu.memref_slice %arg9[%dma_wait3A, %dma_wait3A_236, %dma_wait3A_237] : memref<4x64x128xf32, #tpu.memory_space<vmem>> -> memref<1x64x128xf32, #tpu.memory_space<vmem>>
      %dma_wait3A_239 = tpu.memref_squeeze %dma_wait3A_238 : memref<1x64x128xf32, #tpu.memory_space<vmem>> -> memref<64x128xf32, #tpu.memory_space<vmem>>
      %dma_wait3A_240 = arith.constant 0 : i32
      %dma_wait3A_241 = arith.constant 0 : i32
      %dma_wait3A_242 = tpu.memref_slice %arg2[%dma_wait3A_240, %dma_wait3A_241] : memref<10240x128xf32, #tpu.memory_space<hbm>> -> memref<64x128xf32, #tpu.memory_space<hbm>>
      tpu.wait_dma2 semaphore(%arg11 : memref<!tpu.dma_semaphore, #tpu.memory_space<semaphore_mem>>) src(%dma_wait3A_242 : memref<64x128xf32, #tpu.memory_space<hbm>>) dst(%dma_wait3A_239 : memref<64x128xf32, #tpu.memory_space<vmem>>)
      %run_scoped3A = arith.constant 0 : i32
      "tpu.region"() ({
        %run_scoped3A_328 = tpu.sem_alloc : memref<!tpu.dma_semaphore, #tpu.memory_space<semaphore_mem>>
        %dma_start3A_329 = arith.constant 0 : i32
        %dma_start3A_330 = arith.constant 0 : i32
        %dma_start3A_331 = tpu.memref_slice %arg9[%run_scoped3A, %dma_start3A_329, %dma_start3A_330] : memref<4x64x128xf32, #tpu.memory_space<vmem>> -> memref<1x64x128xf32, #tpu.memory_space<vmem>>
        %dma_start3A_332 = tpu.memref_squeeze %dma_start3A_331 : memref<1x64x128xf32, #tpu.memory_space<vmem>> -> memref<64x128xf32, #tpu.memory_space<vmem>>
        %dma_start3A_333 = arith.constant 0 : i32
        %dma_start3A_334 = tpu.memref_slice %arg8[%add3A_228, %dma_start3A_333] : memref<40x64xi32, #tpu.memory_space<vmem>> -> memref<1x64xi32, #tpu.memory_space<vmem>>
        %dma_start3A_335 = tpu.memref_squeeze %dma_start3A_334 : memref<1x64xi32, #tpu.memory_space<vmem>> -> memref<64xi32, #tpu.memory_space<vmem>>
        %dma_start3A_336 = arith.constant 0 : i32
        %dma_start3A_337 = arith.constant 0 : i32
        %dma_start3A_338 = tpu.memref_slice %arg10[%dma_start3A_336, %dma_start3A_337] : memref<10240x128xf32, #tpu.memory_space<vmem_shared>> -> memref<10240x128xf32, #tpu.memory_space<vmem_shared>>
        tpu.enqueue_indirect_dma source(%dma_start3A_332 : memref<64x128xf32, #tpu.memory_space<vmem>>) target(%dma_start3A_338 : memref<10240x128xf32, #tpu.memory_space<vmem_shared>>) offsets(%dma_start3A_335 : memref<64xi32, #tpu.memory_space<vmem>>) semaphore(%run_scoped3A_328 : memref<!tpu.dma_semaphore, #tpu.memory_space<semaphore_mem>>) {add = true}
        %dma_wait3A_339 = arith.constant 0 : i32
        %dma_wait3A_340 = arith.constant 0 : i32
        %dma_wait3A_341 = tpu.memref_slice %arg9[%run_scoped3A, %dma_wait3A_339, %dma_wait3A_340] : memref<4x64x128xf32, #tpu.memory_space<vmem>> -> memref<1x64x128xf32, #tpu.memory_space<vmem>>
        %dma_wait3A_342 = tpu.memref_squeeze %dma_wait3A_341 : memref<1x64x128xf32, #tpu.memory_space<vmem>> -> memref<64x128xf32, #tpu.memory_space<vmem>>
        %dma_wait3A_343 = arith.constant 0 : i32
        %dma_wait3A_344 = tpu.memref_slice %arg8[%add3A_228, %dma_wait3A_343] : memref<40x64xi32, #tpu.memory_space<vmem>> -> memref<1x64xi32, #tpu.memory_space<vmem>>
        %dma_wait3A_345 = tpu.memref_squeeze %dma_wait3A_344 : memref<1x64xi32, #tpu.memory_space<vmem>> -> memref<64xi32, #tpu.memory_space<vmem>>
        %dma_wait3A_346 = arith.constant 0 : i32
        %dma_wait3A_347 = arith.constant 0 : i32
        %dma_wait3A_348 = tpu.memref_slice %arg10[%dma_wait3A_346, %dma_wait3A_347] : memref<10240x128xf32, #tpu.memory_space<vmem_shared>> -> memref<10240x128xf32, #tpu.memory_space<vmem_shared>>
        tpu.wait_indirect_dma semaphore(%run_scoped3A_328 : memref<!tpu.dma_semaphore, #tpu.memory_space<semaphore_mem>>) src(%dma_wait3A_342 : memref<64x128xf32, #tpu.memory_space<vmem>>) dst(%dma_wait3A_348 : memref<10240x128xf32, #tpu.memory_space<vmem_shared>>)
        tpu.yield
      }) : () -> ()
      %add3A_243 = arith.constant 4 : i32
      %add3A_244 = arith.addi %add3A_228, %add3A_243 : i32
      %lt3A = arith.constant 40 : i32
      %lt3A_245 = arith.cmpi slt, %add3A_244, %lt3A : i32
      %convert_element_type3A = arith.extui %lt3A_245 : i1 to i32
      %cond3A = arith.constant 0 : i32
      %cond3A_246 = arith.cmpi ne, %convert_element_type3A, %cond3A : i32
      scf.if %cond3A_246 {
        %dma_start3A_328 = arith.constant 0 : i32
        %dma_start3A_329 = arith.constant 0 : i32
        %dma_start3A_330 = arith.constant 0 : i32
        %dma_start3A_331 = tpu.memref_slice %arg9[%dma_start3A_328, %dma_start3A_329, %dma_start3A_330] : memref<4x64x128xf32, #tpu.memory_space<vmem>> -> memref<1x64x128xf32, #tpu.memory_space<vmem>>
        %dma_start3A_332 = tpu.memref_squeeze %dma_start3A_331 : memref<1x64x128xf32, #tpu.memory_space<vmem>> -> memref<64x128xf32, #tpu.memory_space<vmem>>
        %dma_start3A_333 = arith.constant 0 : i32
        %dma_start3A_334 = tpu.memref_slice %arg7[%add3A_244, %dma_start3A_333] : memref<40x64xi32, #tpu.memory_space<vmem>> -> memref<1x64xi32, #tpu.memory_space<vmem>>
        %dma_start3A_335 = tpu.memref_squeeze %dma_start3A_334 : memref<1x64xi32, #tpu.memory_space<vmem>> -> memref<64xi32, #tpu.memory_space<vmem>>
        %dma_start3A_336 = arith.constant 0 : i32
        %dma_start3A_337 = arith.constant 0 : i32
        %dma_start3A_338 = tpu.memref_slice %arg2[%dma_start3A_336, %dma_start3A_337] : memref<10240x128xf32, #tpu.memory_space<hbm>> -> memref<10240x128xf32, #tpu.memory_space<hbm>>
        tpu.enqueue_indirect_dma source(%dma_start3A_338 : memref<10240x128xf32, #tpu.memory_space<hbm>>) target(%dma_start3A_332 : memref<64x128xf32, #tpu.memory_space<vmem>>) offsets(%dma_start3A_335 : memref<64xi32, #tpu.memory_space<vmem>>) semaphore(%arg11 : memref<!tpu.dma_semaphore, #tpu.memory_space<semaphore_mem>>)
      } else {
      }
      %mul3A_247 = arith.constant 4 : i32
      %mul3A_248 = arith.muli %scan3A_224, %mul3A_247 : i32
      %add3A_249 = arith.constant 1 : i32
      %add3A_250 = arith.addi %mul3A_248, %add3A_249 : i32
      %dma_wait3A_251 = arith.constant 1 : i32
      %dma_wait3A_252 = arith.constant 0 : i32
      %dma_wait3A_253 = arith.constant 0 : i32
      %dma_wait3A_254 = tpu.memref_slice %arg9[%dma_wait3A_251, %dma_wait3A_252, %dma_wait3A_253] : memref<4x64x128xf32, #tpu.memory_space<vmem>> -> memref<1x64x128xf32, #tpu.memory_space<vmem>>
      %dma_wait3A_255 = tpu.memref_squeeze %dma_wait3A_254 : memref<1x64x128xf32, #tpu.memory_space<vmem>> -> memref<64x128xf32, #tpu.memory_space<vmem>>
      %dma_wait3A_256 = arith.constant 0 : i32
      %dma_wait3A_257 = arith.constant 0 : i32
      %dma_wait3A_258 = tpu.memref_slice %arg2[%dma_wait3A_256, %dma_wait3A_257] : memref<10240x128xf32, #tpu.memory_space<hbm>> -> memref<64x128xf32, #tpu.memory_space<hbm>>
      %dma_wait3A_259 = arith.constant 0 : i32
      %dma_wait3A_260 = arith.constant 0 : i32
      %dma_wait3A_261 = tpu.memref_slice %arg9[%dma_wait3A_251, %dma_wait3A_259, %dma_wait3A_260] : memref<4x64x128xf32, #tpu.memory_space<vmem>> -> memref<1x64x128xf32, #tpu.memory_space<vmem>>
      %dma_wait3A_262 = tpu.memref_squeeze %dma_wait3A_261 : memref<1x64x128xf32, #tpu.memory_space<vmem>> -> memref<64x128xf32, #tpu.memory_space<vmem>>
      %dma_wait3A_263 = arith.constant 0 : i32
      %dma_wait3A_264 = arith.constant 0 : i32
      %dma_wait3A_265 = tpu.memref_slice %arg2[%dma_wait3A_263, %dma_wait3A_264] : memref<10240x128xf32, #tpu.memory_space<hbm>> -> memref<64x128xf32, #tpu.memory_space<hbm>>
      tpu.wait_dma2 semaphore(%arg12 : memref<!tpu.dma_semaphore, #tpu.memory_space<semaphore_mem>>) src(%dma_wait3A_265 : memref<64x128xf32, #tpu.memory_space<hbm>>) dst(%dma_wait3A_262 : memref<64x128xf32, #tpu.memory_space<vmem>>)
      %run_scoped3A_266 = arith.constant 1 : i32
      "tpu.region"() ({
        %run_scoped3A_328 = tpu.sem_alloc : memref<!tpu.dma_semaphore, #tpu.memory_space<semaphore_mem>>
        %dma_start3A_329 = arith.constant 0 : i32
        %dma_start3A_330 = arith.constant 0 : i32
        %dma_start3A_331 = tpu.memref_slice %arg9[%run_scoped3A_266, %dma_start3A_329, %dma_start3A_330] : memref<4x64x128xf32, #tpu.memory_space<vmem>> -> memref<1x64x128xf32, #tpu.memory_space<vmem>>
        %dma_start3A_332 = tpu.memref_squeeze %dma_start3A_331 : memref<1x64x128xf32, #tpu.memory_space<vmem>> -> memref<64x128xf32, #tpu.memory_space<vmem>>
        %dma_start3A_333 = arith.constant 0 : i32
        %dma_start3A_334 = tpu.memref_slice %arg8[%add3A_250, %dma_start3A_333] : memref<40x64xi32, #tpu.memory_space<vmem>> -> memref<1x64xi32, #tpu.memory_space<vmem>>
        %dma_start3A_335 = tpu.memref_squeeze %dma_start3A_334 : memref<1x64xi32, #tpu.memory_space<vmem>> -> memref<64xi32, #tpu.memory_space<vmem>>
        %dma_start3A_336 = arith.constant 0 : i32
        %dma_start3A_337 = arith.constant 0 : i32
        %dma_start3A_338 = tpu.memref_slice %arg10[%dma_start3A_336, %dma_start3A_337] : memref<10240x128xf32, #tpu.memory_space<vmem_shared>> -> memref<10240x128xf32, #tpu.memory_space<vmem_shared>>
        tpu.enqueue_indirect_dma source(%dma_start3A_332 : memref<64x128xf32, #tpu.memory_space<vmem>>) target(%dma_start3A_338 : memref<10240x128xf32, #tpu.memory_space<vmem_shared>>) offsets(%dma_start3A_335 : memref<64xi32, #tpu.memory_space<vmem>>) semaphore(%run_scoped3A_328 : memref<!tpu.dma_semaphore, #tpu.memory_space<semaphore_mem>>) {add = true}
        %dma_wait3A_339 = arith.constant 0 : i32
        %dma_wait3A_340 = arith.constant 0 : i32
        %dma_wait3A_341 = tpu.memref_slice %arg9[%run_scoped3A_266, %dma_wait3A_339, %dma_wait3A_340] : memref<4x64x128xf32, #tpu.memory_space<vmem>> -> memref<1x64x128xf32, #tpu.memory_space<vmem>>
        %dma_wait3A_342 = tpu.memref_squeeze %dma_wait3A_341 : memref<1x64x128xf32, #tpu.memory_space<vmem>> -> memref<64x128xf32, #tpu.memory_space<vmem>>
        %dma_wait3A_343 = arith.constant 0 : i32
        %dma_wait3A_344 = tpu.memref_slice %arg8[%add3A_250, %dma_wait3A_343] : memref<40x64xi32, #tpu.memory_space<vmem>> -> memref<1x64xi32, #tpu.memory_space<vmem>>
        %dma_wait3A_345 = tpu.memref_squeeze %dma_wait3A_344 : memref<1x64xi32, #tpu.memory_space<vmem>> -> memref<64xi32, #tpu.memory_space<vmem>>
        %dma_wait3A_346 = arith.constant 0 : i32
        %dma_wait3A_347 = arith.constant 0 : i32
        %dma_wait3A_348 = tpu.memref_slice %arg10[%dma_wait3A_346, %dma_wait3A_347] : memref<10240x128xf32, #tpu.memory_space<vmem_shared>> -> memref<10240x128xf32, #tpu.memory_space<vmem_shared>>
        tpu.wait_indirect_dma semaphore(%run_scoped3A_328 : memref<!tpu.dma_semaphore, #tpu.memory_space<semaphore_mem>>) src(%dma_wait3A_342 : memref<64x128xf32, #tpu.memory_space<vmem>>) dst(%dma_wait3A_348 : memref<10240x128xf32, #tpu.memory_space<vmem_shared>>)
        tpu.yield
      }) : () -> ()
      %add3A_267 = arith.constant 4 : i32
      %add3A_268 = arith.addi %add3A_250, %add3A_267 : i32
      %lt3A_269 = arith.constant 40 : i32
      %lt3A_270 = arith.cmpi slt, %add3A_268, %lt3A_269 : i32
      %convert_element_type3A_271 = arith.extui %lt3A_270 : i1 to i32
      %cond3A_272 = arith.constant 0 : i32
      %cond3A_273 = arith.cmpi ne, %convert_element_type3A_271, %cond3A_272 : i32
      scf.if %cond3A_273 {
        %dma_start3A_328 = arith.constant 1 : i32
        %dma_start3A_329 = arith.constant 0 : i32
        %dma_start3A_330 = arith.constant 0 : i32
        %dma_start3A_331 = tpu.memref_slice %arg9[%dma_start3A_328, %dma_start3A_329, %dma_start3A_330] : memref<4x64x128xf32, #tpu.memory_space<vmem>> -> memref<1x64x128xf32, #tpu.memory_space<vmem>>
        %dma_start3A_332 = tpu.memref_squeeze %dma_start3A_331 : memref<1x64x128xf32, #tpu.memory_space<vmem>> -> memref<64x128xf32, #tpu.memory_space<vmem>>
        %dma_start3A_333 = arith.constant 0 : i32
        %dma_start3A_334 = tpu.memref_slice %arg7[%add3A_268, %dma_start3A_333] : memref<40x64xi32, #tpu.memory_space<vmem>> -> memref<1x64xi32, #tpu.memory_space<vmem>>
        %dma_start3A_335 = tpu.memref_squeeze %dma_start3A_334 : memref<1x64xi32, #tpu.memory_space<vmem>> -> memref<64xi32, #tpu.memory_space<vmem>>
        %dma_start3A_336 = arith.constant 0 : i32
        %dma_start3A_337 = arith.constant 0 : i32
        %dma_start3A_338 = tpu.memref_slice %arg2[%dma_start3A_336, %dma_start3A_337] : memref<10240x128xf32, #tpu.memory_space<hbm>> -> memref<10240x128xf32, #tpu.memory_space<hbm>>
        tpu.enqueue_indirect_dma source(%dma_start3A_338 : memref<10240x128xf32, #tpu.memory_space<hbm>>) target(%dma_start3A_332 : memref<64x128xf32, #tpu.memory_space<vmem>>) offsets(%dma_start3A_335 : memref<64xi32, #tpu.memory_space<vmem>>) semaphore(%arg12 : memref<!tpu.dma_semaphore, #tpu.memory_space<semaphore_mem>>)
      } else {
      }
      %mul3A_274 = arith.constant 4 : i32
      %mul3A_275 = arith.muli %scan3A_224, %mul3A_274 : i32
      %add3A_276 = arith.constant 2 : i32
      %add3A_277 = arith.addi %mul3A_275, %add3A_276 : i32
      %dma_wait3A_278 = arith.constant 2 : i32
      %dma_wait3A_279 = arith.constant 0 : i32
      %dma_wait3A_280 = arith.constant 0 : i32
      %dma_wait3A_281 = tpu.memref_slice %arg9[%dma_wait3A_278, %dma_wait3A_279, %dma_wait3A_280] : memref<4x64x128xf32, #tpu.memory_space<vmem>> -> memref<1x64x128xf32, #tpu.memory_space<vmem>>
      %dma_wait3A_282 = tpu.memref_squeeze %dma_wait3A_281 : memref<1x64x128xf32, #tpu.memory_space<vmem>> -> memref<64x128xf32, #tpu.memory_space<vmem>>
      %dma_wait3A_283 = arith.constant 0 : i32
      %dma_wait3A_284 = arith.constant 0 : i32
      %dma_wait3A_285 = tpu.memref_slice %arg2[%dma_wait3A_283, %dma_wait3A_284] : memref<10240x128xf32, #tpu.memory_space<hbm>> -> memref<64x128xf32, #tpu.memory_space<hbm>>
      %dma_wait3A_286 = arith.constant 0 : i32
      %dma_wait3A_287 = arith.constant 0 : i32
      %dma_wait3A_288 = tpu.memref_slice %arg9[%dma_wait3A_278, %dma_wait3A_286, %dma_wait3A_287] : memref<4x64x128xf32, #tpu.memory_space<vmem>> -> memref<1x64x128xf32, #tpu.memory_space<vmem>>
      %dma_wait3A_289 = tpu.memref_squeeze %dma_wait3A_288 : memref<1x64x128xf32, #tpu.memory_space<vmem>> -> memref<64x128xf32, #tpu.memory_space<vmem>>
      %dma_wait3A_290 = arith.constant 0 : i32
      %dma_wait3A_291 = arith.constant 0 : i32
      %dma_wait3A_292 = tpu.memref_slice %arg2[%dma_wait3A_290, %dma_wait3A_291] : memref<10240x128xf32, #tpu.memory_space<hbm>> -> memref<64x128xf32, #tpu.memory_space<hbm>>
      tpu.wait_dma2 semaphore(%arg13 : memref<!tpu.dma_semaphore, #tpu.memory_space<semaphore_mem>>) src(%dma_wait3A_292 : memref<64x128xf32, #tpu.memory_space<hbm>>) dst(%dma_wait3A_289 : memref<64x128xf32, #tpu.memory_space<vmem>>)
      %run_scoped3A_293 = arith.constant 2 : i32
      "tpu.region"() ({
        %run_scoped3A_328 = tpu.sem_alloc : memref<!tpu.dma_semaphore, #tpu.memory_space<semaphore_mem>>
        %dma_start3A_329 = arith.constant 0 : i32
        %dma_start3A_330 = arith.constant 0 : i32
        %dma_start3A_331 = tpu.memref_slice %arg9[%run_scoped3A_293, %dma_start3A_329, %dma_start3A_330] : memref<4x64x128xf32, #tpu.memory_space<vmem>> -> memref<1x64x128xf32, #tpu.memory_space<vmem>>
        %dma_start3A_332 = tpu.memref_squeeze %dma_start3A_331 : memref<1x64x128xf32, #tpu.memory_space<vmem>> -> memref<64x128xf32, #tpu.memory_space<vmem>>
        %dma_start3A_333 = arith.constant 0 : i32
        %dma_start3A_334 = tpu.memref_slice %arg8[%add3A_277, %dma_start3A_333] : memref<40x64xi32, #tpu.memory_space<vmem>> -> memref<1x64xi32, #tpu.memory_space<vmem>>
        %dma_start3A_335 = tpu.memref_squeeze %dma_start3A_334 : memref<1x64xi32, #tpu.memory_space<vmem>> -> memref<64xi32, #tpu.memory_space<vmem>>
        %dma_start3A_336 = arith.constant 0 : i32
        %dma_start3A_337 = arith.constant 0 : i32
        %dma_start3A_338 = tpu.memref_slice %arg10[%dma_start3A_336, %dma_start3A_337] : memref<10240x128xf32, #tpu.memory_space<vmem_shared>> -> memref<10240x128xf32, #tpu.memory_space<vmem_shared>>
        tpu.enqueue_indirect_dma source(%dma_start3A_332 : memref<64x128xf32, #tpu.memory_space<vmem>>) target(%dma_start3A_338 : memref<10240x128xf32, #tpu.memory_space<vmem_shared>>) offsets(%dma_start3A_335 : memref<64xi32, #tpu.memory_space<vmem>>) semaphore(%run_scoped3A_328 : memref<!tpu.dma_semaphore, #tpu.memory_space<semaphore_mem>>) {add = true}
        %dma_wait3A_339 = arith.constant 0 : i32
        %dma_wait3A_340 = arith.constant 0 : i32
        %dma_wait3A_341 = tpu.memref_slice %arg9[%run_scoped3A_293, %dma_wait3A_339, %dma_wait3A_340] : memref<4x64x128xf32, #tpu.memory_space<vmem>> -> memref<1x64x128xf32, #tpu.memory_space<vmem>>
        %dma_wait3A_342 = tpu.memref_squeeze %dma_wait3A_341 : memref<1x64x128xf32, #tpu.memory_space<vmem>> -> memref<64x128xf32, #tpu.memory_space<vmem>>
        %dma_wait3A_343 = arith.constant 0 : i32
        %dma_wait3A_344 = tpu.memref_slice %arg8[%add3A_277, %dma_wait3A_343] : memref<40x64xi32, #tpu.memory_space<vmem>> -> memref<1x64xi32, #tpu.memory_space<vmem>>
        %dma_wait3A_345 = tpu.memref_squeeze %dma_wait3A_344 : memref<1x64xi32, #tpu.memory_space<vmem>> -> memref<64xi32, #tpu.memory_space<vmem>>
        %dma_wait3A_346 = arith.constant 0 : i32
        %dma_wait3A_347 = arith.constant 0 : i32
        %dma_wait3A_348 = tpu.memref_slice %arg10[%dma_wait3A_346, %dma_wait3A_347] : memref<10240x128xf32, #tpu.memory_space<vmem_shared>> -> memref<10240x128xf32, #tpu.memory_space<vmem_shared>>
        tpu.wait_indirect_dma semaphore(%run_scoped3A_328 : memref<!tpu.dma_semaphore, #tpu.memory_space<semaphore_mem>>) src(%dma_wait3A_342 : memref<64x128xf32, #tpu.memory_space<vmem>>) dst(%dma_wait3A_348 : memref<10240x128xf32, #tpu.memory_space<vmem_shared>>)
        tpu.yield
      }) : () -> ()
      %add3A_294 = arith.constant 4 : i32
      %add3A_295 = arith.addi %add3A_277, %add3A_294 : i32
      %lt3A_296 = arith.constant 40 : i32
      %lt3A_297 = arith.cmpi slt, %add3A_295, %lt3A_296 : i32
      %convert_element_type3A_298 = arith.extui %lt3A_297 : i1 to i32
      %cond3A_299 = arith.constant 0 : i32
      %cond3A_300 = arith.cmpi ne, %convert_element_type3A_298, %cond3A_299 : i32
      scf.if %cond3A_300 {
        %dma_start3A_328 = arith.constant 2 : i32
        %dma_start3A_329 = arith.constant 0 : i32
        %dma_start3A_330 = arith.constant 0 : i32
        %dma_start3A_331 = tpu.memref_slice %arg9[%dma_start3A_328, %dma_start3A_329, %dma_start3A_330] : memref<4x64x128xf32, #tpu.memory_space<vmem>> -> memref<1x64x128xf32, #tpu.memory_space<vmem>>
        %dma_start3A_332 = tpu.memref_squeeze %dma_start3A_331 : memref<1x64x128xf32, #tpu.memory_space<vmem>> -> memref<64x128xf32, #tpu.memory_space<vmem>>
        %dma_start3A_333 = arith.constant 0 : i32
        %dma_start3A_334 = tpu.memref_slice %arg7[%add3A_295, %dma_start3A_333] : memref<40x64xi32, #tpu.memory_space<vmem>> -> memref<1x64xi32, #tpu.memory_space<vmem>>
        %dma_start3A_335 = tpu.memref_squeeze %dma_start3A_334 : memref<1x64xi32, #tpu.memory_space<vmem>> -> memref<64xi32, #tpu.memory_space<vmem>>
        %dma_start3A_336 = arith.constant 0 : i32
        %dma_start3A_337 = arith.constant 0 : i32
        %dma_start3A_338 = tpu.memref_slice %arg2[%dma_start3A_336, %dma_start3A_337] : memref<10240x128xf32, #tpu.memory_space<hbm>> -> memref<10240x128xf32, #tpu.memory_space<hbm>>
        tpu.enqueue_indirect_dma source(%dma_start3A_338 : memref<10240x128xf32, #tpu.memory_space<hbm>>) target(%dma_start3A_332 : memref<64x128xf32, #tpu.memory_space<vmem>>) offsets(%dma_start3A_335 : memref<64xi32, #tpu.memory_space<vmem>>) semaphore(%arg13 : memref<!tpu.dma_semaphore, #tpu.memory_space<semaphore_mem>>)
      } else {
      }
      %mul3A_301 = arith.constant 4 : i32
      %mul3A_302 = arith.muli %scan3A_224, %mul3A_301 : i32
      %add3A_303 = arith.constant 3 : i32
      %add3A_304 = arith.addi %mul3A_302, %add3A_303 : i32
      %dma_wait3A_305 = arith.constant 3 : i32
      %dma_wait3A_306 = arith.constant 0 : i32
      %dma_wait3A_307 = arith.constant 0 : i32
      %dma_wait3A_308 = tpu.memref_slice %arg9[%dma_wait3A_305, %dma_wait3A_306, %dma_wait3A_307] : memref<4x64x128xf32, #tpu.memory_space<vmem>> -> memref<1x64x128xf32, #tpu.memory_space<vmem>>
      %dma_wait3A_309 = tpu.memref_squeeze %dma_wait3A_308 : memref<1x64x128xf32, #tpu.memory_space<vmem>> -> memref<64x128xf32, #tpu.memory_space<vmem>>
      %dma_wait3A_310 = arith.constant 0 : i32
      %dma_wait3A_311 = arith.constant 0 : i32
      %dma_wait3A_312 = tpu.memref_slice %arg2[%dma_wait3A_310, %dma_wait3A_311] : memref<10240x128xf32, #tpu.memory_space<hbm>> -> memref<64x128xf32, #tpu.memory_space<hbm>>
      %dma_wait3A_313 = arith.constant 0 : i32
      %dma_wait3A_314 = arith.constant 0 : i32
      %dma_wait3A_315 = tpu.memref_slice %arg9[%dma_wait3A_305, %dma_wait3A_313, %dma_wait3A_314] : memref<4x64x128xf32, #tpu.memory_space<vmem>> -> memref<1x64x128xf32, #tpu.memory_space<vmem>>
      %dma_wait3A_316 = tpu.memref_squeeze %dma_wait3A_315 : memref<1x64x128xf32, #tpu.memory_space<vmem>> -> memref<64x128xf32, #tpu.memory_space<vmem>>
      %dma_wait3A_317 = arith.constant 0 : i32
      %dma_wait3A_318 = arith.constant 0 : i32
      %dma_wait3A_319 = tpu.memref_slice %arg2[%dma_wait3A_317, %dma_wait3A_318] : memref<10240x128xf32, #tpu.memory_space<hbm>> -> memref<64x128xf32, #tpu.memory_space<hbm>>
      tpu.wait_dma2 semaphore(%arg14 : memref<!tpu.dma_semaphore, #tpu.memory_space<semaphore_mem>>) src(%dma_wait3A_319 : memref<64x128xf32, #tpu.memory_space<hbm>>) dst(%dma_wait3A_316 : memref<64x128xf32, #tpu.memory_space<vmem>>)
      %run_scoped3A_320 = arith.constant 3 : i32
      "tpu.region"() ({
        %run_scoped3A_328 = tpu.sem_alloc : memref<!tpu.dma_semaphore, #tpu.memory_space<semaphore_mem>>
        %dma_start3A_329 = arith.constant 0 : i32
        %dma_start3A_330 = arith.constant 0 : i32
        %dma_start3A_331 = tpu.memref_slice %arg9[%run_scoped3A_320, %dma_start3A_329, %dma_start3A_330] : memref<4x64x128xf32, #tpu.memory_space<vmem>> -> memref<1x64x128xf32, #tpu.memory_space<vmem>>
        %dma_start3A_332 = tpu.memref_squeeze %dma_start3A_331 : memref<1x64x128xf32, #tpu.memory_space<vmem>> -> memref<64x128xf32, #tpu.memory_space<vmem>>
        %dma_start3A_333 = arith.constant 0 : i32
        %dma_start3A_334 = tpu.memref_slice %arg8[%add3A_304, %dma_start3A_333] : memref<40x64xi32, #tpu.memory_space<vmem>> -> memref<1x64xi32, #tpu.memory_space<vmem>>
        %dma_start3A_335 = tpu.memref_squeeze %dma_start3A_334 : memref<1x64xi32, #tpu.memory_space<vmem>> -> memref<64xi32, #tpu.memory_space<vmem>>
        %dma_start3A_336 = arith.constant 0 : i32
        %dma_start3A_337 = arith.constant 0 : i32
        %dma_start3A_338 = tpu.memref_slice %arg10[%dma_start3A_336, %dma_start3A_337] : memref<10240x128xf32, #tpu.memory_space<vmem_shared>> -> memref<10240x128xf32, #tpu.memory_space<vmem_shared>>
        tpu.enqueue_indirect_dma source(%dma_start3A_332 : memref<64x128xf32, #tpu.memory_space<vmem>>) target(%dma_start3A_338 : memref<10240x128xf32, #tpu.memory_space<vmem_shared>>) offsets(%dma_start3A_335 : memref<64xi32, #tpu.memory_space<vmem>>) semaphore(%run_scoped3A_328 : memref<!tpu.dma_semaphore, #tpu.memory_space<semaphore_mem>>) {add = true}
        %dma_wait3A_339 = arith.constant 0 : i32
        %dma_wait3A_340 = arith.constant 0 : i32
        %dma_wait3A_341 = tpu.memref_slice %arg9[%run_scoped3A_320, %dma_wait3A_339, %dma_wait3A_340] : memref<4x64x128xf32, #tpu.memory_space<vmem>> -> memref<1x64x128xf32, #tpu.memory_space<vmem>>
        %dma_wait3A_342 = tpu.memref_squeeze %dma_wait3A_341 : memref<1x64x128xf32, #tpu.memory_space<vmem>> -> memref<64x128xf32, #tpu.memory_space<vmem>>
        %dma_wait3A_343 = arith.constant 0 : i32
        %dma_wait3A_344 = tpu.memref_slice %arg8[%add3A_304, %dma_wait3A_343] : memref<40x64xi32, #tpu.memory_space<vmem>> -> memref<1x64xi32, #tpu.memory_space<vmem>>
        %dma_wait3A_345 = tpu.memref_squeeze %dma_wait3A_344 : memref<1x64xi32, #tpu.memory_space<vmem>> -> memref<64xi32, #tpu.memory_space<vmem>>
        %dma_wait3A_346 = arith.constant 0 : i32
        %dma_wait3A_347 = arith.constant 0 : i32
        %dma_wait3A_348 = tpu.memref_slice %arg10[%dma_wait3A_346, %dma_wait3A_347] : memref<10240x128xf32, #tpu.memory_space<vmem_shared>> -> memref<10240x128xf32, #tpu.memory_space<vmem_shared>>
        tpu.wait_indirect_dma semaphore(%run_scoped3A_328 : memref<!tpu.dma_semaphore, #tpu.memory_space<semaphore_mem>>) src(%dma_wait3A_342 : memref<64x128xf32, #tpu.memory_space<vmem>>) dst(%dma_wait3A_348 : memref<10240x128xf32, #tpu.memory_space<vmem_shared>>)
        tpu.yield
      }) : () -> ()
      %add3A_321 = arith.constant 4 : i32
      %add3A_322 = arith.addi %add3A_304, %add3A_321 : i32
      %lt3A_323 = arith.constant 40 : i32
      %lt3A_324 = arith.cmpi slt, %add3A_322, %lt3A_323 : i32
      %convert_element_type3A_325 = arith.extui %lt3A_324 : i1 to i32
      %cond3A_326 = arith.constant 0 : i32
      %cond3A_327 = arith.cmpi ne, %convert_element_type3A_325, %cond3A_326 : i32
      scf.if %cond3A_327 {
        %dma_start3A_328 = arith.constant 3 : i32
        %dma_start3A_329 = arith.constant 0 : i32
        %dma_start3A_330 = arith.constant 0 : i32
        %dma_start3A_331 = tpu.memref_slice %arg9[%dma_start3A_328, %dma_start3A_329, %dma_start3A_330] : memref<4x64x128xf32, #tpu.memory_space<vmem>> -> memref<1x64x128xf32, #tpu.memory_space<vmem>>
        %dma_start3A_332 = tpu.memref_squeeze %dma_start3A_331 : memref<1x64x128xf32, #tpu.memory_space<vmem>> -> memref<64x128xf32, #tpu.memory_space<vmem>>
        %dma_start3A_333 = arith.constant 0 : i32
        %dma_start3A_334 = tpu.memref_slice %arg7[%add3A_322, %dma_start3A_333] : memref<40x64xi32, #tpu.memory_space<vmem>> -> memref<1x64xi32, #tpu.memory_space<vmem>>
        %dma_start3A_335 = tpu.memref_squeeze %dma_start3A_334 : memref<1x64xi32, #tpu.memory_space<vmem>> -> memref<64xi32, #tpu.memory_space<vmem>>
        %dma_start3A_336 = arith.constant 0 : i32
        %dma_start3A_337 = arith.constant 0 : i32
        %dma_start3A_338 = tpu.memref_slice %arg2[%dma_start3A_336, %dma_start3A_337] : memref<10240x128xf32, #tpu.memory_space<hbm>> -> memref<10240x128xf32, #tpu.memory_space<hbm>>
        tpu.enqueue_indirect_dma source(%dma_start3A_338 : memref<10240x128xf32, #tpu.memory_space<hbm>>) target(%dma_start3A_332 : memref<64x128xf32, #tpu.memory_space<vmem>>) offsets(%dma_start3A_335 : memref<64xi32, #tpu.memory_space<vmem>>) semaphore(%arg14 : memref<!tpu.dma_semaphore, #tpu.memory_space<semaphore_mem>>)
      } else {
      }
    }
    %scan3A_56 = arith.constant 10 : i32
    "tpu.region"() ({
      %run_scoped3A = tpu.sem_alloc : memref<!tpu.dma_semaphore, #tpu.memory_space<semaphore_mem>>
      %dma_start3A_224 = arith.constant 40 : i32
      %dma_start3A_225 = arith.constant 0 : i32
      %dma_start3A_226 = tpu.memref_slice %arg3[%add3A, %dma_start3A_224, %dma_start3A_225] : memref<32x160x64xi32, #tpu.memory_space<hbm>> -> memref<1x40x64xi32, #tpu.memory_space<hbm>>
      %dma_start3A_227 = tpu.memref_squeeze %dma_start3A_226 : memref<1x40x64xi32, #tpu.memory_space<hbm>> -> memref<40x64xi32, #tpu.memory_space<hbm>>
      %dma_start3A_228 = arith.constant 40 : i32
      %dma_start3A_229 = arith.constant 0 : i32
      %dma_start3A_230 = tpu.memref_slice %arg3[%add3A, %dma_start3A_228, %dma_start3A_229] : memref<32x160x64xi32, #tpu.memory_space<hbm>> -> memref<1x40x64xi32, #tpu.memory_space<hbm>>
      %dma_start3A_231 = tpu.memref_squeeze %dma_start3A_230 : memref<1x40x64xi32, #tpu.memory_space<hbm>> -> memref<40x64xi32, #tpu.memory_space<hbm>>
      tpu.enqueue_dma source(%dma_start3A_231 : memref<40x64xi32, #tpu.memory_space<hbm>>) target(%arg7 : memref<40x64xi32, #tpu.memory_space<vmem>>) target_semaphore(%run_scoped3A : memref<!tpu.dma_semaphore, #tpu.memory_space<semaphore_mem>>)
      %dma_wait3A = arith.constant 40 : i32
      %dma_wait3A_232 = arith.constant 0 : i32
      %dma_wait3A_233 = tpu.memref_slice %arg3[%add3A, %dma_wait3A, %dma_wait3A_232] : memref<32x160x64xi32, #tpu.memory_space<hbm>> -> memref<1x40x64xi32, #tpu.memory_space<hbm>>
      %dma_wait3A_234 = tpu.memref_squeeze %dma_wait3A_233 : memref<1x40x64xi32, #tpu.memory_space<hbm>> -> memref<40x64xi32, #tpu.memory_space<hbm>>
      %dma_wait3A_235 = arith.constant 40 : i32
      %dma_wait3A_236 = arith.constant 0 : i32
      %dma_wait3A_237 = tpu.memref_slice %arg3[%add3A, %dma_wait3A_235, %dma_wait3A_236] : memref<32x160x64xi32, #tpu.memory_space<hbm>> -> memref<1x40x64xi32, #tpu.memory_space<hbm>>
      %dma_wait3A_238 = tpu.memref_squeeze %dma_wait3A_237 : memref<1x40x64xi32, #tpu.memory_space<hbm>> -> memref<40x64xi32, #tpu.memory_space<hbm>>
      tpu.wait_dma2 semaphore(%run_scoped3A : memref<!tpu.dma_semaphore, #tpu.memory_space<semaphore_mem>>) src(%dma_wait3A_238 : memref<40x64xi32, #tpu.memory_space<hbm>>) dst(%arg7 : memref<40x64xi32, #tpu.memory_space<vmem>>)
      tpu.yield
    }) : () -> ()
    "tpu.region"() ({
      %run_scoped3A = tpu.sem_alloc : memref<!tpu.dma_semaphore, #tpu.memory_space<semaphore_mem>>
      %dma_start3A_224 = arith.constant 40 : i32
      %dma_start3A_225 = arith.constant 0 : i32
      %dma_start3A_226 = tpu.memref_slice %arg4[%add3A, %dma_start3A_224, %dma_start3A_225] : memref<32x160x64xi32, #tpu.memory_space<hbm>> -> memref<1x40x64xi32, #tpu.memory_space<hbm>>
      %dma_start3A_227 = tpu.memref_squeeze %dma_start3A_226 : memref<1x40x64xi32, #tpu.memory_space<hbm>> -> memref<40x64xi32, #tpu.memory_space<hbm>>
      %dma_start3A_228 = arith.constant 40 : i32
      %dma_start3A_229 = arith.constant 0 : i32
      %dma_start3A_230 = tpu.memref_slice %arg4[%add3A, %dma_start3A_228, %dma_start3A_229] : memref<32x160x64xi32, #tpu.memory_space<hbm>> -> memref<1x40x64xi32, #tpu.memory_space<hbm>>
      %dma_start3A_231 = tpu.memref_squeeze %dma_start3A_230 : memref<1x40x64xi32, #tpu.memory_space<hbm>> -> memref<40x64xi32, #tpu.memory_space<hbm>>
      tpu.enqueue_dma source(%dma_start3A_231 : memref<40x64xi32, #tpu.memory_space<hbm>>) target(%arg8 : memref<40x64xi32, #tpu.memory_space<vmem>>) target_semaphore(%run_scoped3A : memref<!tpu.dma_semaphore, #tpu.memory_space<semaphore_mem>>)
      %dma_wait3A = arith.constant 40 : i32
      %dma_wait3A_232 = arith.constant 0 : i32
      %dma_wait3A_233 = tpu.memref_slice %arg4[%add3A, %dma_wait3A, %dma_wait3A_232] : memref<32x160x64xi32, #tpu.memory_space<hbm>> -> memref<1x40x64xi32, #tpu.memory_space<hbm>>
      %dma_wait3A_234 = tpu.memref_squeeze %dma_wait3A_233 : memref<1x40x64xi32, #tpu.memory_space<hbm>> -> memref<40x64xi32, #tpu.memory_space<hbm>>
      %dma_wait3A_235 = arith.constant 40 : i32
      %dma_wait3A_236 = arith.constant 0 : i32
      %dma_wait3A_237 = tpu.memref_slice %arg4[%add3A, %dma_wait3A_235, %dma_wait3A_236] : memref<32x160x64xi32, #tpu.memory_space<hbm>> -> memref<1x40x64xi32, #tpu.memory_space<hbm>>
      %dma_wait3A_238 = tpu.memref_squeeze %dma_wait3A_237 : memref<1x40x64xi32, #tpu.memory_space<hbm>> -> memref<40x64xi32, #tpu.memory_space<hbm>>
      tpu.wait_dma2 semaphore(%run_scoped3A : memref<!tpu.dma_semaphore, #tpu.memory_space<semaphore_mem>>) src(%dma_wait3A_238 : memref<40x64xi32, #tpu.memory_space<hbm>>) dst(%arg8 : memref<40x64xi32, #tpu.memory_space<vmem>>)
      tpu.yield
    }) : () -> ()
    %dma_start3A_57 = arith.constant 0 : i32
    %dma_start3A_58 = arith.constant 0 : i32
    %dma_start3A_59 = arith.constant 0 : i32
    %dma_start3A_60 = arith.constant 0 : i32
    %dma_start3A_61 = tpu.memref_slice %arg9[%dma_start3A_58, %dma_start3A_59, %dma_start3A_60] : memref<4x64x128xf32, #tpu.memory_space<vmem>> -> memref<1x64x128xf32, #tpu.memory_space<vmem>>
    %dma_start3A_62 = tpu.memref_squeeze %dma_start3A_61 : memref<1x64x128xf32, #tpu.memory_space<vmem>> -> memref<64x128xf32, #tpu.memory_space<vmem>>
    %dma_start3A_63 = arith.constant 0 : i32
    %dma_start3A_64 = tpu.memref_slice %arg7[%dma_start3A_57, %dma_start3A_63] : memref<40x64xi32, #tpu.memory_space<vmem>> -> memref<1x64xi32, #tpu.memory_space<vmem>>
    %dma_start3A_65 = tpu.memref_squeeze %dma_start3A_64 : memref<1x64xi32, #tpu.memory_space<vmem>> -> memref<64xi32, #tpu.memory_space<vmem>>
    %dma_start3A_66 = arith.constant 0 : i32
    %dma_start3A_67 = arith.constant 0 : i32
    %dma_start3A_68 = tpu.memref_slice %arg2[%dma_start3A_66, %dma_start3A_67] : memref<10240x128xf32, #tpu.memory_space<hbm>> -> memref<10240x128xf32, #tpu.memory_space<hbm>>
    tpu.enqueue_indirect_dma source(%dma_start3A_68 : memref<10240x128xf32, #tpu.memory_space<hbm>>) target(%dma_start3A_62 : memref<64x128xf32, #tpu.memory_space<vmem>>) offsets(%dma_start3A_65 : memref<64xi32, #tpu.memory_space<vmem>>) semaphore(%arg11 : memref<!tpu.dma_semaphore, #tpu.memory_space<semaphore_mem>>)
    %dma_start3A_69 = arith.constant 1 : i32
    %dma_start3A_70 = arith.constant 1 : i32
    %dma_start3A_71 = arith.constant 0 : i32
    %dma_start3A_72 = arith.constant 0 : i32
    %dma_start3A_73 = tpu.memref_slice %arg9[%dma_start3A_70, %dma_start3A_71, %dma_start3A_72] : memref<4x64x128xf32, #tpu.memory_space<vmem>> -> memref<1x64x128xf32, #tpu.memory_space<vmem>>
    %dma_start3A_74 = tpu.memref_squeeze %dma_start3A_73 : memref<1x64x128xf32, #tpu.memory_space<vmem>> -> memref<64x128xf32, #tpu.memory_space<vmem>>
    %dma_start3A_75 = arith.constant 0 : i32
    %dma_start3A_76 = tpu.memref_slice %arg7[%dma_start3A_69, %dma_start3A_75] : memref<40x64xi32, #tpu.memory_space<vmem>> -> memref<1x64xi32, #tpu.memory_space<vmem>>
    %dma_start3A_77 = tpu.memref_squeeze %dma_start3A_76 : memref<1x64xi32, #tpu.memory_space<vmem>> -> memref<64xi32, #tpu.memory_space<vmem>>
    %dma_start3A_78 = arith.constant 0 : i32
    %dma_start3A_79 = arith.constant 0 : i32
    %dma_start3A_80 = tpu.memref_slice %arg2[%dma_start3A_78, %dma_start3A_79] : memref<10240x128xf32, #tpu.memory_space<hbm>> -> memref<10240x128xf32, #tpu.memory_space<hbm>>
    tpu.enqueue_indirect_dma source(%dma_start3A_80 : memref<10240x128xf32, #tpu.memory_space<hbm>>) target(%dma_start3A_74 : memref<64x128xf32, #tpu.memory_space<vmem>>) offsets(%dma_start3A_77 : memref<64xi32, #tpu.memory_space<vmem>>) semaphore(%arg12 : memref<!tpu.dma_semaphore, #tpu.memory_space<semaphore_mem>>)
    %dma_start3A_81 = arith.constant 2 : i32
    %dma_start3A_82 = arith.constant 2 : i32
    %dma_start3A_83 = arith.constant 0 : i32
    %dma_start3A_84 = arith.constant 0 : i32
    %dma_start3A_85 = tpu.memref_slice %arg9[%dma_start3A_82, %dma_start3A_83, %dma_start3A_84] : memref<4x64x128xf32, #tpu.memory_space<vmem>> -> memref<1x64x128xf32, #tpu.memory_space<vmem>>
    %dma_start3A_86 = tpu.memref_squeeze %dma_start3A_85 : memref<1x64x128xf32, #tpu.memory_space<vmem>> -> memref<64x128xf32, #tpu.memory_space<vmem>>
    %dma_start3A_87 = arith.constant 0 : i32
    %dma_start3A_88 = tpu.memref_slice %arg7[%dma_start3A_81, %dma_start3A_87] : memref<40x64xi32, #tpu.memory_space<vmem>> -> memref<1x64xi32, #tpu.memory_space<vmem>>
    %dma_start3A_89 = tpu.memref_squeeze %dma_start3A_88 : memref<1x64xi32, #tpu.memory_space<vmem>> -> memref<64xi32, #tpu.memory_space<vmem>>
    %dma_start3A_90 = arith.constant 0 : i32
    %dma_start3A_91 = arith.constant 0 : i32
    %dma_start3A_92 = tpu.memref_slice %arg2[%dma_start3A_90, %dma_start3A_91] : memref<10240x128xf32, #tpu.memory_space<hbm>> -> memref<10240x128xf32, #tpu.memory_space<hbm>>
    tpu.enqueue_indirect_dma source(%dma_start3A_92 : memref<10240x128xf32, #tpu.memory_space<hbm>>) target(%dma_start3A_86 : memref<64x128xf32, #tpu.memory_space<vmem>>) offsets(%dma_start3A_89 : memref<64xi32, #tpu.memory_space<vmem>>) semaphore(%arg13 : memref<!tpu.dma_semaphore, #tpu.memory_space<semaphore_mem>>)
    %dma_start3A_93 = arith.constant 3 : i32
    %dma_start3A_94 = arith.constant 3 : i32
    %dma_start3A_95 = arith.constant 0 : i32
    %dma_start3A_96 = arith.constant 0 : i32
    %dma_start3A_97 = tpu.memref_slice %arg9[%dma_start3A_94, %dma_start3A_95, %dma_start3A_96] : memref<4x64x128xf32, #tpu.memory_space<vmem>> -> memref<1x64x128xf32, #tpu.memory_space<vmem>>
    %dma_start3A_98 = tpu.memref_squeeze %dma_start3A_97 : memref<1x64x128xf32, #tpu.memory_space<vmem>> -> memref<64x128xf32, #tpu.memory_space<vmem>>
    %dma_start3A_99 = arith.constant 0 : i32
    %dma_start3A_100 = tpu.memref_slice %arg7[%dma_start3A_93, %dma_start3A_99] : memref<40x64xi32, #tpu.memory_space<vmem>> -> memref<1x64xi32, #tpu.memory_space<vmem>>
    %dma_start3A_101 = tpu.memref_squeeze %dma_start3A_100 : memref<1x64xi32, #tpu.memory_space<vmem>> -> memref<64xi32, #tpu.memory_space<vmem>>
    %dma_start3A_102 = arith.constant 0 : i32
    %dma_start3A_103 = arith.constant 0 : i32
    %dma_start3A_104 = tpu.memref_slice %arg2[%dma_start3A_102, %dma_start3A_103] : memref<10240x128xf32, #tpu.memory_space<hbm>> -> memref<10240x128xf32, #tpu.memory_space<hbm>>
    tpu.enqueue_indirect_dma source(%dma_start3A_104 : memref<10240x128xf32, #tpu.memory_space<hbm>>) target(%dma_start3A_98 : memref<64x128xf32, #tpu.memory_space<vmem>>) offsets(%dma_start3A_101 : memref<64xi32, #tpu.memory_space<vmem>>) semaphore(%arg14 : memref<!tpu.dma_semaphore, #tpu.memory_space<semaphore_mem>>)
    %scan3A_105 = arith.constant 0 : i32
    %scan3A_106 = arith.constant 0 : i32
    %scan3A_107 = arith.constant 10 : i32
    %scan3A_108 = arith.addi %scan3A_106, %scan3A_107 : i32
    %scan3A_109 = arith.constant 1 : i32
    scf.for %scan3A_224 = %scan3A_106 to %scan3A_108 step %scan3A_109  : i32 {
      %mul3A_225 = arith.constant 4 : i32
      %mul3A_226 = arith.muli %scan3A_224, %mul3A_225 : i32
      %add3A_227 = arith.constant 0 : i32
      %add3A_228 = arith.addi %mul3A_226, %add3A_227 : i32
      %dma_wait3A = arith.constant 0 : i32
      %dma_wait3A_229 = arith.constant 0 : i32
      %dma_wait3A_230 = arith.constant 0 : i32
      %dma_wait3A_231 = tpu.memref_slice %arg9[%dma_wait3A, %dma_wait3A_229, %dma_wait3A_230] : memref<4x64x128xf32, #tpu.memory_space<vmem>> -> memref<1x64x128xf32, #tpu.memory_space<vmem>>
      %dma_wait3A_232 = tpu.memref_squeeze %dma_wait3A_231 : memref<1x64x128xf32, #tpu.memory_space<vmem>> -> memref<64x128xf32, #tpu.memory_space<vmem>>
      %dma_wait3A_233 = arith.constant 0 : i32
      %dma_wait3A_234 = arith.constant 0 : i32
      %dma_wait3A_235 = tpu.memref_slice %arg2[%dma_wait3A_233, %dma_wait3A_234] : memref<10240x128xf32, #tpu.memory_space<hbm>> -> memref<64x128xf32, #tpu.memory_space<hbm>>
      %dma_wait3A_236 = arith.constant 0 : i32
      %dma_wait3A_237 = arith.constant 0 : i32
      %dma_wait3A_238 = tpu.memref_slice %arg9[%dma_wait3A, %dma_wait3A_236, %dma_wait3A_237] : memref<4x64x128xf32, #tpu.memory_space<vmem>> -> memref<1x64x128xf32, #tpu.memory_space<vmem>>
      %dma_wait3A_239 = tpu.memref_squeeze %dma_wait3A_238 : memref<1x64x128xf32, #tpu.memory_space<vmem>> -> memref<64x128xf32, #tpu.memory_space<vmem>>
      %dma_wait3A_240 = arith.constant 0 : i32
      %dma_wait3A_241 = arith.constant 0 : i32
      %dma_wait3A_242 = tpu.memref_slice %arg2[%dma_wait3A_240, %dma_wait3A_241] : memref<10240x128xf32, #tpu.memory_space<hbm>> -> memref<64x128xf32, #tpu.memory_space<hbm>>
      tpu.wait_dma2 semaphore(%arg11 : memref<!tpu.dma_semaphore, #tpu.memory_space<semaphore_mem>>) src(%dma_wait3A_242 : memref<64x128xf32, #tpu.memory_space<hbm>>) dst(%dma_wait3A_239 : memref<64x128xf32, #tpu.memory_space<vmem>>)
      %run_scoped3A = arith.constant 0 : i32
      "tpu.region"() ({
        %run_scoped3A_328 = tpu.sem_alloc : memref<!tpu.dma_semaphore, #tpu.memory_space<semaphore_mem>>
        %dma_start3A_329 = arith.constant 0 : i32
        %dma_start3A_330 = arith.constant 0 : i32
        %dma_start3A_331 = tpu.memref_slice %arg9[%run_scoped3A, %dma_start3A_329, %dma_start3A_330] : memref<4x64x128xf32, #tpu.memory_space<vmem>> -> memref<1x64x128xf32, #tpu.memory_space<vmem>>
        %dma_start3A_332 = tpu.memref_squeeze %dma_start3A_331 : memref<1x64x128xf32, #tpu.memory_space<vmem>> -> memref<64x128xf32, #tpu.memory_space<vmem>>
        %dma_start3A_333 = arith.constant 0 : i32
        %dma_start3A_334 = tpu.memref_slice %arg8[%add3A_228, %dma_start3A_333] : memref<40x64xi32, #tpu.memory_space<vmem>> -> memref<1x64xi32, #tpu.memory_space<vmem>>
        %dma_start3A_335 = tpu.memref_squeeze %dma_start3A_334 : memref<1x64xi32, #tpu.memory_space<vmem>> -> memref<64xi32, #tpu.memory_space<vmem>>
        %dma_start3A_336 = arith.constant 0 : i32
        %dma_start3A_337 = arith.constant 0 : i32
        %dma_start3A_338 = tpu.memref_slice %arg10[%dma_start3A_336, %dma_start3A_337] : memref<10240x128xf32, #tpu.memory_space<vmem_shared>> -> memref<10240x128xf32, #tpu.memory_space<vmem_shared>>
        tpu.enqueue_indirect_dma source(%dma_start3A_332 : memref<64x128xf32, #tpu.memory_space<vmem>>) target(%dma_start3A_338 : memref<10240x128xf32, #tpu.memory_space<vmem_shared>>) offsets(%dma_start3A_335 : memref<64xi32, #tpu.memory_space<vmem>>) semaphore(%run_scoped3A_328 : memref<!tpu.dma_semaphore, #tpu.memory_space<semaphore_mem>>) {add = true}
        %dma_wait3A_339 = arith.constant 0 : i32
        %dma_wait3A_340 = arith.constant 0 : i32
        %dma_wait3A_341 = tpu.memref_slice %arg9[%run_scoped3A, %dma_wait3A_339, %dma_wait3A_340] : memref<4x64x128xf32, #tpu.memory_space<vmem>> -> memref<1x64x128xf32, #tpu.memory_space<vmem>>
        %dma_wait3A_342 = tpu.memref_squeeze %dma_wait3A_341 : memref<1x64x128xf32, #tpu.memory_space<vmem>> -> memref<64x128xf32, #tpu.memory_space<vmem>>
        %dma_wait3A_343 = arith.constant 0 : i32
        %dma_wait3A_344 = tpu.memref_slice %arg8[%add3A_228, %dma_wait3A_343] : memref<40x64xi32, #tpu.memory_space<vmem>> -> memref<1x64xi32, #tpu.memory_space<vmem>>
        %dma_wait3A_345 = tpu.memref_squeeze %dma_wait3A_344 : memref<1x64xi32, #tpu.memory_space<vmem>> -> memref<64xi32, #tpu.memory_space<vmem>>
        %dma_wait3A_346 = arith.constant 0 : i32
        %dma_wait3A_347 = arith.constant 0 : i32
        %dma_wait3A_348 = tpu.memref_slice %arg10[%dma_wait3A_346, %dma_wait3A_347] : memref<10240x128xf32, #tpu.memory_space<vmem_shared>> -> memref<10240x128xf32, #tpu.memory_space<vmem_shared>>
        tpu.wait_indirect_dma semaphore(%run_scoped3A_328 : memref<!tpu.dma_semaphore, #tpu.memory_space<semaphore_mem>>) src(%dma_wait3A_342 : memref<64x128xf32, #tpu.memory_space<vmem>>) dst(%dma_wait3A_348 : memref<10240x128xf32, #tpu.memory_space<vmem_shared>>)
        tpu.yield
      }) : () -> ()
      %add3A_243 = arith.constant 4 : i32
      %add3A_244 = arith.addi %add3A_228, %add3A_243 : i32
      %lt3A = arith.constant 40 : i32
      %lt3A_245 = arith.cmpi slt, %add3A_244, %lt3A : i32
      %convert_element_type3A = arith.extui %lt3A_245 : i1 to i32
      %cond3A = arith.constant 0 : i32
      %cond3A_246 = arith.cmpi ne, %convert_element_type3A, %cond3A : i32
      scf.if %cond3A_246 {
        %dma_start3A_328 = arith.constant 0 : i32
        %dma_start3A_329 = arith.constant 0 : i32
        %dma_start3A_330 = arith.constant 0 : i32
        %dma_start3A_331 = tpu.memref_slice %arg9[%dma_start3A_328, %dma_start3A_329, %dma_start3A_330] : memref<4x64x128xf32, #tpu.memory_space<vmem>> -> memref<1x64x128xf32, #tpu.memory_space<vmem>>
        %dma_start3A_332 = tpu.memref_squeeze %dma_start3A_331 : memref<1x64x128xf32, #tpu.memory_space<vmem>> -> memref<64x128xf32, #tpu.memory_space<vmem>>
        %dma_start3A_333 = arith.constant 0 : i32
        %dma_start3A_334 = tpu.memref_slice %arg7[%add3A_244, %dma_start3A_333] : memref<40x64xi32, #tpu.memory_space<vmem>> -> memref<1x64xi32, #tpu.memory_space<vmem>>
        %dma_start3A_335 = tpu.memref_squeeze %dma_start3A_334 : memref<1x64xi32, #tpu.memory_space<vmem>> -> memref<64xi32, #tpu.memory_space<vmem>>
        %dma_start3A_336 = arith.constant 0 : i32
        %dma_start3A_337 = arith.constant 0 : i32
        %dma_start3A_338 = tpu.memref_slice %arg2[%dma_start3A_336, %dma_start3A_337] : memref<10240x128xf32, #tpu.memory_space<hbm>> -> memref<10240x128xf32, #tpu.memory_space<hbm>>
        tpu.enqueue_indirect_dma source(%dma_start3A_338 : memref<10240x128xf32, #tpu.memory_space<hbm>>) target(%dma_start3A_332 : memref<64x128xf32, #tpu.memory_space<vmem>>) offsets(%dma_start3A_335 : memref<64xi32, #tpu.memory_space<vmem>>) semaphore(%arg11 : memref<!tpu.dma_semaphore, #tpu.memory_space<semaphore_mem>>)
      } else {
      }
      %mul3A_247 = arith.constant 4 : i32
      %mul3A_248 = arith.muli %scan3A_224, %mul3A_247 : i32
      %add3A_249 = arith.constant 1 : i32
      %add3A_250 = arith.addi %mul3A_248, %add3A_249 : i32
      %dma_wait3A_251 = arith.constant 1 : i32
      %dma_wait3A_252 = arith.constant 0 : i32
      %dma_wait3A_253 = arith.constant 0 : i32
      %dma_wait3A_254 = tpu.memref_slice %arg9[%dma_wait3A_251, %dma_wait3A_252, %dma_wait3A_253] : memref<4x64x128xf32, #tpu.memory_space<vmem>> -> memref<1x64x128xf32, #tpu.memory_space<vmem>>
      %dma_wait3A_255 = tpu.memref_squeeze %dma_wait3A_254 : memref<1x64x128xf32, #tpu.memory_space<vmem>> -> memref<64x128xf32, #tpu.memory_space<vmem>>
      %dma_wait3A_256 = arith.constant 0 : i32
      %dma_wait3A_257 = arith.constant 0 : i32
      %dma_wait3A_258 = tpu.memref_slice %arg2[%dma_wait3A_256, %dma_wait3A_257] : memref<10240x128xf32, #tpu.memory_space<hbm>> -> memref<64x128xf32, #tpu.memory_space<hbm>>
      %dma_wait3A_259 = arith.constant 0 : i32
      %dma_wait3A_260 = arith.constant 0 : i32
      %dma_wait3A_261 = tpu.memref_slice %arg9[%dma_wait3A_251, %dma_wait3A_259, %dma_wait3A_260] : memref<4x64x128xf32, #tpu.memory_space<vmem>> -> memref<1x64x128xf32, #tpu.memory_space<vmem>>
      %dma_wait3A_262 = tpu.memref_squeeze %dma_wait3A_261 : memref<1x64x128xf32, #tpu.memory_space<vmem>> -> memref<64x128xf32, #tpu.memory_space<vmem>>
      %dma_wait3A_263 = arith.constant 0 : i32
      %dma_wait3A_264 = arith.constant 0 : i32
      %dma_wait3A_265 = tpu.memref_slice %arg2[%dma_wait3A_263, %dma_wait3A_264] : memref<10240x128xf32, #tpu.memory_space<hbm>> -> memref<64x128xf32, #tpu.memory_space<hbm>>
      tpu.wait_dma2 semaphore(%arg12 : memref<!tpu.dma_semaphore, #tpu.memory_space<semaphore_mem>>) src(%dma_wait3A_265 : memref<64x128xf32, #tpu.memory_space<hbm>>) dst(%dma_wait3A_262 : memref<64x128xf32, #tpu.memory_space<vmem>>)
      %run_scoped3A_266 = arith.constant 1 : i32
      "tpu.region"() ({
        %run_scoped3A_328 = tpu.sem_alloc : memref<!tpu.dma_semaphore, #tpu.memory_space<semaphore_mem>>
        %dma_start3A_329 = arith.constant 0 : i32
        %dma_start3A_330 = arith.constant 0 : i32
        %dma_start3A_331 = tpu.memref_slice %arg9[%run_scoped3A_266, %dma_start3A_329, %dma_start3A_330] : memref<4x64x128xf32, #tpu.memory_space<vmem>> -> memref<1x64x128xf32, #tpu.memory_space<vmem>>
        %dma_start3A_332 = tpu.memref_squeeze %dma_start3A_331 : memref<1x64x128xf32, #tpu.memory_space<vmem>> -> memref<64x128xf32, #tpu.memory_space<vmem>>
        %dma_start3A_333 = arith.constant 0 : i32
        %dma_start3A_334 = tpu.memref_slice %arg8[%add3A_250, %dma_start3A_333] : memref<40x64xi32, #tpu.memory_space<vmem>> -> memref<1x64xi32, #tpu.memory_space<vmem>>
        %dma_start3A_335 = tpu.memref_squeeze %dma_start3A_334 : memref<1x64xi32, #tpu.memory_space<vmem>> -> memref<64xi32, #tpu.memory_space<vmem>>
        %dma_start3A_336 = arith.constant 0 : i32
        %dma_start3A_337 = arith.constant 0 : i32
        %dma_start3A_338 = tpu.memref_slice %arg10[%dma_start3A_336, %dma_start3A_337] : memref<10240x128xf32, #tpu.memory_space<vmem_shared>> -> memref<10240x128xf32, #tpu.memory_space<vmem_shared>>
        tpu.enqueue_indirect_dma source(%dma_start3A_332 : memref<64x128xf32, #tpu.memory_space<vmem>>) target(%dma_start3A_338 : memref<10240x128xf32, #tpu.memory_space<vmem_shared>>) offsets(%dma_start3A_335 : memref<64xi32, #tpu.memory_space<vmem>>) semaphore(%run_scoped3A_328 : memref<!tpu.dma_semaphore, #tpu.memory_space<semaphore_mem>>) {add = true}
        %dma_wait3A_339 = arith.constant 0 : i32
        %dma_wait3A_340 = arith.constant 0 : i32
        %dma_wait3A_341 = tpu.memref_slice %arg9[%run_scoped3A_266, %dma_wait3A_339, %dma_wait3A_340] : memref<4x64x128xf32, #tpu.memory_space<vmem>> -> memref<1x64x128xf32, #tpu.memory_space<vmem>>
        %dma_wait3A_342 = tpu.memref_squeeze %dma_wait3A_341 : memref<1x64x128xf32, #tpu.memory_space<vmem>> -> memref<64x128xf32, #tpu.memory_space<vmem>>
        %dma_wait3A_343 = arith.constant 0 : i32
        %dma_wait3A_344 = tpu.memref_slice %arg8[%add3A_250, %dma_wait3A_343] : memref<40x64xi32, #tpu.memory_space<vmem>> -> memref<1x64xi32, #tpu.memory_space<vmem>>
        %dma_wait3A_345 = tpu.memref_squeeze %dma_wait3A_344 : memref<1x64xi32, #tpu.memory_space<vmem>> -> memref<64xi32, #tpu.memory_space<vmem>>
        %dma_wait3A_346 = arith.constant 0 : i32
        %dma_wait3A_347 = arith.constant 0 : i32
        %dma_wait3A_348 = tpu.memref_slice %arg10[%dma_wait3A_346, %dma_wait3A_347] : memref<10240x128xf32, #tpu.memory_space<vmem_shared>> -> memref<10240x128xf32, #tpu.memory_space<vmem_shared>>
        tpu.wait_indirect_dma semaphore(%run_scoped3A_328 : memref<!tpu.dma_semaphore, #tpu.memory_space<semaphore_mem>>) src(%dma_wait3A_342 : memref<64x128xf32, #tpu.memory_space<vmem>>) dst(%dma_wait3A_348 : memref<10240x128xf32, #tpu.memory_space<vmem_shared>>)
        tpu.yield
      }) : () -> ()
      %add3A_267 = arith.constant 4 : i32
      %add3A_268 = arith.addi %add3A_250, %add3A_267 : i32
      %lt3A_269 = arith.constant 40 : i32
      %lt3A_270 = arith.cmpi slt, %add3A_268, %lt3A_269 : i32
      %convert_element_type3A_271 = arith.extui %lt3A_270 : i1 to i32
      %cond3A_272 = arith.constant 0 : i32
      %cond3A_273 = arith.cmpi ne, %convert_element_type3A_271, %cond3A_272 : i32
      scf.if %cond3A_273 {
        %dma_start3A_328 = arith.constant 1 : i32
        %dma_start3A_329 = arith.constant 0 : i32
        %dma_start3A_330 = arith.constant 0 : i32
        %dma_start3A_331 = tpu.memref_slice %arg9[%dma_start3A_328, %dma_start3A_329, %dma_start3A_330] : memref<4x64x128xf32, #tpu.memory_space<vmem>> -> memref<1x64x128xf32, #tpu.memory_space<vmem>>
        %dma_start3A_332 = tpu.memref_squeeze %dma_start3A_331 : memref<1x64x128xf32, #tpu.memory_space<vmem>> -> memref<64x128xf32, #tpu.memory_space<vmem>>
        %dma_start3A_333 = arith.constant 0 : i32
        %dma_start3A_334 = tpu.memref_slice %arg7[%add3A_268, %dma_start3A_333] : memref<40x64xi32, #tpu.memory_space<vmem>> -> memref<1x64xi32, #tpu.memory_space<vmem>>
        %dma_start3A_335 = tpu.memref_squeeze %dma_start3A_334 : memref<1x64xi32, #tpu.memory_space<vmem>> -> memref<64xi32, #tpu.memory_space<vmem>>
        %dma_start3A_336 = arith.constant 0 : i32
        %dma_start3A_337 = arith.constant 0 : i32
        %dma_start3A_338 = tpu.memref_slice %arg2[%dma_start3A_336, %dma_start3A_337] : memref<10240x128xf32, #tpu.memory_space<hbm>> -> memref<10240x128xf32, #tpu.memory_space<hbm>>
        tpu.enqueue_indirect_dma source(%dma_start3A_338 : memref<10240x128xf32, #tpu.memory_space<hbm>>) target(%dma_start3A_332 : memref<64x128xf32, #tpu.memory_space<vmem>>) offsets(%dma_start3A_335 : memref<64xi32, #tpu.memory_space<vmem>>) semaphore(%arg12 : memref<!tpu.dma_semaphore, #tpu.memory_space<semaphore_mem>>)
      } else {
      }
      %mul3A_274 = arith.constant 4 : i32
      %mul3A_275 = arith.muli %scan3A_224, %mul3A_274 : i32
      %add3A_276 = arith.constant 2 : i32
      %add3A_277 = arith.addi %mul3A_275, %add3A_276 : i32
      %dma_wait3A_278 = arith.constant 2 : i32
      %dma_wait3A_279 = arith.constant 0 : i32
      %dma_wait3A_280 = arith.constant 0 : i32
      %dma_wait3A_281 = tpu.memref_slice %arg9[%dma_wait3A_278, %dma_wait3A_279, %dma_wait3A_280] : memref<4x64x128xf32, #tpu.memory_space<vmem>> -> memref<1x64x128xf32, #tpu.memory_space<vmem>>
      %dma_wait3A_282 = tpu.memref_squeeze %dma_wait3A_281 : memref<1x64x128xf32, #tpu.memory_space<vmem>> -> memref<64x128xf32, #tpu.memory_space<vmem>>
      %dma_wait3A_283 = arith.constant 0 : i32
      %dma_wait3A_284 = arith.constant 0 : i32
      %dma_wait3A_285 = tpu.memref_slice %arg2[%dma_wait3A_283, %dma_wait3A_284] : memref<10240x128xf32, #tpu.memory_space<hbm>> -> memref<64x128xf32, #tpu.memory_space<hbm>>
      %dma_wait3A_286 = arith.constant 0 : i32
      %dma_wait3A_287 = arith.constant 0 : i32
      %dma_wait3A_288 = tpu.memref_slice %arg9[%dma_wait3A_278, %dma_wait3A_286, %dma_wait3A_287] : memref<4x64x128xf32, #tpu.memory_space<vmem>> -> memref<1x64x128xf32, #tpu.memory_space<vmem>>
      %dma_wait3A_289 = tpu.memref_squeeze %dma_wait3A_288 : memref<1x64x128xf32, #tpu.memory_space<vmem>> -> memref<64x128xf32, #tpu.memory_space<vmem>>
      %dma_wait3A_290 = arith.constant 0 : i32
      %dma_wait3A_291 = arith.constant 0 : i32
      %dma_wait3A_292 = tpu.memref_slice %arg2[%dma_wait3A_290, %dma_wait3A_291] : memref<10240x128xf32, #tpu.memory_space<hbm>> -> memref<64x128xf32, #tpu.memory_space<hbm>>
      tpu.wait_dma2 semaphore(%arg13 : memref<!tpu.dma_semaphore, #tpu.memory_space<semaphore_mem>>) src(%dma_wait3A_292 : memref<64x128xf32, #tpu.memory_space<hbm>>) dst(%dma_wait3A_289 : memref<64x128xf32, #tpu.memory_space<vmem>>)
      %run_scoped3A_293 = arith.constant 2 : i32
      "tpu.region"() ({
        %run_scoped3A_328 = tpu.sem_alloc : memref<!tpu.dma_semaphore, #tpu.memory_space<semaphore_mem>>
        %dma_start3A_329 = arith.constant 0 : i32
        %dma_start3A_330 = arith.constant 0 : i32
        %dma_start3A_331 = tpu.memref_slice %arg9[%run_scoped3A_293, %dma_start3A_329, %dma_start3A_330] : memref<4x64x128xf32, #tpu.memory_space<vmem>> -> memref<1x64x128xf32, #tpu.memory_space<vmem>>
        %dma_start3A_332 = tpu.memref_squeeze %dma_start3A_331 : memref<1x64x128xf32, #tpu.memory_space<vmem>> -> memref<64x128xf32, #tpu.memory_space<vmem>>
        %dma_start3A_333 = arith.constant 0 : i32
        %dma_start3A_334 = tpu.memref_slice %arg8[%add3A_277, %dma_start3A_333] : memref<40x64xi32, #tpu.memory_space<vmem>> -> memref<1x64xi32, #tpu.memory_space<vmem>>
        %dma_start3A_335 = tpu.memref_squeeze %dma_start3A_334 : memref<1x64xi32, #tpu.memory_space<vmem>> -> memref<64xi32, #tpu.memory_space<vmem>>
        %dma_start3A_336 = arith.constant 0 : i32
        %dma_start3A_337 = arith.constant 0 : i32
        %dma_start3A_338 = tpu.memref_slice %arg10[%dma_start3A_336, %dma_start3A_337] : memref<10240x128xf32, #tpu.memory_space<vmem_shared>> -> memref<10240x128xf32, #tpu.memory_space<vmem_shared>>
        tpu.enqueue_indirect_dma source(%dma_start3A_332 : memref<64x128xf32, #tpu.memory_space<vmem>>) target(%dma_start3A_338 : memref<10240x128xf32, #tpu.memory_space<vmem_shared>>) offsets(%dma_start3A_335 : memref<64xi32, #tpu.memory_space<vmem>>) semaphore(%run_scoped3A_328 : memref<!tpu.dma_semaphore, #tpu.memory_space<semaphore_mem>>) {add = true}
        %dma_wait3A_339 = arith.constant 0 : i32
        %dma_wait3A_340 = arith.constant 0 : i32
        %dma_wait3A_341 = tpu.memref_slice %arg9[%run_scoped3A_293, %dma_wait3A_339, %dma_wait3A_340] : memref<4x64x128xf32, #tpu.memory_space<vmem>> -> memref<1x64x128xf32, #tpu.memory_space<vmem>>
        %dma_wait3A_342 = tpu.memref_squeeze %dma_wait3A_341 : memref<1x64x128xf32, #tpu.memory_space<vmem>> -> memref<64x128xf32, #tpu.memory_space<vmem>>
        %dma_wait3A_343 = arith.constant 0 : i32
        %dma_wait3A_344 = tpu.memref_slice %arg8[%add3A_277, %dma_wait3A_343] : memref<40x64xi32, #tpu.memory_space<vmem>> -> memref<1x64xi32, #tpu.memory_space<vmem>>
        %dma_wait3A_345 = tpu.memref_squeeze %dma_wait3A_344 : memref<1x64xi32, #tpu.memory_space<vmem>> -> memref<64xi32, #tpu.memory_space<vmem>>
        %dma_wait3A_346 = arith.constant 0 : i32
        %dma_wait3A_347 = arith.constant 0 : i32
        %dma_wait3A_348 = tpu.memref_slice %arg10[%dma_wait3A_346, %dma_wait3A_347] : memref<10240x128xf32, #tpu.memory_space<vmem_shared>> -> memref<10240x128xf32, #tpu.memory_space<vmem_shared>>
        tpu.wait_indirect_dma semaphore(%run_scoped3A_328 : memref<!tpu.dma_semaphore, #tpu.memory_space<semaphore_mem>>) src(%dma_wait3A_342 : memref<64x128xf32, #tpu.memory_space<vmem>>) dst(%dma_wait3A_348 : memref<10240x128xf32, #tpu.memory_space<vmem_shared>>)
        tpu.yield
      }) : () -> ()
      %add3A_294 = arith.constant 4 : i32
      %add3A_295 = arith.addi %add3A_277, %add3A_294 : i32
      %lt3A_296 = arith.constant 40 : i32
      %lt3A_297 = arith.cmpi slt, %add3A_295, %lt3A_296 : i32
      %convert_element_type3A_298 = arith.extui %lt3A_297 : i1 to i32
      %cond3A_299 = arith.constant 0 : i32
      %cond3A_300 = arith.cmpi ne, %convert_element_type3A_298, %cond3A_299 : i32
      scf.if %cond3A_300 {
        %dma_start3A_328 = arith.constant 2 : i32
        %dma_start3A_329 = arith.constant 0 : i32
        %dma_start3A_330 = arith.constant 0 : i32
        %dma_start3A_331 = tpu.memref_slice %arg9[%dma_start3A_328, %dma_start3A_329, %dma_start3A_330] : memref<4x64x128xf32, #tpu.memory_space<vmem>> -> memref<1x64x128xf32, #tpu.memory_space<vmem>>
        %dma_start3A_332 = tpu.memref_squeeze %dma_start3A_331 : memref<1x64x128xf32, #tpu.memory_space<vmem>> -> memref<64x128xf32, #tpu.memory_space<vmem>>
        %dma_start3A_333 = arith.constant 0 : i32
        %dma_start3A_334 = tpu.memref_slice %arg7[%add3A_295, %dma_start3A_333] : memref<40x64xi32, #tpu.memory_space<vmem>> -> memref<1x64xi32, #tpu.memory_space<vmem>>
        %dma_start3A_335 = tpu.memref_squeeze %dma_start3A_334 : memref<1x64xi32, #tpu.memory_space<vmem>> -> memref<64xi32, #tpu.memory_space<vmem>>
        %dma_start3A_336 = arith.constant 0 : i32
        %dma_start3A_337 = arith.constant 0 : i32
        %dma_start3A_338 = tpu.memref_slice %arg2[%dma_start3A_336, %dma_start3A_337] : memref<10240x128xf32, #tpu.memory_space<hbm>> -> memref<10240x128xf32, #tpu.memory_space<hbm>>
        tpu.enqueue_indirect_dma source(%dma_start3A_338 : memref<10240x128xf32, #tpu.memory_space<hbm>>) target(%dma_start3A_332 : memref<64x128xf32, #tpu.memory_space<vmem>>) offsets(%dma_start3A_335 : memref<64xi32, #tpu.memory_space<vmem>>) semaphore(%arg13 : memref<!tpu.dma_semaphore, #tpu.memory_space<semaphore_mem>>)
      } else {
      }
      %mul3A_301 = arith.constant 4 : i32
      %mul3A_302 = arith.muli %scan3A_224, %mul3A_301 : i32
      %add3A_303 = arith.constant 3 : i32
      %add3A_304 = arith.addi %mul3A_302, %add3A_303 : i32
      %dma_wait3A_305 = arith.constant 3 : i32
      %dma_wait3A_306 = arith.constant 0 : i32
      %dma_wait3A_307 = arith.constant 0 : i32
      %dma_wait3A_308 = tpu.memref_slice %arg9[%dma_wait3A_305, %dma_wait3A_306, %dma_wait3A_307] : memref<4x64x128xf32, #tpu.memory_space<vmem>> -> memref<1x64x128xf32, #tpu.memory_space<vmem>>
      %dma_wait3A_309 = tpu.memref_squeeze %dma_wait3A_308 : memref<1x64x128xf32, #tpu.memory_space<vmem>> -> memref<64x128xf32, #tpu.memory_space<vmem>>
      %dma_wait3A_310 = arith.constant 0 : i32
      %dma_wait3A_311 = arith.constant 0 : i32
      %dma_wait3A_312 = tpu.memref_slice %arg2[%dma_wait3A_310, %dma_wait3A_311] : memref<10240x128xf32, #tpu.memory_space<hbm>> -> memref<64x128xf32, #tpu.memory_space<hbm>>
      %dma_wait3A_313 = arith.constant 0 : i32
      %dma_wait3A_314 = arith.constant 0 : i32
      %dma_wait3A_315 = tpu.memref_slice %arg9[%dma_wait3A_305, %dma_wait3A_313, %dma_wait3A_314] : memref<4x64x128xf32, #tpu.memory_space<vmem>> -> memref<1x64x128xf32, #tpu.memory_space<vmem>>
      %dma_wait3A_316 = tpu.memref_squeeze %dma_wait3A_315 : memref<1x64x128xf32, #tpu.memory_space<vmem>> -> memref<64x128xf32, #tpu.memory_space<vmem>>
      %dma_wait3A_317 = arith.constant 0 : i32
      %dma_wait3A_318 = arith.constant 0 : i32
      %dma_wait3A_319 = tpu.memref_slice %arg2[%dma_wait3A_317, %dma_wait3A_318] : memref<10240x128xf32, #tpu.memory_space<hbm>> -> memref<64x128xf32, #tpu.memory_space<hbm>>
      tpu.wait_dma2 semaphore(%arg14 : memref<!tpu.dma_semaphore, #tpu.memory_space<semaphore_mem>>) src(%dma_wait3A_319 : memref<64x128xf32, #tpu.memory_space<hbm>>) dst(%dma_wait3A_316 : memref<64x128xf32, #tpu.memory_space<vmem>>)
      %run_scoped3A_320 = arith.constant 3 : i32
      "tpu.region"() ({
        %run_scoped3A_328 = tpu.sem_alloc : memref<!tpu.dma_semaphore, #tpu.memory_space<semaphore_mem>>
        %dma_start3A_329 = arith.constant 0 : i32
        %dma_start3A_330 = arith.constant 0 : i32
        %dma_start3A_331 = tpu.memref_slice %arg9[%run_scoped3A_320, %dma_start3A_329, %dma_start3A_330] : memref<4x64x128xf32, #tpu.memory_space<vmem>> -> memref<1x64x128xf32, #tpu.memory_space<vmem>>
        %dma_start3A_332 = tpu.memref_squeeze %dma_start3A_331 : memref<1x64x128xf32, #tpu.memory_space<vmem>> -> memref<64x128xf32, #tpu.memory_space<vmem>>
        %dma_start3A_333 = arith.constant 0 : i32
        %dma_start3A_334 = tpu.memref_slice %arg8[%add3A_304, %dma_start3A_333] : memref<40x64xi32, #tpu.memory_space<vmem>> -> memref<1x64xi32, #tpu.memory_space<vmem>>
        %dma_start3A_335 = tpu.memref_squeeze %dma_start3A_334 : memref<1x64xi32, #tpu.memory_space<vmem>> -> memref<64xi32, #tpu.memory_space<vmem>>
        %dma_start3A_336 = arith.constant 0 : i32
        %dma_start3A_337 = arith.constant 0 : i32
        %dma_start3A_338 = tpu.memref_slice %arg10[%dma_start3A_336, %dma_start3A_337] : memref<10240x128xf32, #tpu.memory_space<vmem_shared>> -> memref<10240x128xf32, #tpu.memory_space<vmem_shared>>
        tpu.enqueue_indirect_dma source(%dma_start3A_332 : memref<64x128xf32, #tpu.memory_space<vmem>>) target(%dma_start3A_338 : memref<10240x128xf32, #tpu.memory_space<vmem_shared>>) offsets(%dma_start3A_335 : memref<64xi32, #tpu.memory_space<vmem>>) semaphore(%run_scoped3A_328 : memref<!tpu.dma_semaphore, #tpu.memory_space<semaphore_mem>>) {add = true}
        %dma_wait3A_339 = arith.constant 0 : i32
        %dma_wait3A_340 = arith.constant 0 : i32
        %dma_wait3A_341 = tpu.memref_slice %arg9[%run_scoped3A_320, %dma_wait3A_339, %dma_wait3A_340] : memref<4x64x128xf32, #tpu.memory_space<vmem>> -> memref<1x64x128xf32, #tpu.memory_space<vmem>>
        %dma_wait3A_342 = tpu.memref_squeeze %dma_wait3A_341 : memref<1x64x128xf32, #tpu.memory_space<vmem>> -> memref<64x128xf32, #tpu.memory_space<vmem>>
        %dma_wait3A_343 = arith.constant 0 : i32
        %dma_wait3A_344 = tpu.memref_slice %arg8[%add3A_304, %dma_wait3A_343] : memref<40x64xi32, #tpu.memory_space<vmem>> -> memref<1x64xi32, #tpu.memory_space<vmem>>
        %dma_wait3A_345 = tpu.memref_squeeze %dma_wait3A_344 : memref<1x64xi32, #tpu.memory_space<vmem>> -> memref<64xi32, #tpu.memory_space<vmem>>
        %dma_wait3A_346 = arith.constant 0 : i32
        %dma_wait3A_347 = arith.constant 0 : i32
        %dma_wait3A_348 = tpu.memref_slice %arg10[%dma_wait3A_346, %dma_wait3A_347] : memref<10240x128xf32, #tpu.memory_space<vmem_shared>> -> memref<10240x128xf32, #tpu.memory_space<vmem_shared>>
        tpu.wait_indirect_dma semaphore(%run_scoped3A_328 : memref<!tpu.dma_semaphore, #tpu.memory_space<semaphore_mem>>) src(%dma_wait3A_342 : memref<64x128xf32, #tpu.memory_space<vmem>>) dst(%dma_wait3A_348 : memref<10240x128xf32, #tpu.memory_space<vmem_shared>>)
        tpu.yield
      }) : () -> ()
      %add3A_321 = arith.constant 4 : i32
      %add3A_322 = arith.addi %add3A_304, %add3A_321 : i32
      %lt3A_323 = arith.constant 40 : i32
      %lt3A_324 = arith.cmpi slt, %add3A_322, %lt3A_323 : i32
      %convert_element_type3A_325 = arith.extui %lt3A_324 : i1 to i32
      %cond3A_326 = arith.constant 0 : i32
      %cond3A_327 = arith.cmpi ne, %convert_element_type3A_325, %cond3A_326 : i32
      scf.if %cond3A_327 {
        %dma_start3A_328 = arith.constant 3 : i32
        %dma_start3A_329 = arith.constant 0 : i32
        %dma_start3A_330 = arith.constant 0 : i32
        %dma_start3A_331 = tpu.memref_slice %arg9[%dma_start3A_328, %dma_start3A_329, %dma_start3A_330] : memref<4x64x128xf32, #tpu.memory_space<vmem>> -> memref<1x64x128xf32, #tpu.memory_space<vmem>>
        %dma_start3A_332 = tpu.memref_squeeze %dma_start3A_331 : memref<1x64x128xf32, #tpu.memory_space<vmem>> -> memref<64x128xf32, #tpu.memory_space<vmem>>
        %dma_start3A_333 = arith.constant 0 : i32
        %dma_start3A_334 = tpu.memref_slice %arg7[%add3A_322, %dma_start3A_333] : memref<40x64xi32, #tpu.memory_space<vmem>> -> memref<1x64xi32, #tpu.memory_space<vmem>>
        %dma_start3A_335 = tpu.memref_squeeze %dma_start3A_334 : memref<1x64xi32, #tpu.memory_space<vmem>> -> memref<64xi32, #tpu.memory_space<vmem>>
        %dma_start3A_336 = arith.constant 0 : i32
        %dma_start3A_337 = arith.constant 0 : i32
        %dma_start3A_338 = tpu.memref_slice %arg2[%dma_start3A_336, %dma_start3A_337] : memref<10240x128xf32, #tpu.memory_space<hbm>> -> memref<10240x128xf32, #tpu.memory_space<hbm>>
        tpu.enqueue_indirect_dma source(%dma_start3A_338 : memref<10240x128xf32, #tpu.memory_space<hbm>>) target(%dma_start3A_332 : memref<64x128xf32, #tpu.memory_space<vmem>>) offsets(%dma_start3A_335 : memref<64xi32, #tpu.memory_space<vmem>>) semaphore(%arg14 : memref<!tpu.dma_semaphore, #tpu.memory_space<semaphore_mem>>)
      } else {
      }
    }
    %scan3A_110 = arith.constant 10 : i32
    "tpu.region"() ({
      %run_scoped3A = tpu.sem_alloc : memref<!tpu.dma_semaphore, #tpu.memory_space<semaphore_mem>>
      %dma_start3A_224 = arith.constant 80 : i32
      %dma_start3A_225 = arith.constant 0 : i32
      %dma_start3A_226 = tpu.memref_slice %arg3[%add3A, %dma_start3A_224, %dma_start3A_225] : memref<32x160x64xi32, #tpu.memory_space<hbm>> -> memref<1x40x64xi32, #tpu.memory_space<hbm>>
      %dma_start3A_227 = tpu.memref_squeeze %dma_start3A_226 : memref<1x40x64xi32, #tpu.memory_space<hbm>> -> memref<40x64xi32, #tpu.memory_space<hbm>>
      %dma_start3A_228 = arith.constant 80 : i32
      %dma_start3A_229 = arith.constant 0 : i32
      %dma_start3A_230 = tpu.memref_slice %arg3[%add3A, %dma_start3A_228, %dma_start3A_229] : memref<32x160x64xi32, #tpu.memory_space<hbm>> -> memref<1x40x64xi32, #tpu.memory_space<hbm>>
      %dma_start3A_231 = tpu.memref_squeeze %dma_start3A_230 : memref<1x40x64xi32, #tpu.memory_space<hbm>> -> memref<40x64xi32, #tpu.memory_space<hbm>>
      tpu.enqueue_dma source(%dma_start3A_231 : memref<40x64xi32, #tpu.memory_space<hbm>>) target(%arg7 : memref<40x64xi32, #tpu.memory_space<vmem>>) target_semaphore(%run_scoped3A : memref<!tpu.dma_semaphore, #tpu.memory_space<semaphore_mem>>)
      %dma_wait3A = arith.constant 80 : i32
      %dma_wait3A_232 = arith.constant 0 : i32
      %dma_wait3A_233 = tpu.memref_slice %arg3[%add3A, %dma_wait3A, %dma_wait3A_232] : memref<32x160x64xi32, #tpu.memory_space<hbm>> -> memref<1x40x64xi32, #tpu.memory_space<hbm>>
      %dma_wait3A_234 = tpu.memref_squeeze %dma_wait3A_233 : memref<1x40x64xi32, #tpu.memory_space<hbm>> -> memref<40x64xi32, #tpu.memory_space<hbm>>
      %dma_wait3A_235 = arith.constant 80 : i32
      %dma_wait3A_236 = arith.constant 0 : i32
      %dma_wait3A_237 = tpu.memref_slice %arg3[%add3A, %dma_wait3A_235, %dma_wait3A_236] : memref<32x160x64xi32, #tpu.memory_space<hbm>> -> memref<1x40x64xi32, #tpu.memory_space<hbm>>
      %dma_wait3A_238 = tpu.memref_squeeze %dma_wait3A_237 : memref<1x40x64xi32, #tpu.memory_space<hbm>> -> memref<40x64xi32, #tpu.memory_space<hbm>>
      tpu.wait_dma2 semaphore(%run_scoped3A : memref<!tpu.dma_semaphore, #tpu.memory_space<semaphore_mem>>) src(%dma_wait3A_238 : memref<40x64xi32, #tpu.memory_space<hbm>>) dst(%arg7 : memref<40x64xi32, #tpu.memory_space<vmem>>)
      tpu.yield
    }) : () -> ()
    "tpu.region"() ({
      %run_scoped3A = tpu.sem_alloc : memref<!tpu.dma_semaphore, #tpu.memory_space<semaphore_mem>>
      %dma_start3A_224 = arith.constant 80 : i32
      %dma_start3A_225 = arith.constant 0 : i32
      %dma_start3A_226 = tpu.memref_slice %arg4[%add3A, %dma_start3A_224, %dma_start3A_225] : memref<32x160x64xi32, #tpu.memory_space<hbm>> -> memref<1x40x64xi32, #tpu.memory_space<hbm>>
      %dma_start3A_227 = tpu.memref_squeeze %dma_start3A_226 : memref<1x40x64xi32, #tpu.memory_space<hbm>> -> memref<40x64xi32, #tpu.memory_space<hbm>>
      %dma_start3A_228 = arith.constant 80 : i32
      %dma_start3A_229 = arith.constant 0 : i32
      %dma_start3A_230 = tpu.memref_slice %arg4[%add3A, %dma_start3A_228, %dma_start3A_229] : memref<32x160x64xi32, #tpu.memory_space<hbm>> -> memref<1x40x64xi32, #tpu.memory_space<hbm>>
      %dma_start3A_231 = tpu.memref_squeeze %dma_start3A_230 : memref<1x40x64xi32, #tpu.memory_space<hbm>> -> memref<40x64xi32, #tpu.memory_space<hbm>>
      tpu.enqueue_dma source(%dma_start3A_231 : memref<40x64xi32, #tpu.memory_space<hbm>>) target(%arg8 : memref<40x64xi32, #tpu.memory_space<vmem>>) target_semaphore(%run_scoped3A : memref<!tpu.dma_semaphore, #tpu.memory_space<semaphore_mem>>)
      %dma_wait3A = arith.constant 80 : i32
      %dma_wait3A_232 = arith.constant 0 : i32
      %dma_wait3A_233 = tpu.memref_slice %arg4[%add3A, %dma_wait3A, %dma_wait3A_232] : memref<32x160x64xi32, #tpu.memory_space<hbm>> -> memref<1x40x64xi32, #tpu.memory_space<hbm>>
      %dma_wait3A_234 = tpu.memref_squeeze %dma_wait3A_233 : memref<1x40x64xi32, #tpu.memory_space<hbm>> -> memref<40x64xi32, #tpu.memory_space<hbm>>
      %dma_wait3A_235 = arith.constant 80 : i32
      %dma_wait3A_236 = arith.constant 0 : i32
      %dma_wait3A_237 = tpu.memref_slice %arg4[%add3A, %dma_wait3A_235, %dma_wait3A_236] : memref<32x160x64xi32, #tpu.memory_space<hbm>> -> memref<1x40x64xi32, #tpu.memory_space<hbm>>
      %dma_wait3A_238 = tpu.memref_squeeze %dma_wait3A_237 : memref<1x40x64xi32, #tpu.memory_space<hbm>> -> memref<40x64xi32, #tpu.memory_space<hbm>>
      tpu.wait_dma2 semaphore(%run_scoped3A : memref<!tpu.dma_semaphore, #tpu.memory_space<semaphore_mem>>) src(%dma_wait3A_238 : memref<40x64xi32, #tpu.memory_space<hbm>>) dst(%arg8 : memref<40x64xi32, #tpu.memory_space<vmem>>)
      tpu.yield
    }) : () -> ()
    %dma_start3A_111 = arith.constant 0 : i32
    %dma_start3A_112 = arith.constant 0 : i32
    %dma_start3A_113 = arith.constant 0 : i32
    %dma_start3A_114 = arith.constant 0 : i32
    %dma_start3A_115 = tpu.memref_slice %arg9[%dma_start3A_112, %dma_start3A_113, %dma_start3A_114] : memref<4x64x128xf32, #tpu.memory_space<vmem>> -> memref<1x64x128xf32, #tpu.memory_space<vmem>>
    %dma_start3A_116 = tpu.memref_squeeze %dma_start3A_115 : memref<1x64x128xf32, #tpu.memory_space<vmem>> -> memref<64x128xf32, #tpu.memory_space<vmem>>
    %dma_start3A_117 = arith.constant 0 : i32
    %dma_start3A_118 = tpu.memref_slice %arg7[%dma_start3A_111, %dma_start3A_117] : memref<40x64xi32, #tpu.memory_space<vmem>> -> memref<1x64xi32, #tpu.memory_space<vmem>>
    %dma_start3A_119 = tpu.memref_squeeze %dma_start3A_118 : memref<1x64xi32, #tpu.memory_space<vmem>> -> memref<64xi32, #tpu.memory_space<vmem>>
    %dma_start3A_120 = arith.constant 0 : i32
    %dma_start3A_121 = arith.constant 0 : i32
    %dma_start3A_122 = tpu.memref_slice %arg2[%dma_start3A_120, %dma_start3A_121] : memref<10240x128xf32, #tpu.memory_space<hbm>> -> memref<10240x128xf32, #tpu.memory_space<hbm>>
    tpu.enqueue_indirect_dma source(%dma_start3A_122 : memref<10240x128xf32, #tpu.memory_space<hbm>>) target(%dma_start3A_116 : memref<64x128xf32, #tpu.memory_space<vmem>>) offsets(%dma_start3A_119 : memref<64xi32, #tpu.memory_space<vmem>>) semaphore(%arg11 : memref<!tpu.dma_semaphore, #tpu.memory_space<semaphore_mem>>)
    %dma_start3A_123 = arith.constant 1 : i32
    %dma_start3A_124 = arith.constant 1 : i32
    %dma_start3A_125 = arith.constant 0 : i32
    %dma_start3A_126 = arith.constant 0 : i32
    %dma_start3A_127 = tpu.memref_slice %arg9[%dma_start3A_124, %dma_start3A_125, %dma_start3A_126] : memref<4x64x128xf32, #tpu.memory_space<vmem>> -> memref<1x64x128xf32, #tpu.memory_space<vmem>>
    %dma_start3A_128 = tpu.memref_squeeze %dma_start3A_127 : memref<1x64x128xf32, #tpu.memory_space<vmem>> -> memref<64x128xf32, #tpu.memory_space<vmem>>
    %dma_start3A_129 = arith.constant 0 : i32
    %dma_start3A_130 = tpu.memref_slice %arg7[%dma_start3A_123, %dma_start3A_129] : memref<40x64xi32, #tpu.memory_space<vmem>> -> memref<1x64xi32, #tpu.memory_space<vmem>>
    %dma_start3A_131 = tpu.memref_squeeze %dma_start3A_130 : memref<1x64xi32, #tpu.memory_space<vmem>> -> memref<64xi32, #tpu.memory_space<vmem>>
    %dma_start3A_132 = arith.constant 0 : i32
    %dma_start3A_133 = arith.constant 0 : i32
    %dma_start3A_134 = tpu.memref_slice %arg2[%dma_start3A_132, %dma_start3A_133] : memref<10240x128xf32, #tpu.memory_space<hbm>> -> memref<10240x128xf32, #tpu.memory_space<hbm>>
    tpu.enqueue_indirect_dma source(%dma_start3A_134 : memref<10240x128xf32, #tpu.memory_space<hbm>>) target(%dma_start3A_128 : memref<64x128xf32, #tpu.memory_space<vmem>>) offsets(%dma_start3A_131 : memref<64xi32, #tpu.memory_space<vmem>>) semaphore(%arg12 : memref<!tpu.dma_semaphore, #tpu.memory_space<semaphore_mem>>)
    %dma_start3A_135 = arith.constant 2 : i32
    %dma_start3A_136 = arith.constant 2 : i32
    %dma_start3A_137 = arith.constant 0 : i32
    %dma_start3A_138 = arith.constant 0 : i32
    %dma_start3A_139 = tpu.memref_slice %arg9[%dma_start3A_136, %dma_start3A_137, %dma_start3A_138] : memref<4x64x128xf32, #tpu.memory_space<vmem>> -> memref<1x64x128xf32, #tpu.memory_space<vmem>>
    %dma_start3A_140 = tpu.memref_squeeze %dma_start3A_139 : memref<1x64x128xf32, #tpu.memory_space<vmem>> -> memref<64x128xf32, #tpu.memory_space<vmem>>
    %dma_start3A_141 = arith.constant 0 : i32
    %dma_start3A_142 = tpu.memref_slice %arg7[%dma_start3A_135, %dma_start3A_141] : memref<40x64xi32, #tpu.memory_space<vmem>> -> memref<1x64xi32, #tpu.memory_space<vmem>>
    %dma_start3A_143 = tpu.memref_squeeze %dma_start3A_142 : memref<1x64xi32, #tpu.memory_space<vmem>> -> memref<64xi32, #tpu.memory_space<vmem>>
    %dma_start3A_144 = arith.constant 0 : i32
    %dma_start3A_145 = arith.constant 0 : i32
    %dma_start3A_146 = tpu.memref_slice %arg2[%dma_start3A_144, %dma_start3A_145] : memref<10240x128xf32, #tpu.memory_space<hbm>> -> memref<10240x128xf32, #tpu.memory_space<hbm>>
    tpu.enqueue_indirect_dma source(%dma_start3A_146 : memref<10240x128xf32, #tpu.memory_space<hbm>>) target(%dma_start3A_140 : memref<64x128xf32, #tpu.memory_space<vmem>>) offsets(%dma_start3A_143 : memref<64xi32, #tpu.memory_space<vmem>>) semaphore(%arg13 : memref<!tpu.dma_semaphore, #tpu.memory_space<semaphore_mem>>)
    %dma_start3A_147 = arith.constant 3 : i32
    %dma_start3A_148 = arith.constant 3 : i32
    %dma_start3A_149 = arith.constant 0 : i32
    %dma_start3A_150 = arith.constant 0 : i32
    %dma_start3A_151 = tpu.memref_slice %arg9[%dma_start3A_148, %dma_start3A_149, %dma_start3A_150] : memref<4x64x128xf32, #tpu.memory_space<vmem>> -> memref<1x64x128xf32, #tpu.memory_space<vmem>>
    %dma_start3A_152 = tpu.memref_squeeze %dma_start3A_151 : memref<1x64x128xf32, #tpu.memory_space<vmem>> -> memref<64x128xf32, #tpu.memory_space<vmem>>
    %dma_start3A_153 = arith.constant 0 : i32
    %dma_start3A_154 = tpu.memref_slice %arg7[%dma_start3A_147, %dma_start3A_153] : memref<40x64xi32, #tpu.memory_space<vmem>> -> memref<1x64xi32, #tpu.memory_space<vmem>>
    %dma_start3A_155 = tpu.memref_squeeze %dma_start3A_154 : memref<1x64xi32, #tpu.memory_space<vmem>> -> memref<64xi32, #tpu.memory_space<vmem>>
    %dma_start3A_156 = arith.constant 0 : i32
    %dma_start3A_157 = arith.constant 0 : i32
    %dma_start3A_158 = tpu.memref_slice %arg2[%dma_start3A_156, %dma_start3A_157] : memref<10240x128xf32, #tpu.memory_space<hbm>> -> memref<10240x128xf32, #tpu.memory_space<hbm>>
    tpu.enqueue_indirect_dma source(%dma_start3A_158 : memref<10240x128xf32, #tpu.memory_space<hbm>>) target(%dma_start3A_152 : memref<64x128xf32, #tpu.memory_space<vmem>>) offsets(%dma_start3A_155 : memref<64xi32, #tpu.memory_space<vmem>>) semaphore(%arg14 : memref<!tpu.dma_semaphore, #tpu.memory_space<semaphore_mem>>)
    %scan3A_159 = arith.constant 0 : i32
    %scan3A_160 = arith.constant 0 : i32
    %scan3A_161 = arith.constant 10 : i32
    %scan3A_162 = arith.addi %scan3A_160, %scan3A_161 : i32
    %scan3A_163 = arith.constant 1 : i32
    scf.for %scan3A_224 = %scan3A_160 to %scan3A_162 step %scan3A_163  : i32 {
      %mul3A_225 = arith.constant 4 : i32
      %mul3A_226 = arith.muli %scan3A_224, %mul3A_225 : i32
      %add3A_227 = arith.constant 0 : i32
      %add3A_228 = arith.addi %mul3A_226, %add3A_227 : i32
      %dma_wait3A = arith.constant 0 : i32
      %dma_wait3A_229 = arith.constant 0 : i32
      %dma_wait3A_230 = arith.constant 0 : i32
      %dma_wait3A_231 = tpu.memref_slice %arg9[%dma_wait3A, %dma_wait3A_229, %dma_wait3A_230] : memref<4x64x128xf32, #tpu.memory_space<vmem>> -> memref<1x64x128xf32, #tpu.memory_space<vmem>>
      %dma_wait3A_232 = tpu.memref_squeeze %dma_wait3A_231 : memref<1x64x128xf32, #tpu.memory_space<vmem>> -> memref<64x128xf32, #tpu.memory_space<vmem>>
      %dma_wait3A_233 = arith.constant 0 : i32
      %dma_wait3A_234 = arith.constant 0 : i32
      %dma_wait3A_235 = tpu.memref_slice %arg2[%dma_wait3A_233, %dma_wait3A_234] : memref<10240x128xf32, #tpu.memory_space<hbm>> -> memref<64x128xf32, #tpu.memory_space<hbm>>
      %dma_wait3A_236 = arith.constant 0 : i32
      %dma_wait3A_237 = arith.constant 0 : i32
      %dma_wait3A_238 = tpu.memref_slice %arg9[%dma_wait3A, %dma_wait3A_236, %dma_wait3A_237] : memref<4x64x128xf32, #tpu.memory_space<vmem>> -> memref<1x64x128xf32, #tpu.memory_space<vmem>>
      %dma_wait3A_239 = tpu.memref_squeeze %dma_wait3A_238 : memref<1x64x128xf32, #tpu.memory_space<vmem>> -> memref<64x128xf32, #tpu.memory_space<vmem>>
      %dma_wait3A_240 = arith.constant 0 : i32
      %dma_wait3A_241 = arith.constant 0 : i32
      %dma_wait3A_242 = tpu.memref_slice %arg2[%dma_wait3A_240, %dma_wait3A_241] : memref<10240x128xf32, #tpu.memory_space<hbm>> -> memref<64x128xf32, #tpu.memory_space<hbm>>
      tpu.wait_dma2 semaphore(%arg11 : memref<!tpu.dma_semaphore, #tpu.memory_space<semaphore_mem>>) src(%dma_wait3A_242 : memref<64x128xf32, #tpu.memory_space<hbm>>) dst(%dma_wait3A_239 : memref<64x128xf32, #tpu.memory_space<vmem>>)
      %run_scoped3A = arith.constant 0 : i32
      "tpu.region"() ({
        %run_scoped3A_328 = tpu.sem_alloc : memref<!tpu.dma_semaphore, #tpu.memory_space<semaphore_mem>>
        %dma_start3A_329 = arith.constant 0 : i32
        %dma_start3A_330 = arith.constant 0 : i32
        %dma_start3A_331 = tpu.memref_slice %arg9[%run_scoped3A, %dma_start3A_329, %dma_start3A_330] : memref<4x64x128xf32, #tpu.memory_space<vmem>> -> memref<1x64x128xf32, #tpu.memory_space<vmem>>
        %dma_start3A_332 = tpu.memref_squeeze %dma_start3A_331 : memref<1x64x128xf32, #tpu.memory_space<vmem>> -> memref<64x128xf32, #tpu.memory_space<vmem>>
        %dma_start3A_333 = arith.constant 0 : i32
        %dma_start3A_334 = tpu.memref_slice %arg8[%add3A_228, %dma_start3A_333] : memref<40x64xi32, #tpu.memory_space<vmem>> -> memref<1x64xi32, #tpu.memory_space<vmem>>
        %dma_start3A_335 = tpu.memref_squeeze %dma_start3A_334 : memref<1x64xi32, #tpu.memory_space<vmem>> -> memref<64xi32, #tpu.memory_space<vmem>>
        %dma_start3A_336 = arith.constant 0 : i32
        %dma_start3A_337 = arith.constant 0 : i32
        %dma_start3A_338 = tpu.memref_slice %arg10[%dma_start3A_336, %dma_start3A_337] : memref<10240x128xf32, #tpu.memory_space<vmem_shared>> -> memref<10240x128xf32, #tpu.memory_space<vmem_shared>>
        tpu.enqueue_indirect_dma source(%dma_start3A_332 : memref<64x128xf32, #tpu.memory_space<vmem>>) target(%dma_start3A_338 : memref<10240x128xf32, #tpu.memory_space<vmem_shared>>) offsets(%dma_start3A_335 : memref<64xi32, #tpu.memory_space<vmem>>) semaphore(%run_scoped3A_328 : memref<!tpu.dma_semaphore, #tpu.memory_space<semaphore_mem>>) {add = true}
        %dma_wait3A_339 = arith.constant 0 : i32
        %dma_wait3A_340 = arith.constant 0 : i32
        %dma_wait3A_341 = tpu.memref_slice %arg9[%run_scoped3A, %dma_wait3A_339, %dma_wait3A_340] : memref<4x64x128xf32, #tpu.memory_space<vmem>> -> memref<1x64x128xf32, #tpu.memory_space<vmem>>
        %dma_wait3A_342 = tpu.memref_squeeze %dma_wait3A_341 : memref<1x64x128xf32, #tpu.memory_space<vmem>> -> memref<64x128xf32, #tpu.memory_space<vmem>>
        %dma_wait3A_343 = arith.constant 0 : i32
        %dma_wait3A_344 = tpu.memref_slice %arg8[%add3A_228, %dma_wait3A_343] : memref<40x64xi32, #tpu.memory_space<vmem>> -> memref<1x64xi32, #tpu.memory_space<vmem>>
        %dma_wait3A_345 = tpu.memref_squeeze %dma_wait3A_344 : memref<1x64xi32, #tpu.memory_space<vmem>> -> memref<64xi32, #tpu.memory_space<vmem>>
        %dma_wait3A_346 = arith.constant 0 : i32
        %dma_wait3A_347 = arith.constant 0 : i32
        %dma_wait3A_348 = tpu.memref_slice %arg10[%dma_wait3A_346, %dma_wait3A_347] : memref<10240x128xf32, #tpu.memory_space<vmem_shared>> -> memref<10240x128xf32, #tpu.memory_space<vmem_shared>>
        tpu.wait_indirect_dma semaphore(%run_scoped3A_328 : memref<!tpu.dma_semaphore, #tpu.memory_space<semaphore_mem>>) src(%dma_wait3A_342 : memref<64x128xf32, #tpu.memory_space<vmem>>) dst(%dma_wait3A_348 : memref<10240x128xf32, #tpu.memory_space<vmem_shared>>)
        tpu.yield
      }) : () -> ()
      %add3A_243 = arith.constant 4 : i32
      %add3A_244 = arith.addi %add3A_228, %add3A_243 : i32
      %lt3A = arith.constant 40 : i32
      %lt3A_245 = arith.cmpi slt, %add3A_244, %lt3A : i32
      %convert_element_type3A = arith.extui %lt3A_245 : i1 to i32
      %cond3A = arith.constant 0 : i32
      %cond3A_246 = arith.cmpi ne, %convert_element_type3A, %cond3A : i32
      scf.if %cond3A_246 {
        %dma_start3A_328 = arith.constant 0 : i32
        %dma_start3A_329 = arith.constant 0 : i32
        %dma_start3A_330 = arith.constant 0 : i32
        %dma_start3A_331 = tpu.memref_slice %arg9[%dma_start3A_328, %dma_start3A_329, %dma_start3A_330] : memref<4x64x128xf32, #tpu.memory_space<vmem>> -> memref<1x64x128xf32, #tpu.memory_space<vmem>>
        %dma_start3A_332 = tpu.memref_squeeze %dma_start3A_331 : memref<1x64x128xf32, #tpu.memory_space<vmem>> -> memref<64x128xf32, #tpu.memory_space<vmem>>
        %dma_start3A_333 = arith.constant 0 : i32
        %dma_start3A_334 = tpu.memref_slice %arg7[%add3A_244, %dma_start3A_333] : memref<40x64xi32, #tpu.memory_space<vmem>> -> memref<1x64xi32, #tpu.memory_space<vmem>>
        %dma_start3A_335 = tpu.memref_squeeze %dma_start3A_334 : memref<1x64xi32, #tpu.memory_space<vmem>> -> memref<64xi32, #tpu.memory_space<vmem>>
        %dma_start3A_336 = arith.constant 0 : i32
        %dma_start3A_337 = arith.constant 0 : i32
        %dma_start3A_338 = tpu.memref_slice %arg2[%dma_start3A_336, %dma_start3A_337] : memref<10240x128xf32, #tpu.memory_space<hbm>> -> memref<10240x128xf32, #tpu.memory_space<hbm>>
        tpu.enqueue_indirect_dma source(%dma_start3A_338 : memref<10240x128xf32, #tpu.memory_space<hbm>>) target(%dma_start3A_332 : memref<64x128xf32, #tpu.memory_space<vmem>>) offsets(%dma_start3A_335 : memref<64xi32, #tpu.memory_space<vmem>>) semaphore(%arg11 : memref<!tpu.dma_semaphore, #tpu.memory_space<semaphore_mem>>)
      } else {
      }
      %mul3A_247 = arith.constant 4 : i32
      %mul3A_248 = arith.muli %scan3A_224, %mul3A_247 : i32
      %add3A_249 = arith.constant 1 : i32
      %add3A_250 = arith.addi %mul3A_248, %add3A_249 : i32
      %dma_wait3A_251 = arith.constant 1 : i32
      %dma_wait3A_252 = arith.constant 0 : i32
      %dma_wait3A_253 = arith.constant 0 : i32
      %dma_wait3A_254 = tpu.memref_slice %arg9[%dma_wait3A_251, %dma_wait3A_252, %dma_wait3A_253] : memref<4x64x128xf32, #tpu.memory_space<vmem>> -> memref<1x64x128xf32, #tpu.memory_space<vmem>>
      %dma_wait3A_255 = tpu.memref_squeeze %dma_wait3A_254 : memref<1x64x128xf32, #tpu.memory_space<vmem>> -> memref<64x128xf32, #tpu.memory_space<vmem>>
      %dma_wait3A_256 = arith.constant 0 : i32
      %dma_wait3A_257 = arith.constant 0 : i32
      %dma_wait3A_258 = tpu.memref_slice %arg2[%dma_wait3A_256, %dma_wait3A_257] : memref<10240x128xf32, #tpu.memory_space<hbm>> -> memref<64x128xf32, #tpu.memory_space<hbm>>
      %dma_wait3A_259 = arith.constant 0 : i32
      %dma_wait3A_260 = arith.constant 0 : i32
      %dma_wait3A_261 = tpu.memref_slice %arg9[%dma_wait3A_251, %dma_wait3A_259, %dma_wait3A_260] : memref<4x64x128xf32, #tpu.memory_space<vmem>> -> memref<1x64x128xf32, #tpu.memory_space<vmem>>
      %dma_wait3A_262 = tpu.memref_squeeze %dma_wait3A_261 : memref<1x64x128xf32, #tpu.memory_space<vmem>> -> memref<64x128xf32, #tpu.memory_space<vmem>>
      %dma_wait3A_263 = arith.constant 0 : i32
      %dma_wait3A_264 = arith.constant 0 : i32
      %dma_wait3A_265 = tpu.memref_slice %arg2[%dma_wait3A_263, %dma_wait3A_264] : memref<10240x128xf32, #tpu.memory_space<hbm>> -> memref<64x128xf32, #tpu.memory_space<hbm>>
      tpu.wait_dma2 semaphore(%arg12 : memref<!tpu.dma_semaphore, #tpu.memory_space<semaphore_mem>>) src(%dma_wait3A_265 : memref<64x128xf32, #tpu.memory_space<hbm>>) dst(%dma_wait3A_262 : memref<64x128xf32, #tpu.memory_space<vmem>>)
      %run_scoped3A_266 = arith.constant 1 : i32
      "tpu.region"() ({
        %run_scoped3A_328 = tpu.sem_alloc : memref<!tpu.dma_semaphore, #tpu.memory_space<semaphore_mem>>
        %dma_start3A_329 = arith.constant 0 : i32
        %dma_start3A_330 = arith.constant 0 : i32
        %dma_start3A_331 = tpu.memref_slice %arg9[%run_scoped3A_266, %dma_start3A_329, %dma_start3A_330] : memref<4x64x128xf32, #tpu.memory_space<vmem>> -> memref<1x64x128xf32, #tpu.memory_space<vmem>>
        %dma_start3A_332 = tpu.memref_squeeze %dma_start3A_331 : memref<1x64x128xf32, #tpu.memory_space<vmem>> -> memref<64x128xf32, #tpu.memory_space<vmem>>
        %dma_start3A_333 = arith.constant 0 : i32
        %dma_start3A_334 = tpu.memref_slice %arg8[%add3A_250, %dma_start3A_333] : memref<40x64xi32, #tpu.memory_space<vmem>> -> memref<1x64xi32, #tpu.memory_space<vmem>>
        %dma_start3A_335 = tpu.memref_squeeze %dma_start3A_334 : memref<1x64xi32, #tpu.memory_space<vmem>> -> memref<64xi32, #tpu.memory_space<vmem>>
        %dma_start3A_336 = arith.constant 0 : i32
        %dma_start3A_337 = arith.constant 0 : i32
        %dma_start3A_338 = tpu.memref_slice %arg10[%dma_start3A_336, %dma_start3A_337] : memref<10240x128xf32, #tpu.memory_space<vmem_shared>> -> memref<10240x128xf32, #tpu.memory_space<vmem_shared>>
        tpu.enqueue_indirect_dma source(%dma_start3A_332 : memref<64x128xf32, #tpu.memory_space<vmem>>) target(%dma_start3A_338 : memref<10240x128xf32, #tpu.memory_space<vmem_shared>>) offsets(%dma_start3A_335 : memref<64xi32, #tpu.memory_space<vmem>>) semaphore(%run_scoped3A_328 : memref<!tpu.dma_semaphore, #tpu.memory_space<semaphore_mem>>) {add = true}
        %dma_wait3A_339 = arith.constant 0 : i32
        %dma_wait3A_340 = arith.constant 0 : i32
        %dma_wait3A_341 = tpu.memref_slice %arg9[%run_scoped3A_266, %dma_wait3A_339, %dma_wait3A_340] : memref<4x64x128xf32, #tpu.memory_space<vmem>> -> memref<1x64x128xf32, #tpu.memory_space<vmem>>
        %dma_wait3A_342 = tpu.memref_squeeze %dma_wait3A_341 : memref<1x64x128xf32, #tpu.memory_space<vmem>> -> memref<64x128xf32, #tpu.memory_space<vmem>>
        %dma_wait3A_343 = arith.constant 0 : i32
        %dma_wait3A_344 = tpu.memref_slice %arg8[%add3A_250, %dma_wait3A_343] : memref<40x64xi32, #tpu.memory_space<vmem>> -> memref<1x64xi32, #tpu.memory_space<vmem>>
        %dma_wait3A_345 = tpu.memref_squeeze %dma_wait3A_344 : memref<1x64xi32, #tpu.memory_space<vmem>> -> memref<64xi32, #tpu.memory_space<vmem>>
        %dma_wait3A_346 = arith.constant 0 : i32
        %dma_wait3A_347 = arith.constant 0 : i32
        %dma_wait3A_348 = tpu.memref_slice %arg10[%dma_wait3A_346, %dma_wait3A_347] : memref<10240x128xf32, #tpu.memory_space<vmem_shared>> -> memref<10240x128xf32, #tpu.memory_space<vmem_shared>>
        tpu.wait_indirect_dma semaphore(%run_scoped3A_328 : memref<!tpu.dma_semaphore, #tpu.memory_space<semaphore_mem>>) src(%dma_wait3A_342 : memref<64x128xf32, #tpu.memory_space<vmem>>) dst(%dma_wait3A_348 : memref<10240x128xf32, #tpu.memory_space<vmem_shared>>)
        tpu.yield
      }) : () -> ()
      %add3A_267 = arith.constant 4 : i32
      %add3A_268 = arith.addi %add3A_250, %add3A_267 : i32
      %lt3A_269 = arith.constant 40 : i32
      %lt3A_270 = arith.cmpi slt, %add3A_268, %lt3A_269 : i32
      %convert_element_type3A_271 = arith.extui %lt3A_270 : i1 to i32
      %cond3A_272 = arith.constant 0 : i32
      %cond3A_273 = arith.cmpi ne, %convert_element_type3A_271, %cond3A_272 : i32
      scf.if %cond3A_273 {
        %dma_start3A_328 = arith.constant 1 : i32
        %dma_start3A_329 = arith.constant 0 : i32
        %dma_start3A_330 = arith.constant 0 : i32
        %dma_start3A_331 = tpu.memref_slice %arg9[%dma_start3A_328, %dma_start3A_329, %dma_start3A_330] : memref<4x64x128xf32, #tpu.memory_space<vmem>> -> memref<1x64x128xf32, #tpu.memory_space<vmem>>
        %dma_start3A_332 = tpu.memref_squeeze %dma_start3A_331 : memref<1x64x128xf32, #tpu.memory_space<vmem>> -> memref<64x128xf32, #tpu.memory_space<vmem>>
        %dma_start3A_333 = arith.constant 0 : i32
        %dma_start3A_334 = tpu.memref_slice %arg7[%add3A_268, %dma_start3A_333] : memref<40x64xi32, #tpu.memory_space<vmem>> -> memref<1x64xi32, #tpu.memory_space<vmem>>
        %dma_start3A_335 = tpu.memref_squeeze %dma_start3A_334 : memref<1x64xi32, #tpu.memory_space<vmem>> -> memref<64xi32, #tpu.memory_space<vmem>>
        %dma_start3A_336 = arith.constant 0 : i32
        %dma_start3A_337 = arith.constant 0 : i32
        %dma_start3A_338 = tpu.memref_slice %arg2[%dma_start3A_336, %dma_start3A_337] : memref<10240x128xf32, #tpu.memory_space<hbm>> -> memref<10240x128xf32, #tpu.memory_space<hbm>>
        tpu.enqueue_indirect_dma source(%dma_start3A_338 : memref<10240x128xf32, #tpu.memory_space<hbm>>) target(%dma_start3A_332 : memref<64x128xf32, #tpu.memory_space<vmem>>) offsets(%dma_start3A_335 : memref<64xi32, #tpu.memory_space<vmem>>) semaphore(%arg12 : memref<!tpu.dma_semaphore, #tpu.memory_space<semaphore_mem>>)
      } else {
      }
      %mul3A_274 = arith.constant 4 : i32
      %mul3A_275 = arith.muli %scan3A_224, %mul3A_274 : i32
      %add3A_276 = arith.constant 2 : i32
      %add3A_277 = arith.addi %mul3A_275, %add3A_276 : i32
      %dma_wait3A_278 = arith.constant 2 : i32
      %dma_wait3A_279 = arith.constant 0 : i32
      %dma_wait3A_280 = arith.constant 0 : i32
      %dma_wait3A_281 = tpu.memref_slice %arg9[%dma_wait3A_278, %dma_wait3A_279, %dma_wait3A_280] : memref<4x64x128xf32, #tpu.memory_space<vmem>> -> memref<1x64x128xf32, #tpu.memory_space<vmem>>
      %dma_wait3A_282 = tpu.memref_squeeze %dma_wait3A_281 : memref<1x64x128xf32, #tpu.memory_space<vmem>> -> memref<64x128xf32, #tpu.memory_space<vmem>>
      %dma_wait3A_283 = arith.constant 0 : i32
      %dma_wait3A_284 = arith.constant 0 : i32
      %dma_wait3A_285 = tpu.memref_slice %arg2[%dma_wait3A_283, %dma_wait3A_284] : memref<10240x128xf32, #tpu.memory_space<hbm>> -> memref<64x128xf32, #tpu.memory_space<hbm>>
      %dma_wait3A_286 = arith.constant 0 : i32
      %dma_wait3A_287 = arith.constant 0 : i32
      %dma_wait3A_288 = tpu.memref_slice %arg9[%dma_wait3A_278, %dma_wait3A_286, %dma_wait3A_287] : memref<4x64x128xf32, #tpu.memory_space<vmem>> -> memref<1x64x128xf32, #tpu.memory_space<vmem>>
      %dma_wait3A_289 = tpu.memref_squeeze %dma_wait3A_288 : memref<1x64x128xf32, #tpu.memory_space<vmem>> -> memref<64x128xf32, #tpu.memory_space<vmem>>
      %dma_wait3A_290 = arith.constant 0 : i32
      %dma_wait3A_291 = arith.constant 0 : i32
      %dma_wait3A_292 = tpu.memref_slice %arg2[%dma_wait3A_290, %dma_wait3A_291] : memref<10240x128xf32, #tpu.memory_space<hbm>> -> memref<64x128xf32, #tpu.memory_space<hbm>>
      tpu.wait_dma2 semaphore(%arg13 : memref<!tpu.dma_semaphore, #tpu.memory_space<semaphore_mem>>) src(%dma_wait3A_292 : memref<64x128xf32, #tpu.memory_space<hbm>>) dst(%dma_wait3A_289 : memref<64x128xf32, #tpu.memory_space<vmem>>)
      %run_scoped3A_293 = arith.constant 2 : i32
      "tpu.region"() ({
        %run_scoped3A_328 = tpu.sem_alloc : memref<!tpu.dma_semaphore, #tpu.memory_space<semaphore_mem>>
        %dma_start3A_329 = arith.constant 0 : i32
        %dma_start3A_330 = arith.constant 0 : i32
        %dma_start3A_331 = tpu.memref_slice %arg9[%run_scoped3A_293, %dma_start3A_329, %dma_start3A_330] : memref<4x64x128xf32, #tpu.memory_space<vmem>> -> memref<1x64x128xf32, #tpu.memory_space<vmem>>
        %dma_start3A_332 = tpu.memref_squeeze %dma_start3A_331 : memref<1x64x128xf32, #tpu.memory_space<vmem>> -> memref<64x128xf32, #tpu.memory_space<vmem>>
        %dma_start3A_333 = arith.constant 0 : i32
        %dma_start3A_334 = tpu.memref_slice %arg8[%add3A_277, %dma_start3A_333] : memref<40x64xi32, #tpu.memory_space<vmem>> -> memref<1x64xi32, #tpu.memory_space<vmem>>
        %dma_start3A_335 = tpu.memref_squeeze %dma_start3A_334 : memref<1x64xi32, #tpu.memory_space<vmem>> -> memref<64xi32, #tpu.memory_space<vmem>>
        %dma_start3A_336 = arith.constant 0 : i32
        %dma_start3A_337 = arith.constant 0 : i32
        %dma_start3A_338 = tpu.memref_slice %arg10[%dma_start3A_336, %dma_start3A_337] : memref<10240x128xf32, #tpu.memory_space<vmem_shared>> -> memref<10240x128xf32, #tpu.memory_space<vmem_shared>>
        tpu.enqueue_indirect_dma source(%dma_start3A_332 : memref<64x128xf32, #tpu.memory_space<vmem>>) target(%dma_start3A_338 : memref<10240x128xf32, #tpu.memory_space<vmem_shared>>) offsets(%dma_start3A_335 : memref<64xi32, #tpu.memory_space<vmem>>) semaphore(%run_scoped3A_328 : memref<!tpu.dma_semaphore, #tpu.memory_space<semaphore_mem>>) {add = true}
        %dma_wait3A_339 = arith.constant 0 : i32
        %dma_wait3A_340 = arith.constant 0 : i32
        %dma_wait3A_341 = tpu.memref_slice %arg9[%run_scoped3A_293, %dma_wait3A_339, %dma_wait3A_340] : memref<4x64x128xf32, #tpu.memory_space<vmem>> -> memref<1x64x128xf32, #tpu.memory_space<vmem>>
        %dma_wait3A_342 = tpu.memref_squeeze %dma_wait3A_341 : memref<1x64x128xf32, #tpu.memory_space<vmem>> -> memref<64x128xf32, #tpu.memory_space<vmem>>
        %dma_wait3A_343 = arith.constant 0 : i32
        %dma_wait3A_344 = tpu.memref_slice %arg8[%add3A_277, %dma_wait3A_343] : memref<40x64xi32, #tpu.memory_space<vmem>> -> memref<1x64xi32, #tpu.memory_space<vmem>>
        %dma_wait3A_345 = tpu.memref_squeeze %dma_wait3A_344 : memref<1x64xi32, #tpu.memory_space<vmem>> -> memref<64xi32, #tpu.memory_space<vmem>>
        %dma_wait3A_346 = arith.constant 0 : i32
        %dma_wait3A_347 = arith.constant 0 : i32
        %dma_wait3A_348 = tpu.memref_slice %arg10[%dma_wait3A_346, %dma_wait3A_347] : memref<10240x128xf32, #tpu.memory_space<vmem_shared>> -> memref<10240x128xf32, #tpu.memory_space<vmem_shared>>
        tpu.wait_indirect_dma semaphore(%run_scoped3A_328 : memref<!tpu.dma_semaphore, #tpu.memory_space<semaphore_mem>>) src(%dma_wait3A_342 : memref<64x128xf32, #tpu.memory_space<vmem>>) dst(%dma_wait3A_348 : memref<10240x128xf32, #tpu.memory_space<vmem_shared>>)
        tpu.yield
      }) : () -> ()
      %add3A_294 = arith.constant 4 : i32
      %add3A_295 = arith.addi %add3A_277, %add3A_294 : i32
      %lt3A_296 = arith.constant 40 : i32
      %lt3A_297 = arith.cmpi slt, %add3A_295, %lt3A_296 : i32
      %convert_element_type3A_298 = arith.extui %lt3A_297 : i1 to i32
      %cond3A_299 = arith.constant 0 : i32
      %cond3A_300 = arith.cmpi ne, %convert_element_type3A_298, %cond3A_299 : i32
      scf.if %cond3A_300 {
        %dma_start3A_328 = arith.constant 2 : i32
        %dma_start3A_329 = arith.constant 0 : i32
        %dma_start3A_330 = arith.constant 0 : i32
        %dma_start3A_331 = tpu.memref_slice %arg9[%dma_start3A_328, %dma_start3A_329, %dma_start3A_330] : memref<4x64x128xf32, #tpu.memory_space<vmem>> -> memref<1x64x128xf32, #tpu.memory_space<vmem>>
        %dma_start3A_332 = tpu.memref_squeeze %dma_start3A_331 : memref<1x64x128xf32, #tpu.memory_space<vmem>> -> memref<64x128xf32, #tpu.memory_space<vmem>>
        %dma_start3A_333 = arith.constant 0 : i32
        %dma_start3A_334 = tpu.memref_slice %arg7[%add3A_295, %dma_start3A_333] : memref<40x64xi32, #tpu.memory_space<vmem>> -> memref<1x64xi32, #tpu.memory_space<vmem>>
        %dma_start3A_335 = tpu.memref_squeeze %dma_start3A_334 : memref<1x64xi32, #tpu.memory_space<vmem>> -> memref<64xi32, #tpu.memory_space<vmem>>
        %dma_start3A_336 = arith.constant 0 : i32
        %dma_start3A_337 = arith.constant 0 : i32
        %dma_start3A_338 = tpu.memref_slice %arg2[%dma_start3A_336, %dma_start3A_337] : memref<10240x128xf32, #tpu.memory_space<hbm>> -> memref<10240x128xf32, #tpu.memory_space<hbm>>
        tpu.enqueue_indirect_dma source(%dma_start3A_338 : memref<10240x128xf32, #tpu.memory_space<hbm>>) target(%dma_start3A_332 : memref<64x128xf32, #tpu.memory_space<vmem>>) offsets(%dma_start3A_335 : memref<64xi32, #tpu.memory_space<vmem>>) semaphore(%arg13 : memref<!tpu.dma_semaphore, #tpu.memory_space<semaphore_mem>>)
      } else {
      }
      %mul3A_301 = arith.constant 4 : i32
      %mul3A_302 = arith.muli %scan3A_224, %mul3A_301 : i32
      %add3A_303 = arith.constant 3 : i32
      %add3A_304 = arith.addi %mul3A_302, %add3A_303 : i32
      %dma_wait3A_305 = arith.constant 3 : i32
      %dma_wait3A_306 = arith.constant 0 : i32
      %dma_wait3A_307 = arith.constant 0 : i32
      %dma_wait3A_308 = tpu.memref_slice %arg9[%dma_wait3A_305, %dma_wait3A_306, %dma_wait3A_307] : memref<4x64x128xf32, #tpu.memory_space<vmem>> -> memref<1x64x128xf32, #tpu.memory_space<vmem>>
      %dma_wait3A_309 = tpu.memref_squeeze %dma_wait3A_308 : memref<1x64x128xf32, #tpu.memory_space<vmem>> -> memref<64x128xf32, #tpu.memory_space<vmem>>
      %dma_wait3A_310 = arith.constant 0 : i32
      %dma_wait3A_311 = arith.constant 0 : i32
      %dma_wait3A_312 = tpu.memref_slice %arg2[%dma_wait3A_310, %dma_wait3A_311] : memref<10240x128xf32, #tpu.memory_space<hbm>> -> memref<64x128xf32, #tpu.memory_space<hbm>>
      %dma_wait3A_313 = arith.constant 0 : i32
      %dma_wait3A_314 = arith.constant 0 : i32
      %dma_wait3A_315 = tpu.memref_slice %arg9[%dma_wait3A_305, %dma_wait3A_313, %dma_wait3A_314] : memref<4x64x128xf32, #tpu.memory_space<vmem>> -> memref<1x64x128xf32, #tpu.memory_space<vmem>>
      %dma_wait3A_316 = tpu.memref_squeeze %dma_wait3A_315 : memref<1x64x128xf32, #tpu.memory_space<vmem>> -> memref<64x128xf32, #tpu.memory_space<vmem>>
      %dma_wait3A_317 = arith.constant 0 : i32
      %dma_wait3A_318 = arith.constant 0 : i32
      %dma_wait3A_319 = tpu.memref_slice %arg2[%dma_wait3A_317, %dma_wait3A_318] : memref<10240x128xf32, #tpu.memory_space<hbm>> -> memref<64x128xf32, #tpu.memory_space<hbm>>
      tpu.wait_dma2 semaphore(%arg14 : memref<!tpu.dma_semaphore, #tpu.memory_space<semaphore_mem>>) src(%dma_wait3A_319 : memref<64x128xf32, #tpu.memory_space<hbm>>) dst(%dma_wait3A_316 : memref<64x128xf32, #tpu.memory_space<vmem>>)
      %run_scoped3A_320 = arith.constant 3 : i32
      "tpu.region"() ({
        %run_scoped3A_328 = tpu.sem_alloc : memref<!tpu.dma_semaphore, #tpu.memory_space<semaphore_mem>>
        %dma_start3A_329 = arith.constant 0 : i32
        %dma_start3A_330 = arith.constant 0 : i32
        %dma_start3A_331 = tpu.memref_slice %arg9[%run_scoped3A_320, %dma_start3A_329, %dma_start3A_330] : memref<4x64x128xf32, #tpu.memory_space<vmem>> -> memref<1x64x128xf32, #tpu.memory_space<vmem>>
        %dma_start3A_332 = tpu.memref_squeeze %dma_start3A_331 : memref<1x64x128xf32, #tpu.memory_space<vmem>> -> memref<64x128xf32, #tpu.memory_space<vmem>>
        %dma_start3A_333 = arith.constant 0 : i32
        %dma_start3A_334 = tpu.memref_slice %arg8[%add3A_304, %dma_start3A_333] : memref<40x64xi32, #tpu.memory_space<vmem>> -> memref<1x64xi32, #tpu.memory_space<vmem>>
        %dma_start3A_335 = tpu.memref_squeeze %dma_start3A_334 : memref<1x64xi32, #tpu.memory_space<vmem>> -> memref<64xi32, #tpu.memory_space<vmem>>
        %dma_start3A_336 = arith.constant 0 : i32
        %dma_start3A_337 = arith.constant 0 : i32
        %dma_start3A_338 = tpu.memref_slice %arg10[%dma_start3A_336, %dma_start3A_337] : memref<10240x128xf32, #tpu.memory_space<vmem_shared>> -> memref<10240x128xf32, #tpu.memory_space<vmem_shared>>
        tpu.enqueue_indirect_dma source(%dma_start3A_332 : memref<64x128xf32, #tpu.memory_space<vmem>>) target(%dma_start3A_338 : memref<10240x128xf32, #tpu.memory_space<vmem_shared>>) offsets(%dma_start3A_335 : memref<64xi32, #tpu.memory_space<vmem>>) semaphore(%run_scoped3A_328 : memref<!tpu.dma_semaphore, #tpu.memory_space<semaphore_mem>>) {add = true}
        %dma_wait3A_339 = arith.constant 0 : i32
        %dma_wait3A_340 = arith.constant 0 : i32
        %dma_wait3A_341 = tpu.memref_slice %arg9[%run_scoped3A_320, %dma_wait3A_339, %dma_wait3A_340] : memref<4x64x128xf32, #tpu.memory_space<vmem>> -> memref<1x64x128xf32, #tpu.memory_space<vmem>>
        %dma_wait3A_342 = tpu.memref_squeeze %dma_wait3A_341 : memref<1x64x128xf32, #tpu.memory_space<vmem>> -> memref<64x128xf32, #tpu.memory_space<vmem>>
        %dma_wait3A_343 = arith.constant 0 : i32
        %dma_wait3A_344 = tpu.memref_slice %arg8[%add3A_304, %dma_wait3A_343] : memref<40x64xi32, #tpu.memory_space<vmem>> -> memref<1x64xi32, #tpu.memory_space<vmem>>
        %dma_wait3A_345 = tpu.memref_squeeze %dma_wait3A_344 : memref<1x64xi32, #tpu.memory_space<vmem>> -> memref<64xi32, #tpu.memory_space<vmem>>
        %dma_wait3A_346 = arith.constant 0 : i32
        %dma_wait3A_347 = arith.constant 0 : i32
        %dma_wait3A_348 = tpu.memref_slice %arg10[%dma_wait3A_346, %dma_wait3A_347] : memref<10240x128xf32, #tpu.memory_space<vmem_shared>> -> memref<10240x128xf32, #tpu.memory_space<vmem_shared>>
        tpu.wait_indirect_dma semaphore(%run_scoped3A_328 : memref<!tpu.dma_semaphore, #tpu.memory_space<semaphore_mem>>) src(%dma_wait3A_342 : memref<64x128xf32, #tpu.memory_space<vmem>>) dst(%dma_wait3A_348 : memref<10240x128xf32, #tpu.memory_space<vmem_shared>>)
        tpu.yield
      }) : () -> ()
      %add3A_321 = arith.constant 4 : i32
      %add3A_322 = arith.addi %add3A_304, %add3A_321 : i32
      %lt3A_323 = arith.constant 40 : i32
      %lt3A_324 = arith.cmpi slt, %add3A_322, %lt3A_323 : i32
      %convert_element_type3A_325 = arith.extui %lt3A_324 : i1 to i32
      %cond3A_326 = arith.constant 0 : i32
      %cond3A_327 = arith.cmpi ne, %convert_element_type3A_325, %cond3A_326 : i32
      scf.if %cond3A_327 {
        %dma_start3A_328 = arith.constant 3 : i32
        %dma_start3A_329 = arith.constant 0 : i32
        %dma_start3A_330 = arith.constant 0 : i32
        %dma_start3A_331 = tpu.memref_slice %arg9[%dma_start3A_328, %dma_start3A_329, %dma_start3A_330] : memref<4x64x128xf32, #tpu.memory_space<vmem>> -> memref<1x64x128xf32, #tpu.memory_space<vmem>>
        %dma_start3A_332 = tpu.memref_squeeze %dma_start3A_331 : memref<1x64x128xf32, #tpu.memory_space<vmem>> -> memref<64x128xf32, #tpu.memory_space<vmem>>
        %dma_start3A_333 = arith.constant 0 : i32
        %dma_start3A_334 = tpu.memref_slice %arg7[%add3A_322, %dma_start3A_333] : memref<40x64xi32, #tpu.memory_space<vmem>> -> memref<1x64xi32, #tpu.memory_space<vmem>>
        %dma_start3A_335 = tpu.memref_squeeze %dma_start3A_334 : memref<1x64xi32, #tpu.memory_space<vmem>> -> memref<64xi32, #tpu.memory_space<vmem>>
        %dma_start3A_336 = arith.constant 0 : i32
        %dma_start3A_337 = arith.constant 0 : i32
        %dma_start3A_338 = tpu.memref_slice %arg2[%dma_start3A_336, %dma_start3A_337] : memref<10240x128xf32, #tpu.memory_space<hbm>> -> memref<10240x128xf32, #tpu.memory_space<hbm>>
        tpu.enqueue_indirect_dma source(%dma_start3A_338 : memref<10240x128xf32, #tpu.memory_space<hbm>>) target(%dma_start3A_332 : memref<64x128xf32, #tpu.memory_space<vmem>>) offsets(%dma_start3A_335 : memref<64xi32, #tpu.memory_space<vmem>>) semaphore(%arg14 : memref<!tpu.dma_semaphore, #tpu.memory_space<semaphore_mem>>)
      } else {
      }
    }
    %scan3A_164 = arith.constant 10 : i32
    "tpu.region"() ({
      %run_scoped3A = tpu.sem_alloc : memref<!tpu.dma_semaphore, #tpu.memory_space<semaphore_mem>>
      %dma_start3A_224 = arith.constant 120 : i32
      %dma_start3A_225 = arith.constant 0 : i32
      %dma_start3A_226 = tpu.memref_slice %arg3[%add3A, %dma_start3A_224, %dma_start3A_225] : memref<32x160x64xi32, #tpu.memory_space<hbm>> -> memref<1x40x64xi32, #tpu.memory_space<hbm>>
      %dma_start3A_227 = tpu.memref_squeeze %dma_start3A_226 : memref<1x40x64xi32, #tpu.memory_space<hbm>> -> memref<40x64xi32, #tpu.memory_space<hbm>>
      %dma_start3A_228 = arith.constant 120 : i32
      %dma_start3A_229 = arith.constant 0 : i32
      %dma_start3A_230 = tpu.memref_slice %arg3[%add3A, %dma_start3A_228, %dma_start3A_229] : memref<32x160x64xi32, #tpu.memory_space<hbm>> -> memref<1x40x64xi32, #tpu.memory_space<hbm>>
      %dma_start3A_231 = tpu.memref_squeeze %dma_start3A_230 : memref<1x40x64xi32, #tpu.memory_space<hbm>> -> memref<40x64xi32, #tpu.memory_space<hbm>>
      tpu.enqueue_dma source(%dma_start3A_231 : memref<40x64xi32, #tpu.memory_space<hbm>>) target(%arg7 : memref<40x64xi32, #tpu.memory_space<vmem>>) target_semaphore(%run_scoped3A : memref<!tpu.dma_semaphore, #tpu.memory_space<semaphore_mem>>)
      %dma_wait3A = arith.constant 120 : i32
      %dma_wait3A_232 = arith.constant 0 : i32
      %dma_wait3A_233 = tpu.memref_slice %arg3[%add3A, %dma_wait3A, %dma_wait3A_232] : memref<32x160x64xi32, #tpu.memory_space<hbm>> -> memref<1x40x64xi32, #tpu.memory_space<hbm>>
      %dma_wait3A_234 = tpu.memref_squeeze %dma_wait3A_233 : memref<1x40x64xi32, #tpu.memory_space<hbm>> -> memref<40x64xi32, #tpu.memory_space<hbm>>
      %dma_wait3A_235 = arith.constant 120 : i32
      %dma_wait3A_236 = arith.constant 0 : i32
      %dma_wait3A_237 = tpu.memref_slice %arg3[%add3A, %dma_wait3A_235, %dma_wait3A_236] : memref<32x160x64xi32, #tpu.memory_space<hbm>> -> memref<1x40x64xi32, #tpu.memory_space<hbm>>
      %dma_wait3A_238 = tpu.memref_squeeze %dma_wait3A_237 : memref<1x40x64xi32, #tpu.memory_space<hbm>> -> memref<40x64xi32, #tpu.memory_space<hbm>>
      tpu.wait_dma2 semaphore(%run_scoped3A : memref<!tpu.dma_semaphore, #tpu.memory_space<semaphore_mem>>) src(%dma_wait3A_238 : memref<40x64xi32, #tpu.memory_space<hbm>>) dst(%arg7 : memref<40x64xi32, #tpu.memory_space<vmem>>)
      tpu.yield
    }) : () -> ()
    "tpu.region"() ({
      %run_scoped3A = tpu.sem_alloc : memref<!tpu.dma_semaphore, #tpu.memory_space<semaphore_mem>>
      %dma_start3A_224 = arith.constant 120 : i32
      %dma_start3A_225 = arith.constant 0 : i32
      %dma_start3A_226 = tpu.memref_slice %arg4[%add3A, %dma_start3A_224, %dma_start3A_225] : memref<32x160x64xi32, #tpu.memory_space<hbm>> -> memref<1x40x64xi32, #tpu.memory_space<hbm>>
      %dma_start3A_227 = tpu.memref_squeeze %dma_start3A_226 : memref<1x40x64xi32, #tpu.memory_space<hbm>> -> memref<40x64xi32, #tpu.memory_space<hbm>>
      %dma_start3A_228 = arith.constant 120 : i32
      %dma_start3A_229 = arith.constant 0 : i32
      %dma_start3A_230 = tpu.memref_slice %arg4[%add3A, %dma_start3A_228, %dma_start3A_229] : memref<32x160x64xi32, #tpu.memory_space<hbm>> -> memref<1x40x64xi32, #tpu.memory_space<hbm>>
      %dma_start3A_231 = tpu.memref_squeeze %dma_start3A_230 : memref<1x40x64xi32, #tpu.memory_space<hbm>> -> memref<40x64xi32, #tpu.memory_space<hbm>>
      tpu.enqueue_dma source(%dma_start3A_231 : memref<40x64xi32, #tpu.memory_space<hbm>>) target(%arg8 : memref<40x64xi32, #tpu.memory_space<vmem>>) target_semaphore(%run_scoped3A : memref<!tpu.dma_semaphore, #tpu.memory_space<semaphore_mem>>)
      %dma_wait3A = arith.constant 120 : i32
      %dma_wait3A_232 = arith.constant 0 : i32
      %dma_wait3A_233 = tpu.memref_slice %arg4[%add3A, %dma_wait3A, %dma_wait3A_232] : memref<32x160x64xi32, #tpu.memory_space<hbm>> -> memref<1x40x64xi32, #tpu.memory_space<hbm>>
      %dma_wait3A_234 = tpu.memref_squeeze %dma_wait3A_233 : memref<1x40x64xi32, #tpu.memory_space<hbm>> -> memref<40x64xi32, #tpu.memory_space<hbm>>
      %dma_wait3A_235 = arith.constant 120 : i32
      %dma_wait3A_236 = arith.constant 0 : i32
      %dma_wait3A_237 = tpu.memref_slice %arg4[%add3A, %dma_wait3A_235, %dma_wait3A_236] : memref<32x160x64xi32, #tpu.memory_space<hbm>> -> memref<1x40x64xi32, #tpu.memory_space<hbm>>
      %dma_wait3A_238 = tpu.memref_squeeze %dma_wait3A_237 : memref<1x40x64xi32, #tpu.memory_space<hbm>> -> memref<40x64xi32, #tpu.memory_space<hbm>>
      tpu.wait_dma2 semaphore(%run_scoped3A : memref<!tpu.dma_semaphore, #tpu.memory_space<semaphore_mem>>) src(%dma_wait3A_238 : memref<40x64xi32, #tpu.memory_space<hbm>>) dst(%arg8 : memref<40x64xi32, #tpu.memory_space<vmem>>)
      tpu.yield
    }) : () -> ()
    %dma_start3A_165 = arith.constant 0 : i32
    %dma_start3A_166 = arith.constant 0 : i32
    %dma_start3A_167 = arith.constant 0 : i32
    %dma_start3A_168 = arith.constant 0 : i32
    %dma_start3A_169 = tpu.memref_slice %arg9[%dma_start3A_166, %dma_start3A_167, %dma_start3A_168] : memref<4x64x128xf32, #tpu.memory_space<vmem>> -> memref<1x64x128xf32, #tpu.memory_space<vmem>>
    %dma_start3A_170 = tpu.memref_squeeze %dma_start3A_169 : memref<1x64x128xf32, #tpu.memory_space<vmem>> -> memref<64x128xf32, #tpu.memory_space<vmem>>
    %dma_start3A_171 = arith.constant 0 : i32
    %dma_start3A_172 = tpu.memref_slice %arg7[%dma_start3A_165, %dma_start3A_171] : memref<40x64xi32, #tpu.memory_space<vmem>> -> memref<1x64xi32, #tpu.memory_space<vmem>>
    %dma_start3A_173 = tpu.memref_squeeze %dma_start3A_172 : memref<1x64xi32, #tpu.memory_space<vmem>> -> memref<64xi32, #tpu.memory_space<vmem>>
    %dma_start3A_174 = arith.constant 0 : i32
    %dma_start3A_175 = arith.constant 0 : i32
    %dma_start3A_176 = tpu.memref_slice %arg2[%dma_start3A_174, %dma_start3A_175] : memref<10240x128xf32, #tpu.memory_space<hbm>> -> memref<10240x128xf32, #tpu.memory_space<hbm>>
    tpu.enqueue_indirect_dma source(%dma_start3A_176 : memref<10240x128xf32, #tpu.memory_space<hbm>>) target(%dma_start3A_170 : memref<64x128xf32, #tpu.memory_space<vmem>>) offsets(%dma_start3A_173 : memref<64xi32, #tpu.memory_space<vmem>>) semaphore(%arg11 : memref<!tpu.dma_semaphore, #tpu.memory_space<semaphore_mem>>)
    %dma_start3A_177 = arith.constant 1 : i32
    %dma_start3A_178 = arith.constant 1 : i32
    %dma_start3A_179 = arith.constant 0 : i32
    %dma_start3A_180 = arith.constant 0 : i32
    %dma_start3A_181 = tpu.memref_slice %arg9[%dma_start3A_178, %dma_start3A_179, %dma_start3A_180] : memref<4x64x128xf32, #tpu.memory_space<vmem>> -> memref<1x64x128xf32, #tpu.memory_space<vmem>>
    %dma_start3A_182 = tpu.memref_squeeze %dma_start3A_181 : memref<1x64x128xf32, #tpu.memory_space<vmem>> -> memref<64x128xf32, #tpu.memory_space<vmem>>
    %dma_start3A_183 = arith.constant 0 : i32
    %dma_start3A_184 = tpu.memref_slice %arg7[%dma_start3A_177, %dma_start3A_183] : memref<40x64xi32, #tpu.memory_space<vmem>> -> memref<1x64xi32, #tpu.memory_space<vmem>>
    %dma_start3A_185 = tpu.memref_squeeze %dma_start3A_184 : memref<1x64xi32, #tpu.memory_space<vmem>> -> memref<64xi32, #tpu.memory_space<vmem>>
    %dma_start3A_186 = arith.constant 0 : i32
    %dma_start3A_187 = arith.constant 0 : i32
    %dma_start3A_188 = tpu.memref_slice %arg2[%dma_start3A_186, %dma_start3A_187] : memref<10240x128xf32, #tpu.memory_space<hbm>> -> memref<10240x128xf32, #tpu.memory_space<hbm>>
    tpu.enqueue_indirect_dma source(%dma_start3A_188 : memref<10240x128xf32, #tpu.memory_space<hbm>>) target(%dma_start3A_182 : memref<64x128xf32, #tpu.memory_space<vmem>>) offsets(%dma_start3A_185 : memref<64xi32, #tpu.memory_space<vmem>>) semaphore(%arg12 : memref<!tpu.dma_semaphore, #tpu.memory_space<semaphore_mem>>)
    %dma_start3A_189 = arith.constant 2 : i32
    %dma_start3A_190 = arith.constant 2 : i32
    %dma_start3A_191 = arith.constant 0 : i32
    %dma_start3A_192 = arith.constant 0 : i32
    %dma_start3A_193 = tpu.memref_slice %arg9[%dma_start3A_190, %dma_start3A_191, %dma_start3A_192] : memref<4x64x128xf32, #tpu.memory_space<vmem>> -> memref<1x64x128xf32, #tpu.memory_space<vmem>>
    %dma_start3A_194 = tpu.memref_squeeze %dma_start3A_193 : memref<1x64x128xf32, #tpu.memory_space<vmem>> -> memref<64x128xf32, #tpu.memory_space<vmem>>
    %dma_start3A_195 = arith.constant 0 : i32
    %dma_start3A_196 = tpu.memref_slice %arg7[%dma_start3A_189, %dma_start3A_195] : memref<40x64xi32, #tpu.memory_space<vmem>> -> memref<1x64xi32, #tpu.memory_space<vmem>>
    %dma_start3A_197 = tpu.memref_squeeze %dma_start3A_196 : memref<1x64xi32, #tpu.memory_space<vmem>> -> memref<64xi32, #tpu.memory_space<vmem>>
    %dma_start3A_198 = arith.constant 0 : i32
    %dma_start3A_199 = arith.constant 0 : i32
    %dma_start3A_200 = tpu.memref_slice %arg2[%dma_start3A_198, %dma_start3A_199] : memref<10240x128xf32, #tpu.memory_space<hbm>> -> memref<10240x128xf32, #tpu.memory_space<hbm>>
    tpu.enqueue_indirect_dma source(%dma_start3A_200 : memref<10240x128xf32, #tpu.memory_space<hbm>>) target(%dma_start3A_194 : memref<64x128xf32, #tpu.memory_space<vmem>>) offsets(%dma_start3A_197 : memref<64xi32, #tpu.memory_space<vmem>>) semaphore(%arg13 : memref<!tpu.dma_semaphore, #tpu.memory_space<semaphore_mem>>)
    %dma_start3A_201 = arith.constant 3 : i32
    %dma_start3A_202 = arith.constant 3 : i32
    %dma_start3A_203 = arith.constant 0 : i32
    %dma_start3A_204 = arith.constant 0 : i32
    %dma_start3A_205 = tpu.memref_slice %arg9[%dma_start3A_202, %dma_start3A_203, %dma_start3A_204] : memref<4x64x128xf32, #tpu.memory_space<vmem>> -> memref<1x64x128xf32, #tpu.memory_space<vmem>>
    %dma_start3A_206 = tpu.memref_squeeze %dma_start3A_205 : memref<1x64x128xf32, #tpu.memory_space<vmem>> -> memref<64x128xf32, #tpu.memory_space<vmem>>
    %dma_start3A_207 = arith.constant 0 : i32
    %dma_start3A_208 = tpu.memref_slice %arg7[%dma_start3A_201, %dma_start3A_207] : memref<40x64xi32, #tpu.memory_space<vmem>> -> memref<1x64xi32, #tpu.memory_space<vmem>>
    %dma_start3A_209 = tpu.memref_squeeze %dma_start3A_208 : memref<1x64xi32, #tpu.memory_space<vmem>> -> memref<64xi32, #tpu.memory_space<vmem>>
    %dma_start3A_210 = arith.constant 0 : i32
    %dma_start3A_211 = arith.constant 0 : i32
    %dma_start3A_212 = tpu.memref_slice %arg2[%dma_start3A_210, %dma_start3A_211] : memref<10240x128xf32, #tpu.memory_space<hbm>> -> memref<10240x128xf32, #tpu.memory_space<hbm>>
    tpu.enqueue_indirect_dma source(%dma_start3A_212 : memref<10240x128xf32, #tpu.memory_space<hbm>>) target(%dma_start3A_206 : memref<64x128xf32, #tpu.memory_space<vmem>>) offsets(%dma_start3A_209 : memref<64xi32, #tpu.memory_space<vmem>>) semaphore(%arg14 : memref<!tpu.dma_semaphore, #tpu.memory_space<semaphore_mem>>)
    %scan3A_213 = arith.constant 0 : i32
    %scan3A_214 = arith.constant 0 : i32
    %scan3A_215 = arith.constant 10 : i32
    %scan3A_216 = arith.addi %scan3A_214, %scan3A_215 : i32
    %scan3A_217 = arith.constant 1 : i32
    scf.for %scan3A_224 = %scan3A_214 to %scan3A_216 step %scan3A_217  : i32 {
      %mul3A_225 = arith.constant 4 : i32
      %mul3A_226 = arith.muli %scan3A_224, %mul3A_225 : i32
      %add3A_227 = arith.constant 0 : i32
      %add3A_228 = arith.addi %mul3A_226, %add3A_227 : i32
      %dma_wait3A = arith.constant 0 : i32
      %dma_wait3A_229 = arith.constant 0 : i32
      %dma_wait3A_230 = arith.constant 0 : i32
      %dma_wait3A_231 = tpu.memref_slice %arg9[%dma_wait3A, %dma_wait3A_229, %dma_wait3A_230] : memref<4x64x128xf32, #tpu.memory_space<vmem>> -> memref<1x64x128xf32, #tpu.memory_space<vmem>>
      %dma_wait3A_232 = tpu.memref_squeeze %dma_wait3A_231 : memref<1x64x128xf32, #tpu.memory_space<vmem>> -> memref<64x128xf32, #tpu.memory_space<vmem>>
      %dma_wait3A_233 = arith.constant 0 : i32
      %dma_wait3A_234 = arith.constant 0 : i32
      %dma_wait3A_235 = tpu.memref_slice %arg2[%dma_wait3A_233, %dma_wait3A_234] : memref<10240x128xf32, #tpu.memory_space<hbm>> -> memref<64x128xf32, #tpu.memory_space<hbm>>
      %dma_wait3A_236 = arith.constant 0 : i32
      %dma_wait3A_237 = arith.constant 0 : i32
      %dma_wait3A_238 = tpu.memref_slice %arg9[%dma_wait3A, %dma_wait3A_236, %dma_wait3A_237] : memref<4x64x128xf32, #tpu.memory_space<vmem>> -> memref<1x64x128xf32, #tpu.memory_space<vmem>>
      %dma_wait3A_239 = tpu.memref_squeeze %dma_wait3A_238 : memref<1x64x128xf32, #tpu.memory_space<vmem>> -> memref<64x128xf32, #tpu.memory_space<vmem>>
      %dma_wait3A_240 = arith.constant 0 : i32
      %dma_wait3A_241 = arith.constant 0 : i32
      %dma_wait3A_242 = tpu.memref_slice %arg2[%dma_wait3A_240, %dma_wait3A_241] : memref<10240x128xf32, #tpu.memory_space<hbm>> -> memref<64x128xf32, #tpu.memory_space<hbm>>
      tpu.wait_dma2 semaphore(%arg11 : memref<!tpu.dma_semaphore, #tpu.memory_space<semaphore_mem>>) src(%dma_wait3A_242 : memref<64x128xf32, #tpu.memory_space<hbm>>) dst(%dma_wait3A_239 : memref<64x128xf32, #tpu.memory_space<vmem>>)
      %run_scoped3A = arith.constant 0 : i32
      "tpu.region"() ({
        %run_scoped3A_328 = tpu.sem_alloc : memref<!tpu.dma_semaphore, #tpu.memory_space<semaphore_mem>>
        %dma_start3A_329 = arith.constant 0 : i32
        %dma_start3A_330 = arith.constant 0 : i32
        %dma_start3A_331 = tpu.memref_slice %arg9[%run_scoped3A, %dma_start3A_329, %dma_start3A_330] : memref<4x64x128xf32, #tpu.memory_space<vmem>> -> memref<1x64x128xf32, #tpu.memory_space<vmem>>
        %dma_start3A_332 = tpu.memref_squeeze %dma_start3A_331 : memref<1x64x128xf32, #tpu.memory_space<vmem>> -> memref<64x128xf32, #tpu.memory_space<vmem>>
        %dma_start3A_333 = arith.constant 0 : i32
        %dma_start3A_334 = tpu.memref_slice %arg8[%add3A_228, %dma_start3A_333] : memref<40x64xi32, #tpu.memory_space<vmem>> -> memref<1x64xi32, #tpu.memory_space<vmem>>
        %dma_start3A_335 = tpu.memref_squeeze %dma_start3A_334 : memref<1x64xi32, #tpu.memory_space<vmem>> -> memref<64xi32, #tpu.memory_space<vmem>>
        %dma_start3A_336 = arith.constant 0 : i32
        %dma_start3A_337 = arith.constant 0 : i32
        %dma_start3A_338 = tpu.memref_slice %arg10[%dma_start3A_336, %dma_start3A_337] : memref<10240x128xf32, #tpu.memory_space<vmem_shared>> -> memref<10240x128xf32, #tpu.memory_space<vmem_shared>>
        tpu.enqueue_indirect_dma source(%dma_start3A_332 : memref<64x128xf32, #tpu.memory_space<vmem>>) target(%dma_start3A_338 : memref<10240x128xf32, #tpu.memory_space<vmem_shared>>) offsets(%dma_start3A_335 : memref<64xi32, #tpu.memory_space<vmem>>) semaphore(%run_scoped3A_328 : memref<!tpu.dma_semaphore, #tpu.memory_space<semaphore_mem>>) {add = true}
        %dma_wait3A_339 = arith.constant 0 : i32
        %dma_wait3A_340 = arith.constant 0 : i32
        %dma_wait3A_341 = tpu.memref_slice %arg9[%run_scoped3A, %dma_wait3A_339, %dma_wait3A_340] : memref<4x64x128xf32, #tpu.memory_space<vmem>> -> memref<1x64x128xf32, #tpu.memory_space<vmem>>
        %dma_wait3A_342 = tpu.memref_squeeze %dma_wait3A_341 : memref<1x64x128xf32, #tpu.memory_space<vmem>> -> memref<64x128xf32, #tpu.memory_space<vmem>>
        %dma_wait3A_343 = arith.constant 0 : i32
        %dma_wait3A_344 = tpu.memref_slice %arg8[%add3A_228, %dma_wait3A_343] : memref<40x64xi32, #tpu.memory_space<vmem>> -> memref<1x64xi32, #tpu.memory_space<vmem>>
        %dma_wait3A_345 = tpu.memref_squeeze %dma_wait3A_344 : memref<1x64xi32, #tpu.memory_space<vmem>> -> memref<64xi32, #tpu.memory_space<vmem>>
        %dma_wait3A_346 = arith.constant 0 : i32
        %dma_wait3A_347 = arith.constant 0 : i32
        %dma_wait3A_348 = tpu.memref_slice %arg10[%dma_wait3A_346, %dma_wait3A_347] : memref<10240x128xf32, #tpu.memory_space<vmem_shared>> -> memref<10240x128xf32, #tpu.memory_space<vmem_shared>>
        tpu.wait_indirect_dma semaphore(%run_scoped3A_328 : memref<!tpu.dma_semaphore, #tpu.memory_space<semaphore_mem>>) src(%dma_wait3A_342 : memref<64x128xf32, #tpu.memory_space<vmem>>) dst(%dma_wait3A_348 : memref<10240x128xf32, #tpu.memory_space<vmem_shared>>)
        tpu.yield
      }) : () -> ()
      %add3A_243 = arith.constant 4 : i32
      %add3A_244 = arith.addi %add3A_228, %add3A_243 : i32
      %lt3A = arith.constant 40 : i32
      %lt3A_245 = arith.cmpi slt, %add3A_244, %lt3A : i32
      %convert_element_type3A = arith.extui %lt3A_245 : i1 to i32
      %cond3A = arith.constant 0 : i32
      %cond3A_246 = arith.cmpi ne, %convert_element_type3A, %cond3A : i32
      scf.if %cond3A_246 {
        %dma_start3A_328 = arith.constant 0 : i32
        %dma_start3A_329 = arith.constant 0 : i32
        %dma_start3A_330 = arith.constant 0 : i32
        %dma_start3A_331 = tpu.memref_slice %arg9[%dma_start3A_328, %dma_start3A_329, %dma_start3A_330] : memref<4x64x128xf32, #tpu.memory_space<vmem>> -> memref<1x64x128xf32, #tpu.memory_space<vmem>>
        %dma_start3A_332 = tpu.memref_squeeze %dma_start3A_331 : memref<1x64x128xf32, #tpu.memory_space<vmem>> -> memref<64x128xf32, #tpu.memory_space<vmem>>
        %dma_start3A_333 = arith.constant 0 : i32
        %dma_start3A_334 = tpu.memref_slice %arg7[%add3A_244, %dma_start3A_333] : memref<40x64xi32, #tpu.memory_space<vmem>> -> memref<1x64xi32, #tpu.memory_space<vmem>>
        %dma_start3A_335 = tpu.memref_squeeze %dma_start3A_334 : memref<1x64xi32, #tpu.memory_space<vmem>> -> memref<64xi32, #tpu.memory_space<vmem>>
        %dma_start3A_336 = arith.constant 0 : i32
        %dma_start3A_337 = arith.constant 0 : i32
        %dma_start3A_338 = tpu.memref_slice %arg2[%dma_start3A_336, %dma_start3A_337] : memref<10240x128xf32, #tpu.memory_space<hbm>> -> memref<10240x128xf32, #tpu.memory_space<hbm>>
        tpu.enqueue_indirect_dma source(%dma_start3A_338 : memref<10240x128xf32, #tpu.memory_space<hbm>>) target(%dma_start3A_332 : memref<64x128xf32, #tpu.memory_space<vmem>>) offsets(%dma_start3A_335 : memref<64xi32, #tpu.memory_space<vmem>>) semaphore(%arg11 : memref<!tpu.dma_semaphore, #tpu.memory_space<semaphore_mem>>)
      } else {
      }
      %mul3A_247 = arith.constant 4 : i32
      %mul3A_248 = arith.muli %scan3A_224, %mul3A_247 : i32
      %add3A_249 = arith.constant 1 : i32
      %add3A_250 = arith.addi %mul3A_248, %add3A_249 : i32
      %dma_wait3A_251 = arith.constant 1 : i32
      %dma_wait3A_252 = arith.constant 0 : i32
      %dma_wait3A_253 = arith.constant 0 : i32
      %dma_wait3A_254 = tpu.memref_slice %arg9[%dma_wait3A_251, %dma_wait3A_252, %dma_wait3A_253] : memref<4x64x128xf32, #tpu.memory_space<vmem>> -> memref<1x64x128xf32, #tpu.memory_space<vmem>>
      %dma_wait3A_255 = tpu.memref_squeeze %dma_wait3A_254 : memref<1x64x128xf32, #tpu.memory_space<vmem>> -> memref<64x128xf32, #tpu.memory_space<vmem>>
      %dma_wait3A_256 = arith.constant 0 : i32
      %dma_wait3A_257 = arith.constant 0 : i32
      %dma_wait3A_258 = tpu.memref_slice %arg2[%dma_wait3A_256, %dma_wait3A_257] : memref<10240x128xf32, #tpu.memory_space<hbm>> -> memref<64x128xf32, #tpu.memory_space<hbm>>
      %dma_wait3A_259 = arith.constant 0 : i32
      %dma_wait3A_260 = arith.constant 0 : i32
      %dma_wait3A_261 = tpu.memref_slice %arg9[%dma_wait3A_251, %dma_wait3A_259, %dma_wait3A_260] : memref<4x64x128xf32, #tpu.memory_space<vmem>> -> memref<1x64x128xf32, #tpu.memory_space<vmem>>
      %dma_wait3A_262 = tpu.memref_squeeze %dma_wait3A_261 : memref<1x64x128xf32, #tpu.memory_space<vmem>> -> memref<64x128xf32, #tpu.memory_space<vmem>>
      %dma_wait3A_263 = arith.constant 0 : i32
      %dma_wait3A_264 = arith.constant 0 : i32
      %dma_wait3A_265 = tpu.memref_slice %arg2[%dma_wait3A_263, %dma_wait3A_264] : memref<10240x128xf32, #tpu.memory_space<hbm>> -> memref<64x128xf32, #tpu.memory_space<hbm>>
      tpu.wait_dma2 semaphore(%arg12 : memref<!tpu.dma_semaphore, #tpu.memory_space<semaphore_mem>>) src(%dma_wait3A_265 : memref<64x128xf32, #tpu.memory_space<hbm>>) dst(%dma_wait3A_262 : memref<64x128xf32, #tpu.memory_space<vmem>>)
      %run_scoped3A_266 = arith.constant 1 : i32
      "tpu.region"() ({
        %run_scoped3A_328 = tpu.sem_alloc : memref<!tpu.dma_semaphore, #tpu.memory_space<semaphore_mem>>
        %dma_start3A_329 = arith.constant 0 : i32
        %dma_start3A_330 = arith.constant 0 : i32
        %dma_start3A_331 = tpu.memref_slice %arg9[%run_scoped3A_266, %dma_start3A_329, %dma_start3A_330] : memref<4x64x128xf32, #tpu.memory_space<vmem>> -> memref<1x64x128xf32, #tpu.memory_space<vmem>>
        %dma_start3A_332 = tpu.memref_squeeze %dma_start3A_331 : memref<1x64x128xf32, #tpu.memory_space<vmem>> -> memref<64x128xf32, #tpu.memory_space<vmem>>
        %dma_start3A_333 = arith.constant 0 : i32
        %dma_start3A_334 = tpu.memref_slice %arg8[%add3A_250, %dma_start3A_333] : memref<40x64xi32, #tpu.memory_space<vmem>> -> memref<1x64xi32, #tpu.memory_space<vmem>>
        %dma_start3A_335 = tpu.memref_squeeze %dma_start3A_334 : memref<1x64xi32, #tpu.memory_space<vmem>> -> memref<64xi32, #tpu.memory_space<vmem>>
        %dma_start3A_336 = arith.constant 0 : i32
        %dma_start3A_337 = arith.constant 0 : i32
        %dma_start3A_338 = tpu.memref_slice %arg10[%dma_start3A_336, %dma_start3A_337] : memref<10240x128xf32, #tpu.memory_space<vmem_shared>> -> memref<10240x128xf32, #tpu.memory_space<vmem_shared>>
        tpu.enqueue_indirect_dma source(%dma_start3A_332 : memref<64x128xf32, #tpu.memory_space<vmem>>) target(%dma_start3A_338 : memref<10240x128xf32, #tpu.memory_space<vmem_shared>>) offsets(%dma_start3A_335 : memref<64xi32, #tpu.memory_space<vmem>>) semaphore(%run_scoped3A_328 : memref<!tpu.dma_semaphore, #tpu.memory_space<semaphore_mem>>) {add = true}
        %dma_wait3A_339 = arith.constant 0 : i32
        %dma_wait3A_340 = arith.constant 0 : i32
        %dma_wait3A_341 = tpu.memref_slice %arg9[%run_scoped3A_266, %dma_wait3A_339, %dma_wait3A_340] : memref<4x64x128xf32, #tpu.memory_space<vmem>> -> memref<1x64x128xf32, #tpu.memory_space<vmem>>
        %dma_wait3A_342 = tpu.memref_squeeze %dma_wait3A_341 : memref<1x64x128xf32, #tpu.memory_space<vmem>> -> memref<64x128xf32, #tpu.memory_space<vmem>>
        %dma_wait3A_343 = arith.constant 0 : i32
        %dma_wait3A_344 = tpu.memref_slice %arg8[%add3A_250, %dma_wait3A_343] : memref<40x64xi32, #tpu.memory_space<vmem>> -> memref<1x64xi32, #tpu.memory_space<vmem>>
        %dma_wait3A_345 = tpu.memref_squeeze %dma_wait3A_344 : memref<1x64xi32, #tpu.memory_space<vmem>> -> memref<64xi32, #tpu.memory_space<vmem>>
        %dma_wait3A_346 = arith.constant 0 : i32
        %dma_wait3A_347 = arith.constant 0 : i32
        %dma_wait3A_348 = tpu.memref_slice %arg10[%dma_wait3A_346, %dma_wait3A_347] : memref<10240x128xf32, #tpu.memory_space<vmem_shared>> -> memref<10240x128xf32, #tpu.memory_space<vmem_shared>>
        tpu.wait_indirect_dma semaphore(%run_scoped3A_328 : memref<!tpu.dma_semaphore, #tpu.memory_space<semaphore_mem>>) src(%dma_wait3A_342 : memref<64x128xf32, #tpu.memory_space<vmem>>) dst(%dma_wait3A_348 : memref<10240x128xf32, #tpu.memory_space<vmem_shared>>)
        tpu.yield
      }) : () -> ()
      %add3A_267 = arith.constant 4 : i32
      %add3A_268 = arith.addi %add3A_250, %add3A_267 : i32
      %lt3A_269 = arith.constant 40 : i32
      %lt3A_270 = arith.cmpi slt, %add3A_268, %lt3A_269 : i32
      %convert_element_type3A_271 = arith.extui %lt3A_270 : i1 to i32
      %cond3A_272 = arith.constant 0 : i32
      %cond3A_273 = arith.cmpi ne, %convert_element_type3A_271, %cond3A_272 : i32
      scf.if %cond3A_273 {
        %dma_start3A_328 = arith.constant 1 : i32
        %dma_start3A_329 = arith.constant 0 : i32
        %dma_start3A_330 = arith.constant 0 : i32
        %dma_start3A_331 = tpu.memref_slice %arg9[%dma_start3A_328, %dma_start3A_329, %dma_start3A_330] : memref<4x64x128xf32, #tpu.memory_space<vmem>> -> memref<1x64x128xf32, #tpu.memory_space<vmem>>
        %dma_start3A_332 = tpu.memref_squeeze %dma_start3A_331 : memref<1x64x128xf32, #tpu.memory_space<vmem>> -> memref<64x128xf32, #tpu.memory_space<vmem>>
        %dma_start3A_333 = arith.constant 0 : i32
        %dma_start3A_334 = tpu.memref_slice %arg7[%add3A_268, %dma_start3A_333] : memref<40x64xi32, #tpu.memory_space<vmem>> -> memref<1x64xi32, #tpu.memory_space<vmem>>
        %dma_start3A_335 = tpu.memref_squeeze %dma_start3A_334 : memref<1x64xi32, #tpu.memory_space<vmem>> -> memref<64xi32, #tpu.memory_space<vmem>>
        %dma_start3A_336 = arith.constant 0 : i32
        %dma_start3A_337 = arith.constant 0 : i32
        %dma_start3A_338 = tpu.memref_slice %arg2[%dma_start3A_336, %dma_start3A_337] : memref<10240x128xf32, #tpu.memory_space<hbm>> -> memref<10240x128xf32, #tpu.memory_space<hbm>>
        tpu.enqueue_indirect_dma source(%dma_start3A_338 : memref<10240x128xf32, #tpu.memory_space<hbm>>) target(%dma_start3A_332 : memref<64x128xf32, #tpu.memory_space<vmem>>) offsets(%dma_start3A_335 : memref<64xi32, #tpu.memory_space<vmem>>) semaphore(%arg12 : memref<!tpu.dma_semaphore, #tpu.memory_space<semaphore_mem>>)
      } else {
      }
      %mul3A_274 = arith.constant 4 : i32
      %mul3A_275 = arith.muli %scan3A_224, %mul3A_274 : i32
      %add3A_276 = arith.constant 2 : i32
      %add3A_277 = arith.addi %mul3A_275, %add3A_276 : i32
      %dma_wait3A_278 = arith.constant 2 : i32
      %dma_wait3A_279 = arith.constant 0 : i32
      %dma_wait3A_280 = arith.constant 0 : i32
      %dma_wait3A_281 = tpu.memref_slice %arg9[%dma_wait3A_278, %dma_wait3A_279, %dma_wait3A_280] : memref<4x64x128xf32, #tpu.memory_space<vmem>> -> memref<1x64x128xf32, #tpu.memory_space<vmem>>
      %dma_wait3A_282 = tpu.memref_squeeze %dma_wait3A_281 : memref<1x64x128xf32, #tpu.memory_space<vmem>> -> memref<64x128xf32, #tpu.memory_space<vmem>>
      %dma_wait3A_283 = arith.constant 0 : i32
      %dma_wait3A_284 = arith.constant 0 : i32
      %dma_wait3A_285 = tpu.memref_slice %arg2[%dma_wait3A_283, %dma_wait3A_284] : memref<10240x128xf32, #tpu.memory_space<hbm>> -> memref<64x128xf32, #tpu.memory_space<hbm>>
      %dma_wait3A_286 = arith.constant 0 : i32
      %dma_wait3A_287 = arith.constant 0 : i32
      %dma_wait3A_288 = tpu.memref_slice %arg9[%dma_wait3A_278, %dma_wait3A_286, %dma_wait3A_287] : memref<4x64x128xf32, #tpu.memory_space<vmem>> -> memref<1x64x128xf32, #tpu.memory_space<vmem>>
      %dma_wait3A_289 = tpu.memref_squeeze %dma_wait3A_288 : memref<1x64x128xf32, #tpu.memory_space<vmem>> -> memref<64x128xf32, #tpu.memory_space<vmem>>
      %dma_wait3A_290 = arith.constant 0 : i32
      %dma_wait3A_291 = arith.constant 0 : i32
      %dma_wait3A_292 = tpu.memref_slice %arg2[%dma_wait3A_290, %dma_wait3A_291] : memref<10240x128xf32, #tpu.memory_space<hbm>> -> memref<64x128xf32, #tpu.memory_space<hbm>>
      tpu.wait_dma2 semaphore(%arg13 : memref<!tpu.dma_semaphore, #tpu.memory_space<semaphore_mem>>) src(%dma_wait3A_292 : memref<64x128xf32, #tpu.memory_space<hbm>>) dst(%dma_wait3A_289 : memref<64x128xf32, #tpu.memory_space<vmem>>)
      %run_scoped3A_293 = arith.constant 2 : i32
      "tpu.region"() ({
        %run_scoped3A_328 = tpu.sem_alloc : memref<!tpu.dma_semaphore, #tpu.memory_space<semaphore_mem>>
        %dma_start3A_329 = arith.constant 0 : i32
        %dma_start3A_330 = arith.constant 0 : i32
        %dma_start3A_331 = tpu.memref_slice %arg9[%run_scoped3A_293, %dma_start3A_329, %dma_start3A_330] : memref<4x64x128xf32, #tpu.memory_space<vmem>> -> memref<1x64x128xf32, #tpu.memory_space<vmem>>
        %dma_start3A_332 = tpu.memref_squeeze %dma_start3A_331 : memref<1x64x128xf32, #tpu.memory_space<vmem>> -> memref<64x128xf32, #tpu.memory_space<vmem>>
        %dma_start3A_333 = arith.constant 0 : i32
        %dma_start3A_334 = tpu.memref_slice %arg8[%add3A_277, %dma_start3A_333] : memref<40x64xi32, #tpu.memory_space<vmem>> -> memref<1x64xi32, #tpu.memory_space<vmem>>
        %dma_start3A_335 = tpu.memref_squeeze %dma_start3A_334 : memref<1x64xi32, #tpu.memory_space<vmem>> -> memref<64xi32, #tpu.memory_space<vmem>>
        %dma_start3A_336 = arith.constant 0 : i32
        %dma_start3A_337 = arith.constant 0 : i32
        %dma_start3A_338 = tpu.memref_slice %arg10[%dma_start3A_336, %dma_start3A_337] : memref<10240x128xf32, #tpu.memory_space<vmem_shared>> -> memref<10240x128xf32, #tpu.memory_space<vmem_shared>>
        tpu.enqueue_indirect_dma source(%dma_start3A_332 : memref<64x128xf32, #tpu.memory_space<vmem>>) target(%dma_start3A_338 : memref<10240x128xf32, #tpu.memory_space<vmem_shared>>) offsets(%dma_start3A_335 : memref<64xi32, #tpu.memory_space<vmem>>) semaphore(%run_scoped3A_328 : memref<!tpu.dma_semaphore, #tpu.memory_space<semaphore_mem>>) {add = true}
        %dma_wait3A_339 = arith.constant 0 : i32
        %dma_wait3A_340 = arith.constant 0 : i32
        %dma_wait3A_341 = tpu.memref_slice %arg9[%run_scoped3A_293, %dma_wait3A_339, %dma_wait3A_340] : memref<4x64x128xf32, #tpu.memory_space<vmem>> -> memref<1x64x128xf32, #tpu.memory_space<vmem>>
        %dma_wait3A_342 = tpu.memref_squeeze %dma_wait3A_341 : memref<1x64x128xf32, #tpu.memory_space<vmem>> -> memref<64x128xf32, #tpu.memory_space<vmem>>
        %dma_wait3A_343 = arith.constant 0 : i32
        %dma_wait3A_344 = tpu.memref_slice %arg8[%add3A_277, %dma_wait3A_343] : memref<40x64xi32, #tpu.memory_space<vmem>> -> memref<1x64xi32, #tpu.memory_space<vmem>>
        %dma_wait3A_345 = tpu.memref_squeeze %dma_wait3A_344 : memref<1x64xi32, #tpu.memory_space<vmem>> -> memref<64xi32, #tpu.memory_space<vmem>>
        %dma_wait3A_346 = arith.constant 0 : i32
        %dma_wait3A_347 = arith.constant 0 : i32
        %dma_wait3A_348 = tpu.memref_slice %arg10[%dma_wait3A_346, %dma_wait3A_347] : memref<10240x128xf32, #tpu.memory_space<vmem_shared>> -> memref<10240x128xf32, #tpu.memory_space<vmem_shared>>
        tpu.wait_indirect_dma semaphore(%run_scoped3A_328 : memref<!tpu.dma_semaphore, #tpu.memory_space<semaphore_mem>>) src(%dma_wait3A_342 : memref<64x128xf32, #tpu.memory_space<vmem>>) dst(%dma_wait3A_348 : memref<10240x128xf32, #tpu.memory_space<vmem_shared>>)
        tpu.yield
      }) : () -> ()
      %add3A_294 = arith.constant 4 : i32
      %add3A_295 = arith.addi %add3A_277, %add3A_294 : i32
      %lt3A_296 = arith.constant 40 : i32
      %lt3A_297 = arith.cmpi slt, %add3A_295, %lt3A_296 : i32
      %convert_element_type3A_298 = arith.extui %lt3A_297 : i1 to i32
      %cond3A_299 = arith.constant 0 : i32
      %cond3A_300 = arith.cmpi ne, %convert_element_type3A_298, %cond3A_299 : i32
      scf.if %cond3A_300 {
        %dma_start3A_328 = arith.constant 2 : i32
        %dma_start3A_329 = arith.constant 0 : i32
        %dma_start3A_330 = arith.constant 0 : i32
        %dma_start3A_331 = tpu.memref_slice %arg9[%dma_start3A_328, %dma_start3A_329, %dma_start3A_330] : memref<4x64x128xf32, #tpu.memory_space<vmem>> -> memref<1x64x128xf32, #tpu.memory_space<vmem>>
        %dma_start3A_332 = tpu.memref_squeeze %dma_start3A_331 : memref<1x64x128xf32, #tpu.memory_space<vmem>> -> memref<64x128xf32, #tpu.memory_space<vmem>>
        %dma_start3A_333 = arith.constant 0 : i32
        %dma_start3A_334 = tpu.memref_slice %arg7[%add3A_295, %dma_start3A_333] : memref<40x64xi32, #tpu.memory_space<vmem>> -> memref<1x64xi32, #tpu.memory_space<vmem>>
        %dma_start3A_335 = tpu.memref_squeeze %dma_start3A_334 : memref<1x64xi32, #tpu.memory_space<vmem>> -> memref<64xi32, #tpu.memory_space<vmem>>
        %dma_start3A_336 = arith.constant 0 : i32
        %dma_start3A_337 = arith.constant 0 : i32
        %dma_start3A_338 = tpu.memref_slice %arg2[%dma_start3A_336, %dma_start3A_337] : memref<10240x128xf32, #tpu.memory_space<hbm>> -> memref<10240x128xf32, #tpu.memory_space<hbm>>
        tpu.enqueue_indirect_dma source(%dma_start3A_338 : memref<10240x128xf32, #tpu.memory_space<hbm>>) target(%dma_start3A_332 : memref<64x128xf32, #tpu.memory_space<vmem>>) offsets(%dma_start3A_335 : memref<64xi32, #tpu.memory_space<vmem>>) semaphore(%arg13 : memref<!tpu.dma_semaphore, #tpu.memory_space<semaphore_mem>>)
      } else {
      }
      %mul3A_301 = arith.constant 4 : i32
      %mul3A_302 = arith.muli %scan3A_224, %mul3A_301 : i32
      %add3A_303 = arith.constant 3 : i32
      %add3A_304 = arith.addi %mul3A_302, %add3A_303 : i32
      %dma_wait3A_305 = arith.constant 3 : i32
      %dma_wait3A_306 = arith.constant 0 : i32
      %dma_wait3A_307 = arith.constant 0 : i32
      %dma_wait3A_308 = tpu.memref_slice %arg9[%dma_wait3A_305, %dma_wait3A_306, %dma_wait3A_307] : memref<4x64x128xf32, #tpu.memory_space<vmem>> -> memref<1x64x128xf32, #tpu.memory_space<vmem>>
      %dma_wait3A_309 = tpu.memref_squeeze %dma_wait3A_308 : memref<1x64x128xf32, #tpu.memory_space<vmem>> -> memref<64x128xf32, #tpu.memory_space<vmem>>
      %dma_wait3A_310 = arith.constant 0 : i32
      %dma_wait3A_311 = arith.constant 0 : i32
      %dma_wait3A_312 = tpu.memref_slice %arg2[%dma_wait3A_310, %dma_wait3A_311] : memref<10240x128xf32, #tpu.memory_space<hbm>> -> memref<64x128xf32, #tpu.memory_space<hbm>>
      %dma_wait3A_313 = arith.constant 0 : i32
      %dma_wait3A_314 = arith.constant 0 : i32
      %dma_wait3A_315 = tpu.memref_slice %arg9[%dma_wait3A_305, %dma_wait3A_313, %dma_wait3A_314] : memref<4x64x128xf32, #tpu.memory_space<vmem>> -> memref<1x64x128xf32, #tpu.memory_space<vmem>>
      %dma_wait3A_316 = tpu.memref_squeeze %dma_wait3A_315 : memref<1x64x128xf32, #tpu.memory_space<vmem>> -> memref<64x128xf32, #tpu.memory_space<vmem>>
      %dma_wait3A_317 = arith.constant 0 : i32
      %dma_wait3A_318 = arith.constant 0 : i32
      %dma_wait3A_319 = tpu.memref_slice %arg2[%dma_wait3A_317, %dma_wait3A_318] : memref<10240x128xf32, #tpu.memory_space<hbm>> -> memref<64x128xf32, #tpu.memory_space<hbm>>
      tpu.wait_dma2 semaphore(%arg14 : memref<!tpu.dma_semaphore, #tpu.memory_space<semaphore_mem>>) src(%dma_wait3A_319 : memref<64x128xf32, #tpu.memory_space<hbm>>) dst(%dma_wait3A_316 : memref<64x128xf32, #tpu.memory_space<vmem>>)
      %run_scoped3A_320 = arith.constant 3 : i32
      "tpu.region"() ({
        %run_scoped3A_328 = tpu.sem_alloc : memref<!tpu.dma_semaphore, #tpu.memory_space<semaphore_mem>>
        %dma_start3A_329 = arith.constant 0 : i32
        %dma_start3A_330 = arith.constant 0 : i32
        %dma_start3A_331 = tpu.memref_slice %arg9[%run_scoped3A_320, %dma_start3A_329, %dma_start3A_330] : memref<4x64x128xf32, #tpu.memory_space<vmem>> -> memref<1x64x128xf32, #tpu.memory_space<vmem>>
        %dma_start3A_332 = tpu.memref_squeeze %dma_start3A_331 : memref<1x64x128xf32, #tpu.memory_space<vmem>> -> memref<64x128xf32, #tpu.memory_space<vmem>>
        %dma_start3A_333 = arith.constant 0 : i32
        %dma_start3A_334 = tpu.memref_slice %arg8[%add3A_304, %dma_start3A_333] : memref<40x64xi32, #tpu.memory_space<vmem>> -> memref<1x64xi32, #tpu.memory_space<vmem>>
        %dma_start3A_335 = tpu.memref_squeeze %dma_start3A_334 : memref<1x64xi32, #tpu.memory_space<vmem>> -> memref<64xi32, #tpu.memory_space<vmem>>
        %dma_start3A_336 = arith.constant 0 : i32
        %dma_start3A_337 = arith.constant 0 : i32
        %dma_start3A_338 = tpu.memref_slice %arg10[%dma_start3A_336, %dma_start3A_337] : memref<10240x128xf32, #tpu.memory_space<vmem_shared>> -> memref<10240x128xf32, #tpu.memory_space<vmem_shared>>
        tpu.enqueue_indirect_dma source(%dma_start3A_332 : memref<64x128xf32, #tpu.memory_space<vmem>>) target(%dma_start3A_338 : memref<10240x128xf32, #tpu.memory_space<vmem_shared>>) offsets(%dma_start3A_335 : memref<64xi32, #tpu.memory_space<vmem>>) semaphore(%run_scoped3A_328 : memref<!tpu.dma_semaphore, #tpu.memory_space<semaphore_mem>>) {add = true}
        %dma_wait3A_339 = arith.constant 0 : i32
        %dma_wait3A_340 = arith.constant 0 : i32
        %dma_wait3A_341 = tpu.memref_slice %arg9[%run_scoped3A_320, %dma_wait3A_339, %dma_wait3A_340] : memref<4x64x128xf32, #tpu.memory_space<vmem>> -> memref<1x64x128xf32, #tpu.memory_space<vmem>>
        %dma_wait3A_342 = tpu.memref_squeeze %dma_wait3A_341 : memref<1x64x128xf32, #tpu.memory_space<vmem>> -> memref<64x128xf32, #tpu.memory_space<vmem>>
        %dma_wait3A_343 = arith.constant 0 : i32
        %dma_wait3A_344 = tpu.memref_slice %arg8[%add3A_304, %dma_wait3A_343] : memref<40x64xi32, #tpu.memory_space<vmem>> -> memref<1x64xi32, #tpu.memory_space<vmem>>
        %dma_wait3A_345 = tpu.memref_squeeze %dma_wait3A_344 : memref<1x64xi32, #tpu.memory_space<vmem>> -> memref<64xi32, #tpu.memory_space<vmem>>
        %dma_wait3A_346 = arith.constant 0 : i32
        %dma_wait3A_347 = arith.constant 0 : i32
        %dma_wait3A_348 = tpu.memref_slice %arg10[%dma_wait3A_346, %dma_wait3A_347] : memref<10240x128xf32, #tpu.memory_space<vmem_shared>> -> memref<10240x128xf32, #tpu.memory_space<vmem_shared>>
        tpu.wait_indirect_dma semaphore(%run_scoped3A_328 : memref<!tpu.dma_semaphore, #tpu.memory_space<semaphore_mem>>) src(%dma_wait3A_342 : memref<64x128xf32, #tpu.memory_space<vmem>>) dst(%dma_wait3A_348 : memref<10240x128xf32, #tpu.memory_space<vmem_shared>>)
        tpu.yield
      }) : () -> ()
      %add3A_321 = arith.constant 4 : i32
      %add3A_322 = arith.addi %add3A_304, %add3A_321 : i32
      %lt3A_323 = arith.constant 40 : i32
      %lt3A_324 = arith.cmpi slt, %add3A_322, %lt3A_323 : i32
      %convert_element_type3A_325 = arith.extui %lt3A_324 : i1 to i32
      %cond3A_326 = arith.constant 0 : i32
      %cond3A_327 = arith.cmpi ne, %convert_element_type3A_325, %cond3A_326 : i32
      scf.if %cond3A_327 {
        %dma_start3A_328 = arith.constant 3 : i32
        %dma_start3A_329 = arith.constant 0 : i32
        %dma_start3A_330 = arith.constant 0 : i32
        %dma_start3A_331 = tpu.memref_slice %arg9[%dma_start3A_328, %dma_start3A_329, %dma_start3A_330] : memref<4x64x128xf32, #tpu.memory_space<vmem>> -> memref<1x64x128xf32, #tpu.memory_space<vmem>>
        %dma_start3A_332 = tpu.memref_squeeze %dma_start3A_331 : memref<1x64x128xf32, #tpu.memory_space<vmem>> -> memref<64x128xf32, #tpu.memory_space<vmem>>
        %dma_start3A_333 = arith.constant 0 : i32
        %dma_start3A_334 = tpu.memref_slice %arg7[%add3A_322, %dma_start3A_333] : memref<40x64xi32, #tpu.memory_space<vmem>> -> memref<1x64xi32, #tpu.memory_space<vmem>>
        %dma_start3A_335 = tpu.memref_squeeze %dma_start3A_334 : memref<1x64xi32, #tpu.memory_space<vmem>> -> memref<64xi32, #tpu.memory_space<vmem>>
        %dma_start3A_336 = arith.constant 0 : i32
        %dma_start3A_337 = arith.constant 0 : i32
        %dma_start3A_338 = tpu.memref_slice %arg2[%dma_start3A_336, %dma_start3A_337] : memref<10240x128xf32, #tpu.memory_space<hbm>> -> memref<10240x128xf32, #tpu.memory_space<hbm>>
        tpu.enqueue_indirect_dma source(%dma_start3A_338 : memref<10240x128xf32, #tpu.memory_space<hbm>>) target(%dma_start3A_332 : memref<64x128xf32, #tpu.memory_space<vmem>>) offsets(%dma_start3A_335 : memref<64xi32, #tpu.memory_space<vmem>>) semaphore(%arg14 : memref<!tpu.dma_semaphore, #tpu.memory_space<semaphore_mem>>)
      } else {
      }
    }
    %scan3A_218 = arith.constant 10 : i32
    %barrier3A_219 = arith.constant 0 : index
    tpu.barrier barrier_id(%barrier3A_219)
    %mul3A_220 = arith.constant 640 : i32
    %mul3A_221 = arith.muli %arg1, %mul3A_220 : i32
    %mul3A_222 = arith.constant 640 : i32
    %mul3A_223 = arith.muli %arg1, %mul3A_222 : i32
    "tpu.region"() ({
      %run_scoped3A = tpu.sem_alloc : memref<!tpu.dma_semaphore, #tpu.memory_space<semaphore_mem>>
      %dma_start3A_224 = arith.constant 0 : i32
      %dma_start3A_225 = tpu.memref_slice %arg6[%arg0, %mul3A_223, %dma_start3A_224] : memref<2x10240x128xf32, #tpu.memory_space<hbm>> -> memref<1x640x128xf32, #tpu.memory_space<hbm>>
      %dma_start3A_226 = tpu.memref_squeeze %dma_start3A_225 : memref<1x640x128xf32, #tpu.memory_space<hbm>> -> memref<640x128xf32, #tpu.memory_space<hbm>>
      %dma_start3A_227 = arith.constant 0 : i32
      %dma_start3A_228 = tpu.memref_slice %arg10[%mul3A_221, %dma_start3A_227] : memref<10240x128xf32, #tpu.memory_space<vmem_shared>> -> memref<640x128xf32, #tpu.memory_space<vmem_shared>>
      tpu.enqueue_dma source(%dma_start3A_228 : memref<640x128xf32, #tpu.memory_space<vmem_shared>>) target(%dma_start3A_226 : memref<640x128xf32, #tpu.memory_space<hbm>>) target_semaphore(%run_scoped3A : memref<!tpu.dma_semaphore, #tpu.memory_space<semaphore_mem>>)
      %dma_wait3A = arith.constant 0 : i32
      %dma_wait3A_229 = tpu.memref_slice %arg6[%arg0, %mul3A_223, %dma_wait3A] : memref<2x10240x128xf32, #tpu.memory_space<hbm>> -> memref<1x640x128xf32, #tpu.memory_space<hbm>>
      %dma_wait3A_230 = tpu.memref_squeeze %dma_wait3A_229 : memref<1x640x128xf32, #tpu.memory_space<hbm>> -> memref<640x128xf32, #tpu.memory_space<hbm>>
      %dma_wait3A_231 = arith.constant 0 : i32
      %dma_wait3A_232 = tpu.memref_slice %arg10[%mul3A_221, %dma_wait3A_231] : memref<10240x128xf32, #tpu.memory_space<vmem_shared>> -> memref<640x128xf32, #tpu.memory_space<vmem_shared>>
      tpu.wait_dma2 semaphore(%run_scoped3A : memref<!tpu.dma_semaphore, #tpu.memory_space<semaphore_mem>>) src(%dma_wait3A_232 : memref<640x128xf32, #tpu.memory_space<vmem_shared>>) dst(%dma_wait3A_230 : memref<640x128xf32, #tpu.memory_space<hbm>>)
      tpu.yield
    }) : () -> ()
    return
  }
}

module attributes {stable_mosaic.version = 14 : i64} {
  func.func @_proj_body(%arg0: memref<10240x128xf32, #tpu.memory_space<vmem>>, %arg1: memref<10240x1xi32, #tpu.memory_space<vmem>>, %arg2: memref<128x128xf32, #tpu.memory_space<vmem>>, %arg3: memref<1x128xf32, #tpu.memory_space<vmem>>, %arg4: memref<10240x128xf32, #tpu.memory_space<vmem>>) attributes {dimension_semantics = [], scalar_prefetch = 0 : i64, scratch_operands = 0 : i64, tpu.core_type = #tpu.core_type<tc>} {
    %get3A = arith.constant 0 : index
    %get3A_0 = arith.constant 0 : index
    %get3A_1 = vector.load %arg1[%get3A, %get3A_0] : memref<10240x1xi32, #tpu.memory_space<vmem>>, vector<10240x1xi32>
    %lt3A = arith.constant 20 : i32
    %lt3A_2 = vector.broadcast %lt3A : i32 to vector<10240x1xi32>
    %lt3A_3 = arith.cmpi slt, %get3A_1, %lt3A_2 : vector<10240x1xi32>
    %convert_element_type3A = arith.extui %lt3A_3 : vector<10240x1xi1> to vector<10240x1xi32>
    %convert_element_type3A_4 = arith.sitofp %convert_element_type3A : vector<10240x1xi32> to vector<10240x1xf32>
    %get3A_5 = arith.constant 0 : index
    %get3A_6 = arith.constant 0 : index
    %get3A_7 = vector.load %arg0[%get3A_5, %get3A_6] : memref<10240x128xf32, #tpu.memory_space<vmem>>, vector<10240x128xf32>
    %get3A_8 = arith.constant 0 : index
    %get3A_9 = arith.constant 0 : index
    %get3A_10 = vector.load %arg2[%get3A_8, %get3A_9] : memref<128x128xf32, #tpu.memory_space<vmem>>, vector<128x128xf32>
    %dot_general3A = arith.constant dense<0.000000e+00> : vector<10240x128xf32>
    %dot_general3A_11 = tpu.matmul %get3A_7, %get3A_10, %dot_general3A {dimension_numbers = #tpu.dot_dimension_numbers<[1], [1], [0], [0], [0, 0, 1, 0], [], []>, transpose_lhs_hint = false} : vector<10240x128xf32>, vector<128x128xf32>, vector<10240x128xf32> -> vector<10240x128xf32>
    %get3A_12 = arith.constant 0 : index
    %get3A_13 = arith.constant 0 : index
    %get3A_14 = vector.load %arg3[%get3A_12, %get3A_13] : memref<1x128xf32, #tpu.memory_space<vmem>>, vector<1x128xf32>
    %add3A = vector.broadcast %get3A_14 : vector<1x128xf32> to vector<10240x128xf32>
    %add3A_15 = arith.addf %dot_general3A_11, %add3A : vector<10240x128xf32>
    %mul3A = vector.broadcast %convert_element_type3A_4 : vector<10240x1xf32> to vector<10240x128xf32>
    %mul3A_16 = arith.mulf %add3A_15, %mul3A : vector<10240x128xf32>
    %swap3A = arith.constant 0 : index
    %swap3A_17 = arith.constant 0 : index
    %swap3A_18 = vector.load %arg4[%swap3A, %swap3A_17] : memref<10240x128xf32, #tpu.memory_space<vmem>>, vector<10240x128xf32>
    tpu.vector_store %arg4[%swap3A, %swap3A_17], %mul3A_16 {strides = array<i32>} : memref<10240x128xf32, #tpu.memory_space<vmem>>, vector<10240x128xf32>,
    return
  }
}

module attributes {stable_mosaic.version = 14 : i64} {
  func.func @_attn_body(%arg0: memref<10240x128xf32, #tpu.memory_space<vmem>>, %arg1: memref<10240x1xi32, #tpu.memory_space<vmem>>, %arg2: memref<1x10240xi32, #tpu.memory_space<vmem>>, %arg3: memref<80xi32, #tpu.memory_space<smem>>, %arg4: memref<80xi32, #tpu.memory_space<smem>>, %arg5: memref<128x128xf32, #tpu.memory_space<vmem>>, %arg6: memref<1x128xf32, #tpu.memory_space<vmem>>, %arg7: memref<128x128xf32, #tpu.memory_space<vmem>>, %arg8: memref<1x128xf32, #tpu.memory_space<vmem>>, %arg9: memref<128x128xf32, #tpu.memory_space<vmem>>, %arg10: memref<1x128xf32, #tpu.memory_space<vmem>>, %arg11: memref<128x128xf32, #tpu.memory_space<vmem>>, %arg12: memref<1x128xf32, #tpu.memory_space<vmem>>, %arg13: memref<1x128xf32, #tpu.memory_space<vmem>>, %arg14: memref<1x128xf32, #tpu.memory_space<vmem>>, %arg15: memref<10240x128xf32, #tpu.memory_space<vmem>>, %arg16: memref<10240x128xf32, #tpu.memory_space<vmem>>, %arg17: memref<10240x128xf32, #tpu.memory_space<vmem>>, %arg18: memref<10240x128xf32, #tpu.memory_space<vmem>>) attributes {dimension_semantics = [], scalar_prefetch = 0 : i64, scratch_operands = 3 : i64, tpu.core_type = #tpu.core_type<tc>} {
    %get3A = arith.constant 0 : index
    %get3A_0 = arith.constant 0 : index
    %get3A_1 = vector.load %arg0[%get3A, %get3A_0] : memref<10240x128xf32, #tpu.memory_space<vmem>>, vector<10240x128xf32>
    %get3A_2 = arith.constant 0 : index
    %get3A_3 = arith.constant 0 : index
    %get3A_4 = vector.load %arg1[%get3A_2, %get3A_3] : memref<10240x1xi32, #tpu.memory_space<vmem>>, vector<10240x1xi32>
    %lt3A = arith.constant 20 : i32
    %lt3A_5 = vector.broadcast %lt3A : i32 to vector<10240x1xi32>
    %lt3A_6 = arith.cmpi slt, %get3A_4, %lt3A_5 : vector<10240x1xi32>
    %convert_element_type3A = arith.extui %lt3A_6 : vector<10240x1xi1> to vector<10240x1xi32>
    %convert_element_type3A_7 = arith.sitofp %convert_element_type3A : vector<10240x1xi32> to vector<10240x1xf32>
    %get3A_8 = arith.constant 0 : index
    %get3A_9 = arith.constant 0 : index
    %get3A_10 = vector.load %arg5[%get3A_8, %get3A_9] : memref<128x128xf32, #tpu.memory_space<vmem>>, vector<128x128xf32>
    %dot_general3A = arith.constant dense<0.000000e+00> : vector<10240x128xf32>
    %dot_general3A_11 = tpu.matmul %get3A_1, %get3A_10, %dot_general3A {dimension_numbers = #tpu.dot_dimension_numbers<[1], [1], [0], [0], [0, 0, 1, 0], [], []>, transpose_lhs_hint = false} : vector<10240x128xf32>, vector<128x128xf32>, vector<10240x128xf32> -> vector<10240x128xf32>
    %get3A_12 = arith.constant 0 : index
    %get3A_13 = arith.constant 0 : index
    %get3A_14 = vector.load %arg6[%get3A_12, %get3A_13] : memref<1x128xf32, #tpu.memory_space<vmem>>, vector<1x128xf32>
    %add3A = vector.broadcast %get3A_14 : vector<1x128xf32> to vector<10240x128xf32>
    %add3A_15 = arith.addf %dot_general3A_11, %add3A : vector<10240x128xf32>
    %swap3A = arith.constant 0 : index
    %swap3A_16 = arith.constant 0 : index
    %swap3A_17 = vector.load %arg16[%swap3A, %swap3A_16] : memref<10240x128xf32, #tpu.memory_space<vmem>>, vector<10240x128xf32>
    tpu.vector_store %arg16[%swap3A, %swap3A_16], %add3A_15 {strides = array<i32>} : memref<10240x128xf32, #tpu.memory_space<vmem>>, vector<10240x128xf32>,
    %get3A_18 = arith.constant 0 : index
    %get3A_19 = arith.constant 0 : index
    %get3A_20 = vector.load %arg7[%get3A_18, %get3A_19] : memref<128x128xf32, #tpu.memory_space<vmem>>, vector<128x128xf32>
    %dot_general3A_21 = arith.constant dense<0.000000e+00> : vector<10240x128xf32>
    %dot_general3A_22 = tpu.matmul %get3A_1, %get3A_20, %dot_general3A_21 {dimension_numbers = #tpu.dot_dimension_numbers<[1], [1], [0], [0], [0, 0, 1, 0], [], []>, transpose_lhs_hint = false} : vector<10240x128xf32>, vector<128x128xf32>, vector<10240x128xf32> -> vector<10240x128xf32>
    %get3A_23 = arith.constant 0 : index
    %get3A_24 = arith.constant 0 : index
    %get3A_25 = vector.load %arg8[%get3A_23, %get3A_24] : memref<1x128xf32, #tpu.memory_space<vmem>>, vector<1x128xf32>
    %add3A_26 = vector.broadcast %get3A_25 : vector<1x128xf32> to vector<10240x128xf32>
    %add3A_27 = arith.addf %dot_general3A_22, %add3A_26 : vector<10240x128xf32>
    %swap3A_28 = arith.constant 0 : index
    %swap3A_29 = arith.constant 0 : index
    %swap3A_30 = vector.load %arg17[%swap3A_28, %swap3A_29] : memref<10240x128xf32, #tpu.memory_space<vmem>>, vector<10240x128xf32>
    tpu.vector_store %arg17[%swap3A_28, %swap3A_29], %add3A_27 {strides = array<i32>} : memref<10240x128xf32, #tpu.memory_space<vmem>>, vector<10240x128xf32>,
    %get3A_31 = arith.constant 0 : index
    %get3A_32 = arith.constant 0 : index
    %get3A_33 = vector.load %arg9[%get3A_31, %get3A_32] : memref<128x128xf32, #tpu.memory_space<vmem>>, vector<128x128xf32>
    %dot_general3A_34 = arith.constant dense<0.000000e+00> : vector<10240x128xf32>
    %dot_general3A_35 = tpu.matmul %get3A_1, %get3A_33, %dot_general3A_34 {dimension_numbers = #tpu.dot_dimension_numbers<[1], [1], [0], [0], [0, 0, 1, 0], [], []>, transpose_lhs_hint = false} : vector<10240x128xf32>, vector<128x128xf32>, vector<10240x128xf32> -> vector<10240x128xf32>
    %get3A_36 = arith.constant 0 : index
    %get3A_37 = arith.constant 0 : index
    %get3A_38 = vector.load %arg10[%get3A_36, %get3A_37] : memref<1x128xf32, #tpu.memory_space<vmem>>, vector<1x128xf32>
    %add3A_39 = vector.broadcast %get3A_38 : vector<1x128xf32> to vector<10240x128xf32>
    %add3A_40 = arith.addf %dot_general3A_35, %add3A_39 : vector<10240x128xf32>
    %swap3A_41 = arith.constant 0 : index
    %swap3A_42 = arith.constant 0 : index
    %swap3A_43 = vector.load %arg18[%swap3A_41, %swap3A_42] : memref<10240x128xf32, #tpu.memory_space<vmem>>, vector<10240x128xf32>
    tpu.vector_store %arg18[%swap3A_41, %swap3A_42], %add3A_40 {strides = array<i32>} : memref<10240x128xf32, #tpu.memory_space<vmem>>, vector<10240x128xf32>,
    %scan3A = arith.constant 0 : i32
    %scan3A_44 = arith.constant 80 : i32
    %scan3A_45 = arith.addi %scan3A, %scan3A_44 : i32
    %scan3A_46 = arith.constant 1 : i32
    scf.for %scan3A_95 = %scan3A to %scan3A_45 step %scan3A_46  : i32 {
      %mul3A_96 = arith.constant 128 : i32
      %mul3A_97 = arith.muli %scan3A_95, %mul3A_96 : i32
      %get3A_98 = arith.index_cast %mul3A_97 : i32 to index
      %get3A_99 = arith.constant 0 : index
      %get3A_100 = vector.load %arg1[%get3A_98, %get3A_99] : memref<10240x1xi32, #tpu.memory_space<vmem>>, vector<128x1xi32>
      %get3A_101 = arith.index_cast %mul3A_97 : i32 to index
      %get3A_102 = arith.constant 0 : index
      %get3A_103 = vector.load %arg16[%get3A_101, %get3A_102] : memref<10240x128xf32, #tpu.memory_space<vmem>>, vector<128x128xf32>
      %get3A_104 = arith.index_cast %scan3A_95 : i32 to index
      %get3A_105 = memref.load %arg3[%get3A_104] : memref<80xi32, #tpu.memory_space<smem>>
      %get3A_106 = arith.index_cast %scan3A_95 : i32 to index
      %get3A_107 = memref.load %arg4[%get3A_106] : memref<80xi32, #tpu.memory_space<smem>>
      %broadcast_in_dim3A_108 = arith.constant -1.000000e+30 : f32
      %broadcast_in_dim3A_109 = vector.broadcast %broadcast_in_dim3A_108 : f32 to vector<128x1xf32>
      %broadcast_in_dim3A_110 = arith.constant 0.000000e+00 : f32
      %broadcast_in_dim3A_111 = vector.broadcast %broadcast_in_dim3A_110 : f32 to vector<128x1xf32>
      %broadcast_in_dim3A_112 = arith.constant 0.000000e+00 : f32
      %broadcast_in_dim3A_113 = vector.broadcast %broadcast_in_dim3A_112 : f32 to vector<128x64xf32>
      %while3A = arith.constant 0 : i32
      %while3A_114 = arith.subi %get3A_107, %while3A : i32
      %while3A_115 = arith.addi %while3A, %while3A_114 : i32
      %while3A_116 = arith.constant 1 : i32
      %while3A_117 = arith.divsi %while3A_114, %while3A_116 : i32
      %while3A_118 = arith.muli %while3A_117, %while3A_116 : i32
      %while3A_119 = arith.addi %while3A, %while3A_118 : i32
      %while3A_120 = arith.constant 1 : i32
      %while3A_121:6 = scf.for %while3A_133 = %while3A to %while3A_119 step %while3A_120 iter_args(%while3A_134 = %broadcast_in_dim3A_109, %while3A_135 = %broadcast_in_dim3A_111, %while3A_136 = %broadcast_in_dim3A_113, %while3A_137 = %broadcast_in_dim3A_109, %while3A_138 = %broadcast_in_dim3A_111, %while3A_139 = %broadcast_in_dim3A_113) -> (vector<128x1xf32>, vector<128x1xf32>, vector<128x64xf32>, vector<128x1xf32>, vector<128x1xf32>, vector<128x64xf32>)  : i32 {
        %add3A_140 = arith.addi %get3A_105, %while3A_133 : i32
        %mul3A_141 = arith.constant 512 : i32
        %mul3A_142 = arith.muli %add3A_140, %mul3A_141 : i32
        %get3A_143 = arith.constant 0 : index
        %get3A_144 = arith.index_cast %mul3A_142 : i32 to index
        %get3A_145 = vector.load %arg2[%get3A_143, %get3A_144] : memref<1x10240xi32, #tpu.memory_space<vmem>>, vector<1x512xi32>
        %eq3A = vector.broadcast %get3A_100 : vector<128x1xi32> to vector<128x512xi32>
        %eq3A_146 = vector.broadcast %get3A_145 : vector<1x512xi32> to vector<128x512xi32>
        %eq3A_147 = arith.cmpi eq, %eq3A, %eq3A_146 : vector<128x512xi32>
        %slice3A = vector.extract_strided_slice %get3A_103 {offsets = [0, 0], sizes = [128, 64], strides = [1, 1]} : vector<128x128xf32> to vector<128x64xf32>
        %get3A_148 = arith.index_cast %mul3A_142 : i32 to index
        %get3A_149 = arith.constant 0 : index
        %get3A_150 = vector.load %arg17[%get3A_148, %get3A_149] : memref<10240x128xf32, #tpu.memory_space<vmem>>, vector<512x64xf32>
        %dot_general3A_151 = arith.constant dense<0.000000e+00> : vector<128x512xf32>
        %dot_general3A_152 = tpu.matmul %slice3A, %get3A_150, %dot_general3A_151 {dimension_numbers = #tpu.dot_dimension_numbers<[1], [1], [0], [0], [0, 0, 1, 0], [], []>, transpose_lhs_hint = false} : vector<128x64xf32>, vector<512x64xf32>, vector<128x512xf32> -> vector<128x512xf32>
        %mul3A_153 = arith.constant 1.250000e-01 : f32
        %mul3A_154 = vector.broadcast %mul3A_153 : f32 to vector<128x512xf32>
        %mul3A_155 = arith.mulf %dot_general3A_152, %mul3A_154 : vector<128x512xf32>
        %jit3A = arith.constant -1.000000e+30 : f32
        %broadcast_in_dim3A_156 = vector.broadcast %jit3A : f32 to vector<128x512xf32>
        %select_n3A = arith.select %eq3A_147, %mul3A_155, %broadcast_in_dim3A_156 : vector<128x512xi1>, vector<128x512xf32>
        %reduce_max3A = arith.constant dense<0xFF800000> : vector<128xf32>
        %reduce_max3A_157 = vector.multi_reduction <maximumf>, %select_n3A, %reduce_max3A [1] : vector<128x512xf32> to vector<128xf32>
        %broadcast_in_dim3A_158 = vector.shape_cast %reduce_max3A_157 : vector<128xf32> to vector<128x1xf32>
        %max3A = arith.maximumf %while3A_134, %broadcast_in_dim3A_158 : vector<128x1xf32>
        %sub3A_159 = vector.broadcast %max3A : vector<128x1xf32> to vector<128x512xf32>
        %sub3A_160 = arith.subf %select_n3A, %sub3A_159 : vector<128x512xf32>
        %exp3A = math.exp %sub3A_160 : vector<128x512xf32>
        %sub3A_161 = arith.subf %while3A_134, %max3A : vector<128x1xf32>
        %exp3A_162 = math.exp %sub3A_161 : vector<128x1xf32>
        %mul3A_163 = arith.mulf %while3A_135, %exp3A_162 : vector<128x1xf32>
        %reduce_sum3A_164 = arith.constant dense<0.000000e+00> : vector<128xf32>
        %reduce_sum3A_165 = vector.multi_reduction <add>, %exp3A, %reduce_sum3A_164 [1] : vector<128x512xf32> to vector<128xf32>
        %broadcast_in_dim3A_166 = vector.shape_cast %reduce_sum3A_165 : vector<128xf32> to vector<128x1xf32>
        %add3A_167 = arith.addf %mul3A_163, %broadcast_in_dim3A_166 : vector<128x1xf32>
        %mul3A_168 = vector.broadcast %exp3A_162 : vector<128x1xf32> to vector<128x64xf32>
        %mul3A_169 = arith.mulf %while3A_136, %mul3A_168 : vector<128x64xf32>
        %get3A_170 = arith.index_cast %mul3A_142 : i32 to index
        %get3A_171 = arith.constant 0 : index
        %get3A_172 = vector.load %arg18[%get3A_170, %get3A_171] : memref<10240x128xf32, #tpu.memory_space<vmem>>, vector<512x64xf32>
        %dot_general3A_173 = arith.constant dense<0.000000e+00> : vector<128x64xf32>
        %dot_general3A_174 = tpu.matmul %exp3A, %get3A_172, %dot_general3A_173 {dimension_numbers = #tpu.dot_dimension_numbers<[1], [0], [0], [1], [0, 0, 1, 1], [], []>, transpose_lhs_hint = false} : vector<128x512xf32>, vector<512x64xf32>, vector<128x64xf32> -> vector<128x64xf32>
        %add3A_175 = arith.addf %mul3A_169, %dot_general3A_174 : vector<128x64xf32>
        %slice3A_176 = vector.extract_strided_slice %get3A_103 {offsets = [0, 64], sizes = [128, 64], strides = [1, 1]} : vector<128x128xf32> to vector<128x64xf32>
        %get3A_177 = arith.index_cast %mul3A_142 : i32 to index
        %get3A_178 = arith.constant 64 : index
        %get3A_179 = vector.load %arg17[%get3A_177, %get3A_178] : memref<10240x128xf32, #tpu.memory_space<vmem>>, vector<512x64xf32>
        %dot_general3A_180 = arith.constant dense<0.000000e+00> : vector<128x512xf32>
        %dot_general3A_181 = tpu.matmul %slice3A_176, %get3A_179, %dot_general3A_180 {dimension_numbers = #tpu.dot_dimension_numbers<[1], [1], [0], [0], [0, 0, 1, 0], [], []>, transpose_lhs_hint = false} : vector<128x64xf32>, vector<512x64xf32>, vector<128x512xf32> -> vector<128x512xf32>
        %mul3A_182 = arith.constant 1.250000e-01 : f32
        %mul3A_183 = vector.broadcast %mul3A_182 : f32 to vector<128x512xf32>
        %mul3A_184 = arith.mulf %dot_general3A_181, %mul3A_183 : vector<128x512xf32>
        %jit3A_185 = arith.constant -1.000000e+30 : f32
        %broadcast_in_dim3A_186 = vector.broadcast %jit3A_185 : f32 to vector<128x512xf32>
        %select_n3A_187 = arith.select %eq3A_147, %mul3A_184, %broadcast_in_dim3A_186 : vector<128x512xi1>, vector<128x512xf32>
        %reduce_max3A_188 = arith.constant dense<0xFF800000> : vector<128xf32>
        %reduce_max3A_189 = vector.multi_reduction <maximumf>, %select_n3A_187, %reduce_max3A_188 [1] : vector<128x512xf32> to vector<128xf32>
        %broadcast_in_dim3A_190 = vector.shape_cast %reduce_max3A_189 : vector<128xf32> to vector<128x1xf32>
        %max3A_191 = arith.maximumf %while3A_137, %broadcast_in_dim3A_190 : vector<128x1xf32>
        %sub3A_192 = vector.broadcast %max3A_191 : vector<128x1xf32> to vector<128x512xf32>
        %sub3A_193 = arith.subf %select_n3A_187, %sub3A_192 : vector<128x512xf32>
        %exp3A_194 = math.exp %sub3A_193 : vector<128x512xf32>
        %sub3A_195 = arith.subf %while3A_137, %max3A_191 : vector<128x1xf32>
        %exp3A_196 = math.exp %sub3A_195 : vector<128x1xf32>
        %mul3A_197 = arith.mulf %while3A_138, %exp3A_196 : vector<128x1xf32>
        %reduce_sum3A_198 = arith.constant dense<0.000000e+00> : vector<128xf32>
        %reduce_sum3A_199 = vector.multi_reduction <add>, %exp3A_194, %reduce_sum3A_198 [1] : vector<128x512xf32> to vector<128xf32>
        %broadcast_in_dim3A_200 = vector.shape_cast %reduce_sum3A_199 : vector<128xf32> to vector<128x1xf32>
        %add3A_201 = arith.addf %mul3A_197, %broadcast_in_dim3A_200 : vector<128x1xf32>
        %mul3A_202 = vector.broadcast %exp3A_196 : vector<128x1xf32> to vector<128x64xf32>
        %mul3A_203 = arith.mulf %while3A_139, %mul3A_202 : vector<128x64xf32>
        %get3A_204 = arith.index_cast %mul3A_142 : i32 to index
        %get3A_205 = arith.constant 64 : index
        %get3A_206 = vector.load %arg18[%get3A_204, %get3A_205] : memref<10240x128xf32, #tpu.memory_space<vmem>>, vector<512x64xf32>
        %dot_general3A_207 = arith.constant dense<0.000000e+00> : vector<128x64xf32>
        %dot_general3A_208 = tpu.matmul %exp3A_194, %get3A_206, %dot_general3A_207 {dimension_numbers = #tpu.dot_dimension_numbers<[1], [0], [0], [1], [0, 0, 1, 1], [], []>, transpose_lhs_hint = false} : vector<128x512xf32>, vector<512x64xf32>, vector<128x64xf32> -> vector<128x64xf32>
        %add3A_209 = arith.addf %mul3A_203, %dot_general3A_208 : vector<128x64xf32>
        scf.yield %max3A, %add3A_167, %add3A_175, %max3A_191, %add3A_201, %add3A_209 : vector<128x1xf32>, vector<128x1xf32>, vector<128x64xf32>, vector<128x1xf32>, vector<128x1xf32>, vector<128x64xf32>
      }
      %while3A_122 = arith.constant 1 : i32
      %while3A_123:6 = scf.for %while3A_133 = %while3A_119 to %while3A_115 step %while3A_122 iter_args(%while3A_134 = %while3A_121#0, %while3A_135 = %while3A_121#1, %while3A_136 = %while3A_121#2, %while3A_137 = %while3A_121#3, %while3A_138 = %while3A_121#4, %while3A_139 = %while3A_121#5) -> (vector<128x1xf32>, vector<128x1xf32>, vector<128x64xf32>, vector<128x1xf32>, vector<128x1xf32>, vector<128x64xf32>)  : i32 {
        %add3A_140 = arith.addi %get3A_105, %while3A_133 : i32
        %mul3A_141 = arith.constant 512 : i32
        %mul3A_142 = arith.muli %add3A_140, %mul3A_141 : i32
        %get3A_143 = arith.constant 0 : index
        %get3A_144 = arith.index_cast %mul3A_142 : i32 to index
        %get3A_145 = vector.load %arg2[%get3A_143, %get3A_144] : memref<1x10240xi32, #tpu.memory_space<vmem>>, vector<1x512xi32>
        %eq3A = vector.broadcast %get3A_100 : vector<128x1xi32> to vector<128x512xi32>
        %eq3A_146 = vector.broadcast %get3A_145 : vector<1x512xi32> to vector<128x512xi32>
        %eq3A_147 = arith.cmpi eq, %eq3A, %eq3A_146 : vector<128x512xi32>
        %slice3A = vector.extract_strided_slice %get3A_103 {offsets = [0, 0], sizes = [128, 64], strides = [1, 1]} : vector<128x128xf32> to vector<128x64xf32>
        %get3A_148 = arith.index_cast %mul3A_142 : i32 to index
        %get3A_149 = arith.constant 0 : index
        %get3A_150 = vector.load %arg17[%get3A_148, %get3A_149] : memref<10240x128xf32, #tpu.memory_space<vmem>>, vector<512x64xf32>
        %dot_general3A_151 = arith.constant dense<0.000000e+00> : vector<128x512xf32>
        %dot_general3A_152 = tpu.matmul %slice3A, %get3A_150, %dot_general3A_151 {dimension_numbers = #tpu.dot_dimension_numbers<[1], [1], [0], [0], [0, 0, 1, 0], [], []>, transpose_lhs_hint = false} : vector<128x64xf32>, vector<512x64xf32>, vector<128x512xf32> -> vector<128x512xf32>
        %mul3A_153 = arith.constant 1.250000e-01 : f32
        %mul3A_154 = vector.broadcast %mul3A_153 : f32 to vector<128x512xf32>
        %mul3A_155 = arith.mulf %dot_general3A_152, %mul3A_154 : vector<128x512xf32>
        %jit3A = arith.constant -1.000000e+30 : f32
        %broadcast_in_dim3A_156 = vector.broadcast %jit3A : f32 to vector<128x512xf32>
        %select_n3A = arith.select %eq3A_147, %mul3A_155, %broadcast_in_dim3A_156 : vector<128x512xi1>, vector<128x512xf32>
        %reduce_max3A = arith.constant dense<0xFF800000> : vector<128xf32>
        %reduce_max3A_157 = vector.multi_reduction <maximumf>, %select_n3A, %reduce_max3A [1] : vector<128x512xf32> to vector<128xf32>
        %broadcast_in_dim3A_158 = vector.shape_cast %reduce_max3A_157 : vector<128xf32> to vector<128x1xf32>
        %max3A = arith.maximumf %while3A_134, %broadcast_in_dim3A_158 : vector<128x1xf32>
        %sub3A_159 = vector.broadcast %max3A : vector<128x1xf32> to vector<128x512xf32>
        %sub3A_160 = arith.subf %select_n3A, %sub3A_159 : vector<128x512xf32>
        %exp3A = math.exp %sub3A_160 : vector<128x512xf32>
        %sub3A_161 = arith.subf %while3A_134, %max3A : vector<128x1xf32>
        %exp3A_162 = math.exp %sub3A_161 : vector<128x1xf32>
        %mul3A_163 = arith.mulf %while3A_135, %exp3A_162 : vector<128x1xf32>
        %reduce_sum3A_164 = arith.constant dense<0.000000e+00> : vector<128xf32>
        %reduce_sum3A_165 = vector.multi_reduction <add>, %exp3A, %reduce_sum3A_164 [1] : vector<128x512xf32> to vector<128xf32>
        %broadcast_in_dim3A_166 = vector.shape_cast %reduce_sum3A_165 : vector<128xf32> to vector<128x1xf32>
        %add3A_167 = arith.addf %mul3A_163, %broadcast_in_dim3A_166 : vector<128x1xf32>
        %mul3A_168 = vector.broadcast %exp3A_162 : vector<128x1xf32> to vector<128x64xf32>
        %mul3A_169 = arith.mulf %while3A_136, %mul3A_168 : vector<128x64xf32>
        %get3A_170 = arith.index_cast %mul3A_142 : i32 to index
        %get3A_171 = arith.constant 0 : index
        %get3A_172 = vector.load %arg18[%get3A_170, %get3A_171] : memref<10240x128xf32, #tpu.memory_space<vmem>>, vector<512x64xf32>
        %dot_general3A_173 = arith.constant dense<0.000000e+00> : vector<128x64xf32>
        %dot_general3A_174 = tpu.matmul %exp3A, %get3A_172, %dot_general3A_173 {dimension_numbers = #tpu.dot_dimension_numbers<[1], [0], [0], [1], [0, 0, 1, 1], [], []>, transpose_lhs_hint = false} : vector<128x512xf32>, vector<512x64xf32>, vector<128x64xf32> -> vector<128x64xf32>
        %add3A_175 = arith.addf %mul3A_169, %dot_general3A_174 : vector<128x64xf32>
        %slice3A_176 = vector.extract_strided_slice %get3A_103 {offsets = [0, 64], sizes = [128, 64], strides = [1, 1]} : vector<128x128xf32> to vector<128x64xf32>
        %get3A_177 = arith.index_cast %mul3A_142 : i32 to index
        %get3A_178 = arith.constant 64 : index
        %get3A_179 = vector.load %arg17[%get3A_177, %get3A_178] : memref<10240x128xf32, #tpu.memory_space<vmem>>, vector<512x64xf32>
        %dot_general3A_180 = arith.constant dense<0.000000e+00> : vector<128x512xf32>
        %dot_general3A_181 = tpu.matmul %slice3A_176, %get3A_179, %dot_general3A_180 {dimension_numbers = #tpu.dot_dimension_numbers<[1], [1], [0], [0], [0, 0, 1, 0], [], []>, transpose_lhs_hint = false} : vector<128x64xf32>, vector<512x64xf32>, vector<128x512xf32> -> vector<128x512xf32>
        %mul3A_182 = arith.constant 1.250000e-01 : f32
        %mul3A_183 = vector.broadcast %mul3A_182 : f32 to vector<128x512xf32>
        %mul3A_184 = arith.mulf %dot_general3A_181, %mul3A_183 : vector<128x512xf32>
        %jit3A_185 = arith.constant -1.000000e+30 : f32
        %broadcast_in_dim3A_186 = vector.broadcast %jit3A_185 : f32 to vector<128x512xf32>
        %select_n3A_187 = arith.select %eq3A_147, %mul3A_184, %broadcast_in_dim3A_186 : vector<128x512xi1>, vector<128x512xf32>
        %reduce_max3A_188 = arith.constant dense<0xFF800000> : vector<128xf32>
        %reduce_max3A_189 = vector.multi_reduction <maximumf>, %select_n3A_187, %reduce_max3A_188 [1] : vector<128x512xf32> to vector<128xf32>
        %broadcast_in_dim3A_190 = vector.shape_cast %reduce_max3A_189 : vector<128xf32> to vector<128x1xf32>
        %max3A_191 = arith.maximumf %while3A_137, %broadcast_in_dim3A_190 : vector<128x1xf32>
        %sub3A_192 = vector.broadcast %max3A_191 : vector<128x1xf32> to vector<128x512xf32>
        %sub3A_193 = arith.subf %select_n3A_187, %sub3A_192 : vector<128x512xf32>
        %exp3A_194 = math.exp %sub3A_193 : vector<128x512xf32>
        %sub3A_195 = arith.subf %while3A_137, %max3A_191 : vector<128x1xf32>
        %exp3A_196 = math.exp %sub3A_195 : vector<128x1xf32>
        %mul3A_197 = arith.mulf %while3A_138, %exp3A_196 : vector<128x1xf32>
        %reduce_sum3A_198 = arith.constant dense<0.000000e+00> : vector<128xf32>
        %reduce_sum3A_199 = vector.multi_reduction <add>, %exp3A_194, %reduce_sum3A_198 [1] : vector<128x512xf32> to vector<128xf32>
        %broadcast_in_dim3A_200 = vector.shape_cast %reduce_sum3A_199 : vector<128xf32> to vector<128x1xf32>
        %add3A_201 = arith.addf %mul3A_197, %broadcast_in_dim3A_200 : vector<128x1xf32>
        %mul3A_202 = vector.broadcast %exp3A_196 : vector<128x1xf32> to vector<128x64xf32>
        %mul3A_203 = arith.mulf %while3A_139, %mul3A_202 : vector<128x64xf32>
        %get3A_204 = arith.index_cast %mul3A_142 : i32 to index
        %get3A_205 = arith.constant 64 : index
        %get3A_206 = vector.load %arg18[%get3A_204, %get3A_205] : memref<10240x128xf32, #tpu.memory_space<vmem>>, vector<512x64xf32>
        %dot_general3A_207 = arith.constant dense<0.000000e+00> : vector<128x64xf32>
        %dot_general3A_208 = tpu.matmul %exp3A_194, %get3A_206, %dot_general3A_207 {dimension_numbers = #tpu.dot_dimension_numbers<[1], [0], [0], [1], [0, 0, 1, 1], [], []>, transpose_lhs_hint = false} : vector<128x512xf32>, vector<512x64xf32>, vector<128x64xf32> -> vector<128x64xf32>
        %add3A_209 = arith.addf %mul3A_203, %dot_general3A_208 : vector<128x64xf32>
        scf.yield %max3A, %add3A_167, %add3A_175, %max3A_191, %add3A_201, %add3A_209 : vector<128x1xf32>, vector<128x1xf32>, vector<128x64xf32>, vector<128x1xf32>, vector<128x1xf32>, vector<128x64xf32>
      }
      %div3A = vector.broadcast %while3A_123#1 : vector<128x1xf32> to vector<128x64xf32>
      %div3A_124 = arith.divf %while3A_123#2, %div3A : vector<128x64xf32>
      %swap3A_125 = arith.index_cast %mul3A_97 : i32 to index
      %swap3A_126 = arith.constant 0 : index
      %swap3A_127 = vector.load %arg16[%swap3A_125, %swap3A_126] : memref<10240x128xf32, #tpu.memory_space<vmem>>, vector<128x64xf32>
      tpu.vector_store %arg16[%swap3A_125, %swap3A_126], %div3A_124 {strides = array<i32>} : memref<10240x128xf32, #tpu.memory_space<vmem>>, vector<128x64xf32>,
      %div3A_128 = vector.broadcast %while3A_123#4 : vector<128x1xf32> to vector<128x64xf32>
      %div3A_129 = arith.divf %while3A_123#5, %div3A_128 : vector<128x64xf32>
      %swap3A_130 = arith.index_cast %mul3A_97 : i32 to index
      %swap3A_131 = arith.constant 64 : index
      %swap3A_132 = vector.load %arg16[%swap3A_130, %swap3A_131] : memref<10240x128xf32, #tpu.memory_space<vmem>>, vector<128x64xf32>
      tpu.vector_store %arg16[%swap3A_130, %swap3A_131], %div3A_129 {strides = array<i32>} : memref<10240x128xf32, #tpu.memory_space<vmem>>, vector<128x64xf32>,
    }
    %scan3A_47 = arith.constant 80 : i32
    %get3A_48 = arith.constant 0 : index
    %get3A_49 = arith.constant 0 : index
    %get3A_50 = vector.load %arg16[%get3A_48, %get3A_49] : memref<10240x128xf32, #tpu.memory_space<vmem>>, vector<10240x128xf32>
    %get3A_51 = arith.constant 0 : index
    %get3A_52 = arith.constant 0 : index
    %get3A_53 = vector.load %arg11[%get3A_51, %get3A_52] : memref<128x128xf32, #tpu.memory_space<vmem>>, vector<128x128xf32>
    %dot_general3A_54 = arith.constant dense<0.000000e+00> : vector<10240x128xf32>
    %dot_general3A_55 = tpu.matmul %get3A_50, %get3A_53, %dot_general3A_54 {dimension_numbers = #tpu.dot_dimension_numbers<[1], [1], [0], [0], [0, 0, 1, 0], [], []>, transpose_lhs_hint = false} : vector<10240x128xf32>, vector<128x128xf32>, vector<10240x128xf32> -> vector<10240x128xf32>
    %get3A_56 = arith.constant 0 : index
    %get3A_57 = arith.constant 0 : index
    %get3A_58 = vector.load %arg12[%get3A_56, %get3A_57] : memref<1x128xf32, #tpu.memory_space<vmem>>, vector<1x128xf32>
    %add3A_59 = vector.broadcast %get3A_58 : vector<1x128xf32> to vector<10240x128xf32>
    %add3A_60 = arith.addf %dot_general3A_55, %add3A_59 : vector<10240x128xf32>
    %add3A_61 = arith.addf %add3A_60, %get3A_1 : vector<10240x128xf32>
    %get3A_62 = arith.constant 0 : index
    %get3A_63 = arith.constant 0 : index
    %get3A_64 = vector.load %arg13[%get3A_62, %get3A_63] : memref<1x128xf32, #tpu.memory_space<vmem>>, vector<1x128xf32>
    %get3A_65 = arith.constant 0 : index
    %get3A_66 = arith.constant 0 : index
    %get3A_67 = vector.load %arg14[%get3A_65, %get3A_66] : memref<1x128xf32, #tpu.memory_space<vmem>>, vector<1x128xf32>
    %mul3A = vector.broadcast %convert_element_type3A_7 : vector<10240x1xf32> to vector<10240x128xf32>
    %mul3A_68 = arith.mulf %add3A_61, %mul3A : vector<10240x128xf32>
    %reduce_sum3A = arith.constant dense<0.000000e+00> : vector<128xf32>
    %reduce_sum3A_69 = vector.multi_reduction <add>, %mul3A_68, %reduce_sum3A [0] : vector<10240x128xf32> to vector<128xf32>
    %broadcast_in_dim3A = vector.shape_cast %reduce_sum3A_69 : vector<128xf32> to vector<1x128xf32>
    %mul3A_70 = arith.constant 9.99999974E-5 : f32
    %mul3A_71 = vector.broadcast %mul3A_70 : f32 to vector<1x128xf32>
    %mul3A_72 = arith.mulf %broadcast_in_dim3A, %mul3A_71 : vector<1x128xf32>
    %sub3A = vector.broadcast %mul3A_72 : vector<1x128xf32> to vector<10240x128xf32>
    %sub3A_73 = arith.subf %mul3A_68, %sub3A : vector<10240x128xf32>
    %mul3A_74 = vector.broadcast %convert_element_type3A_7 : vector<10240x1xf32> to vector<10240x128xf32>
    %mul3A_75 = arith.mulf %sub3A_73, %mul3A_74 : vector<10240x128xf32>
    %mul3A_76 = arith.mulf %mul3A_75, %mul3A_75 : vector<10240x128xf32>
    %reduce_sum3A_77 = arith.constant dense<0.000000e+00> : vector<128xf32>
    %reduce_sum3A_78 = vector.multi_reduction <add>, %mul3A_76, %reduce_sum3A_77 [0] : vector<10240x128xf32> to vector<128xf32>
    %broadcast_in_dim3A_79 = vector.shape_cast %reduce_sum3A_78 : vector<128xf32> to vector<1x128xf32>
    %mul3A_80 = arith.constant 9.99999974E-5 : f32
    %mul3A_81 = vector.broadcast %mul3A_80 : f32 to vector<1x128xf32>
    %mul3A_82 = arith.mulf %broadcast_in_dim3A_79, %mul3A_81 : vector<1x128xf32>
    %add3A_83 = arith.constant 9.99999974E-6 : f32
    %add3A_84 = vector.broadcast %add3A_83 : f32 to vector<1x128xf32>
    %add3A_85 = arith.addf %mul3A_82, %add3A_84 : vector<1x128xf32>
    %rsqrt3A = math.rsqrt %add3A_85 : vector<1x128xf32>
    %mul3A_86 = vector.broadcast %rsqrt3A : vector<1x128xf32> to vector<10240x128xf32>
    %mul3A_87 = arith.mulf %mul3A_75, %mul3A_86 : vector<10240x128xf32>
    %mul3A_88 = vector.broadcast %get3A_64 : vector<1x128xf32> to vector<10240x128xf32>
    %mul3A_89 = arith.mulf %mul3A_87, %mul3A_88 : vector<10240x128xf32>
    %add3A_90 = vector.broadcast %get3A_67 : vector<1x128xf32> to vector<10240x128xf32>
    %add3A_91 = arith.addf %mul3A_89, %add3A_90 : vector<10240x128xf32>
    %swap3A_92 = arith.constant 0 : index
    %swap3A_93 = arith.constant 0 : index
    %swap3A_94 = vector.load %arg15[%swap3A_92, %swap3A_93] : memref<10240x128xf32, #tpu.memory_space<vmem>>, vector<10240x128xf32>
    tpu.vector_store %arg15[%swap3A_92, %swap3A_93], %add3A_91 {strides = array<i32>} : memref<10240x128xf32, #tpu.memory_space<vmem>>, vector<10240x128xf32>,
    return
  }
}

module attributes {stable_mosaic.version = 14 : i64} {
  func.func @_mix_body(%arg0: memref<10240x128xf32, #tpu.memory_space<vmem>>, %arg1: memref<2x10240x128xf32, #tpu.memory_space<vmem>>, %arg2: memref<10240x128xf32, #tpu.memory_space<vmem>>, %arg3: memref<10240x1xi32, #tpu.memory_space<vmem>>, %arg4: memref<128x128xf32, #tpu.memory_space<vmem>>, %arg5: memref<1x128xf32, #tpu.memory_space<vmem>>, %arg6: memref<128x128xf32, #tpu.memory_space<vmem>>, %arg7: memref<1x128xf32, #tpu.memory_space<vmem>>, %arg8: memref<256x128xf32, #tpu.memory_space<vmem>>, %arg9: memref<1x256xf32, #tpu.memory_space<vmem>>, %arg10: memref<128x256xf32, #tpu.memory_space<vmem>>, %arg11: memref<1x128xf32, #tpu.memory_space<vmem>>, %arg12: memref<1x128xf32, #tpu.memory_space<vmem>>, %arg13: memref<1x128xf32, #tpu.memory_space<vmem>>, %arg14: memref<1x128xf32, #tpu.memory_space<vmem>>, %arg15: memref<1x128xf32, #tpu.memory_space<vmem>>, %arg16: memref<10240x128xf32, #tpu.memory_space<vmem>>) attributes {dimension_semantics = [], scalar_prefetch = 0 : i64, scratch_operands = 0 : i64, tpu.core_type = #tpu.core_type<tc>} {
    %get3A = arith.constant 0 : index
    %get3A_0 = arith.constant 0 : index
    %get3A_1 = vector.load %arg0[%get3A, %get3A_0] : memref<10240x128xf32, #tpu.memory_space<vmem>>, vector<10240x128xf32>
    %get3A_2 = arith.constant 0 : index
    %get3A_3 = arith.constant 0 : index
    %get3A_4 = vector.load %arg3[%get3A_2, %get3A_3] : memref<10240x1xi32, #tpu.memory_space<vmem>>, vector<10240x1xi32>
    %lt3A = arith.constant 20 : i32
    %lt3A_5 = vector.broadcast %lt3A : i32 to vector<10240x1xi32>
    %lt3A_6 = arith.cmpi slt, %get3A_4, %lt3A_5 : vector<10240x1xi32>
    %convert_element_type3A = arith.extui %lt3A_6 : vector<10240x1xi1> to vector<10240x1xi32>
    %convert_element_type3A_7 = arith.sitofp %convert_element_type3A : vector<10240x1xi32> to vector<10240x1xf32>
    %get3A_8 = arith.constant 0 : index
    %get3A_9 = arith.constant 0 : index
    %get3A_10 = arith.constant 0 : index
    %get3A_11 = vector.load %arg1[%get3A_8, %get3A_9, %get3A_10] : memref<2x10240x128xf32, #tpu.memory_space<vmem>>, vector<1x10240x128xf32>
    %get3A_12 = vector.shape_cast %get3A_11 : vector<1x10240x128xf32> to vector<10240x128xf32>
    %add3A = arith.addf %get3A_1, %get3A_12 : vector<10240x128xf32>
    %get3A_13 = arith.constant 1 : index
    %get3A_14 = arith.constant 0 : index
    %get3A_15 = arith.constant 0 : index
    %get3A_16 = vector.load %arg1[%get3A_13, %get3A_14, %get3A_15] : memref<2x10240x128xf32, #tpu.memory_space<vmem>>, vector<1x10240x128xf32>
    %get3A_17 = vector.shape_cast %get3A_16 : vector<1x10240x128xf32> to vector<10240x128xf32>
    %add3A_18 = arith.addf %add3A, %get3A_17 : vector<10240x128xf32>
    %get3A_19 = arith.constant 0 : index
    %get3A_20 = arith.constant 0 : index
    %get3A_21 = vector.load %arg4[%get3A_19, %get3A_20] : memref<128x128xf32, #tpu.memory_space<vmem>>, vector<128x128xf32>
    %dot_general3A = arith.constant dense<0.000000e+00> : vector<10240x128xf32>
    %dot_general3A_22 = tpu.matmul %add3A_18, %get3A_21, %dot_general3A {dimension_numbers = #tpu.dot_dimension_numbers<[1], [1], [0], [0], [0, 0, 1, 0], [], []>, transpose_lhs_hint = false} : vector<10240x128xf32>, vector<128x128xf32>, vector<10240x128xf32> -> vector<10240x128xf32>
    %get3A_23 = arith.constant 0 : index
    %get3A_24 = arith.constant 0 : index
    %get3A_25 = vector.load %arg5[%get3A_23, %get3A_24] : memref<1x128xf32, #tpu.memory_space<vmem>>, vector<1x128xf32>
    %add3A_26 = vector.broadcast %get3A_25 : vector<1x128xf32> to vector<10240x128xf32>
    %add3A_27 = arith.addf %dot_general3A_22, %add3A_26 : vector<10240x128xf32>
    %max3A = arith.constant 0.000000e+00 : f32
    %max3A_28 = vector.broadcast %max3A : f32 to vector<10240x128xf32>
    %max3A_29 = arith.maximumf %add3A_27, %max3A_28 : vector<10240x128xf32>
    %get3A_30 = arith.constant 0 : index
    %get3A_31 = arith.constant 0 : index
    %get3A_32 = vector.load %arg6[%get3A_30, %get3A_31] : memref<128x128xf32, #tpu.memory_space<vmem>>, vector<128x128xf32>
    %dot_general3A_33 = arith.constant dense<0.000000e+00> : vector<10240x128xf32>
    %dot_general3A_34 = tpu.matmul %max3A_29, %get3A_32, %dot_general3A_33 {dimension_numbers = #tpu.dot_dimension_numbers<[1], [1], [0], [0], [0, 0, 1, 0], [], []>, transpose_lhs_hint = false} : vector<10240x128xf32>, vector<128x128xf32>, vector<10240x128xf32> -> vector<10240x128xf32>
    %get3A_35 = arith.constant 0 : index
    %get3A_36 = arith.constant 0 : index
    %get3A_37 = vector.load %arg7[%get3A_35, %get3A_36] : memref<1x128xf32, #tpu.memory_space<vmem>>, vector<1x128xf32>
    %add3A_38 = vector.broadcast %get3A_37 : vector<1x128xf32> to vector<10240x128xf32>
    %add3A_39 = arith.addf %dot_general3A_34, %add3A_38 : vector<10240x128xf32>
    %add3A_40 = arith.addf %add3A_39, %get3A_1 : vector<10240x128xf32>
    %get3A_41 = arith.constant 0 : index
    %get3A_42 = arith.constant 0 : index
    %get3A_43 = vector.load %arg12[%get3A_41, %get3A_42] : memref<1x128xf32, #tpu.memory_space<vmem>>, vector<1x128xf32>
    %get3A_44 = arith.constant 0 : index
    %get3A_45 = arith.constant 0 : index
    %get3A_46 = vector.load %arg13[%get3A_44, %get3A_45] : memref<1x128xf32, #tpu.memory_space<vmem>>, vector<1x128xf32>
    %mul3A = vector.broadcast %convert_element_type3A_7 : vector<10240x1xf32> to vector<10240x128xf32>
    %mul3A_47 = arith.mulf %add3A_40, %mul3A : vector<10240x128xf32>
    %reduce_sum3A = arith.constant dense<0.000000e+00> : vector<128xf32>
    %reduce_sum3A_48 = vector.multi_reduction <add>, %mul3A_47, %reduce_sum3A [0] : vector<10240x128xf32> to vector<128xf32>
    %broadcast_in_dim3A = vector.shape_cast %reduce_sum3A_48 : vector<128xf32> to vector<1x128xf32>
    %mul3A_49 = arith.constant 9.99999974E-5 : f32
    %mul3A_50 = vector.broadcast %mul3A_49 : f32 to vector<1x128xf32>
    %mul3A_51 = arith.mulf %broadcast_in_dim3A, %mul3A_50 : vector<1x128xf32>
    %sub3A = vector.broadcast %mul3A_51 : vector<1x128xf32> to vector<10240x128xf32>
    %sub3A_52 = arith.subf %mul3A_47, %sub3A : vector<10240x128xf32>
    %mul3A_53 = vector.broadcast %convert_element_type3A_7 : vector<10240x1xf32> to vector<10240x128xf32>
    %mul3A_54 = arith.mulf %sub3A_52, %mul3A_53 : vector<10240x128xf32>
    %mul3A_55 = arith.mulf %mul3A_54, %mul3A_54 : vector<10240x128xf32>
    %reduce_sum3A_56 = arith.constant dense<0.000000e+00> : vector<128xf32>
    %reduce_sum3A_57 = vector.multi_reduction <add>, %mul3A_55, %reduce_sum3A_56 [0] : vector<10240x128xf32> to vector<128xf32>
    %broadcast_in_dim3A_58 = vector.shape_cast %reduce_sum3A_57 : vector<128xf32> to vector<1x128xf32>
    %mul3A_59 = arith.constant 9.99999974E-5 : f32
    %mul3A_60 = vector.broadcast %mul3A_59 : f32 to vector<1x128xf32>
    %mul3A_61 = arith.mulf %broadcast_in_dim3A_58, %mul3A_60 : vector<1x128xf32>
    %add3A_62 = arith.constant 9.99999974E-6 : f32
    %add3A_63 = vector.broadcast %add3A_62 : f32 to vector<1x128xf32>
    %add3A_64 = arith.addf %mul3A_61, %add3A_63 : vector<1x128xf32>
    %rsqrt3A = math.rsqrt %add3A_64 : vector<1x128xf32>
    %mul3A_65 = vector.broadcast %rsqrt3A : vector<1x128xf32> to vector<10240x128xf32>
    %mul3A_66 = arith.mulf %mul3A_54, %mul3A_65 : vector<10240x128xf32>
    %mul3A_67 = vector.broadcast %get3A_43 : vector<1x128xf32> to vector<10240x128xf32>
    %mul3A_68 = arith.mulf %mul3A_66, %mul3A_67 : vector<10240x128xf32>
    %add3A_69 = vector.broadcast %get3A_46 : vector<1x128xf32> to vector<10240x128xf32>
    %add3A_70 = arith.addf %mul3A_68, %add3A_69 : vector<10240x128xf32>
    %get3A_71 = arith.constant 0 : index
    %get3A_72 = arith.constant 0 : index
    %get3A_73 = vector.load %arg2[%get3A_71, %get3A_72] : memref<10240x128xf32, #tpu.memory_space<vmem>>, vector<10240x128xf32>
    %add3A_74 = arith.addf %add3A_70, %get3A_73 : vector<10240x128xf32>
    %get3A_75 = arith.constant 0 : index
    %get3A_76 = arith.constant 0 : index
    %get3A_77 = vector.load %arg8[%get3A_75, %get3A_76] : memref<256x128xf32, #tpu.memory_space<vmem>>, vector<256x128xf32>
    %dot_general3A_78 = arith.constant dense<0.000000e+00> : vector<10240x256xf32>
    %dot_general3A_79 = tpu.matmul %add3A_74, %get3A_77, %dot_general3A_78 {dimension_numbers = #tpu.dot_dimension_numbers<[1], [1], [0], [0], [0, 0, 1, 0], [], []>, transpose_lhs_hint = false} : vector<10240x128xf32>, vector<256x128xf32>, vector<10240x256xf32> -> vector<10240x256xf32>
    %get3A_80 = arith.constant 0 : index
    %get3A_81 = arith.constant 0 : index
    %get3A_82 = vector.load %arg9[%get3A_80, %get3A_81] : memref<1x256xf32, #tpu.memory_space<vmem>>, vector<1x256xf32>
    %add3A_83 = vector.broadcast %get3A_82 : vector<1x256xf32> to vector<10240x256xf32>
    %add3A_84 = arith.addf %dot_general3A_79, %add3A_83 : vector<10240x256xf32>
    %max3A_85 = arith.constant 0.000000e+00 : f32
    %max3A_86 = vector.broadcast %max3A_85 : f32 to vector<10240x256xf32>
    %max3A_87 = arith.maximumf %add3A_84, %max3A_86 : vector<10240x256xf32>
    %get3A_88 = arith.constant 0 : index
    %get3A_89 = arith.constant 0 : index
    %get3A_90 = vector.load %arg10[%get3A_88, %get3A_89] : memref<128x256xf32, #tpu.memory_space<vmem>>, vector<128x256xf32>
    %dot_general3A_91 = arith.constant dense<0.000000e+00> : vector<10240x128xf32>
    %dot_general3A_92 = tpu.matmul %max3A_87, %get3A_90, %dot_general3A_91 {dimension_numbers = #tpu.dot_dimension_numbers<[1], [1], [0], [0], [0, 0, 1, 0], [], []>, transpose_lhs_hint = false} : vector<10240x256xf32>, vector<128x256xf32>, vector<10240x128xf32> -> vector<10240x128xf32>
    %add3A_93 = arith.addf %add3A_74, %dot_general3A_92 : vector<10240x128xf32>
    %get3A_94 = arith.constant 0 : index
    %get3A_95 = arith.constant 0 : index
    %get3A_96 = vector.load %arg11[%get3A_94, %get3A_95] : memref<1x128xf32, #tpu.memory_space<vmem>>, vector<1x128xf32>
    %add3A_97 = vector.broadcast %get3A_96 : vector<1x128xf32> to vector<10240x128xf32>
    %add3A_98 = arith.addf %add3A_93, %add3A_97 : vector<10240x128xf32>
    %get3A_99 = arith.constant 0 : index
    %get3A_100 = arith.constant 0 : index
    %get3A_101 = vector.load %arg14[%get3A_99, %get3A_100] : memref<1x128xf32, #tpu.memory_space<vmem>>, vector<1x128xf32>
    %get3A_102 = arith.constant 0 : index
    %get3A_103 = arith.constant 0 : index
    %get3A_104 = vector.load %arg15[%get3A_102, %get3A_103] : memref<1x128xf32, #tpu.memory_space<vmem>>, vector<1x128xf32>
    %mul3A_105 = vector.broadcast %convert_element_type3A_7 : vector<10240x1xf32> to vector<10240x128xf32>
    %mul3A_106 = arith.mulf %add3A_98, %mul3A_105 : vector<10240x128xf32>
    %reduce_sum3A_107 = arith.constant dense<0.000000e+00> : vector<128xf32>
    %reduce_sum3A_108 = vector.multi_reduction <add>, %mul3A_106, %reduce_sum3A_107 [0] : vector<10240x128xf32> to vector<128xf32>
    %broadcast_in_dim3A_109 = vector.shape_cast %reduce_sum3A_108 : vector<128xf32> to vector<1x128xf32>
    %mul3A_110 = arith.constant 9.99999974E-5 : f32
    %mul3A_111 = vector.broadcast %mul3A_110 : f32 to vector<1x128xf32>
    %mul3A_112 = arith.mulf %broadcast_in_dim3A_109, %mul3A_111 : vector<1x128xf32>
    %sub3A_113 = vector.broadcast %mul3A_112 : vector<1x128xf32> to vector<10240x128xf32>
    %sub3A_114 = arith.subf %mul3A_106, %sub3A_113 : vector<10240x128xf32>
    %mul3A_115 = vector.broadcast %convert_element_type3A_7 : vector<10240x1xf32> to vector<10240x128xf32>
    %mul3A_116 = arith.mulf %sub3A_114, %mul3A_115 : vector<10240x128xf32>
    %mul3A_117 = arith.mulf %mul3A_116, %mul3A_116 : vector<10240x128xf32>
    %reduce_sum3A_118 = arith.constant dense<0.000000e+00> : vector<128xf32>
    %reduce_sum3A_119 = vector.multi_reduction <add>, %mul3A_117, %reduce_sum3A_118 [0] : vector<10240x128xf32> to vector<128xf32>
    %broadcast_in_dim3A_120 = vector.shape_cast %reduce_sum3A_119 : vector<128xf32> to vector<1x128xf32>
    %mul3A_121 = arith.constant 9.99999974E-5 : f32
    %mul3A_122 = vector.broadcast %mul3A_121 : f32 to vector<1x128xf32>
    %mul3A_123 = arith.mulf %broadcast_in_dim3A_120, %mul3A_122 : vector<1x128xf32>
    %add3A_124 = arith.constant 9.99999974E-6 : f32
    %add3A_125 = vector.broadcast %add3A_124 : f32 to vector<1x128xf32>
    %add3A_126 = arith.addf %mul3A_123, %add3A_125 : vector<1x128xf32>
    %rsqrt3A_127 = math.rsqrt %add3A_126 : vector<1x128xf32>
    %mul3A_128 = vector.broadcast %rsqrt3A_127 : vector<1x128xf32> to vector<10240x128xf32>
    %mul3A_129 = arith.mulf %mul3A_116, %mul3A_128 : vector<10240x128xf32>
    %mul3A_130 = vector.broadcast %get3A_101 : vector<1x128xf32> to vector<10240x128xf32>
    %mul3A_131 = arith.mulf %mul3A_129, %mul3A_130 : vector<10240x128xf32>
    %add3A_132 = vector.broadcast %get3A_104 : vector<1x128xf32> to vector<10240x128xf32>
    %add3A_133 = arith.addf %mul3A_131, %add3A_132 : vector<10240x128xf32>
    %mul3A_134 = vector.broadcast %convert_element_type3A_7 : vector<10240x1xf32> to vector<10240x128xf32>
    %mul3A_135 = arith.mulf %add3A_133, %mul3A_134 : vector<10240x128xf32>
    %swap3A = arith.constant 0 : index
    %swap3A_136 = arith.constant 0 : index
    %swap3A_137 = vector.load %arg16[%swap3A, %swap3A_136] : memref<10240x128xf32, #tpu.memory_space<vmem>>, vector<10240x128xf32>
    tpu.vector_store %arg16[%swap3A, %swap3A_136], %mul3A_135 {strides = array<i32>} : memref<10240x128xf32, #tpu.memory_space<vmem>>, vector<10240x128xf32>,
    return
  }
}

module attributes {stable_mosaic.version = 14 : i64} {
  func.func @_mix_head_body(%arg0: memref<10240x128xf32, #tpu.memory_space<vmem>>, %arg1: memref<2x10240x128xf32, #tpu.memory_space<vmem>>, %arg2: memref<10240x128xf32, #tpu.memory_space<vmem>>, %arg3: memref<10240x1xi32, #tpu.memory_space<vmem>>, %arg4: memref<128x128xf32, #tpu.memory_space<vmem>>, %arg5: memref<1x128xf32, #tpu.memory_space<vmem>>, %arg6: memref<128x128xf32, #tpu.memory_space<vmem>>, %arg7: memref<1x128xf32, #tpu.memory_space<vmem>>, %arg8: memref<256x128xf32, #tpu.memory_space<vmem>>, %arg9: memref<1x256xf32, #tpu.memory_space<vmem>>, %arg10: memref<128x256xf32, #tpu.memory_space<vmem>>, %arg11: memref<1x128xf32, #tpu.memory_space<vmem>>, %arg12: memref<1x128xf32, #tpu.memory_space<vmem>>, %arg13: memref<1x128xf32, #tpu.memory_space<vmem>>, %arg14: memref<1x128xf32, #tpu.memory_space<vmem>>, %arg15: memref<1x128xf32, #tpu.memory_space<vmem>>, %arg16: memref<1x10240xi32, #tpu.memory_space<vmem>>, %arg17: memref<64x128xf32, #tpu.memory_space<vmem>>, %arg18: memref<1x64xf32, #tpu.memory_space<vmem>>, %arg19: memref<32x64xf32, #tpu.memory_space<vmem>>, %arg20: memref<1x32xf32, #tpu.memory_space<vmem>>, %arg21: memref<10x32xf32, #tpu.memory_space<vmem>>, %arg22: memref<1x10xf32, #tpu.memory_space<vmem>>, %arg23: memref<32x10xf32, #tpu.memory_space<vmem>>) attributes {dimension_semantics = [], scalar_prefetch = 0 : i64, scratch_operands = 0 : i64, tpu.core_type = #tpu.core_type<tc>} {
    %get3A = arith.constant 0 : index
    %get3A_0 = arith.constant 0 : index
    %get3A_1 = vector.load %arg0[%get3A, %get3A_0] : memref<10240x128xf32, #tpu.memory_space<vmem>>, vector<10240x128xf32>
    %get3A_2 = arith.constant 0 : index
    %get3A_3 = arith.constant 0 : index
    %get3A_4 = vector.load %arg3[%get3A_2, %get3A_3] : memref<10240x1xi32, #tpu.memory_space<vmem>>, vector<10240x1xi32>
    %lt3A = arith.constant 20 : i32
    %lt3A_5 = vector.broadcast %lt3A : i32 to vector<10240x1xi32>
    %lt3A_6 = arith.cmpi slt, %get3A_4, %lt3A_5 : vector<10240x1xi32>
    %convert_element_type3A = arith.extui %lt3A_6 : vector<10240x1xi1> to vector<10240x1xi32>
    %convert_element_type3A_7 = arith.sitofp %convert_element_type3A : vector<10240x1xi32> to vector<10240x1xf32>
    %get3A_8 = arith.constant 0 : index
    %get3A_9 = arith.constant 0 : index
    %get3A_10 = arith.constant 0 : index
    %get3A_11 = vector.load %arg1[%get3A_8, %get3A_9, %get3A_10] : memref<2x10240x128xf32, #tpu.memory_space<vmem>>, vector<1x10240x128xf32>
    %get3A_12 = vector.shape_cast %get3A_11 : vector<1x10240x128xf32> to vector<10240x128xf32>
    %add3A = arith.addf %get3A_1, %get3A_12 : vector<10240x128xf32>
    %get3A_13 = arith.constant 1 : index
    %get3A_14 = arith.constant 0 : index
    %get3A_15 = arith.constant 0 : index
    %get3A_16 = vector.load %arg1[%get3A_13, %get3A_14, %get3A_15] : memref<2x10240x128xf32, #tpu.memory_space<vmem>>, vector<1x10240x128xf32>
    %get3A_17 = vector.shape_cast %get3A_16 : vector<1x10240x128xf32> to vector<10240x128xf32>
    %add3A_18 = arith.addf %add3A, %get3A_17 : vector<10240x128xf32>
    %get3A_19 = arith.constant 0 : index
    %get3A_20 = arith.constant 0 : index
    %get3A_21 = vector.load %arg4[%get3A_19, %get3A_20] : memref<128x128xf32, #tpu.memory_space<vmem>>, vector<128x128xf32>
    %dot_general3A = arith.constant dense<0.000000e+00> : vector<10240x128xf32>
    %dot_general3A_22 = tpu.matmul %add3A_18, %get3A_21, %dot_general3A {dimension_numbers = #tpu.dot_dimension_numbers<[1], [1], [0], [0], [0, 0, 1, 0], [], []>, transpose_lhs_hint = false} : vector<10240x128xf32>, vector<128x128xf32>, vector<10240x128xf32> -> vector<10240x128xf32>
    %get3A_23 = arith.constant 0 : index
    %get3A_24 = arith.constant 0 : index
    %get3A_25 = vector.load %arg5[%get3A_23, %get3A_24] : memref<1x128xf32, #tpu.memory_space<vmem>>, vector<1x128xf32>
    %add3A_26 = vector.broadcast %get3A_25 : vector<1x128xf32> to vector<10240x128xf32>
    %add3A_27 = arith.addf %dot_general3A_22, %add3A_26 : vector<10240x128xf32>
    %max3A = arith.constant 0.000000e+00 : f32
    %max3A_28 = vector.broadcast %max3A : f32 to vector<10240x128xf32>
    %max3A_29 = arith.maximumf %add3A_27, %max3A_28 : vector<10240x128xf32>
    %get3A_30 = arith.constant 0 : index
    %get3A_31 = arith.constant 0 : index
    %get3A_32 = vector.load %arg6[%get3A_30, %get3A_31] : memref<128x128xf32, #tpu.memory_space<vmem>>, vector<128x128xf32>
    %dot_general3A_33 = arith.constant dense<0.000000e+00> : vector<10240x128xf32>
    %dot_general3A_34 = tpu.matmul %max3A_29, %get3A_32, %dot_general3A_33 {dimension_numbers = #tpu.dot_dimension_numbers<[1], [1], [0], [0], [0, 0, 1, 0], [], []>, transpose_lhs_hint = false} : vector<10240x128xf32>, vector<128x128xf32>, vector<10240x128xf32> -> vector<10240x128xf32>
    %get3A_35 = arith.constant 0 : index
    %get3A_36 = arith.constant 0 : index
    %get3A_37 = vector.load %arg7[%get3A_35, %get3A_36] : memref<1x128xf32, #tpu.memory_space<vmem>>, vector<1x128xf32>
    %add3A_38 = vector.broadcast %get3A_37 : vector<1x128xf32> to vector<10240x128xf32>
    %add3A_39 = arith.addf %dot_general3A_34, %add3A_38 : vector<10240x128xf32>
    %add3A_40 = arith.addf %add3A_39, %get3A_1 : vector<10240x128xf32>
    %get3A_41 = arith.constant 0 : index
    %get3A_42 = arith.constant 0 : index
    %get3A_43 = vector.load %arg12[%get3A_41, %get3A_42] : memref<1x128xf32, #tpu.memory_space<vmem>>, vector<1x128xf32>
    %get3A_44 = arith.constant 0 : index
    %get3A_45 = arith.constant 0 : index
    %get3A_46 = vector.load %arg13[%get3A_44, %get3A_45] : memref<1x128xf32, #tpu.memory_space<vmem>>, vector<1x128xf32>
    %mul3A = vector.broadcast %convert_element_type3A_7 : vector<10240x1xf32> to vector<10240x128xf32>
    %mul3A_47 = arith.mulf %add3A_40, %mul3A : vector<10240x128xf32>
    %reduce_sum3A = arith.constant dense<0.000000e+00> : vector<128xf32>
    %reduce_sum3A_48 = vector.multi_reduction <add>, %mul3A_47, %reduce_sum3A [0] : vector<10240x128xf32> to vector<128xf32>
    %broadcast_in_dim3A = vector.shape_cast %reduce_sum3A_48 : vector<128xf32> to vector<1x128xf32>
    %mul3A_49 = arith.constant 9.99999974E-5 : f32
    %mul3A_50 = vector.broadcast %mul3A_49 : f32 to vector<1x128xf32>
    %mul3A_51 = arith.mulf %broadcast_in_dim3A, %mul3A_50 : vector<1x128xf32>
    %sub3A = vector.broadcast %mul3A_51 : vector<1x128xf32> to vector<10240x128xf32>
    %sub3A_52 = arith.subf %mul3A_47, %sub3A : vector<10240x128xf32>
    %mul3A_53 = vector.broadcast %convert_element_type3A_7 : vector<10240x1xf32> to vector<10240x128xf32>
    %mul3A_54 = arith.mulf %sub3A_52, %mul3A_53 : vector<10240x128xf32>
    %mul3A_55 = arith.mulf %mul3A_54, %mul3A_54 : vector<10240x128xf32>
    %reduce_sum3A_56 = arith.constant dense<0.000000e+00> : vector<128xf32>
    %reduce_sum3A_57 = vector.multi_reduction <add>, %mul3A_55, %reduce_sum3A_56 [0] : vector<10240x128xf32> to vector<128xf32>
    %broadcast_in_dim3A_58 = vector.shape_cast %reduce_sum3A_57 : vector<128xf32> to vector<1x128xf32>
    %mul3A_59 = arith.constant 9.99999974E-5 : f32
    %mul3A_60 = vector.broadcast %mul3A_59 : f32 to vector<1x128xf32>
    %mul3A_61 = arith.mulf %broadcast_in_dim3A_58, %mul3A_60 : vector<1x128xf32>
    %add3A_62 = arith.constant 9.99999974E-6 : f32
    %add3A_63 = vector.broadcast %add3A_62 : f32 to vector<1x128xf32>
    %add3A_64 = arith.addf %mul3A_61, %add3A_63 : vector<1x128xf32>
    %rsqrt3A = math.rsqrt %add3A_64 : vector<1x128xf32>
    %mul3A_65 = vector.broadcast %rsqrt3A : vector<1x128xf32> to vector<10240x128xf32>
    %mul3A_66 = arith.mulf %mul3A_54, %mul3A_65 : vector<10240x128xf32>
    %mul3A_67 = vector.broadcast %get3A_43 : vector<1x128xf32> to vector<10240x128xf32>
    %mul3A_68 = arith.mulf %mul3A_66, %mul3A_67 : vector<10240x128xf32>
    %add3A_69 = vector.broadcast %get3A_46 : vector<1x128xf32> to vector<10240x128xf32>
    %add3A_70 = arith.addf %mul3A_68, %add3A_69 : vector<10240x128xf32>
    %get3A_71 = arith.constant 0 : index
    %get3A_72 = arith.constant 0 : index
    %get3A_73 = vector.load %arg2[%get3A_71, %get3A_72] : memref<10240x128xf32, #tpu.memory_space<vmem>>, vector<10240x128xf32>
    %add3A_74 = arith.addf %add3A_70, %get3A_73 : vector<10240x128xf32>
    %get3A_75 = arith.constant 0 : index
    %get3A_76 = arith.constant 0 : index
    %get3A_77 = vector.load %arg8[%get3A_75, %get3A_76] : memref<256x128xf32, #tpu.memory_space<vmem>>, vector<256x128xf32>
    %dot_general3A_78 = arith.constant dense<0.000000e+00> : vector<10240x256xf32>
    %dot_general3A_79 = tpu.matmul %add3A_74, %get3A_77, %dot_general3A_78 {dimension_numbers = #tpu.dot_dimension_numbers<[1], [1], [0], [0], [0, 0, 1, 0], [], []>, transpose_lhs_hint = false} : vector<10240x128xf32>, vector<256x128xf32>, vector<10240x256xf32> -> vector<10240x256xf32>
    %get3A_80 = arith.constant 0 : index
    %get3A_81 = arith.constant 0 : index
    %get3A_82 = vector.load %arg9[%get3A_80, %get3A_81] : memref<1x256xf32, #tpu.memory_space<vmem>>, vector<1x256xf32>
    %add3A_83 = vector.broadcast %get3A_82 : vector<1x256xf32> to vector<10240x256xf32>
    %add3A_84 = arith.addf %dot_general3A_79, %add3A_83 : vector<10240x256xf32>
    %max3A_85 = arith.constant 0.000000e+00 : f32
    %max3A_86 = vector.broadcast %max3A_85 : f32 to vector<10240x256xf32>
    %max3A_87 = arith.maximumf %add3A_84, %max3A_86 : vector<10240x256xf32>
    %get3A_88 = arith.constant 0 : index
    %get3A_89 = arith.constant 0 : index
    %get3A_90 = vector.load %arg10[%get3A_88, %get3A_89] : memref<128x256xf32, #tpu.memory_space<vmem>>, vector<128x256xf32>
    %dot_general3A_91 = arith.constant dense<0.000000e+00> : vector<10240x128xf32>
    %dot_general3A_92 = tpu.matmul %max3A_87, %get3A_90, %dot_general3A_91 {dimension_numbers = #tpu.dot_dimension_numbers<[1], [1], [0], [0], [0, 0, 1, 0], [], []>, transpose_lhs_hint = false} : vector<10240x256xf32>, vector<128x256xf32>, vector<10240x128xf32> -> vector<10240x128xf32>
    %add3A_93 = arith.addf %add3A_74, %dot_general3A_92 : vector<10240x128xf32>
    %get3A_94 = arith.constant 0 : index
    %get3A_95 = arith.constant 0 : index
    %get3A_96 = vector.load %arg11[%get3A_94, %get3A_95] : memref<1x128xf32, #tpu.memory_space<vmem>>, vector<1x128xf32>
    %add3A_97 = vector.broadcast %get3A_96 : vector<1x128xf32> to vector<10240x128xf32>
    %add3A_98 = arith.addf %add3A_93, %add3A_97 : vector<10240x128xf32>
    %get3A_99 = arith.constant 0 : index
    %get3A_100 = arith.constant 0 : index
    %get3A_101 = vector.load %arg14[%get3A_99, %get3A_100] : memref<1x128xf32, #tpu.memory_space<vmem>>, vector<1x128xf32>
    %get3A_102 = arith.constant 0 : index
    %get3A_103 = arith.constant 0 : index
    %get3A_104 = vector.load %arg15[%get3A_102, %get3A_103] : memref<1x128xf32, #tpu.memory_space<vmem>>, vector<1x128xf32>
    %mul3A_105 = vector.broadcast %convert_element_type3A_7 : vector<10240x1xf32> to vector<10240x128xf32>
    %mul3A_106 = arith.mulf %add3A_98, %mul3A_105 : vector<10240x128xf32>
    %reduce_sum3A_107 = arith.constant dense<0.000000e+00> : vector<128xf32>
    %reduce_sum3A_108 = vector.multi_reduction <add>, %mul3A_106, %reduce_sum3A_107 [0] : vector<10240x128xf32> to vector<128xf32>
    %broadcast_in_dim3A_109 = vector.shape_cast %reduce_sum3A_108 : vector<128xf32> to vector<1x128xf32>
    %mul3A_110 = arith.constant 9.99999974E-5 : f32
    %mul3A_111 = vector.broadcast %mul3A_110 : f32 to vector<1x128xf32>
    %mul3A_112 = arith.mulf %broadcast_in_dim3A_109, %mul3A_111 : vector<1x128xf32>
    %sub3A_113 = vector.broadcast %mul3A_112 : vector<1x128xf32> to vector<10240x128xf32>
    %sub3A_114 = arith.subf %mul3A_106, %sub3A_113 : vector<10240x128xf32>
    %mul3A_115 = vector.broadcast %convert_element_type3A_7 : vector<10240x1xf32> to vector<10240x128xf32>
    %mul3A_116 = arith.mulf %sub3A_114, %mul3A_115 : vector<10240x128xf32>
    %mul3A_117 = arith.mulf %mul3A_116, %mul3A_116 : vector<10240x128xf32>
    %reduce_sum3A_118 = arith.constant dense<0.000000e+00> : vector<128xf32>
    %reduce_sum3A_119 = vector.multi_reduction <add>, %mul3A_117, %reduce_sum3A_118 [0] : vector<10240x128xf32> to vector<128xf32>
    %broadcast_in_dim3A_120 = vector.shape_cast %reduce_sum3A_119 : vector<128xf32> to vector<1x128xf32>
    %mul3A_121 = arith.constant 9.99999974E-5 : f32
    %mul3A_122 = vector.broadcast %mul3A_121 : f32 to vector<1x128xf32>
    %mul3A_123 = arith.mulf %broadcast_in_dim3A_120, %mul3A_122 : vector<1x128xf32>
    %add3A_124 = arith.constant 9.99999974E-6 : f32
    %add3A_125 = vector.broadcast %add3A_124 : f32 to vector<1x128xf32>
    %add3A_126 = arith.addf %mul3A_123, %add3A_125 : vector<1x128xf32>
    %rsqrt3A_127 = math.rsqrt %add3A_126 : vector<1x128xf32>
    %mul3A_128 = vector.broadcast %rsqrt3A_127 : vector<1x128xf32> to vector<10240x128xf32>
    %mul3A_129 = arith.mulf %mul3A_116, %mul3A_128 : vector<10240x128xf32>
    %mul3A_130 = vector.broadcast %get3A_101 : vector<1x128xf32> to vector<10240x128xf32>
    %mul3A_131 = arith.mulf %mul3A_129, %mul3A_130 : vector<10240x128xf32>
    %add3A_132 = vector.broadcast %get3A_104 : vector<1x128xf32> to vector<10240x128xf32>
    %add3A_133 = arith.addf %mul3A_131, %add3A_132 : vector<10240x128xf32>
    %mul3A_134 = vector.broadcast %convert_element_type3A_7 : vector<10240x1xf32> to vector<10240x128xf32>
    %mul3A_135 = arith.mulf %add3A_133, %mul3A_134 : vector<10240x128xf32>
    %iota3A = tpu.iota {dimensions = array<i32: 0>} : vector<32x10240xi32>
    %get3A_136 = arith.constant 0 : index
    %get3A_137 = arith.constant 0 : index
    %get3A_138 = vector.load %arg16[%get3A_136, %get3A_137] : memref<1x10240xi32, #tpu.memory_space<vmem>>, vector<1x10240xi32>
    %eq3A = vector.broadcast %get3A_138 : vector<1x10240xi32> to vector<32x10240xi32>
    %eq3A_139 = arith.cmpi eq, %iota3A, %eq3A : vector<32x10240xi32>
    %convert_element_type3A_140 = arith.extui %eq3A_139 : vector<32x10240xi1> to vector<32x10240xi32>
    %convert_element_type3A_141 = arith.sitofp %convert_element_type3A_140 : vector<32x10240xi32> to vector<32x10240xf32>
    %dot_general3A_142 = arith.constant dense<0.000000e+00> : vector<32x128xf32>
    %dot_general3A_143 = tpu.matmul %convert_element_type3A_141, %mul3A_135, %dot_general3A_142 {dimension_numbers = #tpu.dot_dimension_numbers<[1], [0], [0], [1], [0, 0, 1, 1], [], []>, transpose_lhs_hint = false} : vector<32x10240xf32>, vector<10240x128xf32>, vector<32x128xf32> -> vector<32x128xf32>
    %get3A_144 = arith.constant 0 : index
    %get3A_145 = arith.constant 0 : index
    %get3A_146 = vector.load %arg17[%get3A_144, %get3A_145] : memref<64x128xf32, #tpu.memory_space<vmem>>, vector<64x128xf32>
    %dot_general3A_147 = arith.constant dense<0.000000e+00> : vector<32x64xf32>
    %dot_general3A_148 = tpu.matmul %dot_general3A_143, %get3A_146, %dot_general3A_147 {dimension_numbers = #tpu.dot_dimension_numbers<[1], [1], [0], [0], [0, 0, 1, 0], [], []>, transpose_lhs_hint = false} : vector<32x128xf32>, vector<64x128xf32>, vector<32x64xf32> -> vector<32x64xf32>
    %get3A_149 = arith.constant 0 : index
    %get3A_150 = arith.constant 0 : index
    %get3A_151 = vector.load %arg18[%get3A_149, %get3A_150] : memref<1x64xf32, #tpu.memory_space<vmem>>, vector<1x64xf32>
    %add3A_152 = vector.broadcast %get3A_151 : vector<1x64xf32> to vector<32x64xf32>
    %add3A_153 = arith.addf %dot_general3A_148, %add3A_152 : vector<32x64xf32>
    %max3A_154 = arith.constant 0.000000e+00 : f32
    %max3A_155 = vector.broadcast %max3A_154 : f32 to vector<32x64xf32>
    %max3A_156 = arith.maximumf %add3A_153, %max3A_155 : vector<32x64xf32>
    %get3A_157 = arith.constant 0 : index
    %get3A_158 = arith.constant 0 : index
    %get3A_159 = vector.load %arg19[%get3A_157, %get3A_158] : memref<32x64xf32, #tpu.memory_space<vmem>>, vector<32x64xf32>
    %dot_general3A_160 = arith.constant dense<0.000000e+00> : vector<32x32xf32>
    %dot_general3A_161 = tpu.matmul %max3A_156, %get3A_159, %dot_general3A_160 {dimension_numbers = #tpu.dot_dimension_numbers<[1], [1], [0], [0], [0, 0, 1, 0], [], []>, transpose_lhs_hint = false} : vector<32x64xf32>, vector<32x64xf32>, vector<32x32xf32> -> vector<32x32xf32>
    %get3A_162 = arith.constant 0 : index
    %get3A_163 = arith.constant 0 : index
    %get3A_164 = vector.load %arg20[%get3A_162, %get3A_163] : memref<1x32xf32, #tpu.memory_space<vmem>>, vector<1x32xf32>
    %add3A_165 = vector.broadcast %get3A_164 : vector<1x32xf32> to vector<32x32xf32>
    %add3A_166 = arith.addf %dot_general3A_161, %add3A_165 : vector<32x32xf32>
    %max3A_167 = arith.constant 0.000000e+00 : f32
    %max3A_168 = vector.broadcast %max3A_167 : f32 to vector<32x32xf32>
    %max3A_169 = arith.maximumf %add3A_166, %max3A_168 : vector<32x32xf32>
    %get3A_170 = arith.constant 0 : index
    %get3A_171 = arith.constant 0 : index
    %get3A_172 = vector.load %arg21[%get3A_170, %get3A_171] : memref<10x32xf32, #tpu.memory_space<vmem>>, vector<10x32xf32>
    %dot_general3A_173 = arith.constant dense<0.000000e+00> : vector<32x10xf32>
    %dot_general3A_174 = tpu.matmul %max3A_169, %get3A_172, %dot_general3A_173 {dimension_numbers = #tpu.dot_dimension_numbers<[1], [1], [0], [0], [0, 0, 1, 0], [], []>, transpose_lhs_hint = false} : vector<32x32xf32>, vector<10x32xf32>, vector<32x10xf32> -> vector<32x10xf32>
    %get3A_175 = arith.constant 0 : index
    %get3A_176 = arith.constant 0 : index
    %get3A_177 = vector.load %arg22[%get3A_175, %get3A_176] : memref<1x10xf32, #tpu.memory_space<vmem>>, vector<1x10xf32>
    %add3A_178 = vector.broadcast %get3A_177 : vector<1x10xf32> to vector<32x10xf32>
    %add3A_179 = arith.addf %dot_general3A_174, %add3A_178 : vector<32x10xf32>
    %reduce_max3A = arith.constant dense<0xFF800000> : vector<32xf32>
    %reduce_max3A_180 = vector.multi_reduction <maximumf>, %add3A_179, %reduce_max3A [1] : vector<32x10xf32> to vector<32xf32>
    %broadcast_in_dim3A_181 = vector.shape_cast %reduce_max3A_180 : vector<32xf32> to vector<32x1xf32>
    %sub3A_182 = vector.broadcast %broadcast_in_dim3A_181 : vector<32x1xf32> to vector<32x10xf32>
    %sub3A_183 = arith.subf %add3A_179, %sub3A_182 : vector<32x10xf32>
    %sub3A_184 = vector.broadcast %broadcast_in_dim3A_181 : vector<32x1xf32> to vector<32x10xf32>
    %sub3A_185 = arith.subf %add3A_179, %sub3A_184 : vector<32x10xf32>
    %exp3A = math.exp %sub3A_185 : vector<32x10xf32>
    %reduce_sum3A_186 = arith.constant dense<0.000000e+00> : vector<32xf32>
    %reduce_sum3A_187 = vector.multi_reduction <add>, %exp3A, %reduce_sum3A_186 [1] : vector<32x10xf32> to vector<32xf32>
    %broadcast_in_dim3A_188 = vector.shape_cast %reduce_sum3A_187 : vector<32xf32> to vector<32x1xf32>
    %log3A = math.log %broadcast_in_dim3A_188 : vector<32x1xf32>
    %sub3A_189 = vector.broadcast %log3A : vector<32x1xf32> to vector<32x10xf32>
    %sub3A_190 = arith.subf %sub3A_183, %sub3A_189 : vector<32x10xf32>
    %swap3A = arith.constant 0 : index
    %swap3A_191 = arith.constant 0 : index
    %swap3A_192 = vector.load %arg23[%swap3A, %swap3A_191] : memref<32x10xf32, #tpu.memory_space<vmem>>, vector<32x10xf32>
    tpu.vector_store %arg23[%swap3A, %swap3A_191], %sub3A_190 {strides = array<i32>} : memref<32x10xf32, #tpu.memory_space<vmem>>, vector<32x10xf32>,
    return
  }
}

</mosaic_0001>

<sc_bundles>
// kernel: kernel.12.cloned.1.call-start
scs
__scs_entry_jumppad:
0x0: {  	(pc) =	sbr.rel $0x88, $3  }
0x1: {  	(tag) =	ssettag $0x0;
	lr =	simm.s32 $0x1  }
0x2: {  	[smem:$0x3F72] =	sst lr;
	_ =	strace $0xD0000000  }
0x3: {  	_ = 	snop  }
0x4: {  	_ = 	snop  }
0x5: {  	_ = 	snop  }
0x6: {  	_ = 	snop  }
0x7: {  	_ = 	snop  }
__scs_overlays_trampoline_lowered:
0x8: {  	[smem:$0x3F81] =	sst s0  }
0x9: {  	[smem:$0x3F82] =	sst s1  }
0xa: {  	[smem:$0x3F83] =	sst s2  }
0xb: {  	[smem:$0x3F84] =	sst s3  }
0xc: {  	[smem:$0x3F85] =	sst s4  }
0xd: {  	[smem:$0x3F86] =	sst s5  }
0xe: {  	[smem:$0x3F87] =	sst s6  }
0xf: {  	[smem:$0x3F88] =	sst s7  }
0x10: {  	[smem:$0x3F89] =	sst s8  }
0x11: {  	[smem:$0x3F8A] =	sst s9;
	s0 =	simm.s32 @!p0 $0x0  }
0x12: {  	s1 =	sld [smem:$0x3F70];
	s0 =	simm.s32 @p0 $0x1  }
0x13: {  	[smem:$0x3F8B] =	sst s0;
	s0 =	simm.s32 @!p1 $0x0  }
0x14: {  	s2 =	sld [smem:$0x3F6F];
	s0 =	simm.s32 @p1 $0x1  }
0x15: {  	[smem:$0x3F8C] =	sst s0;
	s0 =	simm.s32 @!p2 $0x0  }
0x16: {  	s3 =	sld [smem:$0x3FDB];
	s0 =	simm.s32 @p2 $0x1  }
0x17: {  	s4 =	simm.s32 $0x1BF5;
	[smem:$0x3F8E] =	sst s0  }
0x18: {  	s0 =	sld [smem:$0x3F71];
	_ =	swait.ge [sflag:s4], $0x0  }
0x19: {  	s7 =	sld [smem:$0x3F72]  }
0x1a: {  	s8 =	sadd.s32 $0xFFFFE003, lr  }
0x1b: {  	s9 =	sadd.s32 $0xFFFFFEF7, lr;
	s5 =	simm.s32 $0xFFFFFFFF;
	p2 =	slt.u32 s8, $0xFFFFF086  }
0x1c: {  	p1 =	slt.u32 s9, $0xF7A;
	s5 =	simm.s32 @!p2 $0x0  }
0x1d: {  	s5 =	simm.s32 @p1 $0x1;
	p0 =	seq.s32 s7, s2  }
0x1e: {  	s7 =	smul.u32 @!p0 $0xF7A, s2;
	p2 =	seq.s32 @!p0 s5, $0x0  }
0x1f: {  	s9 =	smul.u32 $0xF7A, s1;
	s8 =	simm.s32 @!p0 $0x1BF5;
	p2 =	por !p2, p0  }
0x20: {  	[sflag:s8] =	ssyncset.s32 @!p0 $0xFFFFF086;
	s6 =	sadd.s32 @!p0 s3, s7;
	s7 =	simm.s32 @!p0 $0x108  }
0x21: {  	s3 =	sadd.s32 s3, s9;
	s6 =	sadd.s32 @!p0 $0x88, s6;
	s7 =	simm.s32 @p2 $0x1082  }
0x22: {  	[simem:s7], [sflag:s8] =	dma.local @!p0 [hbm:s6], $0xF7A  }
0x23: {  	s9 =	sor.u32 $0xD0000000, s2;
	s6 =	simm.s32 $0x108;
	_ =	swait.ge @!p0 [sflag:s8], $0x0  }
0x24: {  	s3 =	sadd.s32 $0x88, s3;
	s6 =	simm.s32 @!p1 $0x1082;
	[sflag:s4] =	ssyncset.s32 $0xFFFFF086  }
0x25: {  	[simem:s6], [sflag:s4] =	dma.local [hbm:s3], $0xF7A  }
0x26: {  	[smem:$0x3F72] =	sst s1;
	(tag) =	ssettag s2;
	_ =	strace s9  }
0x27: {  	s1 =	sld [smem:$0x3F82]  }
0x28: {  	s2 =	sld [smem:$0x3F83]  }
0x29: {  	s4 =	sld [smem:$0x3F85]  }
0x2a: {  	p0 =	seq.s32 s5, $0x0;
	s5 =	sld [smem:$0x3F86]  }
0x2b: {  	s6 =	sld [smem:$0x3F87]  }
0x2c: {  	s7 =	sld [smem:$0x3F88]  }
0x2d: {  	s3 =	simm.s32 $0x108;
	s8 =	sld [smem:$0x3F89]  }
0x2e: {  	s3 =	simm.s32 @!p0 $0x1082;
	s9 =	sld [smem:$0x3F8A]  }
0x2f: {  	lr =	sadd.s32 s0, s3;
	s0 =	sld [smem:$0x3F81]  }
0x30: {  	s3 =	sld [smem:$0x3F84]  }
0x31: {  	[smem:$0x3F8D] =	sst s10  }
0x32: {  	s10 =	sld [smem:$0x3F8B];
	_ =	sdelay $0x3  }
0x33: {  	p0 =	seq.s32 s10, $0x1;
	s10 =	sld [smem:$0x3F8D];
	_ =	sdelay $0x3  }
0x34: {  	[smem:$0x3F8D] =	sst s10  }
0x35: {  	s10 =	sld [smem:$0x3F8C];
	_ =	sdelay $0x3  }
0x36: {  	p1 =	seq.s32 s10, $0x1;
	s10 =	sld [smem:$0x3F8D];
	_ =	sdelay $0x3  }
0x37: {  	[smem:$0x3F8D] =	sst s10  }
0x38: {  	s10 =	sld [smem:$0x3F8E]  }
0x39: {  	_ = 	snop;
	(pc) =	sbr.ind lr, $3  }
0x3a: {  	_ = 	snop  }
0x3b: {  	_ = 	snop  }
0x3c: {  	p2 =	seq.s32 s10, $0x1;
	s10 =	sld [smem:$0x3F8D]  }
0x3d: {  	_ =	shalt  }
0x3e: {  	_ =	shalt  }
0x3f: {  	_ =	shalt  }
0x40: {  	_ =	shalt  }
0x41: {  	_ =	shalt  }
0x42: {  	_ =	shalt  }
0x43: {  	_ =	shalt  }
0x44: {  	_ =	shalt  }
0x45: {  	_ =	shalt  }
0x46: {  	_ =	shalt  }
0x47: {  	_ =	shalt  }
0x48: {  	_ =	shalt  }
0x49: {  	_ =	shalt  }
0x4a: {  	_ =	shalt  }
0x4b: {  	_ =	shalt  }
0x4c: {  	_ =	shalt  }
0x4d: {  	_ =	shalt  }
0x4e: {  	_ =	shalt  }
0x4f: {  	_ =	shalt  }
0x50: {  	_ =	shalt  }
0x51: {  	_ =	shalt  }
0x52: {  	_ =	shalt  }
0x53: {  	_ =	shalt  }
0x54: {  	_ =	shalt  }
0x55: {  	_ =	shalt  }
0x56: {  	_ =	shalt  }
0x57: {  	_ =	shalt  }
0x58: {  	_ =	shalt  }
0x59: {  	_ =	shalt  }
0x5a: {  	_ =	shalt  }
0x5b: {  	_ =	shalt  }
0x5c: {  	_ =	shalt  }
0x5d: {  	_ =	shalt  }
0x5e: {  	_ =	shalt  }
0x5f: {  	_ =	shalt  }
0x60: {  	_ =	shalt  }
0x61: {  	_ =	shalt  }
0x62: {  	_ =	shalt  }
0x63: {  	_ =	shalt  }
0x64: {  	_ =	shalt  }
0x65: {  	_ =	shalt  }
0x66: {  	_ =	shalt  }
0x67: {  	_ =	shalt  }
0x68: {  	_ =	shalt  }
0x69: {  	_ =	shalt  }
0x6a: {  	_ =	shalt  }
0x6b: {  	_ =	shalt  }
0x6c: {  	_ =	shalt  }
0x6d: {  	_ =	shalt  }
0x6e: {  	_ =	shalt  }
0x6f: {  	_ =	shalt  }
0x70: {  	_ =	shalt  }
0x71: {  	_ =	shalt  }
0x72: {  	_ =	shalt  }
0x73: {  	_ =	shalt  }
0x74: {  	_ =	shalt  }
0x75: {  	_ =	shalt  }
0x76: {  	_ =	shalt  }
0x77: {  	_ =	shalt  }
0x78: {  	_ =	shalt  }
0x79: {  	_ =	shalt  }
0x7a: {  	_ =	shalt  }
0x7b: {  	_ =	shalt  }
0x7c: {  	_ =	shalt  }
0x7d: {  	_ =	shalt  }
0x7e: {  	_ =	shalt  }
0x7f: {  	_ =	shalt  }
0x80: {  	_ =	shalt  }
0x81: {  	_ =	shalt  }
0x82: {  	_ =	shalt  }
0x83: {  	_ =	shalt  }
0x84: {  	_ =	shalt  }
0x85: {  	_ =	shalt  }
0x86: {  	_ =	shalt  }
0x87: {  	_ =	shalt  }
.Lfunc_end0:
.L_simem_size_0:
called_computation.2_lowered:
.L_overlay_start_0:
0x88: {  	s2 =	sld [smem:$0x3FD9]  }
0x89: {  	s3 =	sld [smem:$0x3FFE];
	_ =	sdelay $0x1  }
0x8a: {  	s1 =	srdreg.scid  }
0x8b: {  	s0 =	sand.u32 $0x1, s1  }
0x8c: {  	s16 =	sshll.u32 s0, $0xA;
	s2 =	sadd.s32 s3, s2  }
0x8d: {  	s2 =	sadd.s32 s2, s16  }
0x8e: {  	[smem:$0x3F99] =	sst s2  }
0x8f: {  	_ = 	snop  }
0x90: {  	(tm) =	ssettm $0x1  }
0x91: {  	s17 =	sld [smem:$0x3FFB];
	_ =	sdelay $0x3  }
0x92: {  	_ =	strace s17  }
0x93: {  	s2 =	sld [smem:$0x3FFC];
	_ =	sdelay $0x3  }
0x94: {  	_ =	strace s2  }
0x95: {  	s2 =	sld [smem:$0x3FFD];
	_ =	sdelay $0x3  }
0x96: {  	_ =	strace s2  }
0x97: {  	_ =	strace $0x8FFFFFFF  }
0x98: {  	s18 =	sld [smem:$0x3FDB];
	_ =	sdelay $0x1  }
0x99: {  	s19 =	simm.s32 $_scs_section_size  }
0x9a: {  	s4 =	simm.s32 $_size__tile_overlayer_lowered;
	s5 =	simm.s32 $_tile_overlayer_lowered  }
0x9b: {  	s22 =	simm.s32 $0x1BFF;
	s21 =	sshll.u32 s5, $0x1;
	s2 =	sadd.s32 s19, s18  }
0x9c: {  	s6 =	simm.s32 $0x0;
	s20 =	sshll.u32 s4, $0x1;
	s4 =	sadd.s32 s21, s2  }
0x9d: {  	[timem:s6], [sflag:s22] =	dma.local [hbm:s4], s20  }
0x9e: {  	_ =	swait.ge [sflag:s22], s20  }
0x9f: {  	s3 =	ssub.s32 $0x0, s20;
	[sflag:s22] =	ssyncset.done $0x0  }
0xa0: {  	[sflag:s22] =	ssyncadd.s32 s3;
	_ =	sdelay $0x1  }
0xa1: {  	s23 =	simm.s32 $0x1B8B  }
0xa2: {  	_ =	swait.ge [sflag:s23], $0x1  }
0xa3: {  	[sflag:s23] =	ssyncset.done $0x0  }
0xa4: {  	s25 =	simm.s32 $0x1B8E;
	s24 =	sld [smem:$0x3FFE];
	[sflag:s23] =	ssyncadd.s32 $0xFFFFFFFF  }
0xa5: {  	s26 =	simm.s32 $execute0_lowered;
	[smem:$0x3FD2] =	sst s25  }
0xa6: {  	s4 =	sshll.u32 s26, $0x1;
	_ =	strace $0x8000004C;
	[dreg:$0x1] =	wrdreg $0xFFFFFFFF  }
0xa7: {  	s28 =	simm.s32 $_size_execute0_lowered;
	s2 =	sadd.s32 s2, s4;
	[dreg:$0x0] =	wrdreg $0x0  }
0xa8: {  	s4 =	sshll.u32 s28, $0x1;
	[dreg:$0x2] =	wrdreg s2  }
0xa9: {  	[dreg:$0x3] =	wrdreg s4  }
0xaa: {  	[dreg:$0x4] =	wrdreg $0xC0  }
0xab: {  	_ =	task [dreg:s6], $0x5FFFF  }
0xac: {  	[dreg:$0x1] =	wrdreg $0xFFFFFFFF  }
0xad: {  	[dreg:$0x0] =	wrdreg $0x60  }
0xae: {  	[dreg:$0x2] =	wrdreg s24  }
0xaf: {  	[dreg:$0x3] =	wrdreg $0xA8000  }
0xb0: {  	[dreg:$0x4] =	wrdreg $0x9  }
0xb1: {  	_ =	task.clear_ibuf [dreg:s6], $0x5FFFF;
	_ =	strace $0x9000004C  }
0xb2: {  	s29 =	simm.s32 $0x9;
	_ =	strace $0x8000004E  }
0xb3: {  	_ =	swait.ge [sflag:s29], $0x1  }
0xb4: {  	[sflag:s29] =	ssyncadd.s32 $0xFFFFFFFF  }
0xb5: {  	_ =	strace $0x9000004E  }
0xb6: {  	_ =	sfence  }
0xb7: {  	s30 =	sld [smem:$0x0];
	_ =	sdelay $0x2  }
0xb8: {  	s31 =	sshll.u32 s1, $0xD;
	s1 =	sshrl.u32 s1, $0x2  }
0xb9: {  	s3 =	sand.u32 $0x4000, s31;
	s1 =	sadd.s32 s1, s30  }
0xba: {  	s0 =	sor.u32 s3, s0;
	s1 =	sshll.u32 s1, $0x11  }
0xbb: {  	s0 =	sor.u32 s1, s0  }
0xbc: {  	s0 =	sadd.s32 $0x8F2B, s0  }
0xbd: {  	[sflag:s0] =	ssyncadd.remote.s32 $0x1  }
0xbe: {  	_ =	sfence.sel $0xFFFF  }
0xbf: {  	[dreg:$0x0] =	wrdreg $0xFFFFFFFF;
	(pc) =	sbr.abs _section_cstart, $3  }
0xc0: {  	[dreg:$0x1] =	wrdreg $0xFFFFFFFF  }
0xc1: {  	_ =	task.clear_ibuf [dreg:s6], $0x2FFFF;
	_ =	strace $0x9FFFFFFF  }
0xc2: {  	(tm) =	ssettm $0x7FFFFFFF  }
0xc3: {  	_ =	shalt  }
tec
execute0_lowered:
.L_overlay_start_1:
0x0: {  	(tag) =	ssettag $0x1  }
0x1: {  	s0 =	rddreg [dreg:$0x0]  }
0x2: {  	s2 =	rddreg [dreg:$0x1]  }
0x3: {  	s3 =	simm.s32 $0x0;
	s11 =	stileid.u32;
	s1 =	srdreg.scid  }
0x4: {  	s28 =	simm.s32 $0x8800;
	s29 =	simm.s32 $0x1;
	s30 =	simm.s32 $0x2  }
0x5: {  	s31 =	simm.s32 $0x3;
	[smem:$0x7FF] =	sst s3;
	s5 =	smul.u32 $0x14000, s11  }
0x6: {  	s1 =	sand.u32 $0x1, s1;
	s4 =	sadd.s32 $0x2F400, s0;
	s7 =	sadd.s32 $0x7400, s0  }
0x7: {  	s9 =	sadd.s32 $0x1B400, s0;
	s16 =	smul.u32 $0x50000, s11;
	s20 =	sshll.u32 s11, $0x6  }
0x8: {  	_ =	strace $0x8000004D;
	s6 =	smul.u32 $0x140000, s1;
	s10 =	sshll.u32 s1, $0x4  }
0x9: {  	s1 =	ssub.s32 $0x2, s1;
	s8 =	sshrl.u32 s5, $0x3;
	s17 =	sor.u32 s11, s10  }
0xa: {  	s18 =	sshrl.u32 s1, $0x1;
	s8 =	sadd.s32 s8, s0;
	s5 =	sadd.s32 s5, s6  }
0xb: {  	s6 =	sshrl.u32 s16, $0x2;
	s1 =	ssub.s32 s1, s18;
	s18 =	simm.s32 $0x5  }
0xc: {  	s5 =	sshrl.u32 s5, $0x3;
	s19 =	sadd.s32 s6, s2;
	s8 =	sadd.s32 $0x57A00, s8  }
0xd: {  	s6 =	sor.u32 $0x1C05, s20;
	s16 =	smax.u32 s1, $0x1;
	s20 =	simm.s32 $0x40  }
0xe: {  	s1 =	simm.s32 $0x2600;
	s0 =	sadd.s32 s5, s0;
	s5 =	smul.u32 $0x5000, s17  }
0xf: {  	[dreg:$0x3] =	wrdreg s8;
	s17 =	sshrl.u32 s19, $0x3;
	s19 =	simm.s32 $0x1400  }
0x10: {  	s15 =	sadd.s32 $0x7FA00, s0;
	s0 =	simm.s32 $0x4;
	s5 =	sshrl.u32 s5, $0x3  }
0x11: {  	s21 =	sadd.s32 s7, s5;
	s22 =	sadd.s32 s9, s5;
	s23 =	sadd.s32 $0x280, s5  }
0x12: {  	s25 =	sadd.s32 $0x500, s5;
	s5 =	sadd.s32 $0x780, s5;
	[dreg:$0x4] =	wrdreg s21  }
0x13: {  	[dreg:$0x5] =	wrdreg s22;
	s24 =	sadd.s32 s7, s23;
	s8 =	sadd.s32 s9, s23  }
0x14: {  	s26 =	sadd.s32 s7, s25;
	s13 =	sadd.s32 s7, s5;
	s14 =	sadd.s32 s9, s5  }
0x15: {  	s21 =	simm.s32 $0x2800;
	s22 =	simm.s32 $0x80;
	[dreg:$0x6] =	wrdreg s24  }
0x16: {  	s23 =	simm.s32 $0x4800;
	s5 =	simm.s32 $0x2680;
	[dreg:$0x7] =	wrdreg s8  }
0x17: {  	s7 =	simm.s32 $0x2700;
	[dreg:$0x8] =	wrdreg s26;
	s8 =	sadd.s32 s9, s25  }
0x18: {  	s24 =	simm.s32 $0x100;
	s25 =	simm.s32 $0x6800;
	s26 =	simm.s32 $0x180  }
0x19: {  	s9 =	simm.s32 $0x0;
	[dreg:$0x9] =	wrdreg s8;
	s8 =	simm.s32 $0x2780  }
.LBB2_1:
0x1a: {  	s10 =	rddreg [dreg:$0x3]  }
0x1b: {  	[spmem:s17], [sflag:s6] =	dma.local [hbm:s10], $0x2800  }
0x1c: {  	_ =	swait.ge [sflag:s18], $0x2800  }
0x1d: {  	[sflag:s18] =	ssyncset.done $0x0  }
0x1e: {  	[sflag:s18] =	ssyncadd.s32 $0xFFFFD800  }
0x1f: {  	[bflag:$0x0] =	sbarrier.arrive $0xFFFF  }
0x20: {  	s12 =	rddreg [dreg:$0x4]  }
0x21: {  	[tilespmem:s3], [sflag:$0x5] =	stream.linear.gather [hbm4b:s12+s3], $0x1400, $0x38;
	[tilespmem:$0x1E800] =	vst v63  }
0x22: {  	_ =	swait.ge [sflag:s18], $0x1400  }
0x23: {  	[sflag:s18] =	ssyncset.done $0x0  }
0x24: {  	s11 =	rddreg [dreg:$0x5];
	[sflag:s18] =	ssyncadd.s32 $0xFFFFEC00  }
0x25: {  	[tilespmem:s19], [sflag:$0x5] =	stream.linear.gather [hbm4b:s11+s3], $0x1400, $0x38;
	[tilespmem:$0x1E800] =	vst v63  }
0x26: {  	_ =	swait.ge [sflag:s18], $0x1400  }
0x27: {  	[sflag:s18] =	ssyncset.done $0x0  }
0x28: {  	[sflag:s18] =	ssyncadd.s32 $0xFFFFEC00  }
0x29: {  	[tilespmem:s21], [sflag:$0x1] =	stream.indirect.gather [hbm4b:s4+s20], $0x80, s3, s20, $0xb8;
	[tilespmem:$0x1E800] =	vst v63  }
0x2a: {  	_ = 	snop  }
0x2b: {  	[tilespmem:s23], [sflag:$0x2] =	stream.indirect.gather [hbm4b:s4+s20], $0x80, s22, s20, $0xb8;
	[tilespmem:$0x1E800] =	vst v63  }
0x2c: {  	_ = 	snop  }
0x2d: {  	[tilespmem:s25], [sflag:$0x3] =	stream.indirect.gather [hbm4b:s4+s20], $0x80, s24, s20, $0xb8;
	[tilespmem:$0x1E800] =	vst v63  }
0x2e: {  	_ = 	snop  }
0x2f: {  	[tilespmem:s28], [sflag:$0x4] =	stream.indirect.gather [hbm4b:s4+s20], $0x80, s26, s20, $0xb8;
	[tilespmem:$0x1E800] =	vst v63  }
0x30: {  	_ =	swait.ge [sflag:s29], $0x2000  }
0x31: {  	[sflag:s29] =	ssyncset.done $0x0  }
0x32: {  	s12 =	simm.s32 $0x1400;
	[sflag:s29] =	ssyncadd.s32 $0xFFFFE000  }
0x33: {  	[spmem:s2] =	stream.indirect.scatter.add.f32 [tilespmem:s21], [sflag:$0x5], $0x80, s12, s20, $0xb8;
	[tilespmem:$0x1E800] =	vst v63  }
0x34: {  	_ =	swait.ge [sflag:s18], $0x2000  }
0x35: {  	[sflag:s18] =	ssyncset.done $0x0  }
0x36: {  	s11 =	simm.s32 $0x200;
	[sflag:s18] =	ssyncadd.s32 $0xFFFFE000  }
0x37: {  	[tilespmem:s21], [sflag:$0x1] =	stream.indirect.gather [hbm4b:s4+s20], $0x80, s11, s20, $0xb8;
	[tilespmem:$0x1E800] =	vst v63  }
0x38: {  	_ =	swait.ge [sflag:s30], $0x2000  }
0x39: {  	[sflag:s30] =	ssyncset.done $0x0  }
0x3a: {  	s12 =	simm.s32 $0x1480;
	[sflag:s30] =	ssyncadd.s32 $0xFFFFE000  }
0x3b: {  	[spmem:s2] =	stream.indirect.scatter.add.f32 [tilespmem:s23], [sflag:$0x5], $0x80, s12, s20, $0xb8;
	[tilespmem:$0x1E800] =	vst v63  }
0x3c: {  	_ =	swait.ge [sflag:s18], $0x2000  }
0x3d: {  	[sflag:s18] =	ssyncset.done $0x0  }
0x3e: {  	s11 =	simm.s32 $0x280;
	[sflag:s18] =	ssyncadd.s32 $0xFFFFE000  }
0x3f: {  	[tilespmem:s23], [sflag:$0x2] =	stream.indirect.gather [hbm4b:s4+s20], $0x80, s11, s20, $0xb8;
	[tilespmem:$0x1E800] =	vst v63  }
0x40: {  	_ =	swait.ge [sflag:s31], $0x2000  }
0x41: {  	[sflag:s31] =	ssyncset.done $0x0  }
0x42: {  	s12 =	simm.s32 $0x1500;
	[sflag:s31] =	ssyncadd.s32 $0xFFFFE000  }
0x43: {  	[spmem:s2] =	stream.indirect.scatter.add.f32 [tilespmem:s25], [sflag:$0x5], $0x80, s12, s20, $0xb8;
	[tilespmem:$0x1E800] =	vst v63  }
0x44: {  	_ =	swait.ge [sflag:s18], $0x2000  }
0x45: {  	[sflag:s18] =	ssyncset.done $0x0  }
0x46: {  	s11 =	simm.s32 $0x300;
	[sflag:s18] =	ssyncadd.s32 $0xFFFFE000  }
0x47: {  	[tilespmem:s25], [sflag:$0x3] =	stream.indirect.gather [hbm4b:s4+s20], $0x80, s11, s20, $0xb8;
	[tilespmem:$0x1E800] =	vst v63  }
0x48: {  	_ =	swait.ge [sflag:s0], $0x2000  }
0x49: {  	[sflag:s0] =	ssyncset.done $0x0  }
0x4a: {  	s12 =	simm.s32 $0x1580;
	[sflag:s0] =	ssyncadd.s32 $0xFFFFE000  }
0x4b: {  	[spmem:s2] =	stream.indirect.scatter.add.f32 [tilespmem:s28], [sflag:$0x5], $0x80, s12, s20, $0xb8;
	[tilespmem:$0x1E800] =	vst v63  }
0x4c: {  	_ =	swait.ge [sflag:s18], $0x2000  }
0x4d: {  	[sflag:s18] =	ssyncset.done $0x0  }
0x4e: {  	s10 =	simm.s32 $0x800;
	s11 =	simm.s32 $0x380;
	[sflag:s18] =	ssyncadd.s32 $0xFFFFE000  }
.LBB2_2:
0x4f: {  	[tilespmem:s28], [sflag:$0x4] =	stream.indirect.gather [hbm4b:s4+s20], $0x80, s11, s20, $0xb8;
	[tilespmem:$0x1E800] =	vst v63  }
0x50: {  	s11 =	smov.u32 s10  }
0x51: {  	p0 =	sne.s32 s10, $0x4000;
	s10 =	sadd.s32 $0x800, s10;
	_ =	swait.ge [sflag:s29], $0x2000  }
0x52: {  	s11 =	sshra.s32 s11, $0x2;
	[sflag:s29] =	ssyncset.done $0x0  }
0x53: {  	s12 =	sadd.s32 $0x1400, s11;
	[sflag:s29] =	ssyncadd.s32 $0xFFFFE000  }
0x54: {  	[spmem:s2] =	stream.indirect.scatter.add.f32 [tilespmem:s21], [sflag:$0x5], $0x80, s12, s20, $0xb8;
	[tilespmem:$0x1E800] =	vst v63  }
0x55: {  	_ =	swait.ge [sflag:s18], $0x2000  }
0x56: {  	[sflag:s18] =	ssyncset.done $0x0  }
0x57: {  	s12 =	sadd.s32 $0x200, s11;
	[sflag:s18] =	ssyncadd.s32 $0xFFFFE000  }
0x58: {  	[tilespmem:s21], [sflag:$0x1] =	stream.indirect.gather [hbm4b:s4+s20], $0x80, s12, s20, $0xb8;
	[tilespmem:$0x1E800] =	vst v63  }
0x59: {  	_ =	swait.ge [sflag:s30], $0x2000  }
0x5a: {  	[sflag:s30] =	ssyncset.done $0x0  }
0x5b: {  	s12 =	sadd.s32 $0x1480, s11;
	[sflag:s30] =	ssyncadd.s32 $0xFFFFE000  }
0x5c: {  	[spmem:s2] =	stream.indirect.scatter.add.f32 [tilespmem:s23], [sflag:$0x5], $0x80, s12, s20, $0xb8;
	[tilespmem:$0x1E800] =	vst v63  }
0x5d: {  	_ =	swait.ge [sflag:s18], $0x2000  }
0x5e: {  	[sflag:s18] =	ssyncset.done $0x0  }
0x5f: {  	s12 =	sadd.s32 $0x280, s11;
	[sflag:s18] =	ssyncadd.s32 $0xFFFFE000  }
0x60: {  	[tilespmem:s23], [sflag:$0x2] =	stream.indirect.gather [hbm4b:s4+s20], $0x80, s12, s20, $0xb8;
	[tilespmem:$0x1E800] =	vst v63  }
0x61: {  	_ =	swait.ge [sflag:s31], $0x2000  }
0x62: {  	[sflag:s31] =	ssyncset.done $0x0  }
0x63: {  	s12 =	sadd.s32 $0x1500, s11;
	[sflag:s31] =	ssyncadd.s32 $0xFFFFE000  }
0x64: {  	[spmem:s2] =	stream.indirect.scatter.add.f32 [tilespmem:s25], [sflag:$0x5], $0x80, s12, s20, $0xb8;
	[tilespmem:$0x1E800] =	vst v63  }
0x65: {  	_ =	swait.ge [sflag:s18], $0x2000  }
0x66: {  	[sflag:s18] =	ssyncset.done $0x0  }
0x67: {  	s12 =	sadd.s32 $0x300, s11;
	[sflag:s18] =	ssyncadd.s32 $0xFFFFE000  }
0x68: {  	[tilespmem:s25], [sflag:$0x3] =	stream.indirect.gather [hbm4b:s4+s20], $0x80, s12, s20, $0xb8;
	[tilespmem:$0x1E800] =	vst v63  }
0x69: {  	_ =	swait.ge [sflag:s0], $0x2000  }
0x6a: {  	[sflag:s0] =	ssyncset.done $0x0  }
.Ltmp0:
0x6b: {  	s12 =	sadd.s32 $0x1580, s11;
	[sflag:s0] =	ssyncadd.s32 $0xFFFFE000;
	(pc) =	sbr.rel @p0 .LBB2_2-.Ltmp0, $4  }
0x6c: {  	[spmem:s2] =	stream.indirect.scatter.add.f32 [tilespmem:s28], [sflag:$0x5], $0x80, s12, s20, $0xb8;
	[tilespmem:$0x1E800] =	vst v63  }
0x6d: {  	_ =	swait.ge [sflag:s18], $0x2000  }
0x6e: {  	[sflag:s18] =	ssyncset.done $0x0  }
0x6f: {  	s11 =	sadd.s32 $0x380, s11;
	[sflag:s18] =	ssyncadd.s32 $0xFFFFE000  }
0x70: {  	[tilespmem:s28], [sflag:$0x4] =	stream.indirect.gather [hbm4b:s4+s20], $0x80, s11, s20, $0xb8;
	[tilespmem:$0x1E800] =	vst v63  }
0x71: {  	_ =	swait.ge [sflag:s29], $0x2000  }
0x72: {  	[sflag:s29] =	ssyncset.done $0x0  }
0x73: {  	[sflag:s29] =	ssyncadd.s32 $0xFFFFE000  }
0x74: {  	[spmem:s2] =	stream.indirect.scatter.add.f32 [tilespmem:s21], [sflag:$0x5], $0x80, s1, s20, $0xb8;
	[tilespmem:$0x1E800] =	vst v63  }
0x75: {  	_ =	swait.ge [sflag:s18], $0x2000  }
0x76: {  	[sflag:s18] =	ssyncset.done $0x0  }
0x77: {  	[sflag:s18] =	ssyncadd.s32 $0xFFFFE000  }
0x78: {  	_ =	swait.ge [sflag:s30], $0x2000  }
0x79: {  	[sflag:s30] =	ssyncset.done $0x0  }
0x7a: {  	[sflag:s30] =	ssyncadd.s32 $0xFFFFE000  }
0x7b: {  	[spmem:s2] =	stream.indirect.scatter.add.f32 [tilespmem:s23], [sflag:$0x5], $0x80, s5, s20, $0xb8;
	[tilespmem:$0x1E800] =	vst v63  }
0x7c: {  	_ =	swait.ge [sflag:s18], $0x2000  }
0x7d: {  	[sflag:s18] =	ssyncset.done $0x0  }
0x7e: {  	[sflag:s18] =	ssyncadd.s32 $0xFFFFE000  }
0x7f: {  	_ =	swait.ge [sflag:s31], $0x2000  }
0x80: {  	[sflag:s31] =	ssyncset.done $0x0  }
0x81: {  	[sflag:s31] =	ssyncadd.s32 $0xFFFFE000  }
0x82: {  	[spmem:s2] =	stream.indirect.scatter.add.f32 [tilespmem:s25], [sflag:$0x5], $0x80, s7, s20, $0xb8;
	[tilespmem:$0x1E800] =	vst v63  }
0x83: {  	_ =	swait.ge [sflag:s18], $0x2000  }
0x84: {  	[sflag:s18] =	ssyncset.done $0x0  }
0x85: {  	[sflag:s18] =	ssyncadd.s32 $0xFFFFE000  }
0x86: {  	_ =	swait.ge [sflag:s0], $0x2000  }
0x87: {  	[sflag:s0] =	ssyncset.done $0x0  }
0x88: {  	[sflag:s0] =	ssyncadd.s32 $0xFFFFE000  }
0x89: {  	[spmem:s2] =	stream.indirect.scatter.add.f32 [tilespmem:s28], [sflag:$0x5], $0x80, s8, s20, $0xb8;
	[tilespmem:$0x1E800] =	vst v63  }
0x8a: {  	_ =	swait.ge [sflag:s18], $0x2000  }
0x8b: {  	[sflag:s18] =	ssyncset.done $0x0  }
0x8c: {  	s10 =	simm.s32 $0x0;
	s12 =	rddreg [dreg:$0x6];
	[sflag:s18] =	ssyncadd.s32 $0xFFFFE000  }
0x8d: {  	[tilespmem:s10], [sflag:$0x5] =	stream.linear.gather [hbm4b:s12+s10], $0x1400, $0x38;
	[tilespmem:$0x1E800] =	vst v63  }
0x8e: {  	_ =	swait.ge [sflag:s18], $0x1400  }
0x8f: {  	[sflag:s18] =	ssyncset.done $0x0  }
0x90: {  	s12 =	rddreg [dreg:$0x7];
	[sflag:s18] =	ssyncadd.s32 $0xFFFFEC00  }
0x91: {  	[tilespmem:s19], [sflag:$0x5] =	stream.linear.gather [hbm4b:s12+s10], $0x1400, $0x38;
	[tilespmem:$0x1E800] =	vst v63  }
0x92: {  	_ =	swait.ge [sflag:s18], $0x1400  }
0x93: {  	[sflag:s18] =	ssyncset.done $0x0  }
0x94: {  	[sflag:s18] =	ssyncadd.s32 $0xFFFFEC00  }
0x95: {  	[tilespmem:s21], [sflag:$0x1] =	stream.indirect.gather [hbm4b:s4+s20], $0x80, s10, s20, $0xb8;
	[tilespmem:$0x1E800] =	vst v63  }
0x96: {  	_ = 	snop  }
0x97: {  	[tilespmem:s23], [sflag:$0x2] =	stream.indirect.gather [hbm4b:s4+s20], $0x80, s22, s20, $0xb8;
	[tilespmem:$0x1E800] =	vst v63  }
0x98: {  	_ = 	snop  }
0x99: {  	[tilespmem:s25], [sflag:$0x3] =	stream.indirect.gather [hbm4b:s4+s20], $0x80, s24, s20, $0xb8;
	[tilespmem:$0x1E800] =	vst v63  }
0x9a: {  	_ = 	snop  }
0x9b: {  	[tilespmem:s28], [sflag:$0x4] =	stream.indirect.gather [hbm4b:s4+s20], $0x80, s26, s20, $0xb8;
	[tilespmem:$0x1E800] =	vst v63  }
0x9c: {  	_ =	swait.ge [sflag:s29], $0x2000  }
0x9d: {  	[sflag:s29] =	ssyncset.done $0x0  }
0x9e: {  	s12 =	simm.s32 $0x1400;
	[sflag:s29] =	ssyncadd.s32 $0xFFFFE000  }
0x9f: {  	[spmem:s2] =	stream.indirect.scatter.add.f32 [tilespmem:s21], [sflag:$0x5], $0x80, s12, s20, $0xb8;
	[tilespmem:$0x1E800] =	vst v63  }
0xa0: {  	_ =	swait.ge [sflag:s18], $0x2000  }
0xa1: {  	[sflag:s18] =	ssyncset.done $0x0  }
0xa2: {  	s11 =	simm.s32 $0x200;
	[sflag:s18] =	ssyncadd.s32 $0xFFFFE000  }
0xa3: {  	[tilespmem:s21], [sflag:$0x1] =	stream.indirect.gather [hbm4b:s4+s20], $0x80, s11, s20, $0xb8;
	[tilespmem:$0x1E800] =	vst v63  }
0xa4: {  	_ =	swait.ge [sflag:s30], $0x2000  }
0xa5: {  	[sflag:s30] =	ssyncset.done $0x0  }
0xa6: {  	s12 =	simm.s32 $0x1480;
	[sflag:s30] =	ssyncadd.s32 $0xFFFFE000  }
0xa7: {  	[spmem:s2] =	stream.indirect.scatter.add.f32 [tilespmem:s23], [sflag:$0x5], $0x80, s12, s20, $0xb8;
	[tilespmem:$0x1E800] =	vst v63  }
0xa8: {  	_ =	swait.ge [sflag:s18], $0x2000  }
0xa9: {  	[sflag:s18] =	ssyncset.done $0x0  }
0xaa: {  	s11 =	simm.s32 $0x280;
	[sflag:s18] =	ssyncadd.s32 $0xFFFFE000  }
0xab: {  	[tilespmem:s23], [sflag:$0x2] =	stream.indirect.gather [hbm4b:s4+s20], $0x80, s11, s20, $0xb8;
	[tilespmem:$0x1E800] =	vst v63  }
0xac: {  	_ =	swait.ge [sflag:s31], $0x2000  }
0xad: {  	[sflag:s31] =	ssyncset.done $0x0  }
0xae: {  	s12 =	simm.s32 $0x1500;
	[sflag:s31] =	ssyncadd.s32 $0xFFFFE000  }
0xaf: {  	[spmem:s2] =	stream.indirect.scatter.add.f32 [tilespmem:s25], [sflag:$0x5], $0x80, s12, s20, $0xb8;
	[tilespmem:$0x1E800] =	vst v63  }
0xb0: {  	_ =	swait.ge [sflag:s18], $0x2000  }
0xb1: {  	[sflag:s18] =	ssyncset.done $0x0  }
0xb2: {  	s11 =	simm.s32 $0x300;
	[sflag:s18] =	ssyncadd.s32 $0xFFFFE000  }
0xb3: {  	[tilespmem:s25], [sflag:$0x3] =	stream.indirect.gather [hbm4b:s4+s20], $0x80, s11, s20, $0xb8;
	[tilespmem:$0x1E800] =	vst v63  }
0xb4: {  	_ =	swait.ge [sflag:s0], $0x2000  }
0xb5: {  	[sflag:s0] =	ssyncset.done $0x0  }
0xb6: {  	s12 =	simm.s32 $0x1580;
	[sflag:s0] =	ssyncadd.s32 $0xFFFFE000  }
0xb7: {  	[spmem:s2] =	stream.indirect.scatter.add.f32 [tilespmem:s28], [sflag:$0x5], $0x80, s12, s20, $0xb8;
	[tilespmem:$0x1E800] =	vst v63  }
0xb8: {  	_ =	swait.ge [sflag:s18], $0x2000  }
0xb9: {  	[sflag:s18] =	ssyncset.done $0x0  }
0xba: {  	s10 =	simm.s32 $0x800;
	s11 =	simm.s32 $0x380;
	[sflag:s18] =	ssyncadd.s32 $0xFFFFE000  }
.LBB2_4:
0xbb: {  	[tilespmem:s28], [sflag:$0x4] =	stream.indirect.gather [hbm4b:s4+s20], $0x80, s11, s20, $0xb8;
	[tilespmem:$0x1E800] =	vst v63  }
0xbc: {  	s11 =	smov.u32 s10  }
0xbd: {  	p0 =	sne.s32 s10, $0x4000;
	s10 =	sadd.s32 $0x800, s10;
	_ =	swait.ge [sflag:s29], $0x2000  }
0xbe: {  	s11 =	sshra.s32 s11, $0x2;
	[sflag:s29] =	ssyncset.done $0x0  }
0xbf: {  	s12 =	sadd.s32 $0x1400, s11;
	[sflag:s29] =	ssyncadd.s32 $0xFFFFE000  }
0xc0: {  	[spmem:s2] =	stream.indirect.scatter.add.f32 [tilespmem:s21], [sflag:$0x5], $0x80, s12, s20, $0xb8;
	[tilespmem:$0x1E800] =	vst v63  }
0xc1: {  	_ =	swait.ge [sflag:s18], $0x2000  }
0xc2: {  	[sflag:s18] =	ssyncset.done $0x0  }
0xc3: {  	s12 =	sadd.s32 $0x200, s11;
	[sflag:s18] =	ssyncadd.s32 $0xFFFFE000  }
0xc4: {  	[tilespmem:s21], [sflag:$0x1] =	stream.indirect.gather [hbm4b:s4+s20], $0x80, s12, s20, $0xb8;
	[tilespmem:$0x1E800] =	vst v63  }
0xc5: {  	_ =	swait.ge [sflag:s30], $0x2000  }
0xc6: {  	[sflag:s30] =	ssyncset.done $0x0  }
0xc7: {  	s12 =	sadd.s32 $0x1480, s11;
	[sflag:s30] =	ssyncadd.s32 $0xFFFFE000  }
0xc8: {  	[spmem:s2] =	stream.indirect.scatter.add.f32 [tilespmem:s23], [sflag:$0x5], $0x80, s12, s20, $0xb8;
	[tilespmem:$0x1E800] =	vst v63  }
0xc9: {  	_ =	swait.ge [sflag:s18], $0x2000  }
0xca: {  	[sflag:s18] =	ssyncset.done $0x0  }
0xcb: {  	s12 =	sadd.s32 $0x280, s11;
	[sflag:s18] =	ssyncadd.s32 $0xFFFFE000  }
0xcc: {  	[tilespmem:s23], [sflag:$0x2] =	stream.indirect.gather [hbm4b:s4+s20], $0x80, s12, s20, $0xb8;
	[tilespmem:$0x1E800] =	vst v63  }
0xcd: {  	_ =	swait.ge [sflag:s31], $0x2000  }
0xce: {  	[sflag:s31] =	ssyncset.done $0x0  }
0xcf: {  	s12 =	sadd.s32 $0x1500, s11;
	[sflag:s31] =	ssyncadd.s32 $0xFFFFE000  }
0xd0: {  	[spmem:s2] =	stream.indirect.scatter.add.f32 [tilespmem:s25], [sflag:$0x5], $0x80, s12, s20, $0xb8;
	[tilespmem:$0x1E800] =	vst v63  }
0xd1: {  	_ =	swait.ge [sflag:s18], $0x2000  }
0xd2: {  	[sflag:s18] =	ssyncset.done $0x0  }
0xd3: {  	s12 =	sadd.s32 $0x300, s11;
	[sflag:s18] =	ssyncadd.s32 $0xFFFFE000  }
0xd4: {  	[tilespmem:s25], [sflag:$0x3] =	stream.indirect.gather [hbm4b:s4+s20], $0x80, s12, s20, $0xb8;
	[tilespmem:$0x1E800] =	vst v63  }
0xd5: {  	_ =	swait.ge [sflag:s0], $0x2000  }
0xd6: {  	[sflag:s0] =	ssyncset.done $0x0  }
.Ltmp1:
0xd7: {  	s12 =	sadd.s32 $0x1580, s11;
	[sflag:s0] =	ssyncadd.s32 $0xFFFFE000;
	(pc) =	sbr.rel @p0 .LBB2_4-.Ltmp1, $4  }
0xd8: {  	[spmem:s2] =	stream.indirect.scatter.add.f32 [tilespmem:s28], [sflag:$0x5], $0x80, s12, s20, $0xb8;
	[tilespmem:$0x1E800] =	vst v63  }
0xd9: {  	_ =	swait.ge [sflag:s18], $0x2000  }
0xda: {  	[sflag:s18] =	ssyncset.done $0x0  }
0xdb: {  	s11 =	sadd.s32 $0x380, s11;
	[sflag:s18] =	ssyncadd.s32 $0xFFFFE000  }
0xdc: {  	[tilespmem:s28], [sflag:$0x4] =	stream.indirect.gather [hbm4b:s4+s20], $0x80, s11, s20, $0xb8;
	[tilespmem:$0x1E800] =	vst v63  }
0xdd: {  	_ =	swait.ge [sflag:s29], $0x2000  }
0xde: {  	[sflag:s29] =	ssyncset.done $0x0  }
0xdf: {  	[sflag:s29] =	ssyncadd.s32 $0xFFFFE000  }
0xe0: {  	[spmem:s2] =	stream.indirect.scatter.add.f32 [tilespmem:s21], [sflag:$0x5], $0x80, s1, s20, $0xb8;
	[tilespmem:$0x1E800] =	vst v63  }
0xe1: {  	_ =	swait.ge [sflag:s18], $0x2000  }
0xe2: {  	[sflag:s18] =	ssyncset.done $0x0  }
0xe3: {  	[sflag:s18] =	ssyncadd.s32 $0xFFFFE000  }
0xe4: {  	_ =	swait.ge [sflag:s30], $0x2000  }
0xe5: {  	[sflag:s30] =	ssyncset.done $0x0  }
0xe6: {  	[sflag:s30] =	ssyncadd.s32 $0xFFFFE000  }
0xe7: {  	[spmem:s2] =	stream.indirect.scatter.add.f32 [tilespmem:s23], [sflag:$0x5], $0x80, s5, s20, $0xb8;
	[tilespmem:$0x1E800] =	vst v63  }
0xe8: {  	_ =	swait.ge [sflag:s18], $0x2000  }
0xe9: {  	[sflag:s18] =	ssyncset.done $0x0  }
0xea: {  	[sflag:s18] =	ssyncadd.s32 $0xFFFFE000  }
0xeb: {  	_ =	swait.ge [sflag:s31], $0x2000  }
0xec: {  	[sflag:s31] =	ssyncset.done $0x0  }
0xed: {  	[sflag:s31] =	ssyncadd.s32 $0xFFFFE000  }
0xee: {  	[spmem:s2] =	stream.indirect.scatter.add.f32 [tilespmem:s25], [sflag:$0x5], $0x80, s7, s20, $0xb8;
	[tilespmem:$0x1E800] =	vst v63  }
0xef: {  	_ =	swait.ge [sflag:s18], $0x2000  }
0xf0: {  	[sflag:s18] =	ssyncset.done $0x0  }
0xf1: {  	[sflag:s18] =	ssyncadd.s32 $0xFFFFE000  }
0xf2: {  	_ =	swait.ge [sflag:s0], $0x2000  }
0xf3: {  	[sflag:s0] =	ssyncset.done $0x0  }
0xf4: {  	[sflag:s0] =	ssyncadd.s32 $0xFFFFE000  }
0xf5: {  	[spmem:s2] =	stream.indirect.scatter.add.f32 [tilespmem:s28], [sflag:$0x5], $0x80, s8, s20, $0xb8;
	[tilespmem:$0x1E800] =	vst v63  }
0xf6: {  	_ =	swait.ge [sflag:s18], $0x2000  }
0xf7: {  	[sflag:s18] =	ssyncset.done $0x0  }
0xf8: {  	s10 =	simm.s32 $0x0;
	s12 =	rddreg [dreg:$0x8];
	[sflag:s18] =	ssyncadd.s32 $0xFFFFE000  }
0xf9: {  	[tilespmem:s10], [sflag:$0x5] =	stream.linear.gather [hbm4b:s12+s10], $0x1400, $0x38;
	[tilespmem:$0x1E800] =	vst v63  }
0xfa: {  	_ =	swait.ge [sflag:s18], $0x1400  }
0xfb: {  	[sflag:s18] =	ssyncset.done $0x0  }
0xfc: {  	s12 =	rddreg [dreg:$0x9];
	[sflag:s18] =	ssyncadd.s32 $0xFFFFEC00  }
0xfd: {  	[tilespmem:s19], [sflag:$0x5] =	stream.linear.gather [hbm4b:s12+s10], $0x1400, $0x38;
	[tilespmem:$0x1E800] =	vst v63  }
0xfe: {  	_ =	swait.ge [sflag:s18], $0x1400  }
0xff: {  	[sflag:s18] =	ssyncset.done $0x0  }
0x100: {  	[sflag:s18] =	ssyncadd.s32 $0xFFFFEC00  }
0x101: {  	[tilespmem:s21], [sflag:$0x1] =	stream.indirect.gather [hbm4b:s4+s20], $0x80, s10, s20, $0xb8;
	[tilespmem:$0x1E800] =	vst v63  }
0x102: {  	_ = 	snop  }
0x103: {  	[tilespmem:s23], [sflag:$0x2] =	stream.indirect.gather [hbm4b:s4+s20], $0x80, s22, s20, $0xb8;
	[tilespmem:$0x1E800] =	vst v63  }
0x104: {  	_ = 	snop  }
0x105: {  	[tilespmem:s25], [sflag:$0x3] =	stream.indirect.gather [hbm4b:s4+s20], $0x80, s24, s20, $0xb8;
	[tilespmem:$0x1E800] =	vst v63  }
0x106: {  	_ = 	snop  }
0x107: {  	[tilespmem:s28], [sflag:$0x4] =	stream.indirect.gather [hbm4b:s4+s20], $0x80, s26, s20, $0xb8;
	[tilespmem:$0x1E800] =	vst v63  }
0x108: {  	_ =	swait.ge [sflag:s29], $0x2000  }
0x109: {  	[sflag:s29] =	ssyncset.done $0x0  }
0x10a: {  	s12 =	simm.s32 $0x1400;
	[sflag:s29] =	ssyncadd.s32 $0xFFFFE000  }
0x10b: {  	[spmem:s2] =	stream.indirect.scatter.add.f32 [tilespmem:s21], [sflag:$0x5], $0x80, s12, s20, $0xb8;
	[tilespmem:$0x1E800] =	vst v63  }
0x10c: {  	_ =	swait.ge [sflag:s18], $0x2000  }
0x10d: {  	[sflag:s18] =	ssyncset.done $0x0  }
0x10e: {  	s11 =	simm.s32 $0x200;
	[sflag:s18] =	ssyncadd.s32 $0xFFFFE000  }
0x10f: {  	[tilespmem:s21], [sflag:$0x1] =	stream.indirect.gather [hbm4b:s4+s20], $0x80, s11, s20, $0xb8;
	[tilespmem:$0x1E800] =	vst v63  }
0x110: {  	_ =	swait.ge [sflag:s30], $0x2000  }
0x111: {  	[sflag:s30] =	ssyncset.done $0x0  }
0x112: {  	s12 =	simm.s32 $0x1480;
	[sflag:s30] =	ssyncadd.s32 $0xFFFFE000  }
0x113: {  	[spmem:s2] =	stream.indirect.scatter.add.f32 [tilespmem:s23], [sflag:$0x5], $0x80, s12, s20, $0xb8;
	[tilespmem:$0x1E800] =	vst v63  }
0x114: {  	_ =	swait.ge [sflag:s18], $0x2000  }
0x115: {  	[sflag:s18] =	ssyncset.done $0x0  }
0x116: {  	s11 =	simm.s32 $0x280;
	[sflag:s18] =	ssyncadd.s32 $0xFFFFE000  }
0x117: {  	[tilespmem:s23], [sflag:$0x2] =	stream.indirect.gather [hbm4b:s4+s20], $0x80, s11, s20, $0xb8;
	[tilespmem:$0x1E800] =	vst v63  }
0x118: {  	_ =	swait.ge [sflag:s31], $0x2000  }
0x119: {  	[sflag:s31] =	ssyncset.done $0x0  }
0x11a: {  	s12 =	simm.s32 $0x1500;
	[sflag:s31] =	ssyncadd.s32 $0xFFFFE000  }
0x11b: {  	[spmem:s2] =	stream.indirect.scatter.add.f32 [tilespmem:s25], [sflag:$0x5], $0x80, s12, s20, $0xb8;
	[tilespmem:$0x1E800] =	vst v63  }
0x11c: {  	_ =	swait.ge [sflag:s18], $0x2000  }
0x11d: {  	[sflag:s18] =	ssyncset.done $0x0  }
0x11e: {  	s11 =	simm.s32 $0x300;
	[sflag:s18] =	ssyncadd.s32 $0xFFFFE000  }
0x11f: {  	[tilespmem:s25], [sflag:$0x3] =	stream.indirect.gather [hbm4b:s4+s20], $0x80, s11, s20, $0xb8;
	[tilespmem:$0x1E800] =	vst v63  }
0x120: {  	_ =	swait.ge [sflag:s0], $0x2000  }
0x121: {  	[sflag:s0] =	ssyncset.done $0x0  }
0x122: {  	s12 =	simm.s32 $0x1580;
	[sflag:s0] =	ssyncadd.s32 $0xFFFFE000  }
0x123: {  	[spmem:s2] =	stream.indirect.scatter.add.f32 [tilespmem:s28], [sflag:$0x5], $0x80, s12, s20, $0xb8;
	[tilespmem:$0x1E800] =	vst v63  }
0x124: {  	_ =	swait.ge [sflag:s18], $0x2000  }
0x125: {  	[sflag:s18] =	ssyncset.done $0x0  }
0x126: {  	s10 =	simm.s32 $0x800;
	s11 =	simm.s32 $0x380;
	[sflag:s18] =	ssyncadd.s32 $0xFFFFE000  }
.LBB2_6:
0x127: {  	[tilespmem:s28], [sflag:$0x4] =	stream.indirect.gather [hbm4b:s4+s20], $0x80, s11, s20, $0xb8;
	[tilespmem:$0x1E800] =	vst v63  }
0x128: {  	s11 =	smov.u32 s10  }
0x129: {  	p0 =	sne.s32 s10, $0x4000;
	s10 =	sadd.s32 $0x800, s10;
	_ =	swait.ge [sflag:s29], $0x2000  }
0x12a: {  	s11 =	sshra.s32 s11, $0x2;
	[sflag:s29] =	ssyncset.done $0x0  }
0x12b: {  	s12 =	sadd.s32 $0x1400, s11;
	[sflag:s29] =	ssyncadd.s32 $0xFFFFE000  }
0x12c: {  	[spmem:s2] =	stream.indirect.scatter.add.f32 [tilespmem:s21], [sflag:$0x5], $0x80, s12, s20, $0xb8;
	[tilespmem:$0x1E800] =	vst v63  }
0x12d: {  	_ =	swait.ge [sflag:s18], $0x2000  }
0x12e: {  	[sflag:s18] =	ssyncset.done $0x0  }
0x12f: {  	s12 =	sadd.s32 $0x200, s11;
	[sflag:s18] =	ssyncadd.s32 $0xFFFFE000  }
0x130: {  	[tilespmem:s21], [sflag:$0x1] =	stream.indirect.gather [hbm4b:s4+s20], $0x80, s12, s20, $0xb8;
	[tilespmem:$0x1E800] =	vst v63  }
0x131: {  	_ =	swait.ge [sflag:s30], $0x2000  }
0x132: {  	[sflag:s30] =	ssyncset.done $0x0  }
0x133: {  	s12 =	sadd.s32 $0x1480, s11;
	[sflag:s30] =	ssyncadd.s32 $0xFFFFE000  }
0x134: {  	[spmem:s2] =	stream.indirect.scatter.add.f32 [tilespmem:s23], [sflag:$0x5], $0x80, s12, s20, $0xb8;
	[tilespmem:$0x1E800] =	vst v63  }
0x135: {  	_ =	swait.ge [sflag:s18], $0x2000  }
0x136: {  	[sflag:s18] =	ssyncset.done $0x0  }
0x137: {  	s12 =	sadd.s32 $0x280, s11;
	[sflag:s18] =	ssyncadd.s32 $0xFFFFE000  }
0x138: {  	[tilespmem:s23], [sflag:$0x2] =	stream.indirect.gather [hbm4b:s4+s20], $0x80, s12, s20, $0xb8;
	[tilespmem:$0x1E800] =	vst v63  }
0x139: {  	_ =	swait.ge [sflag:s31], $0x2000  }
0x13a: {  	[sflag:s31] =	ssyncset.done $0x0  }
0x13b: {  	s12 =	sadd.s32 $0x1500, s11;
	[sflag:s31] =	ssyncadd.s32 $0xFFFFE000  }
0x13c: {  	[spmem:s2] =	stream.indirect.scatter.add.f32 [tilespmem:s25], [sflag:$0x5], $0x80, s12, s20, $0xb8;
	[tilespmem:$0x1E800] =	vst v63  }
0x13d: {  	_ =	swait.ge [sflag:s18], $0x2000  }
0x13e: {  	[sflag:s18] =	ssyncset.done $0x0  }
0x13f: {  	s12 =	sadd.s32 $0x300, s11;
	[sflag:s18] =	ssyncadd.s32 $0xFFFFE000  }
0x140: {  	[tilespmem:s25], [sflag:$0x3] =	stream.indirect.gather [hbm4b:s4+s20], $0x80, s12, s20, $0xb8;
	[tilespmem:$0x1E800] =	vst v63  }
0x141: {  	_ =	swait.ge [sflag:s0], $0x2000  }
0x142: {  	[sflag:s0] =	ssyncset.done $0x0  }
.Ltmp2:
0x143: {  	s12 =	sadd.s32 $0x1580, s11;
	[sflag:s0] =	ssyncadd.s32 $0xFFFFE000;
	(pc) =	sbr.rel @p0 .LBB2_6-.Ltmp2, $4  }
0x144: {  	[spmem:s2] =	stream.indirect.scatter.add.f32 [tilespmem:s28], [sflag:$0x5], $0x80, s12, s20, $0xb8;
	[tilespmem:$0x1E800] =	vst v63  }
0x145: {  	_ =	swait.ge [sflag:s18], $0x2000  }
0x146: {  	[sflag:s18] =	ssyncset.done $0x0  }
0x147: {  	s11 =	sadd.s32 $0x380, s11;
	[sflag:s18] =	ssyncadd.s32 $0xFFFFE000  }
0x148: {  	[tilespmem:s28], [sflag:$0x4] =	stream.indirect.gather [hbm4b:s4+s20], $0x80, s11, s20, $0xb8;
	[tilespmem:$0x1E800] =	vst v63  }
0x149: {  	_ =	swait.ge [sflag:s29], $0x2000  }
0x14a: {  	[sflag:s29] =	ssyncset.done $0x0  }
0x14b: {  	[sflag:s29] =	ssyncadd.s32 $0xFFFFE000  }
0x14c: {  	[spmem:s2] =	stream.indirect.scatter.add.f32 [tilespmem:s21], [sflag:$0x5], $0x80, s1, s20, $0xb8;
	[tilespmem:$0x1E800] =	vst v63  }
0x14d: {  	_ =	swait.ge [sflag:s18], $0x2000  }
0x14e: {  	[sflag:s18] =	ssyncset.done $0x0  }
0x14f: {  	[sflag:s18] =	ssyncadd.s32 $0xFFFFE000  }
0x150: {  	_ =	swait.ge [sflag:s30], $0x2000  }
0x151: {  	[sflag:s30] =	ssyncset.done $0x0  }
0x152: {  	[sflag:s30] =	ssyncadd.s32 $0xFFFFE000  }
0x153: {  	[spmem:s2] =	stream.indirect.scatter.add.f32 [tilespmem:s23], [sflag:$0x5], $0x80, s5, s20, $0xb8;
	[tilespmem:$0x1E800] =	vst v63  }
0x154: {  	_ =	swait.ge [sflag:s18], $0x2000  }
0x155: {  	[sflag:s18] =	ssyncset.done $0x0  }
0x156: {  	[sflag:s18] =	ssyncadd.s32 $0xFFFFE000  }
0x157: {  	_ =	swait.ge [sflag:s31], $0x2000  }
0x158: {  	[sflag:s31] =	ssyncset.done $0x0  }
0x159: {  	[sflag:s31] =	ssyncadd.s32 $0xFFFFE000  }
0x15a: {  	[spmem:s2] =	stream.indirect.scatter.add.f32 [tilespmem:s25], [sflag:$0x5], $0x80, s7, s20, $0xb8;
	[tilespmem:$0x1E800] =	vst v63  }
0x15b: {  	_ =	swait.ge [sflag:s18], $0x2000  }
0x15c: {  	[sflag:s18] =	ssyncset.done $0x0  }
0x15d: {  	[sflag:s18] =	ssyncadd.s32 $0xFFFFE000  }
0x15e: {  	_ =	swait.ge [sflag:s0], $0x2000  }
0x15f: {  	[sflag:s0] =	ssyncset.done $0x0  }
0x160: {  	[sflag:s0] =	ssyncadd.s32 $0xFFFFE000  }
0x161: {  	[spmem:s2] =	stream.indirect.scatter.add.f32 [tilespmem:s28], [sflag:$0x5], $0x80, s8, s20, $0xb8;
	[tilespmem:$0x1E800] =	vst v63  }
0x162: {  	_ =	swait.ge [sflag:s18], $0x2000  }
0x163: {  	[sflag:s18] =	ssyncset.done $0x0  }
0x164: {  	s10 =	simm.s32 $0x0;
	[sflag:s18] =	ssyncadd.s32 $0xFFFFE000  }
0x165: {  	[tilespmem:s10], [sflag:$0x5] =	stream.linear.gather [hbm4b:s13+s10], $0x1400, $0x38;
	[tilespmem:$0x1E800] =	vst v63  }
0x166: {  	_ =	swait.ge [sflag:s18], $0x1400  }
0x167: {  	[sflag:s18] =	ssyncset.done $0x0  }
0x168: {  	[sflag:s18] =	ssyncadd.s32 $0xFFFFEC00  }
0x169: {  	[tilespmem:s19], [sflag:$0x5] =	stream.linear.gather [hbm4b:s14+s10], $0x1400, $0x38;
	[tilespmem:$0x1E800] =	vst v63  }
0x16a: {  	_ =	swait.ge [sflag:s18], $0x1400  }
0x16b: {  	[sflag:s18] =	ssyncset.done $0x0  }
0x16c: {  	[sflag:s18] =	ssyncadd.s32 $0xFFFFEC00  }
0x16d: {  	[tilespmem:s21], [sflag:$0x1] =	stream.indirect.gather [hbm4b:s4+s20], $0x80, s10, s20, $0xb8;
	[tilespmem:$0x1E800] =	vst v63  }
0x16e: {  	_ = 	snop  }
0x16f: {  	[tilespmem:s23], [sflag:$0x2] =	stream.indirect.gather [hbm4b:s4+s20], $0x80, s22, s20, $0xb8;
	[tilespmem:$0x1E800] =	vst v63  }
0x170: {  	_ = 	snop  }
0x171: {  	[tilespmem:s25], [sflag:$0x3] =	stream.indirect.gather [hbm4b:s4+s20], $0x80, s24, s20, $0xb8;
	[tilespmem:$0x1E800] =	vst v63  }
0x172: {  	_ = 	snop  }
0x173: {  	[tilespmem:s28], [sflag:$0x4] =	stream.indirect.gather [hbm4b:s4+s20], $0x80, s26, s20, $0xb8;
	[tilespmem:$0x1E800] =	vst v63  }
0x174: {  	_ =	swait.ge [sflag:s29], $0x2000  }
0x175: {  	[sflag:s29] =	ssyncset.done $0x0  }
0x176: {  	s12 =	simm.s32 $0x1400;
	[sflag:s29] =	ssyncadd.s32 $0xFFFFE000  }
0x177: {  	[spmem:s2] =	stream.indirect.scatter.add.f32 [tilespmem:s21], [sflag:$0x5], $0x80, s12, s20, $0xb8;
	[tilespmem:$0x1E800] =	vst v63  }
0x178: {  	_ =	swait.ge [sflag:s18], $0x2000  }
0x179: {  	[sflag:s18] =	ssyncset.done $0x0  }
0x17a: {  	s11 =	simm.s32 $0x200;
	[sflag:s18] =	ssyncadd.s32 $0xFFFFE000  }
0x17b: {  	[tilespmem:s21], [sflag:$0x1] =	stream.indirect.gather [hbm4b:s4+s20], $0x80, s11, s20, $0xb8;
	[tilespmem:$0x1E800] =	vst v63  }
0x17c: {  	_ =	swait.ge [sflag:s30], $0x2000  }
0x17d: {  	[sflag:s30] =	ssyncset.done $0x0  }
0x17e: {  	s12 =	simm.s32 $0x1480;
	[sflag:s30] =	ssyncadd.s32 $0xFFFFE000  }
0x17f: {  	[spmem:s2] =	stream.indirect.scatter.add.f32 [tilespmem:s23], [sflag:$0x5], $0x80, s12, s20, $0xb8;
	[tilespmem:$0x1E800] =	vst v63  }
0x180: {  	_ =	swait.ge [sflag:s18], $0x2000  }
0x181: {  	[sflag:s18] =	ssyncset.done $0x0  }
0x182: {  	s11 =	simm.s32 $0x280;
	[sflag:s18] =	ssyncadd.s32 $0xFFFFE000  }
0x183: {  	[tilespmem:s23], [sflag:$0x2] =	stream.indirect.gather [hbm4b:s4+s20], $0x80, s11, s20, $0xb8;
	[tilespmem:$0x1E800] =	vst v63  }
0x184: {  	_ =	swait.ge [sflag:s31], $0x2000  }
0x185: {  	[sflag:s31] =	ssyncset.done $0x0  }
0x186: {  	s12 =	simm.s32 $0x1500;
	[sflag:s31] =	ssyncadd.s32 $0xFFFFE000  }
0x187: {  	[spmem:s2] =	stream.indirect.scatter.add.f32 [tilespmem:s25], [sflag:$0x5], $0x80, s12, s20, $0xb8;
	[tilespmem:$0x1E800] =	vst v63  }
0x188: {  	_ =	swait.ge [sflag:s18], $0x2000  }
0x189: {  	[sflag:s18] =	ssyncset.done $0x0  }
0x18a: {  	s11 =	simm.s32 $0x300;
	[sflag:s18] =	ssyncadd.s32 $0xFFFFE000  }
0x18b: {  	[tilespmem:s25], [sflag:$0x3] =	stream.indirect.gather [hbm4b:s4+s20], $0x80, s11, s20, $0xb8;
	[tilespmem:$0x1E800] =	vst v63  }
0x18c: {  	_ =	swait.ge [sflag:s0], $0x2000  }
0x18d: {  	[sflag:s0] =	ssyncset.done $0x0  }
0x18e: {  	s12 =	simm.s32 $0x1580;
	[sflag:s0] =	ssyncadd.s32 $0xFFFFE000  }
0x18f: {  	[spmem:s2] =	stream.indirect.scatter.add.f32 [tilespmem:s28], [sflag:$0x5], $0x80, s12, s20, $0xb8;
	[tilespmem:$0x1E800] =	vst v63  }
0x190: {  	_ =	swait.ge [sflag:s18], $0x2000  }
0x191: {  	[sflag:s18] =	ssyncset.done $0x0  }
0x192: {  	s10 =	simm.s32 $0x800;
	s11 =	simm.s32 $0x380;
	[sflag:s18] =	ssyncadd.s32 $0xFFFFE000  }
.LBB2_8:
0x193: {  	[tilespmem:s28], [sflag:$0x4] =	stream.indirect.gather [hbm4b:s4+s20], $0x80, s11, s20, $0xb8;
	[tilespmem:$0x1E800] =	vst v63  }
0x194: {  	s11 =	smov.u32 s10  }
0x195: {  	p0 =	sne.s32 s10, $0x4000;
	s10 =	sadd.s32 $0x800, s10;
	_ =	swait.ge [sflag:s29], $0x2000  }
0x196: {  	s11 =	sshra.s32 s11, $0x2;
	[sflag:s29] =	ssyncset.done $0x0  }
0x197: {  	s12 =	sadd.s32 $0x1400, s11;
	[sflag:s29] =	ssyncadd.s32 $0xFFFFE000  }
0x198: {  	[spmem:s2] =	stream.indirect.scatter.add.f32 [tilespmem:s21], [sflag:$0x5], $0x80, s12, s20, $0xb8;
	[tilespmem:$0x1E800] =	vst v63  }
0x199: {  	_ =	swait.ge [sflag:s18], $0x2000  }
0x19a: {  	[sflag:s18] =	ssyncset.done $0x0  }
0x19b: {  	s12 =	sadd.s32 $0x200, s11;
	[sflag:s18] =	ssyncadd.s32 $0xFFFFE000  }
0x19c: {  	[tilespmem:s21], [sflag:$0x1] =	stream.indirect.gather [hbm4b:s4+s20], $0x80, s12, s20, $0xb8;
	[tilespmem:$0x1E800] =	vst v63  }
0x19d: {  	_ =	swait.ge [sflag:s30], $0x2000  }
0x19e: {  	[sflag:s30] =	ssyncset.done $0x0  }
0x19f: {  	s12 =	sadd.s32 $0x1480, s11;
	[sflag:s30] =	ssyncadd.s32 $0xFFFFE000  }
0x1a0: {  	[spmem:s2] =	stream.indirect.scatter.add.f32 [tilespmem:s23], [sflag:$0x5], $0x80, s12, s20, $0xb8;
	[tilespmem:$0x1E800] =	vst v63  }
0x1a1: {  	_ =	swait.ge [sflag:s18], $0x2000  }
0x1a2: {  	[sflag:s18] =	ssyncset.done $0x0  }
0x1a3: {  	s12 =	sadd.s32 $0x280, s11;
	[sflag:s18] =	ssyncadd.s32 $0xFFFFE000  }
0x1a4: {  	[tilespmem:s23], [sflag:$0x2] =	stream.indirect.gather [hbm4b:s4+s20], $0x80, s12, s20, $0xb8;
	[tilespmem:$0x1E800] =	vst v63  }
0x1a5: {  	_ =	swait.ge [sflag:s31], $0x2000  }
0x1a6: {  	[sflag:s31] =	ssyncset.done $0x0  }
0x1a7: {  	s12 =	sadd.s32 $0x1500, s11;
	[sflag:s31] =	ssyncadd.s32 $0xFFFFE000  }
0x1a8: {  	[spmem:s2] =	stream.indirect.scatter.add.f32 [tilespmem:s25], [sflag:$0x5], $0x80, s12, s20, $0xb8;
	[tilespmem:$0x1E800] =	vst v63  }
0x1a9: {  	_ =	swait.ge [sflag:s18], $0x2000  }
0x1aa: {  	[sflag:s18] =	ssyncset.done $0x0  }
0x1ab: {  	s12 =	sadd.s32 $0x300, s11;
	[sflag:s18] =	ssyncadd.s32 $0xFFFFE000  }
0x1ac: {  	[tilespmem:s25], [sflag:$0x3] =	stream.indirect.gather [hbm4b:s4+s20], $0x80, s12, s20, $0xb8;
	[tilespmem:$0x1E800] =	vst v63  }
0x1ad: {  	_ =	swait.ge [sflag:s0], $0x2000  }
0x1ae: {  	[sflag:s0] =	ssyncset.done $0x0  }
.Ltmp3:
0x1af: {  	s12 =	sadd.s32 $0x1580, s11;
	[sflag:s0] =	ssyncadd.s32 $0xFFFFE000;
	(pc) =	sbr.rel @p0 .LBB2_8-.Ltmp3, $4  }
0x1b0: {  	[spmem:s2] =	stream.indirect.scatter.add.f32 [tilespmem:s28], [sflag:$0x5], $0x80, s12, s20, $0xb8;
	[tilespmem:$0x1E800] =	vst v63  }
0x1b1: {  	_ =	swait.ge [sflag:s18], $0x2000  }
0x1b2: {  	[sflag:s18] =	ssyncset.done $0x0  }
0x1b3: {  	s11 =	sadd.s32 $0x380, s11;
	[sflag:s18] =	ssyncadd.s32 $0xFFFFE000  }
0x1b4: {  	[tilespmem:s28], [sflag:$0x4] =	stream.indirect.gather [hbm4b:s4+s20], $0x80, s11, s20, $0xb8;
	[tilespmem:$0x1E800] =	vst v63  }
0x1b5: {  	_ =	swait.ge [sflag:s29], $0x2000  }
0x1b6: {  	[sflag:s29] =	ssyncset.done $0x0  }
0x1b7: {  	[sflag:s29] =	ssyncadd.s32 $0xFFFFE000  }
0x1b8: {  	[spmem:s2] =	stream.indirect.scatter.add.f32 [tilespmem:s21], [sflag:$0x5], $0x80, s1, s20, $0xb8;
	[tilespmem:$0x1E800] =	vst v63  }
0x1b9: {  	_ =	swait.ge [sflag:s18], $0x2000  }
0x1ba: {  	[sflag:s18] =	ssyncset.done $0x0  }
0x1bb: {  	[sflag:s18] =	ssyncadd.s32 $0xFFFFE000  }
0x1bc: {  	_ =	swait.ge [sflag:s30], $0x2000  }
0x1bd: {  	[sflag:s30] =	ssyncset.done $0x0  }
0x1be: {  	[sflag:s30] =	ssyncadd.s32 $0xFFFFE000  }
0x1bf: {  	[spmem:s2] =	stream.indirect.scatter.add.f32 [tilespmem:s23], [sflag:$0x5], $0x80, s5, s20, $0xb8;
	[tilespmem:$0x1E800] =	vst v63  }
0x1c0: {  	_ =	swait.ge [sflag:s18], $0x2000  }
0x1c1: {  	[sflag:s18] =	ssyncset.done $0x0  }
0x1c2: {  	[sflag:s18] =	ssyncadd.s32 $0xFFFFE000  }
0x1c3: {  	_ =	swait.ge [sflag:s31], $0x2000  }
0x1c4: {  	[sflag:s31] =	ssyncset.done $0x0  }
0x1c5: {  	[sflag:s31] =	ssyncadd.s32 $0xFFFFE000  }
0x1c6: {  	[spmem:s2] =	stream.indirect.scatter.add.f32 [tilespmem:s25], [sflag:$0x5], $0x80, s7, s20, $0xb8;
	[tilespmem:$0x1E800] =	vst v63  }
0x1c7: {  	_ =	swait.ge [sflag:s18], $0x2000  }
0x1c8: {  	[sflag:s18] =	ssyncset.done $0x0  }
0x1c9: {  	[sflag:s18] =	ssyncadd.s32 $0xFFFFE000  }
0x1ca: {  	_ =	swait.ge [sflag:s0], $0x2000  }
0x1cb: {  	[sflag:s0] =	ssyncset.done $0x0  }
0x1cc: {  	[sflag:s0] =	ssyncadd.s32 $0xFFFFE000  }
0x1cd: {  	[spmem:s2] =	stream.indirect.scatter.add.f32 [tilespmem:s28], [sflag:$0x5], $0x80, s8, s20, $0xb8;
	[tilespmem:$0x1E800] =	vst v63  }
0x1ce: {  	_ =	swait.ge [sflag:s18], $0x2000  }
0x1cf: {  	s9 =	sadd.s32 $0x1, s9;
	[sflag:s18] =	ssyncset.done $0x0  }
0x1d0: {  	p0 =	sne.s32 s9, s16;
	[sflag:s18] =	ssyncadd.s32 $0xFFFFE000  }
.Ltmp4:
0x1d1: {  	[bflag:$0x0] =	sbarrier.arrive $0xFFFF;
	(pc) =	sbr.rel @p0 .LBB2_1-.Ltmp4, $4  }
0x1d2: {  	[hbm:s15], [sflag:s6] =	dma.local [spmem:s17], $0x2800  }
0x1d3: {  	_ =	swait.ge [sflag:s18], $0x2800  }
0x1d4: {  	[sflag:s18] =	ssyncset.done $0x0  }
0x1d5: {  	[sflag:s18] =	ssyncadd.s32 $0xFFFFD800  }
0x1d6: {  	_ =	sfence.sel $0x180000  }
0x1d7: {  	[bflag:$0x0] =	sbarrier.arrive $0xFFFF  }
0x1d8: {  	_ =	strace $0x9000004D  }
0x1d9: {  	s0 =	stileid.u32;
	[bflag:$0x2] =	sbarrier.arrive $0xFFFF  }
0x1da: {  	p0 =	sne.s32 s0, $0x0;
	s0 =	rddreg [dreg:$0x2]  }
0x1db: {  	s0 =	sadd.s32 @!p0 $0x100000, s0  }
0x1dc: {  	[sflag:s0] =	ssyncadd.tile.s32 @!p0 $0x1;
	_ =	shalt  }
.Lfunc_end2:
_tile_overlayer_lowered:
.L_overlay_start_2:
0x1dd: {  	(tag) =	ssettag $0x2  }
0x1de: {  	s0 =	rddreg [dreg:$0x0];
	s2 =	stileid.u32  }
0x1df: {  	s1 =	rddreg [dreg:$0x1];
	p0 =	sne.s32 s2, $0x0  }
0x1e0: {  	s3 =	rddreg [dreg:$0x2];
	[bflag:$0x3] =	sbarrier.arrive $0xFFFF;
	s2 =	simm.s32 @!p0 $0x1C05  }
0x1e1: {  	[timem:s3], [sflag:s2] =	dma.local @!p0 [hbm:s0], s1  }
0x1e2: {  	s0 =	simm.s32 @!p0 $0x5  }
0x1e3: {  	_ =	swait.ge @!p0 [sflag:s0], s1  }
0x1e4: {  	s1 =	ssub.s32 @!p0 $0x0, s1;
	[sflag:s0] =	ssyncset.done @!p0 $0x0  }
0x1e5: {  	[sflag:s0] =	ssyncadd.s32 @!p0 s1  }
0x1e6: {  	[bflag:$0x3] =	sbarrier.arrive $0xFFFF  }
0x1e7: {  	_ =	shalt  }

// kernel: kernel.9.cloned.1.call-start
scs
__scs_entry_jumppad:
0x0: {  	(pc) =	sbr.rel $0x88, $3  }
0x1: {  	(tag) =	ssettag $0x0;
	lr =	simm.s32 $0x1  }
0x2: {  	[smem:$0x3F72] =	sst lr;
	_ =	strace $0xD0000000  }
0x3: {  	_ = 	snop  }
0x4: {  	_ = 	snop  }
0x5: {  	_ = 	snop  }
0x6: {  	_ = 	snop  }
0x7: {  	_ = 	snop  }
__scs_overlays_trampoline_lowered:
0x8: {  	[smem:$0x3F81] =	sst s0  }
0x9: {  	[smem:$0x3F82] =	sst s1  }
0xa: {  	[smem:$0x3F83] =	sst s2  }
0xb: {  	[smem:$0x3F84] =	sst s3  }
0xc: {  	[smem:$0x3F85] =	sst s4  }
0xd: {  	[smem:$0x3F86] =	sst s5  }
0xe: {  	[smem:$0x3F87] =	sst s6  }
0xf: {  	[smem:$0x3F88] =	sst s7  }
0x10: {  	[smem:$0x3F89] =	sst s8  }
0x11: {  	[smem:$0x3F8A] =	sst s9;
	s0 =	simm.s32 @!p0 $0x0  }
0x12: {  	s1 =	sld [smem:$0x3F70];
	s0 =	simm.s32 @p0 $0x1  }
0x13: {  	[smem:$0x3F8B] =	sst s0;
	s0 =	simm.s32 @!p1 $0x0  }
0x14: {  	s2 =	sld [smem:$0x3F6F];
	s0 =	simm.s32 @p1 $0x1  }
0x15: {  	[smem:$0x3F8C] =	sst s0;
	s0 =	simm.s32 @!p2 $0x0  }
0x16: {  	s3 =	sld [smem:$0x3FDB];
	s0 =	simm.s32 @p2 $0x1  }
0x17: {  	s4 =	simm.s32 $0x1BF5;
	[smem:$0x3F8E] =	sst s0  }
0x18: {  	s0 =	sld [smem:$0x3F71];
	_ =	swait.ge [sflag:s4], $0x0  }
0x19: {  	s7 =	sld [smem:$0x3F72]  }
0x1a: {  	s8 =	sadd.s32 $0xFFFFE003, lr  }
0x1b: {  	s9 =	sadd.s32 $0xFFFFFEF7, lr;
	s5 =	simm.s32 $0xFFFFFFFF;
	p2 =	slt.u32 s8, $0xFFFFF086  }
0x1c: {  	p1 =	slt.u32 s9, $0xF7A;
	s5 =	simm.s32 @!p2 $0x0  }
0x1d: {  	s5 =	simm.s32 @p1 $0x1;
	p0 =	seq.s32 s7, s2  }
0x1e: {  	s7 =	smul.u32 @!p0 $0xF7A, s2;
	p2 =	seq.s32 @!p0 s5, $0x0  }
0x1f: {  	s9 =	smul.u32 $0xF7A, s1;
	s8 =	simm.s32 @!p0 $0x1BF5;
	p2 =	por !p2, p0  }
0x20: {  	[sflag:s8] =	ssyncset.s32 @!p0 $0xFFFFF086;
	s6 =	sadd.s32 @!p0 s3, s7;
	s7 =	simm.s32 @!p0 $0x108  }
0x21: {  	s3 =	sadd.s32 s3, s9;
	s6 =	sadd.s32 @!p0 $0x88, s6;
	s7 =	simm.s32 @p2 $0x1082  }
0x22: {  	[simem:s7], [sflag:s8] =	dma.local @!p0 [hbm:s6], $0xF7A  }
0x23: {  	s9 =	sor.u32 $0xD0000000, s2;
	s6 =	simm.s32 $0x108;
	_ =	swait.ge @!p0 [sflag:s8], $0x0  }
0x24: {  	s3 =	sadd.s32 $0x88, s3;
	s6 =	simm.s32 @!p1 $0x1082;
	[sflag:s4] =	ssyncset.s32 $0xFFFFF086  }
0x25: {  	[simem:s6], [sflag:s4] =	dma.local [hbm:s3], $0xF7A  }
0x26: {  	[smem:$0x3F72] =	sst s1;
	(tag) =	ssettag s2;
	_ =	strace s9  }
0x27: {  	s1 =	sld [smem:$0x3F82]  }
0x28: {  	s2 =	sld [smem:$0x3F83]  }
0x29: {  	s4 =	sld [smem:$0x3F85]  }
0x2a: {  	p0 =	seq.s32 s5, $0x0;
	s5 =	sld [smem:$0x3F86]  }
0x2b: {  	s6 =	sld [smem:$0x3F87]  }
0x2c: {  	s7 =	sld [smem:$0x3F88]  }
0x2d: {  	s3 =	simm.s32 $0x108;
	s8 =	sld [smem:$0x3F89]  }
0x2e: {  	s3 =	simm.s32 @!p0 $0x1082;
	s9 =	sld [smem:$0x3F8A]  }
0x2f: {  	lr =	sadd.s32 s0, s3;
	s0 =	sld [smem:$0x3F81]  }
0x30: {  	s3 =	sld [smem:$0x3F84]  }
0x31: {  	[smem:$0x3F8D] =	sst s10  }
0x32: {  	s10 =	sld [smem:$0x3F8B];
	_ =	sdelay $0x3  }
0x33: {  	p0 =	seq.s32 s10, $0x1;
	s10 =	sld [smem:$0x3F8D];
	_ =	sdelay $0x3  }
0x34: {  	[smem:$0x3F8D] =	sst s10  }
0x35: {  	s10 =	sld [smem:$0x3F8C];
	_ =	sdelay $0x3  }
0x36: {  	p1 =	seq.s32 s10, $0x1;
	s10 =	sld [smem:$0x3F8D];
	_ =	sdelay $0x3  }
0x37: {  	[smem:$0x3F8D] =	sst s10  }
0x38: {  	s10 =	sld [smem:$0x3F8E]  }
0x39: {  	_ = 	snop;
	(pc) =	sbr.ind lr, $3  }
0x3a: {  	_ = 	snop  }
0x3b: {  	_ = 	snop  }
0x3c: {  	p2 =	seq.s32 s10, $0x1;
	s10 =	sld [smem:$0x3F8D]  }
0x3d: {  	_ =	shalt  }
0x3e: {  	_ =	shalt  }
0x3f: {  	_ =	shalt  }
0x40: {  	_ =	shalt  }
0x41: {  	_ =	shalt  }
0x42: {  	_ =	shalt  }
0x43: {  	_ =	shalt  }
0x44: {  	_ =	shalt  }
0x45: {  	_ =	shalt  }
0x46: {  	_ =	shalt  }
0x47: {  	_ =	shalt  }
0x48: {  	_ =	shalt  }
0x49: {  	_ =	shalt  }
0x4a: {  	_ =	shalt  }
0x4b: {  	_ =	shalt  }
0x4c: {  	_ =	shalt  }
0x4d: {  	_ =	shalt  }
0x4e: {  	_ =	shalt  }
0x4f: {  	_ =	shalt  }
0x50: {  	_ =	shalt  }
0x51: {  	_ =	shalt  }
0x52: {  	_ =	shalt  }
0x53: {  	_ =	shalt  }
0x54: {  	_ =	shalt  }
0x55: {  	_ =	shalt  }
0x56: {  	_ =	shalt  }
0x57: {  	_ =	shalt  }
0x58: {  	_ =	shalt  }
0x59: {  	_ =	shalt  }
0x5a: {  	_ =	shalt  }
0x5b: {  	_ =	shalt  }
0x5c: {  	_ =	shalt  }
0x5d: {  	_ =	shalt  }
0x5e: {  	_ =	shalt  }
0x5f: {  	_ =	shalt  }
0x60: {  	_ =	shalt  }
0x61: {  	_ =	shalt  }
0x62: {  	_ =	shalt  }
0x63: {  	_ =	shalt  }
0x64: {  	_ =	shalt  }
0x65: {  	_ =	shalt  }
0x66: {  	_ =	shalt  }
0x67: {  	_ =	shalt  }
0x68: {  	_ =	shalt  }
0x69: {  	_ =	shalt  }
0x6a: {  	_ =	shalt  }
0x6b: {  	_ =	shalt  }
0x6c: {  	_ =	shalt  }
0x6d: {  	_ =	shalt  }
0x6e: {  	_ =	shalt  }
0x6f: {  	_ =	shalt  }
0x70: {  	_ =	shalt  }
0x71: {  	_ =	shalt  }
0x72: {  	_ =	shalt  }
0x73: {  	_ =	shalt  }
0x74: {  	_ =	shalt  }
0x75: {  	_ =	shalt  }
0x76: {  	_ =	shalt  }
0x77: {  	_ =	shalt  }
0x78: {  	_ =	shalt  }
0x79: {  	_ =	shalt  }
0x7a: {  	_ =	shalt  }
0x7b: {  	_ =	shalt  }
0x7c: {  	_ =	shalt  }
0x7d: {  	_ =	shalt  }
0x7e: {  	_ =	shalt  }
0x7f: {  	_ =	shalt  }
0x80: {  	_ =	shalt  }
0x81: {  	_ =	shalt  }
0x82: {  	_ =	shalt  }
0x83: {  	_ =	shalt  }
0x84: {  	_ =	shalt  }
0x85: {  	_ =	shalt  }
0x86: {  	_ =	shalt  }
0x87: {  	_ =	shalt  }
.Lfunc_end0:
.L_simem_size_0:
called_computation.1_lowered:
.L_overlay_start_0:
0x88: {  	s2 =	sld [smem:$0x3FD9]  }
0x89: {  	s3 =	sld [smem:$0x3FFE];
	_ =	sdelay $0x1  }
0x8a: {  	s1 =	srdreg.scid  }
0x8b: {  	s0 =	sand.u32 $0x1, s1  }
0x8c: {  	s17 =	sshll.u32 s0, $0xA;
	s2 =	sadd.s32 s3, s2  }
0x8d: {  	s2 =	sadd.s32 s2, s17  }
0x8e: {  	[smem:$0x3F99] =	sst s2  }
0x8f: {  	_ = 	snop  }
0x90: {  	(tm) =	ssettm $0x1  }
0x91: {  	s18 =	sld [smem:$0x3FFB];
	_ =	sdelay $0x3  }
0x92: {  	_ =	strace s18  }
0x93: {  	s2 =	sld [smem:$0x3FFC];
	_ =	sdelay $0x3  }
0x94: {  	_ =	strace s2  }
0x95: {  	s2 =	sld [smem:$0x3FFD];
	_ =	sdelay $0x3  }
0x96: {  	_ =	strace s2  }
0x97: {  	_ =	strace $0x8FFFFFFF  }
0x98: {  	s19 =	sld [smem:$0x3FDB];
	_ =	sdelay $0x1  }
0x99: {  	s20 =	simm.s32 $_scs_section_size  }
0x9a: {  	s4 =	simm.s32 $_size__tile_overlayer_lowered;
	s5 =	simm.s32 $_tile_overlayer_lowered  }
0x9b: {  	s6 =	simm.s32 $0x1BFF;
	s21 =	sshll.u32 s5, $0x1;
	s3 =	sadd.s32 s20, s19  }
0x9c: {  	s22 =	simm.s32 $0x0;
	s4 =	sshll.u32 s4, $0x1;
	s5 =	sadd.s32 s21, s3  }
0x9d: {  	[timem:s22], [sflag:s6] =	dma.local [hbm:s5], s4  }
0x9e: {  	_ =	swait.ge [sflag:s6], s4  }
0x9f: {  	s4 =	ssub.s32 $0x0, s4;
	[sflag:s6] =	ssyncset.done $0x0  }
0xa0: {  	[sflag:s6] =	ssyncadd.s32 s4;
	_ =	sdelay $0x1  }
0xa1: {  	s23 =	simm.s32 $0x1B8B  }
0xa2: {  	_ =	swait.ge [sflag:s23], $0x1  }
0xa3: {  	[sflag:s23] =	ssyncset.done $0x0  }
0xa4: {  	[sflag:s23] =	ssyncadd.s32 $0xFFFFFFFF  }
0xa5: {  	s4 =	sld [smem:$0x0]  }
0xa6: {  	s5 =	sand.u32 $0xFFFFFFFE, s1  }
0xa7: {  	p0 =	sne.s32 s1, s5  }
0xa8: {  	s5 =	sshll.u32 @p0 s5, $0xE  }
0xa9: {  	s5 =	sadd.s32 @p0 $0x11B8D, s5;
	s6 =	sshll.u32 @p0 s4, $0x11  }
0xaa: {  	s5 =	sor.u32 @p0 s6, s5  }
0xab: {  	[sflag:s5] =	ssyncadd.remote.s32 @p0 $0x1;
	_ =	sdelay $0x1  }
0xac: {  	s5 =	simm.s32 @p0 $0x1B8D  }
0xad: {  	_ =	swait.eq @p0 [sflag:s5], $0x1  }
0xae: {  	[sflag:s5] =	ssyncadd.s32 @p0 $0xFFFFFFFF  }
0xaf: {  	s6 =	sshll.u32 @!p0 s1, $0xE  }
0xb0: {  	s6 =	sor.u32 @!p0 $0x4000, s6;
	s5 =	simm.s32 @!p0 $0x1B8D  }
0xb1: {  	s4 =	sshll.u32 @!p0 s4, $0x11;
	s6 =	sadd.s32 @!p0 $0x11B8D, s6;
	_ =	swait.eq @!p0 [sflag:s5], $0x1  }
0xb2: {  	s4 =	sor.u32 @!p0 s4, s6;
	[sflag:s5] =	ssyncadd.s32 @!p0 $0xFFFFFFFF  }
0xb3: {  	s25 =	simm.s32 $0x1B8E;
	s24 =	sld [smem:$0x3FFE];
	[sflag:s4] =	ssyncadd.remote.s32 @!p0 $0x1  }
0xb4: {  	s26 =	simm.s32 $execute0_lowered;
	[smem:$0x3FD2] =	sst s25  }
0xb5: {  	s5 =	sshll.u32 s26, $0x1;
	_ =	strace $0x80000049;
	[dreg:$0x1] =	wrdreg $0xFFFFFFFF  }
0xb6: {  	s28 =	simm.s32 $_size_execute0_lowered;
	s3 =	sadd.s32 s3, s5;
	[dreg:$0x0] =	wrdreg $0x0  }
0xb7: {  	s5 =	sshll.u32 s28, $0x1;
	[dreg:$0x2] =	wrdreg s3  }
0xb8: {  	[dreg:$0x3] =	wrdreg s5  }
0xb9: {  	[dreg:$0x4] =	wrdreg $0xC0  }
0xba: {  	_ =	task [dreg:s22], $0x5FFFF  }
0xbb: {  	[dreg:$0x1] =	wrdreg $0xFFFFFFFF  }
0xbc: {  	[dreg:$0x0] =	wrdreg $0x60  }
0xbd: {  	[dreg:$0x2] =	wrdreg s24  }
0xbe: {  	[dreg:$0x3] =	wrdreg $0xA8000  }
0xbf: {  	[dreg:$0x4] =	wrdreg $0xA  }
0xc0: {  	_ =	task.clear_ibuf [dreg:s22], $0x5FFFF;
	_ =	strace $0x90000049  }
0xc1: {  	s29 =	simm.s32 $0xA;
	_ =	strace $0x8000004B  }
0xc2: {  	_ =	swait.ge [sflag:s29], $0x1  }
0xc3: {  	[sflag:s29] =	ssyncadd.s32 $0xFFFFFFFF  }
0xc4: {  	_ =	strace $0x9000004B  }
0xc5: {  	_ =	sfence  }
0xc6: {  	s30 =	sld [smem:$0x0];
	_ =	sdelay $0x2  }
0xc7: {  	s31 =	sshll.u32 s1, $0xD;
	s1 =	sshrl.u32 s1, $0x2  }
0xc8: {  	s4 =	sand.u32 $0x4000, s31;
	s1 =	sadd.s32 s1, s30  }
0xc9: {  	s0 =	sor.u32 s4, s0;
	s1 =	sshll.u32 s1, $0x11  }
0xca: {  	s0 =	sor.u32 s1, s0  }
0xcb: {  	s0 =	sadd.s32 $0x8F2B, s0  }
0xcc: {  	[sflag:s0] =	ssyncadd.remote.s32 $0x1  }
0xcd: {  	_ =	sfence.sel $0xFFFF  }
0xce: {  	[dreg:$0x0] =	wrdreg $0xFFFFFFFF;
	(pc) =	sbr.abs _section_cstart, $3  }
0xcf: {  	[dreg:$0x1] =	wrdreg $0xFFFFFFFF  }
0xd0: {  	_ =	task.clear_ibuf [dreg:s22], $0x2FFFF;
	_ =	strace $0x9FFFFFFF  }
0xd1: {  	(tm) =	ssettm $0x7FFFFFFF  }
tec
execute0_lowered:
.L_overlay_start_1:
0x0: {  	(tag) =	ssettag $0x1  }
0x1: {  	s0 =	rddreg [dreg:$0x0]  }
0x2: {  	s2 =	rddreg [dreg:$0x1]  }
0x3: {  	s3 =	simm.s32 $0x0;
	s11 =	stileid.u32;
	s1 =	srdreg.scid  }
0x4: {  	s28 =	simm.s32 $0x8800;
	s29 =	simm.s32 $0x1;
	s30 =	simm.s32 $0x2  }
0x5: {  	s31 =	simm.s32 $0x3;
	[smem:$0x7FF] =	sst s3;
	s5 =	smul.u32 $0x14000, s11  }
0x6: {  	s1 =	sand.u32 $0x1, s1;
	s4 =	sadd.s32 $0x2F400, s0;
	s7 =	sadd.s32 $0x7400, s0  }
0x7: {  	s9 =	sadd.s32 $0x1B400, s0;
	s16 =	smul.u32 $0x50000, s11;
	s20 =	sshll.u32 s11, $0x6  }
0x8: {  	_ =	strace $0x8000004A;
	s6 =	smul.u32 $0x140000, s1;
	s10 =	sshll.u32 s1, $0x4  }
0x9: {  	s1 =	ssub.s32 $0x2, s1;
	s8 =	sshrl.u32 s5, $0x3;
	s17 =	sor.u32 s11, s10  }
0xa: {  	s18 =	sshrl.u32 s1, $0x1;
	s8 =	sadd.s32 s8, s0;
	s5 =	sadd.s32 s5, s6  }
0xb: {  	s6 =	sshrl.u32 s16, $0x2;
	s1 =	ssub.s32 s1, s18;
	s18 =	simm.s32 $0x5  }
0xc: {  	s5 =	sshrl.u32 s5, $0x3;
	s19 =	sadd.s32 s6, s2;
	s8 =	sadd.s32 $0x57A00, s8  }
0xd: {  	s6 =	sor.u32 $0x1C05, s20;
	s16 =	smax.u32 s1, $0x1;
	s20 =	simm.s32 $0x40  }
0xe: {  	s1 =	simm.s32 $0x2600;
	s0 =	sadd.s32 s5, s0;
	s5 =	smul.u32 $0x5000, s17  }
0xf: {  	[dreg:$0x3] =	wrdreg s8;
	s17 =	sshrl.u32 s19, $0x3;
	s19 =	simm.s32 $0x1400  }
0x10: {  	s15 =	sadd.s32 $0x7FA00, s0;
	s0 =	simm.s32 $0x4;
	s5 =	sshrl.u32 s5, $0x3  }
0x11: {  	s21 =	sadd.s32 s7, s5;
	s22 =	sadd.s32 s9, s5;
	s23 =	sadd.s32 $0x280, s5  }
0x12: {  	s25 =	sadd.s32 $0x500, s5;
	s5 =	sadd.s32 $0x780, s5;
	[dreg:$0x4] =	wrdreg s21  }
0x13: {  	[dreg:$0x5] =	wrdreg s22;
	s24 =	sadd.s32 s7, s23;
	s8 =	sadd.s32 s9, s23  }
0x14: {  	s26 =	sadd.s32 s7, s25;
	s13 =	sadd.s32 s7, s5;
	s14 =	sadd.s32 s9, s5  }
0x15: {  	s21 =	simm.s32 $0x2800;
	s22 =	simm.s32 $0x80;
	[dreg:$0x6] =	wrdreg s24  }
0x16: {  	s23 =	simm.s32 $0x4800;
	s5 =	simm.s32 $0x2680;
	[dreg:$0x7] =	wrdreg s8  }
0x17: {  	s7 =	simm.s32 $0x2700;
	[dreg:$0x8] =	wrdreg s26;
	s8 =	sadd.s32 s9, s25  }
0x18: {  	s24 =	simm.s32 $0x100;
	s25 =	simm.s32 $0x6800;
	s26 =	simm.s32 $0x180  }
0x19: {  	s9 =	simm.s32 $0x0;
	[dreg:$0x9] =	wrdreg s8;
	s8 =	simm.s32 $0x2780  }
.LBB2_1:
0x1a: {  	s10 =	rddreg [dreg:$0x3]  }
0x1b: {  	[spmem:s17], [sflag:s6] =	dma.local [hbm:s10], $0x2800  }
0x1c: {  	_ =	swait.ge [sflag:s18], $0x2800  }
0x1d: {  	[sflag:s18] =	ssyncset.done $0x0  }
0x1e: {  	[sflag:s18] =	ssyncadd.s32 $0xFFFFD800  }
0x1f: {  	[bflag:$0x0] =	sbarrier.arrive $0xFFFF  }
0x20: {  	s12 =	rddreg [dreg:$0x4]  }
0x21: {  	[tilespmem:s3], [sflag:$0x5] =	stream.linear.gather [hbm4b:s12+s3], $0x1400, $0x38;
	[tilespmem:$0x1E800] =	vst v63  }
0x22: {  	_ =	swait.ge [sflag:s18], $0x1400  }
0x23: {  	[sflag:s18] =	ssyncset.done $0x0  }
0x24: {  	s11 =	rddreg [dreg:$0x5];
	[sflag:s18] =	ssyncadd.s32 $0xFFFFEC00  }
0x25: {  	[tilespmem:s19], [sflag:$0x5] =	stream.linear.gather [hbm4b:s11+s3], $0x1400, $0x38;
	[tilespmem:$0x1E800] =	vst v63  }
0x26: {  	_ =	swait.ge [sflag:s18], $0x1400  }
0x27: {  	[sflag:s18] =	ssyncset.done $0x0  }
0x28: {  	[sflag:s18] =	ssyncadd.s32 $0xFFFFEC00  }
0x29: {  	[tilespmem:s21], [sflag:$0x1] =	stream.indirect.gather [hbm4b:s4+s20], $0x80, s3, s20, $0xb8;
	[tilespmem:$0x1E800] =	vst v63  }
0x2a: {  	_ = 	snop  }
0x2b: {  	[tilespmem:s23], [sflag:$0x2] =	stream.indirect.gather [hbm4b:s4+s20], $0x80, s22, s20, $0xb8;
	[tilespmem:$0x1E800] =	vst v63  }
0x2c: {  	_ = 	snop  }
0x2d: {  	[tilespmem:s25], [sflag:$0x3] =	stream.indirect.gather [hbm4b:s4+s20], $0x80, s24, s20, $0xb8;
	[tilespmem:$0x1E800] =	vst v63  }
0x2e: {  	_ = 	snop  }
0x2f: {  	[tilespmem:s28], [sflag:$0x4] =	stream.indirect.gather [hbm4b:s4+s20], $0x80, s26, s20, $0xb8;
	[tilespmem:$0x1E800] =	vst v63  }
0x30: {  	_ =	swait.ge [sflag:s29], $0x2000  }
0x31: {  	[sflag:s29] =	ssyncset.done $0x0  }
0x32: {  	s12 =	simm.s32 $0x1400;
	[sflag:s29] =	ssyncadd.s32 $0xFFFFE000  }
0x33: {  	[spmem:s2] =	stream.indirect.scatter.add.f32 [tilespmem:s21], [sflag:$0x5], $0x80, s12, s20, $0xb8;
	[tilespmem:$0x1E800] =	vst v63  }
0x34: {  	_ =	swait.ge [sflag:s18], $0x2000  }
0x35: {  	[sflag:s18] =	ssyncset.done $0x0  }
0x36: {  	s11 =	simm.s32 $0x200;
	[sflag:s18] =	ssyncadd.s32 $0xFFFFE000  }
0x37: {  	[tilespmem:s21], [sflag:$0x1] =	stream.indirect.gather [hbm4b:s4+s20], $0x80, s11, s20, $0xb8;
	[tilespmem:$0x1E800] =	vst v63  }
0x38: {  	_ =	swait.ge [sflag:s30], $0x2000  }
0x39: {  	[sflag:s30] =	ssyncset.done $0x0  }
0x3a: {  	s12 =	simm.s32 $0x1480;
	[sflag:s30] =	ssyncadd.s32 $0xFFFFE000  }
0x3b: {  	[spmem:s2] =	stream.indirect.scatter.add.f32 [tilespmem:s23], [sflag:$0x5], $0x80, s12, s20, $0xb8;
	[tilespmem:$0x1E800] =	vst v63  }
0x3c: {  	_ =	swait.ge [sflag:s18], $0x2000  }
0x3d: {  	[sflag:s18] =	ssyncset.done $0x0  }
0x3e: {  	s11 =	simm.s32 $0x280;
	[sflag:s18] =	ssyncadd.s32 $0xFFFFE000  }
0x3f: {  	[tilespmem:s23], [sflag:$0x2] =	stream.indirect.gather [hbm4b:s4+s20], $0x80, s11, s20, $0xb8;
	[tilespmem:$0x1E800] =	vst v63  }
0x40: {  	_ =	swait.ge [sflag:s31], $0x2000  }
0x41: {  	[sflag:s31] =	ssyncset.done $0x0  }
0x42: {  	s12 =	simm.s32 $0x1500;
	[sflag:s31] =	ssyncadd.s32 $0xFFFFE000  }
0x43: {  	[spmem:s2] =	stream.indirect.scatter.add.f32 [tilespmem:s25], [sflag:$0x5], $0x80, s12, s20, $0xb8;
	[tilespmem:$0x1E800] =	vst v63  }
0x44: {  	_ =	swait.ge [sflag:s18], $0x2000  }
0x45: {  	[sflag:s18] =	ssyncset.done $0x0  }
0x46: {  	s11 =	simm.s32 $0x300;
	[sflag:s18] =	ssyncadd.s32 $0xFFFFE000  }
0x47: {  	[tilespmem:s25], [sflag:$0x3] =	stream.indirect.gather [hbm4b:s4+s20], $0x80, s11, s20, $0xb8;
	[tilespmem:$0x1E800] =	vst v63  }
0x48: {  	_ =	swait.ge [sflag:s0], $0x2000  }
0x49: {  	[sflag:s0] =	ssyncset.done $0x0  }
0x4a: {  	s12 =	simm.s32 $0x1580;
	[sflag:s0] =	ssyncadd.s32 $0xFFFFE000  }
0x4b: {  	[spmem:s2] =	stream.indirect.scatter.add.f32 [tilespmem:s28], [sflag:$0x5], $0x80, s12, s20, $0xb8;
	[tilespmem:$0x1E800] =	vst v63  }
0x4c: {  	_ =	swait.ge [sflag:s18], $0x2000  }
0x4d: {  	[sflag:s18] =	ssyncset.done $0x0  }
0x4e: {  	s10 =	simm.s32 $0x800;
	s11 =	simm.s32 $0x380;
	[sflag:s18] =	ssyncadd.s32 $0xFFFFE000  }
.LBB2_2:
0x4f: {  	[tilespmem:s28], [sflag:$0x4] =	stream.indirect.gather [hbm4b:s4+s20], $0x80, s11, s20, $0xb8;
	[tilespmem:$0x1E800] =	vst v63  }
0x50: {  	s11 =	smov.u32 s10  }
0x51: {  	p0 =	sne.s32 s10, $0x4000;
	s10 =	sadd.s32 $0x800, s10;
	_ =	swait.ge [sflag:s29], $0x2000  }
0x52: {  	s11 =	sshra.s32 s11, $0x2;
	[sflag:s29] =	ssyncset.done $0x0  }
0x53: {  	s12 =	sadd.s32 $0x1400, s11;
	[sflag:s29] =	ssyncadd.s32 $0xFFFFE000  }
0x54: {  	[spmem:s2] =	stream.indirect.scatter.add.f32 [tilespmem:s21], [sflag:$0x5], $0x80, s12, s20, $0xb8;
	[tilespmem:$0x1E800] =	vst v63  }
0x55: {  	_ =	swait.ge [sflag:s18], $0x2000  }
0x56: {  	[sflag:s18] =	ssyncset.done $0x0  }
0x57: {  	s12 =	sadd.s32 $0x200, s11;
	[sflag:s18] =	ssyncadd.s32 $0xFFFFE000  }
0x58: {  	[tilespmem:s21], [sflag:$0x1] =	stream.indirect.gather [hbm4b:s4+s20], $0x80, s12, s20, $0xb8;
	[tilespmem:$0x1E800] =	vst v63  }
0x59: {  	_ =	swait.ge [sflag:s30], $0x2000  }
0x5a: {  	[sflag:s30] =	ssyncset.done $0x0  }
0x5b: {  	s12 =	sadd.s32 $0x1480, s11;
	[sflag:s30] =	ssyncadd.s32 $0xFFFFE000  }
0x5c: {  	[spmem:s2] =	stream.indirect.scatter.add.f32 [tilespmem:s23], [sflag:$0x5], $0x80, s12, s20, $0xb8;
	[tilespmem:$0x1E800] =	vst v63  }
0x5d: {  	_ =	swait.ge [sflag:s18], $0x2000  }
0x5e: {  	[sflag:s18] =	ssyncset.done $0x0  }
0x5f: {  	s12 =	sadd.s32 $0x280, s11;
	[sflag:s18] =	ssyncadd.s32 $0xFFFFE000  }
0x60: {  	[tilespmem:s23], [sflag:$0x2] =	stream.indirect.gather [hbm4b:s4+s20], $0x80, s12, s20, $0xb8;
	[tilespmem:$0x1E800] =	vst v63  }
0x61: {  	_ =	swait.ge [sflag:s31], $0x2000  }
0x62: {  	[sflag:s31] =	ssyncset.done $0x0  }
0x63: {  	s12 =	sadd.s32 $0x1500, s11;
	[sflag:s31] =	ssyncadd.s32 $0xFFFFE000  }
0x64: {  	[spmem:s2] =	stream.indirect.scatter.add.f32 [tilespmem:s25], [sflag:$0x5], $0x80, s12, s20, $0xb8;
	[tilespmem:$0x1E800] =	vst v63  }
0x65: {  	_ =	swait.ge [sflag:s18], $0x2000  }
0x66: {  	[sflag:s18] =	ssyncset.done $0x0  }
0x67: {  	s12 =	sadd.s32 $0x300, s11;
	[sflag:s18] =	ssyncadd.s32 $0xFFFFE000  }
0x68: {  	[tilespmem:s25], [sflag:$0x3] =	stream.indirect.gather [hbm4b:s4+s20], $0x80, s12, s20, $0xb8;
	[tilespmem:$0x1E800] =	vst v63  }
0x69: {  	_ =	swait.ge [sflag:s0], $0x2000  }
0x6a: {  	[sflag:s0] =	ssyncset.done $0x0  }
.Ltmp0:
0x6b: {  	s12 =	sadd.s32 $0x1580, s11;
	[sflag:s0] =	ssyncadd.s32 $0xFFFFE000;
	(pc) =	sbr.rel @p0 .LBB2_2-.Ltmp0, $4  }
0x6c: {  	[spmem:s2] =	stream.indirect.scatter.add.f32 [tilespmem:s28], [sflag:$0x5], $0x80, s12, s20, $0xb8;
	[tilespmem:$0x1E800] =	vst v63  }
0x6d: {  	_ =	swait.ge [sflag:s18], $0x2000  }
0x6e: {  	[sflag:s18] =	ssyncset.done $0x0  }
0x6f: {  	s11 =	sadd.s32 $0x380, s11;
	[sflag:s18] =	ssyncadd.s32 $0xFFFFE000  }
0x70: {  	[tilespmem:s28], [sflag:$0x4] =	stream.indirect.gather [hbm4b:s4+s20], $0x80, s11, s20, $0xb8;
	[tilespmem:$0x1E800] =	vst v63  }
0x71: {  	_ =	swait.ge [sflag:s29], $0x2000  }
0x72: {  	[sflag:s29] =	ssyncset.done $0x0  }
0x73: {  	[sflag:s29] =	ssyncadd.s32 $0xFFFFE000  }
0x74: {  	[spmem:s2] =	stream.indirect.scatter.add.f32 [tilespmem:s21], [sflag:$0x5], $0x80, s1, s20, $0xb8;
	[tilespmem:$0x1E800] =	vst v63  }
0x75: {  	_ =	swait.ge [sflag:s18], $0x2000  }
0x76: {  	[sflag:s18] =	ssyncset.done $0x0  }
0x77: {  	[sflag:s18] =	ssyncadd.s32 $0xFFFFE000  }
0x78: {  	_ =	swait.ge [sflag:s30], $0x2000  }
0x79: {  	[sflag:s30] =	ssyncset.done $0x0  }
0x7a: {  	[sflag:s30] =	ssyncadd.s32 $0xFFFFE000  }
0x7b: {  	[spmem:s2] =	stream.indirect.scatter.add.f32 [tilespmem:s23], [sflag:$0x5], $0x80, s5, s20, $0xb8;
	[tilespmem:$0x1E800] =	vst v63  }
0x7c: {  	_ =	swait.ge [sflag:s18], $0x2000  }
0x7d: {  	[sflag:s18] =	ssyncset.done $0x0  }
0x7e: {  	[sflag:s18] =	ssyncadd.s32 $0xFFFFE000  }
0x7f: {  	_ =	swait.ge [sflag:s31], $0x2000  }
0x80: {  	[sflag:s31] =	ssyncset.done $0x0  }
0x81: {  	[sflag:s31] =	ssyncadd.s32 $0xFFFFE000  }
0x82: {  	[spmem:s2] =	stream.indirect.scatter.add.f32 [tilespmem:s25], [sflag:$0x5], $0x80, s7, s20, $0xb8;
	[tilespmem:$0x1E800] =	vst v63  }
0x83: {  	_ =	swait.ge [sflag:s18], $0x2000  }
0x84: {  	[sflag:s18] =	ssyncset.done $0x0  }
0x85: {  	[sflag:s18] =	ssyncadd.s32 $0xFFFFE000  }
0x86: {  	_ =	swait.ge [sflag:s0], $0x2000  }
0x87: {  	[sflag:s0] =	ssyncset.done $0x0  }
0x88: {  	[sflag:s0] =	ssyncadd.s32 $0xFFFFE000  }
0x89: {  	[spmem:s2] =	stream.indirect.scatter.add.f32 [tilespmem:s28], [sflag:$0x5], $0x80, s8, s20, $0xb8;
	[tilespmem:$0x1E800] =	vst v63  }
0x8a: {  	_ =	swait.ge [sflag:s18], $0x2000  }
0x8b: {  	[sflag:s18] =	ssyncset.done $0x0  }
0x8c: {  	s10 =	simm.s32 $0x0;
	s12 =	rddreg [dreg:$0x6];
	[sflag:s18] =	ssyncadd.s32 $0xFFFFE000  }
0x8d: {  	[tilespmem:s10], [sflag:$0x5] =	stream.linear.gather [hbm4b:s12+s10], $0x1400, $0x38;
	[tilespmem:$0x1E800] =	vst v63  }
0x8e: {  	_ =	swait.ge [sflag:s18], $0x1400  }
0x8f: {  	[sflag:s18] =	ssyncset.done $0x0  }
0x90: {  	s12 =	rddreg [dreg:$0x7];
	[sflag:s18] =	ssyncadd.s32 $0xFFFFEC00  }
0x91: {  	[tilespmem:s19], [sflag:$0x5] =	stream.linear.gather [hbm4b:s12+s10], $0x1400, $0x38;
	[tilespmem:$0x1E800] =	vst v63  }
0x92: {  	_ =	swait.ge [sflag:s18], $0x1400  }
0x93: {  	[sflag:s18] =	ssyncset.done $0x0  }
0x94: {  	[sflag:s18] =	ssyncadd.s32 $0xFFFFEC00  }
0x95: {  	[tilespmem:s21], [sflag:$0x1] =	stream.indirect.gather [hbm4b:s4+s20], $0x80, s10, s20, $0xb8;
	[tilespmem:$0x1E800] =	vst v63  }
0x96: {  	_ = 	snop  }
0x97: {  	[tilespmem:s23], [sflag:$0x2] =	stream.indirect.gather [hbm4b:s4+s20], $0x80, s22, s20, $0xb8;
	[tilespmem:$0x1E800] =	vst v63  }
0x98: {  	_ = 	snop  }
0x99: {  	[tilespmem:s25], [sflag:$0x3] =	stream.indirect.gather [hbm4b:s4+s20], $0x80, s24, s20, $0xb8;
	[tilespmem:$0x1E800] =	vst v63  }
0x9a: {  	_ = 	snop  }
0x9b: {  	[tilespmem:s28], [sflag:$0x4] =	stream.indirect.gather [hbm4b:s4+s20], $0x80, s26, s20, $0xb8;
	[tilespmem:$0x1E800] =	vst v63  }
0x9c: {  	_ =	swait.ge [sflag:s29], $0x2000  }
0x9d: {  	[sflag:s29] =	ssyncset.done $0x0  }
0x9e: {  	s12 =	simm.s32 $0x1400;
	[sflag:s29] =	ssyncadd.s32 $0xFFFFE000  }
0x9f: {  	[spmem:s2] =	stream.indirect.scatter.add.f32 [tilespmem:s21], [sflag:$0x5], $0x80, s12, s20, $0xb8;
	[tilespmem:$0x1E800] =	vst v63  }
0xa0: {  	_ =	swait.ge [sflag:s18], $0x2000  }
0xa1: {  	[sflag:s18] =	ssyncset.done $0x0  }
0xa2: {  	s11 =	simm.s32 $0x200;
	[sflag:s18] =	ssyncadd.s32 $0xFFFFE000  }
0xa3: {  	[tilespmem:s21], [sflag:$0x1] =	stream.indirect.gather [hbm4b:s4+s20], $0x80, s11, s20, $0xb8;
	[tilespmem:$0x1E800] =	vst v63  }
0xa4: {  	_ =	swait.ge [sflag:s30], $0x2000  }
0xa5: {  	[sflag:s30] =	ssyncset.done $0x0  }
0xa6: {  	s12 =	simm.s32 $0x1480;
	[sflag:s30] =	ssyncadd.s32 $0xFFFFE000  }
0xa7: {  	[spmem:s2] =	stream.indirect.scatter.add.f32 [tilespmem:s23], [sflag:$0x5], $0x80, s12, s20, $0xb8;
	[tilespmem:$0x1E800] =	vst v63  }
0xa8: {  	_ =	swait.ge [sflag:s18], $0x2000  }
0xa9: {  	[sflag:s18] =	ssyncset.done $0x0  }
0xaa: {  	s11 =	simm.s32 $0x280;
	[sflag:s18] =	ssyncadd.s32 $0xFFFFE000  }
0xab: {  	[tilespmem:s23], [sflag:$0x2] =	stream.indirect.gather [hbm4b:s4+s20], $0x80, s11, s20, $0xb8;
	[tilespmem:$0x1E800] =	vst v63  }
0xac: {  	_ =	swait.ge [sflag:s31], $0x2000  }
0xad: {  	[sflag:s31] =	ssyncset.done $0x0  }
0xae: {  	s12 =	simm.s32 $0x1500;
	[sflag:s31] =	ssyncadd.s32 $0xFFFFE000  }
0xaf: {  	[spmem:s2] =	stream.indirect.scatter.add.f32 [tilespmem:s25], [sflag:$0x5], $0x80, s12, s20, $0xb8;
	[tilespmem:$0x1E800] =	vst v63  }
0xb0: {  	_ =	swait.ge [sflag:s18], $0x2000  }
0xb1: {  	[sflag:s18] =	ssyncset.done $0x0  }
0xb2: {  	s11 =	simm.s32 $0x300;
	[sflag:s18] =	ssyncadd.s32 $0xFFFFE000  }
0xb3: {  	[tilespmem:s25], [sflag:$0x3] =	stream.indirect.gather [hbm4b:s4+s20], $0x80, s11, s20, $0xb8;
	[tilespmem:$0x1E800] =	vst v63  }
0xb4: {  	_ =	swait.ge [sflag:s0], $0x2000  }
0xb5: {  	[sflag:s0] =	ssyncset.done $0x0  }
0xb6: {  	s12 =	simm.s32 $0x1580;
	[sflag:s0] =	ssyncadd.s32 $0xFFFFE000  }
0xb7: {  	[spmem:s2] =	stream.indirect.scatter.add.f32 [tilespmem:s28], [sflag:$0x5], $0x80, s12, s20, $0xb8;
	[tilespmem:$0x1E800] =	vst v63  }
0xb8: {  	_ =	swait.ge [sflag:s18], $0x2000  }
0xb9: {  	[sflag:s18] =	ssyncset.done $0x0  }
0xba: {  	s10 =	simm.s32 $0x800;
	s11 =	simm.s32 $0x380;
	[sflag:s18] =	ssyncadd.s32 $0xFFFFE000  }
.LBB2_4:
0xbb: {  	[tilespmem:s28], [sflag:$0x4] =	stream.indirect.gather [hbm4b:s4+s20], $0x80, s11, s20, $0xb8;
	[tilespmem:$0x1E800] =	vst v63  }
0xbc: {  	s11 =	smov.u32 s10  }
0xbd: {  	p0 =	sne.s32 s10, $0x4000;
	s10 =	sadd.s32 $0x800, s10;
	_ =	swait.ge [sflag:s29], $0x2000  }
0xbe: {  	s11 =	sshra.s32 s11, $0x2;
	[sflag:s29] =	ssyncset.done $0x0  }
0xbf: {  	s12 =	sadd.s32 $0x1400, s11;
	[sflag:s29] =	ssyncadd.s32 $0xFFFFE000  }
0xc0: {  	[spmem:s2] =	stream.indirect.scatter.add.f32 [tilespmem:s21], [sflag:$0x5], $0x80, s12, s20, $0xb8;
	[tilespmem:$0x1E800] =	vst v63  }
0xc1: {  	_ =	swait.ge [sflag:s18], $0x2000  }
0xc2: {  	[sflag:s18] =	ssyncset.done $0x0  }
0xc3: {  	s12 =	sadd.s32 $0x200, s11;
	[sflag:s18] =	ssyncadd.s32 $0xFFFFE000  }
0xc4: {  	[tilespmem:s21], [sflag:$0x1] =	stream.indirect.gather [hbm4b:s4+s20], $0x80, s12, s20, $0xb8;
	[tilespmem:$0x1E800] =	vst v63  }
0xc5: {  	_ =	swait.ge [sflag:s30], $0x2000  }
0xc6: {  	[sflag:s30] =	ssyncset.done $0x0  }
0xc7: {  	s12 =	sadd.s32 $0x1480, s11;
	[sflag:s30] =	ssyncadd.s32 $0xFFFFE000  }
0xc8: {  	[spmem:s2] =	stream.indirect.scatter.add.f32 [tilespmem:s23], [sflag:$0x5], $0x80, s12, s20, $0xb8;
	[tilespmem:$0x1E800] =	vst v63  }
0xc9: {  	_ =	swait.ge [sflag:s18], $0x2000  }
0xca: {  	[sflag:s18] =	ssyncset.done $0x0  }
0xcb: {  	s12 =	sadd.s32 $0x280, s11;
	[sflag:s18] =	ssyncadd.s32 $0xFFFFE000  }
0xcc: {  	[tilespmem:s23], [sflag:$0x2] =	stream.indirect.gather [hbm4b:s4+s20], $0x80, s12, s20, $0xb8;
	[tilespmem:$0x1E800] =	vst v63  }
0xcd: {  	_ =	swait.ge [sflag:s31], $0x2000  }
0xce: {  	[sflag:s31] =	ssyncset.done $0x0  }
0xcf: {  	s12 =	sadd.s32 $0x1500, s11;
	[sflag:s31] =	ssyncadd.s32 $0xFFFFE000  }
0xd0: {  	[spmem:s2] =	stream.indirect.scatter.add.f32 [tilespmem:s25], [sflag:$0x5], $0x80, s12, s20, $0xb8;
	[tilespmem:$0x1E800] =	vst v63  }
0xd1: {  	_ =	swait.ge [sflag:s18], $0x2000  }
0xd2: {  	[sflag:s18] =	ssyncset.done $0x0  }
0xd3: {  	s12 =	sadd.s32 $0x300, s11;
	[sflag:s18] =	ssyncadd.s32 $0xFFFFE000  }
0xd4: {  	[tilespmem:s25], [sflag:$0x3] =	stream.indirect.gather [hbm4b:s4+s20], $0x80, s12, s20, $0xb8;
	[tilespmem:$0x1E800] =	vst v63  }
0xd5: {  	_ =	swait.ge [sflag:s0], $0x2000  }
0xd6: {  	[sflag:s0] =	ssyncset.done $0x0  }
.Ltmp1:
0xd7: {  	s12 =	sadd.s32 $0x1580, s11;
	[sflag:s0] =	ssyncadd.s32 $0xFFFFE000;
	(pc) =	sbr.rel @p0 .LBB2_4-.Ltmp1, $4  }
0xd8: {  	[spmem:s2] =	stream.indirect.scatter.add.f32 [tilespmem:s28], [sflag:$0x5], $0x80, s12, s20, $0xb8;
	[tilespmem:$0x1E800] =	vst v63  }
0xd9: {  	_ =	swait.ge [sflag:s18], $0x2000  }
0xda: {  	[sflag:s18] =	ssyncset.done $0x0  }
0xdb: {  	s11 =	sadd.s32 $0x380, s11;
	[sflag:s18] =	ssyncadd.s32 $0xFFFFE000  }
0xdc: {  	[tilespmem:s28], [sflag:$0x4] =	stream.indirect.gather [hbm4b:s4+s20], $0x80, s11, s20, $0xb8;
	[tilespmem:$0x1E800] =	vst v63  }
0xdd: {  	_ =	swait.ge [sflag:s29], $0x2000  }
0xde: {  	[sflag:s29] =	ssyncset.done $0x0  }
0xdf: {  	[sflag:s29] =	ssyncadd.s32 $0xFFFFE000  }
0xe0: {  	[spmem:s2] =	stream.indirect.scatter.add.f32 [tilespmem:s21], [sflag:$0x5], $0x80, s1, s20, $0xb8;
	[tilespmem:$0x1E800] =	vst v63  }
0xe1: {  	_ =	swait.ge [sflag:s18], $0x2000  }
0xe2: {  	[sflag:s18] =	ssyncset.done $0x0  }
0xe3: {  	[sflag:s18] =	ssyncadd.s32 $0xFFFFE000  }
0xe4: {  	_ =	swait.ge [sflag:s30], $0x2000  }
0xe5: {  	[sflag:s30] =	ssyncset.done $0x0  }
0xe6: {  	[sflag:s30] =	ssyncadd.s32 $0xFFFFE000  }
0xe7: {  	[spmem:s2] =	stream.indirect.scatter.add.f32 [tilespmem:s23], [sflag:$0x5], $0x80, s5, s20, $0xb8;
	[tilespmem:$0x1E800] =	vst v63  }
0xe8: {  	_ =	swait.ge [sflag:s18], $0x2000  }
0xe9: {  	[sflag:s18] =	ssyncset.done $0x0  }
0xea: {  	[sflag:s18] =	ssyncadd.s32 $0xFFFFE000  }
0xeb: {  	_ =	swait.ge [sflag:s31], $0x2000  }
0xec: {  	[sflag:s31] =	ssyncset.done $0x0  }
0xed: {  	[sflag:s31] =	ssyncadd.s32 $0xFFFFE000  }
0xee: {  	[spmem:s2] =	stream.indirect.scatter.add.f32 [tilespmem:s25], [sflag:$0x5], $0x80, s7, s20, $0xb8;
	[tilespmem:$0x1E800] =	vst v63  }
0xef: {  	_ =	swait.ge [sflag:s18], $0x2000  }
0xf0: {  	[sflag:s18] =	ssyncset.done $0x0  }
0xf1: {  	[sflag:s18] =	ssyncadd.s32 $0xFFFFE000  }
0xf2: {  	_ =	swait.ge [sflag:s0], $0x2000  }
0xf3: {  	[sflag:s0] =	ssyncset.done $0x0  }
0xf4: {  	[sflag:s0] =	ssyncadd.s32 $0xFFFFE000  }
0xf5: {  	[spmem:s2] =	stream.indirect.scatter.add.f32 [tilespmem:s28], [sflag:$0x5], $0x80, s8, s20, $0xb8;
	[tilespmem:$0x1E800] =	vst v63  }
0xf6: {  	_ =	swait.ge [sflag:s18], $0x2000  }
0xf7: {  	[sflag:s18] =	ssyncset.done $0x0  }
0xf8: {  	s10 =	simm.s32 $0x0;
	s12 =	rddreg [dreg:$0x8];
	[sflag:s18] =	ssyncadd.s32 $0xFFFFE000  }
0xf9: {  	[tilespmem:s10], [sflag:$0x5] =	stream.linear.gather [hbm4b:s12+s10], $0x1400, $0x38;
	[tilespmem:$0x1E800] =	vst v63  }
0xfa: {  	_ =	swait.ge [sflag:s18], $0x1400  }
0xfb: {  	[sflag:s18] =	ssyncset.done $0x0  }
0xfc: {  	s12 =	rddreg [dreg:$0x9];
	[sflag:s18] =	ssyncadd.s32 $0xFFFFEC00  }
0xfd: {  	[tilespmem:s19], [sflag:$0x5] =	stream.linear.gather [hbm4b:s12+s10], $0x1400, $0x38;
	[tilespmem:$0x1E800] =	vst v63  }
0xfe: {  	_ =	swait.ge [sflag:s18], $0x1400  }
0xff: {  	[sflag:s18] =	ssyncset.done $0x0  }
0x100: {  	[sflag:s18] =	ssyncadd.s32 $0xFFFFEC00  }
0x101: {  	[tilespmem:s21], [sflag:$0x1] =	stream.indirect.gather [hbm4b:s4+s20], $0x80, s10, s20, $0xb8;
	[tilespmem:$0x1E800] =	vst v63  }
0x102: {  	_ = 	snop  }
0x103: {  	[tilespmem:s23], [sflag:$0x2] =	stream.indirect.gather [hbm4b:s4+s20], $0x80, s22, s20, $0xb8;
	[tilespmem:$0x1E800] =	vst v63  }
0x104: {  	_ = 	snop  }
0x105: {  	[tilespmem:s25], [sflag:$0x3] =	stream.indirect.gather [hbm4b:s4+s20], $0x80, s24, s20, $0xb8;
	[tilespmem:$0x1E800] =	vst v63  }
0x106: {  	_ = 	snop  }
0x107: {  	[tilespmem:s28], [sflag:$0x4] =	stream.indirect.gather [hbm4b:s4+s20], $0x80, s26, s20, $0xb8;
	[tilespmem:$0x1E800] =	vst v63  }
0x108: {  	_ =	swait.ge [sflag:s29], $0x2000  }
0x109: {  	[sflag:s29] =	ssyncset.done $0x0  }
0x10a: {  	s12 =	simm.s32 $0x1400;
	[sflag:s29] =	ssyncadd.s32 $0xFFFFE000  }
0x10b: {  	[spmem:s2] =	stream.indirect.scatter.add.f32 [tilespmem:s21], [sflag:$0x5], $0x80, s12, s20, $0xb8;
	[tilespmem:$0x1E800] =	vst v63  }
0x10c: {  	_ =	swait.ge [sflag:s18], $0x2000  }
0x10d: {  	[sflag:s18] =	ssyncset.done $0x0  }
0x10e: {  	s11 =	simm.s32 $0x200;
	[sflag:s18] =	ssyncadd.s32 $0xFFFFE000  }
0x10f: {  	[tilespmem:s21], [sflag:$0x1] =	stream.indirect.gather [hbm4b:s4+s20], $0x80, s11, s20, $0xb8;
	[tilespmem:$0x1E800] =	vst v63  }
0x110: {  	_ =	swait.ge [sflag:s30], $0x2000  }
0x111: {  	[sflag:s30] =	ssyncset.done $0x0  }
0x112: {  	s12 =	simm.s32 $0x1480;
	[sflag:s30] =	ssyncadd.s32 $0xFFFFE000  }
0x113: {  	[spmem:s2] =	stream.indirect.scatter.add.f32 [tilespmem:s23], [sflag:$0x5], $0x80, s12, s20, $0xb8;
	[tilespmem:$0x1E800] =	vst v63  }
0x114: {  	_ =	swait.ge [sflag:s18], $0x2000  }
0x115: {  	[sflag:s18] =	ssyncset.done $0x0  }
0x116: {  	s11 =	simm.s32 $0x280;
	[sflag:s18] =	ssyncadd.s32 $0xFFFFE000  }
0x117: {  	[tilespmem:s23], [sflag:$0x2] =	stream.indirect.gather [hbm4b:s4+s20], $0x80, s11, s20, $0xb8;
	[tilespmem:$0x1E800] =	vst v63  }
0x118: {  	_ =	swait.ge [sflag:s31], $0x2000  }
0x119: {  	[sflag:s31] =	ssyncset.done $0x0  }
0x11a: {  	s12 =	simm.s32 $0x1500;
	[sflag:s31] =	ssyncadd.s32 $0xFFFFE000  }
0x11b: {  	[spmem:s2] =	stream.indirect.scatter.add.f32 [tilespmem:s25], [sflag:$0x5], $0x80, s12, s20, $0xb8;
	[tilespmem:$0x1E800] =	vst v63  }
0x11c: {  	_ =	swait.ge [sflag:s18], $0x2000  }
0x11d: {  	[sflag:s18] =	ssyncset.done $0x0  }
0x11e: {  	s11 =	simm.s32 $0x300;
	[sflag:s18] =	ssyncadd.s32 $0xFFFFE000  }
0x11f: {  	[tilespmem:s25], [sflag:$0x3] =	stream.indirect.gather [hbm4b:s4+s20], $0x80, s11, s20, $0xb8;
	[tilespmem:$0x1E800] =	vst v63  }
0x120: {  	_ =	swait.ge [sflag:s0], $0x2000  }
0x121: {  	[sflag:s0] =	ssyncset.done $0x0  }
0x122: {  	s12 =	simm.s32 $0x1580;
	[sflag:s0] =	ssyncadd.s32 $0xFFFFE000  }
0x123: {  	[spmem:s2] =	stream.indirect.scatter.add.f32 [tilespmem:s28], [sflag:$0x5], $0x80, s12, s20, $0xb8;
	[tilespmem:$0x1E800] =	vst v63  }
0x124: {  	_ =	swait.ge [sflag:s18], $0x2000  }
0x125: {  	[sflag:s18] =	ssyncset.done $0x0  }
0x126: {  	s10 =	simm.s32 $0x800;
	s11 =	simm.s32 $0x380;
	[sflag:s18] =	ssyncadd.s32 $0xFFFFE000  }
.LBB2_6:
0x127: {  	[tilespmem:s28], [sflag:$0x4] =	stream.indirect.gather [hbm4b:s4+s20], $0x80, s11, s20, $0xb8;
	[tilespmem:$0x1E800] =	vst v63  }
0x128: {  	s11 =	smov.u32 s10  }
0x129: {  	p0 =	sne.s32 s10, $0x4000;
	s10 =	sadd.s32 $0x800, s10;
	_ =	swait.ge [sflag:s29], $0x2000  }
0x12a: {  	s11 =	sshra.s32 s11, $0x2;
	[sflag:s29] =	ssyncset.done $0x0  }
0x12b: {  	s12 =	sadd.s32 $0x1400, s11;
	[sflag:s29] =	ssyncadd.s32 $0xFFFFE000  }
0x12c: {  	[spmem:s2] =	stream.indirect.scatter.add.f32 [tilespmem:s21], [sflag:$0x5], $0x80, s12, s20, $0xb8;
	[tilespmem:$0x1E800] =	vst v63  }
0x12d: {  	_ =	swait.ge [sflag:s18], $0x2000  }
0x12e: {  	[sflag:s18] =	ssyncset.done $0x0  }
0x12f: {  	s12 =	sadd.s32 $0x200, s11;
	[sflag:s18] =	ssyncadd.s32 $0xFFFFE000  }
0x130: {  	[tilespmem:s21], [sflag:$0x1] =	stream.indirect.gather [hbm4b:s4+s20], $0x80, s12, s20, $0xb8;
	[tilespmem:$0x1E800] =	vst v63  }
0x131: {  	_ =	swait.ge [sflag:s30], $0x2000  }
0x132: {  	[sflag:s30] =	ssyncset.done $0x0  }
0x133: {  	s12 =	sadd.s32 $0x1480, s11;
	[sflag:s30] =	ssyncadd.s32 $0xFFFFE000  }
0x134: {  	[spmem:s2] =	stream.indirect.scatter.add.f32 [tilespmem:s23], [sflag:$0x5], $0x80, s12, s20, $0xb8;
	[tilespmem:$0x1E800] =	vst v63  }
0x135: {  	_ =	swait.ge [sflag:s18], $0x2000  }
0x136: {  	[sflag:s18] =	ssyncset.done $0x0  }
0x137: {  	s12 =	sadd.s32 $0x280, s11;
	[sflag:s18] =	ssyncadd.s32 $0xFFFFE000  }
0x138: {  	[tilespmem:s23], [sflag:$0x2] =	stream.indirect.gather [hbm4b:s4+s20], $0x80, s12, s20, $0xb8;
	[tilespmem:$0x1E800] =	vst v63  }
0x139: {  	_ =	swait.ge [sflag:s31], $0x2000  }
0x13a: {  	[sflag:s31] =	ssyncset.done $0x0  }
0x13b: {  	s12 =	sadd.s32 $0x1500, s11;
	[sflag:s31] =	ssyncadd.s32 $0xFFFFE000  }
0x13c: {  	[spmem:s2] =	stream.indirect.scatter.add.f32 [tilespmem:s25], [sflag:$0x5], $0x80, s12, s20, $0xb8;
	[tilespmem:$0x1E800] =	vst v63  }
0x13d: {  	_ =	swait.ge [sflag:s18], $0x2000  }
0x13e: {  	[sflag:s18] =	ssyncset.done $0x0  }
0x13f: {  	s12 =	sadd.s32 $0x300, s11;
	[sflag:s18] =	ssyncadd.s32 $0xFFFFE000  }
0x140: {  	[tilespmem:s25], [sflag:$0x3] =	stream.indirect.gather [hbm4b:s4+s20], $0x80, s12, s20, $0xb8;
	[tilespmem:$0x1E800] =	vst v63  }
0x141: {  	_ =	swait.ge [sflag:s0], $0x2000  }
0x142: {  	[sflag:s0] =	ssyncset.done $0x0  }
.Ltmp2:
0x143: {  	s12 =	sadd.s32 $0x1580, s11;
	[sflag:s0] =	ssyncadd.s32 $0xFFFFE000;
	(pc) =	sbr.rel @p0 .LBB2_6-.Ltmp2, $4  }
0x144: {  	[spmem:s2] =	stream.indirect.scatter.add.f32 [tilespmem:s28], [sflag:$0x5], $0x80, s12, s20, $0xb8;
	[tilespmem:$0x1E800] =	vst v63  }
0x145: {  	_ =	swait.ge [sflag:s18], $0x2000  }
0x146: {  	[sflag:s18] =	ssyncset.done $0x0  }
0x147: {  	s11 =	sadd.s32 $0x380, s11;
	[sflag:s18] =	ssyncadd.s32 $0xFFFFE000  }
0x148: {  	[tilespmem:s28], [sflag:$0x4] =	stream.indirect.gather [hbm4b:s4+s20], $0x80, s11, s20, $0xb8;
	[tilespmem:$0x1E800] =	vst v63  }
0x149: {  	_ =	swait.ge [sflag:s29], $0x2000  }
0x14a: {  	[sflag:s29] =	ssyncset.done $0x0  }
0x14b: {  	[sflag:s29] =	ssyncadd.s32 $0xFFFFE000  }
0x14c: {  	[spmem:s2] =	stream.indirect.scatter.add.f32 [tilespmem:s21], [sflag:$0x5], $0x80, s1, s20, $0xb8;
	[tilespmem:$0x1E800] =	vst v63  }
0x14d: {  	_ =	swait.ge [sflag:s18], $0x2000  }
0x14e: {  	[sflag:s18] =	ssyncset.done $0x0  }
0x14f: {  	[sflag:s18] =	ssyncadd.s32 $0xFFFFE000  }
0x150: {  	_ =	swait.ge [sflag:s30], $0x2000  }
0x151: {  	[sflag:s30] =	ssyncset.done $0x0  }
0x152: {  	[sflag:s30] =	ssyncadd.s32 $0xFFFFE000  }
0x153: {  	[spmem:s2] =	stream.indirect.scatter.add.f32 [tilespmem:s23], [sflag:$0x5], $0x80, s5, s20, $0xb8;
	[tilespmem:$0x1E800] =	vst v63  }
0x154: {  	_ =	swait.ge [sflag:s18], $0x2000  }
0x155: {  	[sflag:s18] =	ssyncset.done $0x0  }
0x156: {  	[sflag:s18] =	ssyncadd.s32 $0xFFFFE000  }
0x157: {  	_ =	swait.ge [sflag:s31], $0x2000  }
0x158: {  	[sflag:s31] =	ssyncset.done $0x0  }
0x159: {  	[sflag:s31] =	ssyncadd.s32 $0xFFFFE000  }
0x15a: {  	[spmem:s2] =	stream.indirect.scatter.add.f32 [tilespmem:s25], [sflag:$0x5], $0x80, s7, s20, $0xb8;
	[tilespmem:$0x1E800] =	vst v63  }
0x15b: {  	_ =	swait.ge [sflag:s18], $0x2000  }
0x15c: {  	[sflag:s18] =	ssyncset.done $0x0  }
0x15d: {  	[sflag:s18] =	ssyncadd.s32 $0xFFFFE000  }
0x15e: {  	_ =	swait.ge [sflag:s0], $0x2000  }
0x15f: {  	[sflag:s0] =	ssyncset.done $0x0  }
0x160: {  	[sflag:s0] =	ssyncadd.s32 $0xFFFFE000  }
0x161: {  	[spmem:s2] =	stream.indirect.scatter.add.f32 [tilespmem:s28], [sflag:$0x5], $0x80, s8, s20, $0xb8;
	[tilespmem:$0x1E800] =	vst v63  }
0x162: {  	_ =	swait.ge [sflag:s18], $0x2000  }
0x163: {  	[sflag:s18] =	ssyncset.done $0x0  }
0x164: {  	s10 =	simm.s32 $0x0;
	[sflag:s18] =	ssyncadd.s32 $0xFFFFE000  }
0x165: {  	[tilespmem:s10], [sflag:$0x5] =	stream.linear.gather [hbm4b:s13+s10], $0x1400, $0x38;
	[tilespmem:$0x1E800] =	vst v63  }
0x166: {  	_ =	swait.ge [sflag:s18], $0x1400  }
0x167: {  	[sflag:s18] =	ssyncset.done $0x0  }
0x168: {  	[sflag:s18] =	ssyncadd.s32 $0xFFFFEC00  }
0x169: {  	[tilespmem:s19], [sflag:$0x5] =	stream.linear.gather [hbm4b:s14+s10], $0x1400, $0x38;
	[tilespmem:$0x1E800] =	vst v63  }
0x16a: {  	_ =	swait.ge [sflag:s18], $0x1400  }
0x16b: {  	[sflag:s18] =	ssyncset.done $0x0  }
0x16c: {  	[sflag:s18] =	ssyncadd.s32 $0xFFFFEC00  }
0x16d: {  	[tilespmem:s21], [sflag:$0x1] =	stream.indirect.gather [hbm4b:s4+s20], $0x80, s10, s20, $0xb8;
	[tilespmem:$0x1E800] =	vst v63  }
0x16e: {  	_ = 	snop  }
0x16f: {  	[tilespmem:s23], [sflag:$0x2] =	stream.indirect.gather [hbm4b:s4+s20], $0x80, s22, s20, $0xb8;
	[tilespmem:$0x1E800] =	vst v63  }
0x170: {  	_ = 	snop  }
0x171: {  	[tilespmem:s25], [sflag:$0x3] =	stream.indirect.gather [hbm4b:s4+s20], $0x80, s24, s20, $0xb8;
	[tilespmem:$0x1E800] =	vst v63  }
0x172: {  	_ = 	snop  }
0x173: {  	[tilespmem:s28], [sflag:$0x4] =	stream.indirect.gather [hbm4b:s4+s20], $0x80, s26, s20, $0xb8;
	[tilespmem:$0x1E800] =	vst v63  }
0x174: {  	_ =	swait.ge [sflag:s29], $0x2000  }
0x175: {  	[sflag:s29] =	ssyncset.done $0x0  }
0x176: {  	s12 =	simm.s32 $0x1400;
	[sflag:s29] =	ssyncadd.s32 $0xFFFFE000  }
0x177: {  	[spmem:s2] =	stream.indirect.scatter.add.f32 [tilespmem:s21], [sflag:$0x5], $0x80, s12, s20, $0xb8;
	[tilespmem:$0x1E800] =	vst v63  }
0x178: {  	_ =	swait.ge [sflag:s18], $0x2000  }
0x179: {  	[sflag:s18] =	ssyncset.done $0x0  }
0x17a: {  	s11 =	simm.s32 $0x200;
	[sflag:s18] =	ssyncadd.s32 $0xFFFFE000  }
0x17b: {  	[tilespmem:s21], [sflag:$0x1] =	stream.indirect.gather [hbm4b:s4+s20], $0x80, s11, s20, $0xb8;
	[tilespmem:$0x1E800] =	vst v63  }
0x17c: {  	_ =	swait.ge [sflag:s30], $0x2000  }
0x17d: {  	[sflag:s30] =	ssyncset.done $0x0  }
0x17e: {  	s12 =	simm.s32 $0x1480;
	[sflag:s30] =	ssyncadd.s32 $0xFFFFE000  }
0x17f: {  	[spmem:s2] =	stream.indirect.scatter.add.f32 [tilespmem:s23], [sflag:$0x5], $0x80, s12, s20, $0xb8;
	[tilespmem:$0x1E800] =	vst v63  }
0x180: {  	_ =	swait.ge [sflag:s18], $0x2000  }
0x181: {  	[sflag:s18] =	ssyncset.done $0x0  }
0x182: {  	s11 =	simm.s32 $0x280;
	[sflag:s18] =	ssyncadd.s32 $0xFFFFE000  }
0x183: {  	[tilespmem:s23], [sflag:$0x2] =	stream.indirect.gather [hbm4b:s4+s20], $0x80, s11, s20, $0xb8;
	[tilespmem:$0x1E800] =	vst v63  }
0x184: {  	_ =	swait.ge [sflag:s31], $0x2000  }
0x185: {  	[sflag:s31] =	ssyncset.done $0x0  }
0x186: {  	s12 =	simm.s32 $0x1500;
	[sflag:s31] =	ssyncadd.s32 $0xFFFFE000  }
0x187: {  	[spmem:s2] =	stream.indirect.scatter.add.f32 [tilespmem:s25], [sflag:$0x5], $0x80, s12, s20, $0xb8;
	[tilespmem:$0x1E800] =	vst v63  }
0x188: {  	_ =	swait.ge [sflag:s18], $0x2000  }
0x189: {  	[sflag:s18] =	ssyncset.done $0x0  }
0x18a: {  	s11 =	simm.s32 $0x300;
	[sflag:s18] =	ssyncadd.s32 $0xFFFFE000  }
0x18b: {  	[tilespmem:s25], [sflag:$0x3] =	stream.indirect.gather [hbm4b:s4+s20], $0x80, s11, s20, $0xb8;
	[tilespmem:$0x1E800] =	vst v63  }
0x18c: {  	_ =	swait.ge [sflag:s0], $0x2000  }
0x18d: {  	[sflag:s0] =	ssyncset.done $0x0  }
0x18e: {  	s12 =	simm.s32 $0x1580;
	[sflag:s0] =	ssyncadd.s32 $0xFFFFE000  }
0x18f: {  	[spmem:s2] =	stream.indirect.scatter.add.f32 [tilespmem:s28], [sflag:$0x5], $0x80, s12, s20, $0xb8;
	[tilespmem:$0x1E800] =	vst v63  }
0x190: {  	_ =	swait.ge [sflag:s18], $0x2000  }
0x191: {  	[sflag:s18] =	ssyncset.done $0x0  }
0x192: {  	s10 =	simm.s32 $0x800;
	s11 =	simm.s32 $0x380;
	[sflag:s18] =	ssyncadd.s32 $0xFFFFE000  }
.LBB2_8:
0x193: {  	[tilespmem:s28], [sflag:$0x4] =	stream.indirect.gather [hbm4b:s4+s20], $0x80, s11, s20, $0xb8;
	[tilespmem:$0x1E800] =	vst v63  }
0x194: {  	s11 =	smov.u32 s10  }
0x195: {  	p0 =	sne.s32 s10, $0x4000;
	s10 =	sadd.s32 $0x800, s10;
	_ =	swait.ge [sflag:s29], $0x2000  }
0x196: {  	s11 =	sshra.s32 s11, $0x2;
	[sflag:s29] =	ssyncset.done $0x0  }
0x197: {  	s12 =	sadd.s32 $0x1400, s11;
	[sflag:s29] =	ssyncadd.s32 $0xFFFFE000  }
0x198: {  	[spmem:s2] =	stream.indirect.scatter.add.f32 [tilespmem:s21], [sflag:$0x5], $0x80, s12, s20, $0xb8;
	[tilespmem:$0x1E800] =	vst v63  }
0x199: {  	_ =	swait.ge [sflag:s18], $0x2000  }
0x19a: {  	[sflag:s18] =	ssyncset.done $0x0  }
0x19b: {  	s12 =	sadd.s32 $0x200, s11;
	[sflag:s18] =	ssyncadd.s32 $0xFFFFE000  }
0x19c: {  	[tilespmem:s21], [sflag:$0x1] =	stream.indirect.gather [hbm4b:s4+s20], $0x80, s12, s20, $0xb8;
	[tilespmem:$0x1E800] =	vst v63  }
0x19d: {  	_ =	swait.ge [sflag:s30], $0x2000  }
0x19e: {  	[sflag:s30] =	ssyncset.done $0x0  }
0x19f: {  	s12 =	sadd.s32 $0x1480, s11;
	[sflag:s30] =	ssyncadd.s32 $0xFFFFE000  }
0x1a0: {  	[spmem:s2] =	stream.indirect.scatter.add.f32 [tilespmem:s23], [sflag:$0x5], $0x80, s12, s20, $0xb8;
	[tilespmem:$0x1E800] =	vst v63  }
0x1a1: {  	_ =	swait.ge [sflag:s18], $0x2000  }
0x1a2: {  	[sflag:s18] =	ssyncset.done $0x0  }
0x1a3: {  	s12 =	sadd.s32 $0x280, s11;
	[sflag:s18] =	ssyncadd.s32 $0xFFFFE000  }
0x1a4: {  	[tilespmem:s23], [sflag:$0x2] =	stream.indirect.gather [hbm4b:s4+s20], $0x80, s12, s20, $0xb8;
	[tilespmem:$0x1E800] =	vst v63  }
0x1a5: {  	_ =	swait.ge [sflag:s31], $0x2000  }
0x1a6: {  	[sflag:s31] =	ssyncset.done $0x0  }
0x1a7: {  	s12 =	sadd.s32 $0x1500, s11;
	[sflag:s31] =	ssyncadd.s32 $0xFFFFE000  }
0x1a8: {  	[spmem:s2] =	stream.indirect.scatter.add.f32 [tilespmem:s25], [sflag:$0x5], $0x80, s12, s20, $0xb8;
	[tilespmem:$0x1E800] =	vst v63  }
0x1a9: {  	_ =	swait.ge [sflag:s18], $0x2000  }
0x1aa: {  	[sflag:s18] =	ssyncset.done $0x0  }
0x1ab: {  	s12 =	sadd.s32 $0x300, s11;
	[sflag:s18] =	ssyncadd.s32 $0xFFFFE000  }
0x1ac: {  	[tilespmem:s25], [sflag:$0x3] =	stream.indirect.gather [hbm4b:s4+s20], $0x80, s12, s20, $0xb8;
	[tilespmem:$0x1E800] =	vst v63  }
0x1ad: {  	_ =	swait.ge [sflag:s0], $0x2000  }
0x1ae: {  	[sflag:s0] =	ssyncset.done $0x0  }
.Ltmp3:
0x1af: {  	s12 =	sadd.s32 $0x1580, s11;
	[sflag:s0] =	ssyncadd.s32 $0xFFFFE000;
	(pc) =	sbr.rel @p0 .LBB2_8-.Ltmp3, $4  }
0x1b0: {  	[spmem:s2] =	stream.indirect.scatter.add.f32 [tilespmem:s28], [sflag:$0x5], $0x80, s12, s20, $0xb8;
	[tilespmem:$0x1E800] =	vst v63  }
0x1b1: {  	_ =	swait.ge [sflag:s18], $0x2000  }
0x1b2: {  	[sflag:s18] =	ssyncset.done $0x0  }
0x1b3: {  	s11 =	sadd.s32 $0x380, s11;
	[sflag:s18] =	ssyncadd.s32 $0xFFFFE000  }
0x1b4: {  	[tilespmem:s28], [sflag:$0x4] =	stream.indirect.gather [hbm4b:s4+s20], $0x80, s11, s20, $0xb8;
	[tilespmem:$0x1E800] =	vst v63  }
0x1b5: {  	_ =	swait.ge [sflag:s29], $0x2000  }
0x1b6: {  	[sflag:s29] =	ssyncset.done $0x0  }
0x1b7: {  	[sflag:s29] =	ssyncadd.s32 $0xFFFFE000  }
0x1b8: {  	[spmem:s2] =	stream.indirect.scatter.add.f32 [tilespmem:s21], [sflag:$0x5], $0x80, s1, s20, $0xb8;
	[tilespmem:$0x1E800] =	vst v63  }
0x1b9: {  	_ =	swait.ge [sflag:s18], $0x2000  }
0x1ba: {  	[sflag:s18] =	ssyncset.done $0x0  }
0x1bb: {  	[sflag:s18] =	ssyncadd.s32 $0xFFFFE000  }
0x1bc: {  	_ =	swait.ge [sflag:s30], $0x2000  }
0x1bd: {  	[sflag:s30] =	ssyncset.done $0x0  }
0x1be: {  	[sflag:s30] =	ssyncadd.s32 $0xFFFFE000  }
0x1bf: {  	[spmem:s2] =	stream.indirect.scatter.add.f32 [tilespmem:s23], [sflag:$0x5], $0x80, s5, s20, $0xb8;
	[tilespmem:$0x1E800] =	vst v63  }
0x1c0: {  	_ =	swait.ge [sflag:s18], $0x2000  }
0x1c1: {  	[sflag:s18] =	ssyncset.done $0x0  }
0x1c2: {  	[sflag:s18] =	ssyncadd.s32 $0xFFFFE000  }
0x1c3: {  	_ =	swait.ge [sflag:s31], $0x2000  }
0x1c4: {  	[sflag:s31] =	ssyncset.done $0x0  }
0x1c5: {  	[sflag:s31] =	ssyncadd.s32 $0xFFFFE000  }
0x1c6: {  	[spmem:s2] =	stream.indirect.scatter.add.f32 [tilespmem:s25], [sflag:$0x5], $0x80, s7, s20, $0xb8;
	[tilespmem:$0x1E800] =	vst v63  }
0x1c7: {  	_ =	swait.ge [sflag:s18], $0x2000  }
0x1c8: {  	[sflag:s18] =	ssyncset.done $0x0  }
0x1c9: {  	[sflag:s18] =	ssyncadd.s32 $0xFFFFE000  }
0x1ca: {  	_ =	swait.ge [sflag:s0], $0x2000  }
0x1cb: {  	[sflag:s0] =	ssyncset.done $0x0  }
0x1cc: {  	[sflag:s0] =	ssyncadd.s32 $0xFFFFE000  }
0x1cd: {  	[spmem:s2] =	stream.indirect.scatter.add.f32 [tilespmem:s28], [sflag:$0x5], $0x80, s8, s20, $0xb8;
	[tilespmem:$0x1E800] =	vst v63  }
0x1ce: {  	_ =	swait.ge [sflag:s18], $0x2000  }
0x1cf: {  	s9 =	sadd.s32 $0x1, s9;
	[sflag:s18] =	ssyncset.done $0x0  }
0x1d0: {  	p0 =	sne.s32 s9, s16;
	[sflag:s18] =	ssyncadd.s32 $0xFFFFE000  }
.Ltmp4:
0x1d1: {  	[bflag:$0x0] =	sbarrier.arrive $0xFFFF;
	(pc) =	sbr.rel @p0 .LBB2_1-.Ltmp4, $4  }
0x1d2: {  	[hbm:s15], [sflag:s6] =	dma.local [spmem:s17], $0x2800  }
0x1d3: {  	_ =	swait.ge [sflag:s18], $0x2800  }
0x1d4: {  	[sflag:s18] =	ssyncset.done $0x0  }
0x1d5: {  	[sflag:s18] =	ssyncadd.s32 $0xFFFFD800  }
0x1d6: {  	_ =	sfence.sel $0x180000  }
0x1d7: {  	[bflag:$0x0] =	sbarrier.arrive $0xFFFF  }
0x1d8: {  	_ =	strace $0x9000004A  }
0x1d9: {  	s0 =	stileid.u32;
	[bflag:$0x2] =	sbarrier.arrive $0xFFFF  }
0x1da: {  	p0 =	sne.s32 s0, $0x0;
	s0 =	rddreg [dreg:$0x2]  }
0x1db: {  	s0 =	sadd.s32 @!p0 $0x100000, s0  }
0x1dc: {  	[sflag:s0] =	ssyncadd.tile.s32 @!p0 $0x1;
	_ =	shalt  }
.Lfunc_end2:
_tile_overlayer_lowered:
.L_overlay_start_2:
0x1dd: {  	(tag) =	ssettag $0x2  }
0x1de: {  	s0 =	rddreg [dreg:$0x0];
	s2 =	stileid.u32  }
0x1df: {  	s1 =	rddreg [dreg:$0x1];
	p0 =	sne.s32 s2, $0x0  }
0x1e0: {  	s3 =	rddreg [dreg:$0x2];
	[bflag:$0x3] =	sbarrier.arrive $0xFFFF;
	s2 =	simm.s32 @!p0 $0x1C05  }
0x1e1: {  	[timem:s3], [sflag:s2] =	dma.local @!p0 [hbm:s0], s1  }
0x1e2: {  	s0 =	simm.s32 @!p0 $0x5  }
0x1e3: {  	_ =	swait.ge @!p0 [sflag:s0], s1  }
0x1e4: {  	s1 =	ssub.s32 @!p0 $0x0, s1;
	[sflag:s0] =	ssyncset.done @!p0 $0x0  }
0x1e5: {  	[sflag:s0] =	ssyncadd.s32 @!p0 s1  }
0x1e6: {  	[bflag:$0x3] =	sbarrier.arrive $0xFFFF  }
0x1e7: {  	_ =	shalt  }

// kernel: scatter_offload_async_start
scs
__scs_entry_jumppad:
0x0: {  	(pc) =	sbr.rel $0x88, $3  }
0x1: {  	(tag) =	ssettag $0x0;
	lr =	simm.s32 $0x1  }
0x2: {  	[smem:$0x3F72] =	sst lr;
	_ =	strace $0xD0000000  }
0x3: {  	_ = 	snop  }
0x4: {  	_ = 	snop  }
0x5: {  	_ = 	snop  }
0x6: {  	_ = 	snop  }
0x7: {  	_ = 	snop  }
__scs_overlays_trampoline_lowered:
0x8: {  	[smem:$0x3F81] =	sst s0  }
0x9: {  	[smem:$0x3F82] =	sst s1  }
0xa: {  	[smem:$0x3F83] =	sst s2  }
0xb: {  	[smem:$0x3F84] =	sst s3  }
0xc: {  	[smem:$0x3F85] =	sst s4  }
0xd: {  	[smem:$0x3F86] =	sst s5  }
0xe: {  	[smem:$0x3F87] =	sst s6  }
0xf: {  	[smem:$0x3F88] =	sst s7  }
0x10: {  	[smem:$0x3F89] =	sst s8  }
0x11: {  	[smem:$0x3F8A] =	sst s9;
	s0 =	simm.s32 @!p0 $0x0  }
0x12: {  	s1 =	sld [smem:$0x3F70];
	s0 =	simm.s32 @p0 $0x1  }
0x13: {  	[smem:$0x3F8B] =	sst s0;
	s0 =	simm.s32 @!p1 $0x0  }
0x14: {  	s2 =	sld [smem:$0x3F6F];
	s0 =	simm.s32 @p1 $0x1  }
0x15: {  	[smem:$0x3F8C] =	sst s0;
	s0 =	simm.s32 @!p2 $0x0  }
0x16: {  	s3 =	sld [smem:$0x3FDB];
	s0 =	simm.s32 @p2 $0x1  }
0x17: {  	s4 =	simm.s32 $0x1BF5;
	[smem:$0x3F8E] =	sst s0  }
0x18: {  	s0 =	sld [smem:$0x3F71];
	_ =	swait.ge [sflag:s4], $0x0  }
0x19: {  	s7 =	sld [smem:$0x3F72]  }
0x1a: {  	s8 =	sadd.s32 $0xFFFFE003, lr  }
0x1b: {  	s9 =	sadd.s32 $0xFFFFFEF7, lr;
	s5 =	simm.s32 $0xFFFFFFFF;
	p2 =	slt.u32 s8, $0xFFFFF086  }
0x1c: {  	p1 =	slt.u32 s9, $0xF7A;
	s5 =	simm.s32 @!p2 $0x0  }
0x1d: {  	s5 =	simm.s32 @p1 $0x1;
	p0 =	seq.s32 s7, s2  }
0x1e: {  	s7 =	smul.u32 @!p0 $0xF7A, s2;
	p2 =	seq.s32 @!p0 s5, $0x0  }
0x1f: {  	s9 =	smul.u32 $0xF7A, s1;
	s8 =	simm.s32 @!p0 $0x1BF5;
	p2 =	por !p2, p0  }
0x20: {  	[sflag:s8] =	ssyncset.s32 @!p0 $0xFFFFF086;
	s6 =	sadd.s32 @!p0 s3, s7;
	s7 =	simm.s32 @!p0 $0x108  }
0x21: {  	s3 =	sadd.s32 s3, s9;
	s6 =	sadd.s32 @!p0 $0x88, s6;
	s7 =	simm.s32 @p2 $0x1082  }
0x22: {  	[simem:s7], [sflag:s8] =	dma.local @!p0 [hbm:s6], $0xF7A  }
0x23: {  	s9 =	sor.u32 $0xD0000000, s2;
	s6 =	simm.s32 $0x108;
	_ =	swait.ge @!p0 [sflag:s8], $0x0  }
0x24: {  	s3 =	sadd.s32 $0x88, s3;
	s6 =	simm.s32 @!p1 $0x1082;
	[sflag:s4] =	ssyncset.s32 $0xFFFFF086  }
0x25: {  	[simem:s6], [sflag:s4] =	dma.local [hbm:s3], $0xF7A  }
0x26: {  	[smem:$0x3F72] =	sst s1;
	(tag) =	ssettag s2;
	_ =	strace s9  }
0x27: {  	s1 =	sld [smem:$0x3F82]  }
0x28: {  	s2 =	sld [smem:$0x3F83]  }
0x29: {  	s4 =	sld [smem:$0x3F85]  }
0x2a: {  	p0 =	seq.s32 s5, $0x0;
	s5 =	sld [smem:$0x3F86]  }
0x2b: {  	s6 =	sld [smem:$0x3F87]  }
0x2c: {  	s7 =	sld [smem:$0x3F88]  }
0x2d: {  	s3 =	simm.s32 $0x108;
	s8 =	sld [smem:$0x3F89]  }
0x2e: {  	s3 =	simm.s32 @!p0 $0x1082;
	s9 =	sld [smem:$0x3F8A]  }
0x2f: {  	lr =	sadd.s32 s0, s3;
	s0 =	sld [smem:$0x3F81]  }
0x30: {  	s3 =	sld [smem:$0x3F84]  }
0x31: {  	[smem:$0x3F8D] =	sst s10  }
0x32: {  	s10 =	sld [smem:$0x3F8B];
	_ =	sdelay $0x3  }
0x33: {  	p0 =	seq.s32 s10, $0x1;
	s10 =	sld [smem:$0x3F8D];
	_ =	sdelay $0x3  }
0x34: {  	[smem:$0x3F8D] =	sst s10  }
0x35: {  	s10 =	sld [smem:$0x3F8C];
	_ =	sdelay $0x3  }
0x36: {  	p1 =	seq.s32 s10, $0x1;
	s10 =	sld [smem:$0x3F8D];
	_ =	sdelay $0x3  }
0x37: {  	[smem:$0x3F8D] =	sst s10  }
0x38: {  	s10 =	sld [smem:$0x3F8E]  }
0x39: {  	_ = 	snop;
	(pc) =	sbr.ind lr, $3  }
0x3a: {  	_ = 	snop  }
0x3b: {  	_ = 	snop  }
0x3c: {  	p2 =	seq.s32 s10, $0x1;
	s10 =	sld [smem:$0x3F8D]  }
0x3d: {  	_ =	shalt  }
0x3e: {  	_ =	shalt  }
0x3f: {  	_ =	shalt  }
0x40: {  	_ =	shalt  }
0x41: {  	_ =	shalt  }
0x42: {  	_ =	shalt  }
0x43: {  	_ =	shalt  }
0x44: {  	_ =	shalt  }
0x45: {  	_ =	shalt  }
0x46: {  	_ =	shalt  }
0x47: {  	_ =	shalt  }
0x48: {  	_ =	shalt  }
0x49: {  	_ =	shalt  }
0x4a: {  	_ =	shalt  }
0x4b: {  	_ =	shalt  }
0x4c: {  	_ =	shalt  }
0x4d: {  	_ =	shalt  }
0x4e: {  	_ =	shalt  }
0x4f: {  	_ =	shalt  }
0x50: {  	_ =	shalt  }
0x51: {  	_ =	shalt  }
0x52: {  	_ =	shalt  }
0x53: {  	_ =	shalt  }
0x54: {  	_ =	shalt  }
0x55: {  	_ =	shalt  }
0x56: {  	_ =	shalt  }
0x57: {  	_ =	shalt  }
0x58: {  	_ =	shalt  }
0x59: {  	_ =	shalt  }
0x5a: {  	_ =	shalt  }
0x5b: {  	_ =	shalt  }
0x5c: {  	_ =	shalt  }
0x5d: {  	_ =	shalt  }
0x5e: {  	_ =	shalt  }
0x5f: {  	_ =	shalt  }
0x60: {  	_ =	shalt  }
0x61: {  	_ =	shalt  }
0x62: {  	_ =	shalt  }
0x63: {  	_ =	shalt  }
0x64: {  	_ =	shalt  }
0x65: {  	_ =	shalt  }
0x66: {  	_ =	shalt  }
0x67: {  	_ =	shalt  }
0x68: {  	_ =	shalt  }
0x69: {  	_ =	shalt  }
0x6a: {  	_ =	shalt  }
0x6b: {  	_ =	shalt  }
0x6c: {  	_ =	shalt  }
0x6d: {  	_ =	shalt  }
0x6e: {  	_ =	shalt  }
0x6f: {  	_ =	shalt  }
0x70: {  	_ =	shalt  }
0x71: {  	_ =	shalt  }
0x72: {  	_ =	shalt  }
0x73: {  	_ =	shalt  }
0x74: {  	_ =	shalt  }
0x75: {  	_ =	shalt  }
0x76: {  	_ =	shalt  }
0x77: {  	_ =	shalt  }
0x78: {  	_ =	shalt  }
0x79: {  	_ =	shalt  }
0x7a: {  	_ =	shalt  }
0x7b: {  	_ =	shalt  }
0x7c: {  	_ =	shalt  }
0x7d: {  	_ =	shalt  }
0x7e: {  	_ =	shalt  }
0x7f: {  	_ =	shalt  }
0x80: {  	_ =	shalt  }
0x81: {  	_ =	shalt  }
0x82: {  	_ =	shalt  }
0x83: {  	_ =	shalt  }
0x84: {  	_ =	shalt  }
0x85: {  	_ =	shalt  }
0x86: {  	_ =	shalt  }
0x87: {  	_ =	shalt  }
.Lfunc_end0:
.L_simem_size_0:
called_computation_lowered:
.L_overlay_start_0:
0x88: {  	s0 =	sld [smem:$0x3FD9]  }
0x89: {  	s1 =	sld [smem:$0x3FFE];
	_ =	sdelay $0x3  }
0x8a: {  	s0 =	sadd.s32 s1, s0  }
0x8b: {  	[smem:$0x3F99] =	sst s0  }
0x8c: {  	_ = 	snop  }
0x8d: {  	s0 =	sld [smem:$0x3FD0];
	(tm) =	ssettm $0x1  }
0x8e: {  	s16 =	sld [smem:$0x3FFB];
	_ =	sdelay $0x3  }
0x8f: {  	_ =	strace s16  }
0x90: {  	s1 =	sld [smem:$0x3FFC];
	_ =	sdelay $0x3  }
0x91: {  	_ =	strace s1  }
0x92: {  	s1 =	sld [smem:$0x3FFD];
	_ =	sdelay $0x3  }
0x93: {  	_ =	strace s1  }
0x94: {  	_ =	strace $0x8FFFFFFF  }
0x95: {  	s17 =	sld [smem:$0x3FDB];
	_ =	sdelay $0x1  }
0x96: {  	s2 =	simm.s32 $_scs_section_size  }
0x97: {  	s3 =	simm.s32 $_size__tile_overlayer_lowered;
	s4 =	simm.s32 $_tile_overlayer_lowered  }
0x98: {  	s20 =	simm.s32 $0x1BFF;
	s19 =	sshll.u32 s4, $0x1;
	s1 =	sadd.s32 s2, s17  }
0x99: {  	s5 =	simm.s32 $0x0;
	s18 =	sshll.u32 s3, $0x1;
	s3 =	sadd.s32 s19, s1  }
0x9a: {  	[timem:s5], [sflag:s20] =	dma.local [hbm:s3], s18  }
0x9b: {  	_ =	swait.ge [sflag:s20], s18  }
0x9c: {  	s2 =	ssub.s32 $0x0, s18;
	[sflag:s20] =	ssyncset.done $0x0  }
0x9d: {  	[sflag:s20] =	ssyncadd.s32 s2;
	_ =	sdelay $0x1  }
0x9e: {  	s21 =	simm.s32 $0x1B8B  }
0x9f: {  	_ =	swait.ge [sflag:s21], $0x1  }
0xa0: {  	[sflag:s21] =	ssyncset.done $0x0  }
0xa1: {  	s23 =	simm.s32 $0x1B8E;
	s22 =	sld [smem:$0x3FFE];
	[sflag:s21] =	ssyncadd.s32 $0xFFFFFFFF  }
0xa2: {  	s24 =	simm.s32 $execute0_lowered;
	[smem:$0x3FD2] =	sst s23  }
0xa3: {  	s3 =	sshll.u32 s24, $0x1;
	_ =	strace $0x80000046;
	[dreg:$0x1] =	wrdreg $0xFFFFFFFF  }
0xa4: {  	s25 =	simm.s32 $_size_execute0_lowered;
	s1 =	sadd.s32 s1, s3;
	[dreg:$0x0] =	wrdreg $0x0  }
0xa5: {  	s3 =	sshll.u32 s25, $0x1;
	[dreg:$0x2] =	wrdreg s1  }
0xa6: {  	[dreg:$0x3] =	wrdreg s3  }
0xa7: {  	[dreg:$0x4] =	wrdreg $0xC0  }
0xa8: {  	_ =	task [dreg:s5], $0x5FFFF  }
0xa9: {  	[dreg:$0x1] =	wrdreg $0xFFFFFFFF  }
0xaa: {  	[dreg:$0x0] =	wrdreg $0x60  }
0xab: {  	[dreg:$0x2] =	wrdreg s0  }
0xac: {  	[dreg:$0x3] =	wrdreg s22  }
0xad: {  	[dreg:$0x4] =	wrdreg $0x9  }
0xae: {  	_ =	task.clear_ibuf [dreg:s5], $0x5FFFF;
	_ =	strace $0x90000046  }
0xaf: {  	s26 =	simm.s32 $0x9;
	_ =	strace $0x80000048  }
0xb0: {  	_ =	swait.ge [sflag:s26], $0x1  }
0xb1: {  	[sflag:s26] =	ssyncadd.s32 $0xFFFFFFFF  }
0xb2: {  	_ =	strace $0x90000048  }
0xb3: {  	_ =	sfence  }
0xb4: {  	s28 =	sld [smem:$0x0];
	_ =	sdelay $0x1  }
0xb5: {  	s29 =	srdreg.scid  }
0xb6: {  	s30 =	sshll.u32 s29, $0xD;
	s31 =	sshrl.u32 s29, $0x2  }
0xb7: {  	s2 =	sand.u32 $0x4000, s30;
	s1 =	sand.u32 $0x1, s29;
	s0 =	sadd.s32 s31, s28  }
0xb8: {  	s1 =	sor.u32 s2, s1;
	s0 =	sshll.u32 s0, $0x11  }
0xb9: {  	s0 =	sor.u32 s0, s1  }
0xba: {  	s0 =	sadd.s32 $0x8F2B, s0  }
0xbb: {  	[sflag:s0] =	ssyncadd.remote.s32 $0x1  }
0xbc: {  	_ =	sfence.sel $0xFFFF  }
0xbd: {  	[dreg:$0x0] =	wrdreg $0xFFFFFFFF;
	(pc) =	sbr.abs _section_cstart, $3  }
0xbe: {  	[dreg:$0x1] =	wrdreg $0xFFFFFFFF  }
0xbf: {  	_ =	task.clear_ibuf [dreg:s5], $0x2FFFF;
	_ =	strace $0x9FFFFFFF  }
0xc0: {  	(tm) =	ssettm $0x7FFFFFFF  }
0xc1: {  	_ =	shalt  }
tec
execute0_lowered:
.L_overlay_start_1:
0x0: {  	(tag) =	ssettag $0x1  }
0x1: {  	s1 =	rddreg [dreg:$0x0]  }
0x2: {  	s2 =	rddreg [dreg:$0x1]  }
0x3: {  	s0 =	rddreg [dreg:$0x2];
	s3 =	stileid.u32  }
0x4: {  	_ =	strace $0x80000047;
	s4 =	simm.s32 $0x3E;
	p0 =	sne.s32 s3, $0x0  }
0x5: {  	[sflag:s4] =	ssyncpa.u1 $0x0;
	s5 =	simm.s32 @!p0 $0x1C3E;
	s6 =	simm.s32 @!p0 $0x0  }
0x6: {  	[spmem:s6], [sflag:s5] =	dma.local @!p0 [hbm:s1], $0x10  }
0x7: {  	s5 =	simm.s32 @!p0 $0x3E  }
0x8: {  	_ =	swait.ge @!p0 [sflag:s5], $0x10  }
0x9: {  	[sflag:s5] =	ssyncset.done @!p0 $0x0  }
0xa: {  	s26 =	simm.s32 $0x1;
	[sflag:s5] =	ssyncadd.s32 @!p0 $0xFFFFFFF0  }
0xb: {  	s28 =	simm.s32 $0x2;
	s7 =	simm.s32 $0x288;
	[bflag:$0x0] =	sbarrier.arrive $0xFFFF  }
0xc: {  	s3 =	smul.u32 $0x50, s3;
	s29 =	sadd.s32 $0x6E00, s2;
	[sflag:s4] =	ssyncpa.u1 $0x1  }
0xd: {  	s30 =	sadd.s32 $0x57400, s2;
	s2 =	simm.s32 $0x0;
	[sflag:s26] =	ssyncpa.u1 $0x0  }
0xe: {  	s5 =	sadd.s32 s29, s3;
	(ifvalue) =	ssetifvalue $0x80;
	[sflag:s28] =	ssyncpa.u1 $0x0  }
0xf: {  	[tilespmem:s7], [sflag:$0x2] =	stream.linear.gather [hbm4b:s5+s2], $0x280, $0x38;
	[tilespmem:$0xA08] =	vst v63  }
0x10: {  	s31 =	sadd.s32 s30, s3;
	s3 =	simm.s32 $0x788  }
0x11: {  	[tilespmem:s3], [sflag:$0x2] =	stream.linear.gather [hbm4b:s31+s2], $0x280, $0x38;
	[tilespmem:$0xA08] =	vst v63  }
0x12: {  	_ =	swait.ge [sflag:s28], $0x500  }
0x13: {  	[sflag:s28] =	ssyncset.done $0x0  }
0x14: {  	[sflag:s28] =	ssyncadd.s32 $0xFFFFFB00  }
0x15: {  	v0 =	vld.msk [tilespmem:s7+$0x0 ss:$0x1], $0xffff;
	_ =	sdelay $0x4  }
0x16: {  	v0 =	vmin.u32 v0, $0x80;
	_ =	sdelay $0x3  }
0x17: {  	vm0 =	vmmov $0xffff;
	s4 =	simm.s32 $0x0;
	s5 =	simm.s32 $0x298  }
0x18: {  	[spmem:s2] =	stream.indirect_vreg.scatter.add.s32 [tilespmem:s3], [sflag:$0x1], $0x1, v0, vm0, $0x4038;
	[tilespmem:$0xA08] =	vst v63  }
.LBB2_1:
0x19: {  	v0 =	vld.msk [tilespmem:s5+$0x0 ss:$0x1], $0xffff;
	s4 =	sadd.s32 $0x10, s4  }
0x1a: {  	p1 =	slt.u32 s4, $0x270;
	_ =	sdelay $0x4  }
0x1b: {  	v0 =	vmin.u32 v0, $0x80  }
.Ltmp0:
0x1c: {  	(pc) =	sbr.rel @p1 .LBB2_1-.Ltmp0, $3  }
0x1d: {  	_ =	sdelay $0x1  }
0x1e: {  	s5 =	sadd.s32 $0x10, s5;
	s3 =	sadd.s32 $0x10, s3  }
0x1f: {  	[spmem:s2] =	stream.indirect_vreg.scatter.add.s32 [tilespmem:s3], [sflag:$0x1], $0x1, v0, vm0, $0x4038;
	[tilespmem:$0xA08] =	vst v63  }
0x20: {  	s2 =	simm.s32 $0x1  }
0x21: {  	_ =	swait.ge [sflag:s2], $0x280  }
0x22: {  	[sflag:s2] =	ssyncset.done $0x0  }
0x23: {  	[sflag:s2] =	ssyncadd.s32 $0xFFFFFD80  }
0x24: {  	_ =	sfence.sel $0x180000  }
0x25: {  	s3 =	simm.s32 $0x2;
	[bflag:$0x0] =	sbarrier.arrive $0xFFFF  }
0x26: {  	[sflag:s3] =	ssyncpa.u1 $0x1  }
0x27: {  	[sflag:s2] =	ssyncpa.u1 $0x1  }
0x28: {  	_ =	sfence.stream.spmem  }
0x29: {  	s31 =	simm.s32 $0x3D;
	[bflag:$0x0] =	sbarrier.arrive $0xFFFF  }
0x2a: {  	s2 =	simm.s32 @p0 $0x3D;
	[sflag:s31] =	ssyncpa.u1 $0x0  }
0x2b: {  	[sflag:s2] =	ssyncpa.u1 @p0 $0x1  }
0x2c: {  	[bflag:$0x0] =	sbarrier.arrive @p0 $0xFFFF  }
0x2d: {  	_ =	strace @p0 $0x90000047  }
0x2e: {  	s3 =	simm.s32 @!p0 $0x1C3D;
	s2 =	simm.s32 @!p0 $0x0;
	[bflag:$0x2] =	sbarrier.arrive @p0 $0xFFFF  }
0x2f: {  	[hbm:s1], [sflag:s3] =	dma.local @!p0 [spmem:s2], $0x10  }
0x30: {  	s1 =	simm.s32 @!p0 $0x3D  }
0x31: {  	_ =	swait.ge @!p0 [sflag:s1], $0x10  }
0x32: {  	[sflag:s1] =	ssyncset.done @!p0 $0x0  }
0x33: {  	[sflag:s1] =	ssyncadd.s32 @!p0 $0xFFFFFFF0  }
0x34: {  	[sflag:s1] =	ssyncpa.u1 @!p0 $0x1  }
0x35: {  	[bflag:$0x0] =	sbarrier.arrive @!p0 $0xFFFF  }
0x36: {  	_ =	strace @!p0 $0x90000047  }
0x37: {  	s0 =	sadd.s32 @!p0 $0x100000, s0;
	[bflag:$0x2] =	sbarrier.arrive @!p0 $0xFFFF  }
0x38: {  	[sflag:s0] =	ssyncadd.tile.s32 @!p0 $0x1;
	_ =	shalt  }
.Lfunc_end2:
_tile_overlayer_lowered:
.L_overlay_start_2:
0x39: {  	(tag) =	ssettag $0x2  }
0x3a: {  	s0 =	rddreg [dreg:$0x0];
	s2 =	stileid.u32  }
0x3b: {  	s1 =	rddreg [dreg:$0x1];
	p0 =	sne.s32 s2, $0x0  }
0x3c: {  	s3 =	rddreg [dreg:$0x2];
	[bflag:$0x3] =	sbarrier.arrive $0xFFFF;
	s2 =	simm.s32 @!p0 $0x1C01  }
0x3d: {  	[timem:s3], [sflag:s2] =	dma.local @!p0 [hbm:s0], s1  }
0x3e: {  	s0 =	simm.s32 @!p0 $0x1  }
0x3f: {  	_ =	swait.ge @!p0 [sflag:s0], s1  }
0x40: {  	s1 =	ssub.s32 @!p0 $0x0, s1;
	[sflag:s0] =	ssyncset.done @!p0 $0x0  }
0x41: {  	[sflag:s0] =	ssyncadd.s32 @!p0 s1  }
0x42: {  	[bflag:$0x3] =	sbarrier.arrive $0xFFFF  }
0x43: {  	_ =	shalt  }

</sc_bundles>
